<compile_context>
chip_gen: v7x
topology: tpu7x:2x2x1
jax: 0.10.2.dev20260603
libtpu: 0.0.44.dev20260713+nightly
codegen_flags: <defaults>
</compile_context>

<pallas_src>
import functools

import jax
import jax.numpy as jnp
from jax import lax
from jax.experimental import pallas as pl
from jax.experimental.pallas import tpu as pltpu
from jax.experimental.pallas import tpu_sc as plsc

N = 10000
E = 320000
D = 128
H = 128
ROWW = 144
CH = 128
NC = 2
NS = 16
NW = NC * NS
NCHUNK = E // CH
FULL = NCHUNK // NW
TAIL = NCHUNK - FULL * NW
RPS = N // NS
BCH = 6
NB = FULL // BCH
BE = BCH * CH

_BLK = 1000


def _gelu(x):
    return 0.5 * x * (1.0 + lax.erf(x * jnp.float32(0.7071067811865476)))


def _prep_body(x_ref, w_ref, b_ref, a_ref, c_ref, out_ref):
    xb = x_ref[...] * a_ref[...] + c_ref[...]
    h = jnp.dot(xb, w_ref[...], preferred_element_type=jnp.float32) + b_ref[...]
    out_ref[:, :H] = _gelu(h)
    lane = lax.broadcasted_iota(jnp.int32, (_BLK, ROWW - H), 1)
    out_ref[:, H:] = jnp.where(lane == 0, 1.0, 0.0).astype(jnp.float32)


def _prepare(x, W1, b1, a1, c1):
    return pl.pallas_call(
        _prep_body,
        grid=(N // _BLK,),
        in_specs=[
            pl.BlockSpec((_BLK, D), lambda i: (i, 0)),
            pl.BlockSpec((D, H), lambda i: (0, 0)),
            pl.BlockSpec((1, H), lambda i: (0, 0)),
            pl.BlockSpec((1, D), lambda i: (0, 0)),
            pl.BlockSpec((1, D), lambda i: (0, 0)),
        ],
        out_specs=pl.BlockSpec((_BLK, ROWW), lambda i: (i, 0)),
        out_shape=jax.ShapeDtypeStruct((N, ROWW), jnp.float32),
    )(x, W1, b1, a1, c1)


def _upd_body(x_ref, p_ref, wa_ref, wb_ref, b_ref, ax_ref, cx_ref,
              ag_ref, cg_ref, out_ref):
    s = p_ref[0] + p_ref[1]
    seg = s[:, :H]
    cnt = s[:, H:H + 1]
    agg = jnp.where(cnt > 0.0, seg / jnp.maximum(cnt, 1.0), 0.0)
    xb = x_ref[...] * ax_ref[...] + cx_ref[...]
    gb = agg * ag_ref[...] + cg_ref[...]
    h = (jnp.dot(xb, wa_ref[...], preferred_element_type=jnp.float32)
         + jnp.dot(gb, wb_ref[...], preferred_element_type=jnp.float32)
         + b_ref[...])
    out_ref[...] = _gelu(h)


def _update(x, part, W2a, W2b, b2, a2x, c2x, a2g, c2g):
    return pl.pallas_call(
        _upd_body,
        grid=(N // _BLK,),
        in_specs=[
            pl.BlockSpec((_BLK, D), lambda i: (i, 0)),
            pl.BlockSpec((NC, _BLK, ROWW), lambda i: (0, i, 0)),
            pl.BlockSpec((D, H), lambda i: (0, 0)),
            pl.BlockSpec((H, H), lambda i: (0, 0)),
            pl.BlockSpec((1, H), lambda i: (0, 0)),
            pl.BlockSpec((1, D), lambda i: (0, 0)),
            pl.BlockSpec((1, D), lambda i: (0, 0)),
            pl.BlockSpec((1, H), lambda i: (0, 0)),
            pl.BlockSpec((1, H), lambda i: (0, 0)),
        ],
        out_specs=pl.BlockSpec((_BLK, H), lambda i: (i, 0)),
        out_shape=jax.ShapeDtypeStruct((N, H), jnp.float32),
    )(x, part, W2a, W2b, b2, a2x, c2x, a2g, c2g)


def _sc_body(p_hbm, src_hbm, dst2d_hbm, w16_hbm, out_hbm,
             bs_a, bw_a, bd_a, bs_b, bw_b, bd_b, rows0, rows1, acc_sh,
             sem_g0, sem_g1, sem_s0, sem_s1, sem_ba, sem_bb):
    cid = lax.axis_index("c")
    sid = lax.axis_index("s")
    wid = sid * NC + cid

    brow = wid * FULL + jnp.minimum(wid, TAIL)
    nkw = FULL + jnp.where(wid < TAIL, 1, 0)

    zero16 = jnp.zeros((16,), jnp.float32)

    def _bload(m, bs, bw, bd, sem):
        row0 = brow + m * BCH
        e0 = row0 * CH
        pltpu.async_copy(src_hbm.at[pl.ds(e0, BE)], bs, sem)
        pltpu.async_copy(w16_hbm.at[pl.ds(e0, BE)], bw, sem)
        pltpu.async_copy(dst2d_hbm.at[pl.ds(row0, BCH)], bd, sem)

    def _bwait(bs, bw, bd, sem):
        pltpu.make_async_copy(src_hbm.at[pl.ds(0, BE)], bs, sem).wait()
        pltpu.make_async_copy(w16_hbm.at[pl.ds(0, BE)], bw, sem).wait()
        pltpu.make_async_copy(dst2d_hbm.at[pl.ds(0, BCH)], bd, sem).wait()

    def _gather(bs, cb, rows, sem):
        pltpu.async_copy(p_hbm.at[bs.at[pl.ds(cb * CH, CH)]], rows, sem)

    def _gwait(rows, sem):
        pltpu.make_async_copy(
            p_hbm.at[bs_a.at[pl.ds(0, CH)]], rows, sem).wait()

    def _scatter(rows, bd, cb, sem):
        pltpu.async_copy(rows, acc_sh.at[bd.at[cb]], sem, add=True)

    def _swait(rows, sem):
        pltpu.make_async_copy(rows, acc_sh.at[bd_a.at[0]], sem).wait()

    def _scale(rows, bw, cb):
        def _row(r, _):
            g32 = (r // 32) * 32
            w32 = bw[pl.ds(cb * CH + g32, 32)]
            we, wo = plsc.unpack(w32, format=plsc.PackFormat.INTERLEAVED)
            wpair = jnp.where(r % 2 == 0, we, wo)
            j2 = (r % 32) // 2
            dnums = lax.GatherDimensionNumbers(
                offset_dims=(), collapsed_slice_dims=(0,),
                start_index_map=(0,))
            wb = lax.gather(wpair, jnp.full((16, 1), j2, jnp.int32),
                            dnums, (1,),
                            mode=lax.GatherScatterMode.PROMISE_IN_BOUNDS)
            for cc in range(H // 16):
                rows[r, pl.ds(cc * 16, 16)] = (
                    rows[r, pl.ds(cc * 16, 16)] * wb)
            return 0
        lax.fori_loop(0, CH, _row, 0)

    def _pbatch(m, bs, bw, bd, os_, ow, od, sem_o, first):
        for cb in range(BCH):
            p = cb % 2
            rows = rows0 if p == 0 else rows1
            semg = sem_g0 if p == 0 else sem_g1
            sems = sem_s0 if p == 0 else sem_s1

            if cb == 2:
                @pl.when((m + 1) * BCH < nkw)
                def _():
                    _bload(m + 1, os_, ow, od, sem_o)

            _gwait(rows, semg)
            if not (first and cb < 2):
                _swait(rows, sems)
            _scale(rows, bw, cb)
            _scatter(rows, bd, cb, sems)

            if cb < BCH - 2:
                _gather(bs, cb + 2, rows, semg)
            elif cb == BCH - 2:
                @pl.when((m + 1) * BCH < nkw)
                def _():
                    _bwait(os_, ow, od, sem_o)
                    _gather(os_, 0, rows0, sem_g0)
            else:
                @pl.when((m + 1) * BCH + 1 < nkw)
                def _():
                    _gather(os_, 1, rows1, sem_g1)

    def _zrow(r, _):
        for c in range(ROWW // 16):
            rows0[r, pl.ds(c * 16, 16)] = zero16
        return 0
    lax.fori_loop(0, CH, _zrow, 0)
    for off, cnt in ((0, CH), (CH, CH), (2 * CH, CH), (3 * CH, CH),
                     (4 * CH, RPS - 4 * CH)):
        pltpu.sync_copy(rows0.at[pl.ds(0, cnt)],
                        acc_sh.at[pl.ds(sid * RPS + off, cnt)])
    plsc.subcore_barrier()

    _bload(0, bs_a, bw_a, bd_a, sem_ba)
    _bwait(bs_a, bw_a, bd_a, sem_ba)
    _gather(bs_a, 0, rows0, sem_g0)
    _gather(bs_a, 1, rows1, sem_g1)

    _pbatch(0, bs_a, bw_a, bd_a, bs_b, bw_b, bd_b, sem_bb, True)

    def _pair(i, _):
        _pbatch(2 * i + 1, bs_b, bw_b, bd_b, bs_a, bw_a, bd_a, sem_ba, False)
        _pbatch(2 * i + 2, bs_a, bw_a, bd_a, bs_b, bw_b, bd_b, sem_bb, False)
        return 0
    lax.fori_loop(0, (NB - 1) // 2, _pair, 0)

    @pl.when(wid < TAIL)
    def _():
        _gwait(rows0, sem_g0)
        _swait(rows0, sem_s0)
        _scale(rows0, bw_b, 0)
        _scatter(rows0, bd_b, 0, sem_s0)

    _swait(rows0, sem_s0)
    _swait(rows1, sem_s1)

    plsc.subcore_barrier()

    pltpu.sync_copy(acc_sh.at[pl.ds(sid * RPS, RPS)],
                    out_hbm.at[cid, pl.ds(sid * RPS, RPS)])


@functools.lru_cache(maxsize=1)
def _sc_aggregate_fn():
    return pl.kernel(
        _sc_body,
        out_type=jax.ShapeDtypeStruct((NC, N, ROWW), jnp.float32),
        mesh=plsc.VectorSubcoreMesh(core_axis_name="c", subcore_axis_name="s",
                                    num_cores=NC, num_subcores=NS),
        scratch_types=[
            pltpu.VMEM((BE,), jnp.int32),
            pltpu.VMEM((BE,), jnp.bfloat16),
            pltpu.VMEM((BCH, CH), jnp.int32),
            pltpu.VMEM((BE,), jnp.int32),
            pltpu.VMEM((BE,), jnp.bfloat16),
            pltpu.VMEM((BCH, CH), jnp.int32),
            pltpu.VMEM((CH, ROWW), jnp.float32),
            pltpu.VMEM((CH, ROWW), jnp.float32),
            pltpu.VMEM_SHARED((N, ROWW), jnp.float32),
            pltpu.SemaphoreType.DMA,
            pltpu.SemaphoreType.DMA,
            pltpu.SemaphoreType.DMA,
            pltpu.SemaphoreType.DMA,
            pltpu.SemaphoreType.DMA,
            pltpu.SemaphoreType.DMA,
        ],
        compiler_params=pltpu.CompilerParams(use_tc_tiling_on_sc=False,
                                             needs_layout_passes=False),
    )


def _sc_aggregate(P, edges, edge_weights):
    dst2d = edges[0].reshape(NCHUNK, CH)
    w16 = edge_weights.astype(jnp.bfloat16)
    return _sc_aggregate_fn()(P, edges[1], dst2d, w16)


def kernel(node_representations, edges, edge_weights,
           gamma1, beta1, mean1, var1, W1, b1,
           gamma2, beta2, mean2, var2, W2, b2):
    eps = jnp.float32(1e-3)
    a1 = (gamma1 * lax.rsqrt(var1 + eps)).reshape(1, D)
    c1 = (beta1 - mean1 * gamma1 * lax.rsqrt(var1 + eps)).reshape(1, D)
    a2 = gamma2 * lax.rsqrt(var2 + eps)
    c2 = beta2 - mean2 * gamma2 * lax.rsqrt(var2 + eps)

    P = _prepare(node_representations, W1, b1.reshape(1, H), a1, c1)
    part = _sc_aggregate(P, edges, edge_weights)
    out = _update(node_representations, part, W2[:D], W2[D:],
                  b2.reshape(1, H),
                  a2[:D].reshape(1, D), c2[:D].reshape(1, D),
                  a2[D:].reshape(1, H), c2[D:].reshape(1, H))
    return out

# --- scband reference (transcript-rebuilt; emitter-appended) ---
"""Pipeline reference for scband-graph-conv-layer-11020886082334 (READ-ONLY COPY).

The authoritative reference and input builder live on the scoring server;
editing this copy changes nothing except your own understanding.
"""

import jax, jax.numpy as jnp
import numpy as np

N = 10000
E = 320000
D = 128
H = 128


def _bn(x, g, b, m, v, eps=1e-3):
    # Keras BatchNormalization in inference mode: (x - moving_mean) / sqrt(moving_var + eps) * gamma + beta
    return g * (x - m) * jax.lax.rsqrt(v + eps) + b


def setup_inputs(seed: int = 0) -> dict:
    key = jax.random.key(seed)
    ks = jax.random.split(key, 6)
    x = jax.random.normal(ks[0], (N, D), dtype=jnp.float32)
    edges = jax.random.randint(ks[1], (2, E), 0, N, dtype=jnp.int32)
    edge_weights = jax.random.uniform(ks[2], (E,), dtype=jnp.float32)
    # ffn_prepare params: BN(D) -> Dropout (identity at inference) -> Dense(D->H, gelu)
    gamma1 = jnp.ones((D,), dtype=jnp.float32)
    beta1 = jnp.zeros((D,), dtype=jnp.float32)
    mean1 = jnp.zeros((D,), dtype=jnp.float32)
    var1 = jnp.ones((D,), dtype=jnp.float32)
    W1 = (jax.random.normal(ks[3], (D, H), dtype=jnp.float32) / np.sqrt(D)).astype(jnp.float32)
    b1 = jnp.zeros((H,), dtype=jnp.float32)
    # update_fn params (concat -> dim D+H): BN(D+H) -> Dropout -> Dense(D+H->H, gelu)
    gamma2 = jnp.ones((D + H,), dtype=jnp.float32)
    beta2 = jnp.zeros((D + H,), dtype=jnp.float32)
    mean2 = jnp.zeros((D + H,), dtype=jnp.float32)
    var2 = jnp.ones((D + H,), dtype=jnp.float32)
    W2 = (jax.random.normal(ks[4], (D + H, H), dtype=jnp.float32) / np.sqrt(D + H)).astype(jnp.float32)
    b2 = jnp.zeros((H,), dtype=jnp.float32)
    return {
        'node_representations': x,
        'edges': edges,
        'edge_weights': edge_weights,
        'gamma1': gamma1, 'beta1': beta1, 'mean1': mean1, 'var1': var1,
        'W1': W1, 'b1': b1,
        'gamma2': gamma2, 'beta2': beta2, 'mean2': mean2, 'var2': var2,
        'W2': W2, 'b2': b2,
    }


def reference(node_representations, edges, edge_weights,
              gamma1, beta1, mean1, var1, W1, b1,
              gamma2, beta2, mean2, var2, W2, b2):
    node_indices = edges[0]
    neighbour_indices = edges[1]
    # gather neighbour representations
    neighbour_repesentations = jnp.take(node_representations, neighbour_indices, axis=0)
    # prepare: ffn_prepare (BN -> Dense gelu), then scale by edge weights
    messages = jax.nn.gelu(_bn(neighbour_repesentations, gamma1, beta1, mean1, var1) @ W1 + b1, approximate=False)
    messages = messages * edge_weights[:, None]
    # aggregate: unsorted_segment_mean over destination node indices
    num_nodes = node_representations.shape[0]
    seg_sum = jax.ops.segment_sum(messages, node_indices, num_segments=num_nodes)
    counts = jax.ops.segment_sum(jnp.ones((messages.shape[0],), dtype=messages.dtype), node_indices, num_segments=num_nodes)
    aggregated = jnp.where(counts[:, None] > 0, seg_sum / jnp.maximum(counts, 1.0)[:, None], 0.0)
    # update: concat combination then update_fn (BN -> Dense gelu)
    h = jnp.concatenate([node_representations, aggregated], axis=1)
    out = jax.nn.gelu(_bn(h, gamma2, beta2, mean2, var2) @ W2 + b2, approximate=False)
    return out

if __name__ == "__main__":
    import jax
    _d = setup_inputs()
    print(jax.jit(kernel)(*tuple(_d.values())))

</pallas_src>

<mosaic_0001>
#map = affine_map<(d0, d1) -> (0, 0)>
#map1 = affine_map<(d0, d1) -> (0)>
#map2 = affine_map<(d0, d1) -> (0, 0, 0)>
module attributes {stable_mosaic.version = 14 : i64} {
  func.func @_sc_body(%arg0: i32, %arg1: i32, %arg2: memref<10000x144xf32, #tpu.memory_space<hbm>>, %arg3: memref<320000xi32, #tpu.memory_space<hbm>>, %arg4: memref<2500x128xi32, #tpu.memory_space<hbm>>, %arg5: memref<320000xbf16, #tpu.memory_space<hbm>>, %arg6: memref<2x10000x144xf32, #tpu.memory_space<hbm>>, %arg7: memref<768xi32, #tpu.memory_space<vmem>>, %arg8: memref<768xbf16, #tpu.memory_space<vmem>>, %arg9: memref<6x128xi32, #tpu.memory_space<vmem>>, %arg10: memref<768xi32, #tpu.memory_space<vmem>>, %arg11: memref<768xbf16, #tpu.memory_space<vmem>>, %arg12: memref<6x128xi32, #tpu.memory_space<vmem>>, %arg13: memref<128x144xf32, #tpu.memory_space<vmem>>, %arg14: memref<128x144xf32, #tpu.memory_space<vmem>>, %arg15: memref<10000x144xf32, #tpu.memory_space<vmem_shared>>, %arg16: memref<!tpu.dma_semaphore, #tpu.memory_space<semaphore_mem>>, %arg17: memref<!tpu.dma_semaphore, #tpu.memory_space<semaphore_mem>>, %arg18: memref<!tpu.dma_semaphore, #tpu.memory_space<semaphore_mem>>, %arg19: memref<!tpu.dma_semaphore, #tpu.memory_space<semaphore_mem>>, %arg20: memref<!tpu.dma_semaphore, #tpu.memory_space<semaphore_mem>>, %arg21: memref<!tpu.dma_semaphore, #tpu.memory_space<semaphore_mem>>) attributes {dimension_semantics = [#tpu.dimension_semantics<core_parallel>, #tpu.dimension_semantics<subcore_parallel>], iteration_bounds = array<i64: 2, 16>, scalar_prefetch = 0 : i64, scratch_operands = 15 : i64, tpu.core_type = #tpu.core_type<sc_vector_subcore>, window_params = [{transform_indices = #map}, {transform_indices = #map1}, {transform_indices = #map}, {transform_indices = #map1}, {transform_indices = #map2}]} {
    %mul3A = arith.constant 2 : i32
    %mul3A_0 = arith.muli %arg1, %mul3A : i32
    %add3A = arith.addi %mul3A_0, %arg0 : i32
    %mul3A_1 = arith.constant 78 : i32
    %mul3A_2 = arith.muli %add3A, %mul3A_1 : i32
    %min3A = arith.constant 4 : i32
    %min3A_3 = arith.minsi %add3A, %min3A : i32
    %add3A_4 = arith.addi %mul3A_2, %min3A_3 : i32
    %lt3A = arith.constant 4 : i32
    %lt3A_5 = arith.cmpi slt, %add3A, %lt3A : i32
    %jit3A = arith.constant 1 : i32
    %jit3A_6 = arith.constant 0 : i32
    %select_n3A = arith.select %lt3A_5, %jit3A, %jit3A_6 : i32
    %add3A_7 = arith.constant 78 : i32
    %add3A_8 = arith.addi %add3A_7, %select_n3A : i32
    %broadcast_in_dim3A = arith.constant 0.000000e+00 : f32
    %broadcast_in_dim3A_9 = vector.broadcast %broadcast_in_dim3A : f32 to vector<16xf32>
    %scan3A = arith.constant 0 : i32
    %scan3A_10 = arith.constant 0 : i32
    %scan3A_11 = arith.constant 128 : i32
    %scan3A_12 = arith.addi %scan3A_10, %scan3A_11 : i32
    %scan3A_13 = arith.constant 1 : i32
    %scan3A_14 = scf.for %scan3A_275 = %scan3A_10 to %scan3A_12 step %scan3A_13 iter_args(%scan3A_276 = %scan3A) -> (i32)  : i32 {
      %swap3A = arith.index_cast %scan3A_275 : i32 to index
      %swap3A_277 = arith.constant 0 : index
      %swap3A_278 = tpu.vector_load %arg13[%swap3A, %swap3A_277] {strides = array<i32>} : memref<128x144xf32, #tpu.memory_space<vmem>>, vector<16xf32>,
      tpu.vector_store %arg13[%swap3A, %swap3A_277], %broadcast_in_dim3A_9 {strides = array<i32>} : memref<128x144xf32, #tpu.memory_space<vmem>>, vector<16xf32>,
      %swap3A_279 = arith.index_cast %scan3A_275 : i32 to index
      %swap3A_280 = arith.constant 16 : index
      %swap3A_281 = tpu.vector_load %arg13[%swap3A_279, %swap3A_280] {strides = array<i32>} : memref<128x144xf32, #tpu.memory_space<vmem>>, vector<16xf32>,
      tpu.vector_store %arg13[%swap3A_279, %swap3A_280], %broadcast_in_dim3A_9 {strides = array<i32>} : memref<128x144xf32, #tpu.memory_space<vmem>>, vector<16xf32>,
      %swap3A_282 = arith.index_cast %scan3A_275 : i32 to index
      %swap3A_283 = arith.constant 32 : index
      %swap3A_284 = tpu.vector_load %arg13[%swap3A_282, %swap3A_283] {strides = array<i32>} : memref<128x144xf32, #tpu.memory_space<vmem>>, vector<16xf32>,
      tpu.vector_store %arg13[%swap3A_282, %swap3A_283], %broadcast_in_dim3A_9 {strides = array<i32>} : memref<128x144xf32, #tpu.memory_space<vmem>>, vector<16xf32>,
      %swap3A_285 = arith.index_cast %scan3A_275 : i32 to index
      %swap3A_286 = arith.constant 48 : index
      %swap3A_287 = tpu.vector_load %arg13[%swap3A_285, %swap3A_286] {strides = array<i32>} : memref<128x144xf32, #tpu.memory_space<vmem>>, vector<16xf32>,
      tpu.vector_store %arg13[%swap3A_285, %swap3A_286], %broadcast_in_dim3A_9 {strides = array<i32>} : memref<128x144xf32, #tpu.memory_space<vmem>>, vector<16xf32>,
      %swap3A_288 = arith.index_cast %scan3A_275 : i32 to index
      %swap3A_289 = arith.constant 64 : index
      %swap3A_290 = tpu.vector_load %arg13[%swap3A_288, %swap3A_289] {strides = array<i32>} : memref<128x144xf32, #tpu.memory_space<vmem>>, vector<16xf32>,
      tpu.vector_store %arg13[%swap3A_288, %swap3A_289], %broadcast_in_dim3A_9 {strides = array<i32>} : memref<128x144xf32, #tpu.memory_space<vmem>>, vector<16xf32>,
      %swap3A_291 = arith.index_cast %scan3A_275 : i32 to index
      %swap3A_292 = arith.constant 80 : index
      %swap3A_293 = tpu.vector_load %arg13[%swap3A_291, %swap3A_292] {strides = array<i32>} : memref<128x144xf32, #tpu.memory_space<vmem>>, vector<16xf32>,
      tpu.vector_store %arg13[%swap3A_291, %swap3A_292], %broadcast_in_dim3A_9 {strides = array<i32>} : memref<128x144xf32, #tpu.memory_space<vmem>>, vector<16xf32>,
      %swap3A_294 = arith.index_cast %scan3A_275 : i32 to index
      %swap3A_295 = arith.constant 96 : index
      %swap3A_296 = tpu.vector_load %arg13[%swap3A_294, %swap3A_295] {strides = array<i32>} : memref<128x144xf32, #tpu.memory_space<vmem>>, vector<16xf32>,
      tpu.vector_store %arg13[%swap3A_294, %swap3A_295], %broadcast_in_dim3A_9 {strides = array<i32>} : memref<128x144xf32, #tpu.memory_space<vmem>>, vector<16xf32>,
      %swap3A_297 = arith.index_cast %scan3A_275 : i32 to index
      %swap3A_298 = arith.constant 112 : index
      %swap3A_299 = tpu.vector_load %arg13[%swap3A_297, %swap3A_298] {strides = array<i32>} : memref<128x144xf32, #tpu.memory_space<vmem>>, vector<16xf32>,
      tpu.vector_store %arg13[%swap3A_297, %swap3A_298], %broadcast_in_dim3A_9 {strides = array<i32>} : memref<128x144xf32, #tpu.memory_space<vmem>>, vector<16xf32>,
      %swap3A_300 = arith.index_cast %scan3A_275 : i32 to index
      %swap3A_301 = arith.constant 128 : index
      %swap3A_302 = tpu.vector_load %arg13[%swap3A_300, %swap3A_301] {strides = array<i32>} : memref<128x144xf32, #tpu.memory_space<vmem>>, vector<16xf32>,
      tpu.vector_store %arg13[%swap3A_300, %swap3A_301], %broadcast_in_dim3A_9 {strides = array<i32>} : memref<128x144xf32, #tpu.memory_space<vmem>>, vector<16xf32>,
      %scan3A_303 = arith.constant 0 : i32
      scf.yield %scan3A_303 : i32
    }
    %scan3A_15 = arith.constant 128 : i32
    %mul3A_16 = arith.constant 625 : i32
    %mul3A_17 = arith.muli %arg1, %mul3A_16 : i32
    %add3A_18 = arith.constant 0 : i32
    %add3A_19 = arith.addi %mul3A_17, %add3A_18 : i32
    "tpu.region"() ({
      %run_scoped3A = tpu.sem_alloc : memref<!tpu.dma_semaphore, #tpu.memory_space<semaphore_mem>>
      %dma_start3A_275 = arith.constant 0 : i32
      %dma_start3A_276 = arith.constant 0 : i32
      %dma_start3A_277 = tpu.memref_slice %arg13[%dma_start3A_275, %dma_start3A_276] : memref<128x144xf32, #tpu.memory_space<vmem>> -> memref<128x144xf32, #tpu.memory_space<vmem>>
      %dma_start3A_278 = arith.constant 0 : i32
      %dma_start3A_279 = tpu.memref_slice %arg15[%add3A_19, %dma_start3A_278] : memref<10000x144xf32, #tpu.memory_space<vmem_shared>> -> memref<128x144xf32, #tpu.memory_space<vmem_shared>>
      %dma_start3A_280 = arith.constant 0 : i32
      %dma_start3A_281 = tpu.memref_slice %arg15[%add3A_19, %dma_start3A_280] : memref<10000x144xf32, #tpu.memory_space<vmem_shared>> -> memref<128x144xf32, #tpu.memory_space<vmem_shared>>
      %dma_start3A_282 = arith.constant 0 : i32
      %dma_start3A_283 = arith.constant 0 : i32
      %dma_start3A_284 = tpu.memref_slice %arg13[%dma_start3A_282, %dma_start3A_283] : memref<128x144xf32, #tpu.memory_space<vmem>> -> memref<128x144xf32, #tpu.memory_space<vmem>>
      tpu.enqueue_dma source(%dma_start3A_284 : memref<128x144xf32, #tpu.memory_space<vmem>>) target(%dma_start3A_281 : memref<128x144xf32, #tpu.memory_space<vmem_shared>>) target_semaphore(%run_scoped3A : memref<!tpu.dma_semaphore, #tpu.memory_space<semaphore_mem>>)
      %dma_wait3A_285 = arith.constant 0 : i32
      %dma_wait3A_286 = arith.constant 0 : i32
      %dma_wait3A_287 = tpu.memref_slice %arg13[%dma_wait3A_285, %dma_wait3A_286] : memref<128x144xf32, #tpu.memory_space<vmem>> -> memref<128x144xf32, #tpu.memory_space<vmem>>
      %dma_wait3A_288 = arith.constant 0 : i32
      %dma_wait3A_289 = tpu.memref_slice %arg15[%add3A_19, %dma_wait3A_288] : memref<10000x144xf32, #tpu.memory_space<vmem_shared>> -> memref<128x144xf32, #tpu.memory_space<vmem_shared>>
      %dma_wait3A_290 = arith.constant 0 : i32
      %dma_wait3A_291 = tpu.memref_slice %arg15[%add3A_19, %dma_wait3A_290] : memref<10000x144xf32, #tpu.memory_space<vmem_shared>> -> memref<128x144xf32, #tpu.memory_space<vmem_shared>>
      %dma_wait3A_292 = arith.constant 0 : i32
      %dma_wait3A_293 = arith.constant 0 : i32
      %dma_wait3A_294 = tpu.memref_slice %arg13[%dma_wait3A_292, %dma_wait3A_293] : memref<128x144xf32, #tpu.memory_space<vmem>> -> memref<128x144xf32, #tpu.memory_space<vmem>>
      tpu.wait_dma2 semaphore(%run_scoped3A : memref<!tpu.dma_semaphore, #tpu.memory_space<semaphore_mem>>) src(%dma_wait3A_294 : memref<128x144xf32, #tpu.memory_space<vmem>>) dst(%dma_wait3A_291 : memref<128x144xf32, #tpu.memory_space<vmem_shared>>)
      tpu.yield
    }) : () -> ()
    %mul3A_20 = arith.constant 625 : i32
    %mul3A_21 = arith.muli %arg1, %mul3A_20 : i32
    %add3A_22 = arith.constant 128 : i32
    %add3A_23 = arith.addi %mul3A_21, %add3A_22 : i32
    "tpu.region"() ({
      %run_scoped3A = tpu.sem_alloc : memref<!tpu.dma_semaphore, #tpu.memory_space<semaphore_mem>>
      %dma_start3A_275 = arith.constant 0 : i32
      %dma_start3A_276 = arith.constant 0 : i32
      %dma_start3A_277 = tpu.memref_slice %arg13[%dma_start3A_275, %dma_start3A_276] : memref<128x144xf32, #tpu.memory_space<vmem>> -> memref<128x144xf32, #tpu.memory_space<vmem>>
      %dma_start3A_278 = arith.constant 0 : i32
      %dma_start3A_279 = tpu.memref_slice %arg15[%add3A_23, %dma_start3A_278] : memref<10000x144xf32, #tpu.memory_space<vmem_shared>> -> memref<128x144xf32, #tpu.memory_space<vmem_shared>>
      %dma_start3A_280 = arith.constant 0 : i32
      %dma_start3A_281 = tpu.memref_slice %arg15[%add3A_23, %dma_start3A_280] : memref<10000x144xf32, #tpu.memory_space<vmem_shared>> -> memref<128x144xf32, #tpu.memory_space<vmem_shared>>
      %dma_start3A_282 = arith.constant 0 : i32
      %dma_start3A_283 = arith.constant 0 : i32
      %dma_start3A_284 = tpu.memref_slice %arg13[%dma_start3A_282, %dma_start3A_283] : memref<128x144xf32, #tpu.memory_space<vmem>> -> memref<128x144xf32, #tpu.memory_space<vmem>>
      tpu.enqueue_dma source(%dma_start3A_284 : memref<128x144xf32, #tpu.memory_space<vmem>>) target(%dma_start3A_281 : memref<128x144xf32, #tpu.memory_space<vmem_shared>>) target_semaphore(%run_scoped3A : memref<!tpu.dma_semaphore, #tpu.memory_space<semaphore_mem>>)
      %dma_wait3A_285 = arith.constant 0 : i32
      %dma_wait3A_286 = arith.constant 0 : i32
      %dma_wait3A_287 = tpu.memref_slice %arg13[%dma_wait3A_285, %dma_wait3A_286] : memref<128x144xf32, #tpu.memory_space<vmem>> -> memref<128x144xf32, #tpu.memory_space<vmem>>
      %dma_wait3A_288 = arith.constant 0 : i32
      %dma_wait3A_289 = tpu.memref_slice %arg15[%add3A_23, %dma_wait3A_288] : memref<10000x144xf32, #tpu.memory_space<vmem_shared>> -> memref<128x144xf32, #tpu.memory_space<vmem_shared>>
      %dma_wait3A_290 = arith.constant 0 : i32
      %dma_wait3A_291 = tpu.memref_slice %arg15[%add3A_23, %dma_wait3A_290] : memref<10000x144xf32, #tpu.memory_space<vmem_shared>> -> memref<128x144xf32, #tpu.memory_space<vmem_shared>>
      %dma_wait3A_292 = arith.constant 0 : i32
      %dma_wait3A_293 = arith.constant 0 : i32
      %dma_wait3A_294 = tpu.memref_slice %arg13[%dma_wait3A_292, %dma_wait3A_293] : memref<128x144xf32, #tpu.memory_space<vmem>> -> memref<128x144xf32, #tpu.memory_space<vmem>>
      tpu.wait_dma2 semaphore(%run_scoped3A : memref<!tpu.dma_semaphore, #tpu.memory_space<semaphore_mem>>) src(%dma_wait3A_294 : memref<128x144xf32, #tpu.memory_space<vmem>>) dst(%dma_wait3A_291 : memref<128x144xf32, #tpu.memory_space<vmem_shared>>)
      tpu.yield
    }) : () -> ()
    %mul3A_24 = arith.constant 625 : i32
    %mul3A_25 = arith.muli %arg1, %mul3A_24 : i32
    %add3A_26 = arith.constant 256 : i32
    %add3A_27 = arith.addi %mul3A_25, %add3A_26 : i32
    "tpu.region"() ({
      %run_scoped3A = tpu.sem_alloc : memref<!tpu.dma_semaphore, #tpu.memory_space<semaphore_mem>>
      %dma_start3A_275 = arith.constant 0 : i32
      %dma_start3A_276 = arith.constant 0 : i32
      %dma_start3A_277 = tpu.memref_slice %arg13[%dma_start3A_275, %dma_start3A_276] : memref<128x144xf32, #tpu.memory_space<vmem>> -> memref<128x144xf32, #tpu.memory_space<vmem>>
      %dma_start3A_278 = arith.constant 0 : i32
      %dma_start3A_279 = tpu.memref_slice %arg15[%add3A_27, %dma_start3A_278] : memref<10000x144xf32, #tpu.memory_space<vmem_shared>> -> memref<128x144xf32, #tpu.memory_space<vmem_shared>>
      %dma_start3A_280 = arith.constant 0 : i32
      %dma_start3A_281 = tpu.memref_slice %arg15[%add3A_27, %dma_start3A_280] : memref<10000x144xf32, #tpu.memory_space<vmem_shared>> -> memref<128x144xf32, #tpu.memory_space<vmem_shared>>
      %dma_start3A_282 = arith.constant 0 : i32
      %dma_start3A_283 = arith.constant 0 : i32
      %dma_start3A_284 = tpu.memref_slice %arg13[%dma_start3A_282, %dma_start3A_283] : memref<128x144xf32, #tpu.memory_space<vmem>> -> memref<128x144xf32, #tpu.memory_space<vmem>>
      tpu.enqueue_dma source(%dma_start3A_284 : memref<128x144xf32, #tpu.memory_space<vmem>>) target(%dma_start3A_281 : memref<128x144xf32, #tpu.memory_space<vmem_shared>>) target_semaphore(%run_scoped3A : memref<!tpu.dma_semaphore, #tpu.memory_space<semaphore_mem>>)
      %dma_wait3A_285 = arith.constant 0 : i32
      %dma_wait3A_286 = arith.constant 0 : i32
      %dma_wait3A_287 = tpu.memref_slice %arg13[%dma_wait3A_285, %dma_wait3A_286] : memref<128x144xf32, #tpu.memory_space<vmem>> -> memref<128x144xf32, #tpu.memory_space<vmem>>
      %dma_wait3A_288 = arith.constant 0 : i32
      %dma_wait3A_289 = tpu.memref_slice %arg15[%add3A_27, %dma_wait3A_288] : memref<10000x144xf32, #tpu.memory_space<vmem_shared>> -> memref<128x144xf32, #tpu.memory_space<vmem_shared>>
      %dma_wait3A_290 = arith.constant 0 : i32
      %dma_wait3A_291 = tpu.memref_slice %arg15[%add3A_27, %dma_wait3A_290] : memref<10000x144xf32, #tpu.memory_space<vmem_shared>> -> memref<128x144xf32, #tpu.memory_space<vmem_shared>>
      %dma_wait3A_292 = arith.constant 0 : i32
      %dma_wait3A_293 = arith.constant 0 : i32
      %dma_wait3A_294 = tpu.memref_slice %arg13[%dma_wait3A_292, %dma_wait3A_293] : memref<128x144xf32, #tpu.memory_space<vmem>> -> memref<128x144xf32, #tpu.memory_space<vmem>>
      tpu.wait_dma2 semaphore(%run_scoped3A : memref<!tpu.dma_semaphore, #tpu.memory_space<semaphore_mem>>) src(%dma_wait3A_294 : memref<128x144xf32, #tpu.memory_space<vmem>>) dst(%dma_wait3A_291 : memref<128x144xf32, #tpu.memory_space<vmem_shared>>)
      tpu.yield
    }) : () -> ()
    %mul3A_28 = arith.constant 625 : i32
    %mul3A_29 = arith.muli %arg1, %mul3A_28 : i32
    %add3A_30 = arith.constant 384 : i32
    %add3A_31 = arith.addi %mul3A_29, %add3A_30 : i32
    "tpu.region"() ({
      %run_scoped3A = tpu.sem_alloc : memref<!tpu.dma_semaphore, #tpu.memory_space<semaphore_mem>>
      %dma_start3A_275 = arith.constant 0 : i32
      %dma_start3A_276 = arith.constant 0 : i32
      %dma_start3A_277 = tpu.memref_slice %arg13[%dma_start3A_275, %dma_start3A_276] : memref<128x144xf32, #tpu.memory_space<vmem>> -> memref<128x144xf32, #tpu.memory_space<vmem>>
      %dma_start3A_278 = arith.constant 0 : i32
      %dma_start3A_279 = tpu.memref_slice %arg15[%add3A_31, %dma_start3A_278] : memref<10000x144xf32, #tpu.memory_space<vmem_shared>> -> memref<128x144xf32, #tpu.memory_space<vmem_shared>>
      %dma_start3A_280 = arith.constant 0 : i32
      %dma_start3A_281 = tpu.memref_slice %arg15[%add3A_31, %dma_start3A_280] : memref<10000x144xf32, #tpu.memory_space<vmem_shared>> -> memref<128x144xf32, #tpu.memory_space<vmem_shared>>
      %dma_start3A_282 = arith.constant 0 : i32
      %dma_start3A_283 = arith.constant 0 : i32
      %dma_start3A_284 = tpu.memref_slice %arg13[%dma_start3A_282, %dma_start3A_283] : memref<128x144xf32, #tpu.memory_space<vmem>> -> memref<128x144xf32, #tpu.memory_space<vmem>>
      tpu.enqueue_dma source(%dma_start3A_284 : memref<128x144xf32, #tpu.memory_space<vmem>>) target(%dma_start3A_281 : memref<128x144xf32, #tpu.memory_space<vmem_shared>>) target_semaphore(%run_scoped3A : memref<!tpu.dma_semaphore, #tpu.memory_space<semaphore_mem>>)
      %dma_wait3A_285 = arith.constant 0 : i32
      %dma_wait3A_286 = arith.constant 0 : i32
      %dma_wait3A_287 = tpu.memref_slice %arg13[%dma_wait3A_285, %dma_wait3A_286] : memref<128x144xf32, #tpu.memory_space<vmem>> -> memref<128x144xf32, #tpu.memory_space<vmem>>
      %dma_wait3A_288 = arith.constant 0 : i32
      %dma_wait3A_289 = tpu.memref_slice %arg15[%add3A_31, %dma_wait3A_288] : memref<10000x144xf32, #tpu.memory_space<vmem_shared>> -> memref<128x144xf32, #tpu.memory_space<vmem_shared>>
      %dma_wait3A_290 = arith.constant 0 : i32
      %dma_wait3A_291 = tpu.memref_slice %arg15[%add3A_31, %dma_wait3A_290] : memref<10000x144xf32, #tpu.memory_space<vmem_shared>> -> memref<128x144xf32, #tpu.memory_space<vmem_shared>>
      %dma_wait3A_292 = arith.constant 0 : i32
      %dma_wait3A_293 = arith.constant 0 : i32
      %dma_wait3A_294 = tpu.memref_slice %arg13[%dma_wait3A_292, %dma_wait3A_293] : memref<128x144xf32, #tpu.memory_space<vmem>> -> memref<128x144xf32, #tpu.memory_space<vmem>>
      tpu.wait_dma2 semaphore(%run_scoped3A : memref<!tpu.dma_semaphore, #tpu.memory_space<semaphore_mem>>) src(%dma_wait3A_294 : memref<128x144xf32, #tpu.memory_space<vmem>>) dst(%dma_wait3A_291 : memref<128x144xf32, #tpu.memory_space<vmem_shared>>)
      tpu.yield
    }) : () -> ()
    %mul3A_32 = arith.constant 625 : i32
    %mul3A_33 = arith.muli %arg1, %mul3A_32 : i32
    %add3A_34 = arith.constant 512 : i32
    %add3A_35 = arith.addi %mul3A_33, %add3A_34 : i32
    "tpu.region"() ({
      %run_scoped3A = tpu.sem_alloc : memref<!tpu.dma_semaphore, #tpu.memory_space<semaphore_mem>>
      %dma_start3A_275 = arith.constant 0 : i32
      %dma_start3A_276 = arith.constant 0 : i32
      %dma_start3A_277 = tpu.memref_slice %arg13[%dma_start3A_275, %dma_start3A_276] : memref<128x144xf32, #tpu.memory_space<vmem>> -> memref<113x144xf32, #tpu.memory_space<vmem>>
      %dma_start3A_278 = arith.constant 0 : i32
      %dma_start3A_279 = tpu.memref_slice %arg15[%add3A_35, %dma_start3A_278] : memref<10000x144xf32, #tpu.memory_space<vmem_shared>> -> memref<113x144xf32, #tpu.memory_space<vmem_shared>>
      %dma_start3A_280 = arith.constant 0 : i32
      %dma_start3A_281 = tpu.memref_slice %arg15[%add3A_35, %dma_start3A_280] : memref<10000x144xf32, #tpu.memory_space<vmem_shared>> -> memref<113x144xf32, #tpu.memory_space<vmem_shared>>
      %dma_start3A_282 = arith.constant 0 : i32
      %dma_start3A_283 = arith.constant 0 : i32
      %dma_start3A_284 = tpu.memref_slice %arg13[%dma_start3A_282, %dma_start3A_283] : memref<128x144xf32, #tpu.memory_space<vmem>> -> memref<113x144xf32, #tpu.memory_space<vmem>>
      tpu.enqueue_dma source(%dma_start3A_284 : memref<113x144xf32, #tpu.memory_space<vmem>>) target(%dma_start3A_281 : memref<113x144xf32, #tpu.memory_space<vmem_shared>>) target_semaphore(%run_scoped3A : memref<!tpu.dma_semaphore, #tpu.memory_space<semaphore_mem>>)
      %dma_wait3A_285 = arith.constant 0 : i32
      %dma_wait3A_286 = arith.constant 0 : i32
      %dma_wait3A_287 = tpu.memref_slice %arg13[%dma_wait3A_285, %dma_wait3A_286] : memref<128x144xf32, #tpu.memory_space<vmem>> -> memref<113x144xf32, #tpu.memory_space<vmem>>
      %dma_wait3A_288 = arith.constant 0 : i32
      %dma_wait3A_289 = tpu.memref_slice %arg15[%add3A_35, %dma_wait3A_288] : memref<10000x144xf32, #tpu.memory_space<vmem_shared>> -> memref<113x144xf32, #tpu.memory_space<vmem_shared>>
      %dma_wait3A_290 = arith.constant 0 : i32
      %dma_wait3A_291 = tpu.memref_slice %arg15[%add3A_35, %dma_wait3A_290] : memref<10000x144xf32, #tpu.memory_space<vmem_shared>> -> memref<113x144xf32, #tpu.memory_space<vmem_shared>>
      %dma_wait3A_292 = arith.constant 0 : i32
      %dma_wait3A_293 = arith.constant 0 : i32
      %dma_wait3A_294 = tpu.memref_slice %arg13[%dma_wait3A_292, %dma_wait3A_293] : memref<128x144xf32, #tpu.memory_space<vmem>> -> memref<113x144xf32, #tpu.memory_space<vmem>>
      tpu.wait_dma2 semaphore(%run_scoped3A : memref<!tpu.dma_semaphore, #tpu.memory_space<semaphore_mem>>) src(%dma_wait3A_294 : memref<113x144xf32, #tpu.memory_space<vmem>>) dst(%dma_wait3A_291 : memref<113x144xf32, #tpu.memory_space<vmem_shared>>)
      tpu.yield
    }) : () -> ()
    %barrier3A = arith.constant 0 : index
    tpu.barrier barrier_id(%barrier3A)
    %add3A_36 = arith.constant 0 : i32
    %add3A_37 = arith.addi %add3A_4, %add3A_36 : i32
    %mul3A_38 = arith.constant 128 : i32
    %mul3A_39 = arith.muli %add3A_37, %mul3A_38 : i32
    %dma_start3A = tpu.memref_slice %arg3[%mul3A_39] : memref<320000xi32, #tpu.memory_space<hbm>> -> memref<768xi32, #tpu.memory_space<hbm>>
    %dma_start3A_40 = tpu.memref_slice %arg3[%mul3A_39] : memref<320000xi32, #tpu.memory_space<hbm>> -> memref<768xi32, #tpu.memory_space<hbm>>
    tpu.enqueue_dma source(%dma_start3A_40 : memref<768xi32, #tpu.memory_space<hbm>>) target(%arg7 : memref<768xi32, #tpu.memory_space<vmem>>) target_semaphore(%arg20 : memref<!tpu.dma_semaphore, #tpu.memory_space<semaphore_mem>>)
    %dma_start3A_41 = tpu.memref_slice %arg5[%mul3A_39] : memref<320000xbf16, #tpu.memory_space<hbm>> -> memref<768xbf16, #tpu.memory_space<hbm>>
    %dma_start3A_42 = tpu.memref_slice %arg5[%mul3A_39] : memref<320000xbf16, #tpu.memory_space<hbm>> -> memref<768xbf16, #tpu.memory_space<hbm>>
    tpu.enqueue_dma source(%dma_start3A_42 : memref<768xbf16, #tpu.memory_space<hbm>>) target(%arg8 : memref<768xbf16, #tpu.memory_space<vmem>>) target_semaphore(%arg20 : memref<!tpu.dma_semaphore, #tpu.memory_space<semaphore_mem>>)
    %dma_start3A_43 = arith.constant 0 : i32
    %dma_start3A_44 = tpu.memref_slice %arg4[%add3A_37, %dma_start3A_43] : memref<2500x128xi32, #tpu.memory_space<hbm>> -> memref<6x128xi32, #tpu.memory_space<hbm>>
    %dma_start3A_45 = arith.constant 0 : i32
    %dma_start3A_46 = tpu.memref_slice %arg4[%add3A_37, %dma_start3A_45] : memref<2500x128xi32, #tpu.memory_space<hbm>> -> memref<6x128xi32, #tpu.memory_space<hbm>>
    tpu.enqueue_dma source(%dma_start3A_46 : memref<6x128xi32, #tpu.memory_space<hbm>>) target(%arg9 : memref<6x128xi32, #tpu.memory_space<vmem>>) target_semaphore(%arg20 : memref<!tpu.dma_semaphore, #tpu.memory_space<semaphore_mem>>)
    %dma_wait3A = arith.constant 0 : i32
    %dma_wait3A_47 = tpu.memref_slice %arg3[%dma_wait3A] : memref<320000xi32, #tpu.memory_space<hbm>> -> memref<768xi32, #tpu.memory_space<hbm>>
    %dma_wait3A_48 = arith.constant 0 : i32
    %dma_wait3A_49 = tpu.memref_slice %arg3[%dma_wait3A_48] : memref<320000xi32, #tpu.memory_space<hbm>> -> memref<768xi32, #tpu.memory_space<hbm>>
    tpu.wait_dma2 semaphore(%arg20 : memref<!tpu.dma_semaphore, #tpu.memory_space<semaphore_mem>>) src(%dma_wait3A_49 : memref<768xi32, #tpu.memory_space<hbm>>) dst(%arg7 : memref<768xi32, #tpu.memory_space<vmem>>)
    %dma_wait3A_50 = arith.constant 0 : i32
    %dma_wait3A_51 = tpu.memref_slice %arg5[%dma_wait3A_50] : memref<320000xbf16, #tpu.memory_space<hbm>> -> memref<768xbf16, #tpu.memory_space<hbm>>
    %dma_wait3A_52 = arith.constant 0 : i32
    %dma_wait3A_53 = tpu.memref_slice %arg5[%dma_wait3A_52] : memref<320000xbf16, #tpu.memory_space<hbm>> -> memref<768xbf16, #tpu.memory_space<hbm>>
    tpu.wait_dma2 semaphore(%arg20 : memref<!tpu.dma_semaphore, #tpu.memory_space<semaphore_mem>>) src(%dma_wait3A_53 : memref<768xbf16, #tpu.memory_space<hbm>>) dst(%arg8 : memref<768xbf16, #tpu.memory_space<vmem>>)
    %dma_wait3A_54 = arith.constant 0 : i32
    %dma_wait3A_55 = arith.constant 0 : i32
    %dma_wait3A_56 = tpu.memref_slice %arg4[%dma_wait3A_54, %dma_wait3A_55] : memref<2500x128xi32, #tpu.memory_space<hbm>> -> memref<6x128xi32, #tpu.memory_space<hbm>>
    %dma_wait3A_57 = arith.constant 0 : i32
    %dma_wait3A_58 = arith.constant 0 : i32
    %dma_wait3A_59 = tpu.memref_slice %arg4[%dma_wait3A_57, %dma_wait3A_58] : memref<2500x128xi32, #tpu.memory_space<hbm>> -> memref<6x128xi32, #tpu.memory_space<hbm>>
    tpu.wait_dma2 semaphore(%arg20 : memref<!tpu.dma_semaphore, #tpu.memory_space<semaphore_mem>>) src(%dma_wait3A_59 : memref<6x128xi32, #tpu.memory_space<hbm>>) dst(%arg9 : memref<6x128xi32, #tpu.memory_space<vmem>>)
    %dma_start3A_60 = arith.constant 0 : i32
    %dma_start3A_61 = tpu.memref_slice %arg7[%dma_start3A_60] : memref<768xi32, #tpu.memory_space<vmem>> -> memref<128xi32, #tpu.memory_space<vmem>>
    %dma_start3A_62 = arith.constant 0 : i32
    %dma_start3A_63 = arith.constant 0 : i32
    %dma_start3A_64 = tpu.memref_slice %arg2[%dma_start3A_62, %dma_start3A_63] : memref<10000x144xf32, #tpu.memory_space<hbm>> -> memref<10000x144xf32, #tpu.memory_space<hbm>>
    tpu.enqueue_indirect_dma source(%dma_start3A_64 : memref<10000x144xf32, #tpu.memory_space<hbm>>) target(%arg13 : memref<128x144xf32, #tpu.memory_space<vmem>>) offsets(%dma_start3A_61 : memref<128xi32, #tpu.memory_space<vmem>>) semaphore(%arg16 : memref<!tpu.dma_semaphore, #tpu.memory_space<semaphore_mem>>)
    %dma_start3A_65 = arith.constant 128 : i32
    %dma_start3A_66 = tpu.memref_slice %arg7[%dma_start3A_65] : memref<768xi32, #tpu.memory_space<vmem>> -> memref<128xi32, #tpu.memory_space<vmem>>
    %dma_start3A_67 = arith.constant 0 : i32
    %dma_start3A_68 = arith.constant 0 : i32
    %dma_start3A_69 = tpu.memref_slice %arg2[%dma_start3A_67, %dma_start3A_68] : memref<10000x144xf32, #tpu.memory_space<hbm>> -> memref<10000x144xf32, #tpu.memory_space<hbm>>
    tpu.enqueue_indirect_dma source(%dma_start3A_69 : memref<10000x144xf32, #tpu.memory_space<hbm>>) target(%arg14 : memref<128x144xf32, #tpu.memory_space<vmem>>) offsets(%dma_start3A_66 : memref<128xi32, #tpu.memory_space<vmem>>) semaphore(%arg17 : memref<!tpu.dma_semaphore, #tpu.memory_space<semaphore_mem>>)
    %dma_wait3A_70 = arith.constant 0 : i32
    %dma_wait3A_71 = tpu.memref_slice %arg7[%dma_wait3A_70] : memref<768xi32, #tpu.memory_space<vmem>> -> memref<128xi32, #tpu.memory_space<vmem>>
    %dma_wait3A_72 = arith.constant 0 : i32
    %dma_wait3A_73 = arith.constant 0 : i32
    %dma_wait3A_74 = tpu.memref_slice %arg2[%dma_wait3A_72, %dma_wait3A_73] : memref<10000x144xf32, #tpu.memory_space<hbm>> -> memref<10000x144xf32, #tpu.memory_space<hbm>>
    tpu.wait_indirect_dma semaphore(%arg16 : memref<!tpu.dma_semaphore, #tpu.memory_space<semaphore_mem>>) src(%dma_wait3A_74 : memref<10000x144xf32, #tpu.memory_space<hbm>>) dst(%arg13 : memref<128x144xf32, #tpu.memory_space<vmem>>)
    %scan3A_75 = arith.constant 0 : i32
    %scan3A_76 = arith.constant 0 : i32
    %scan3A_77 = arith.constant 128 : i32
    %scan3A_78 = arith.addi %scan3A_76, %scan3A_77 : i32
    %scan3A_79 = arith.constant 1 : i32
    %scan3A_80 = scf.for %scan3A_275 = %scan3A_76 to %scan3A_78 step %scan3A_79 iter_args(%scan3A_276 = %scan3A_75) -> (i32)  : i32 {
      %jit3A_277 = arith.constant 32 : i32
      %div3A = arith.divsi %scan3A_275, %jit3A_277 : i32
      %sign3A = arith.constant 0 : i32
      %sign3A_278 = arith.cmpi sgt, %scan3A_275, %sign3A : i32
      %sign3A_279 = arith.extui %sign3A_278 : i1 to i32
      %sign3A_280 = arith.constant 0 : i32
      %sign3A_281 = arith.cmpi slt, %scan3A_275, %sign3A_280 : i32
      %sign3A_282 = arith.extui %sign3A_281 : i1 to i32
      %sign3A_283 = arith.subi %sign3A_279, %sign3A_282 : i32
      %sign3A_284 = arith.constant 0 : i32
      %sign3A_285 = arith.cmpi sgt, %jit3A_277, %sign3A_284 : i32
      %sign3A_286 = arith.extui %sign3A_285 : i1 to i32
      %sign3A_287 = arith.constant 0 : i32
      %sign3A_288 = arith.cmpi slt, %jit3A_277, %sign3A_287 : i32
      %sign3A_289 = arith.extui %sign3A_288 : i1 to i32
      %sign3A_290 = arith.subi %sign3A_286, %sign3A_289 : i32
      %ne3A = arith.cmpi ne, %sign3A_283, %sign3A_290 : i32
      %rem3A = arith.remsi %scan3A_275, %jit3A_277 : i32
      %ne3A_291 = arith.constant 0 : i32
      %ne3A_292 = arith.cmpi ne, %rem3A, %ne3A_291 : i32
      %and3A = arith.andi %ne3A, %ne3A_292 : i1
      %sub3A = arith.constant 1 : i32
      %sub3A_293 = arith.subi %div3A, %sub3A : i32
      %select_n3A_294 = arith.select %and3A, %sub3A_293, %div3A : i32
      %mul3A_295 = arith.constant 32 : i32
      %mul3A_296 = arith.muli %select_n3A_294, %mul3A_295 : i32
      %add3A_297 = arith.constant 0 : i32
      %add3A_298 = arith.addi %add3A_297, %mul3A_296 : i32
      %get3A = arith.index_cast %add3A_298 : i32 to index
      %get3A_299 = tpu.vector_load %arg8[%get3A] {strides = array<i32>} : memref<768xbf16, #tpu.memory_space<vmem>>, vector<32xbf16>,
      %unpack3A = tpu.unpack_subelements %get3A_299, 0 {pack_format = #tpu.pack_format<interleaved>} : vector<32xbf16> -> vector<16xf32>
      %unpack3A_300 = tpu.unpack_subelements %get3A_299, 1 {pack_format = #tpu.pack_format<interleaved>} : vector<32xbf16> -> vector<16xf32>
      %jit3A_301 = arith.constant 2 : i32
      %eq3A = arith.constant 0 : i32
      %eq3A_302 = arith.cmpi eq, %jit3A_301, %eq3A : i32
      %jit3A_303 = arith.constant 1 : i32
      %select_n3A_304 = arith.select %eq3A_302, %jit3A_303, %jit3A_301 : i32
      %rem3A_305 = arith.remsi %scan3A_275, %select_n3A_304 : i32
      %ne3A_306 = arith.constant 0 : i32
      %ne3A_307 = arith.cmpi ne, %rem3A_305, %ne3A_306 : i32
      %lt3A_308 = arith.constant 0 : i32
      %lt3A_309 = arith.cmpi slt, %rem3A_305, %lt3A_308 : i32
      %lt3A_310 = arith.constant 0 : i32
      %lt3A_311 = arith.cmpi slt, %select_n3A_304, %lt3A_310 : i32
      %ne3A_312 = arith.xori %lt3A_309, %lt3A_311 : i1
      %and3A_313 = arith.andi %ne3A_312, %ne3A_307 : i1
      %add3A_314 = arith.addi %rem3A_305, %select_n3A_304 : i32
      %select_n3A_315 = arith.select %and3A_313, %add3A_314, %rem3A_305 : i32
      %eq3A_316 = arith.constant 0 : i32
      %eq3A_317 = arith.cmpi eq, %select_n3A_315, %eq3A_316 : i32
      %select_n3A_318 = arith.select %eq3A_317, %unpack3A, %unpack3A_300 : vector<16xf32>
      %jit3A_319 = arith.constant 32 : i32
      %eq3A_320 = arith.constant 0 : i32
      %eq3A_321 = arith.cmpi eq, %jit3A_319, %eq3A_320 : i32
      %jit3A_322 = arith.constant 1 : i32
      %select_n3A_323 = arith.select %eq3A_321, %jit3A_322, %jit3A_319 : i32
      %rem3A_324 = arith.remsi %scan3A_275, %select_n3A_323 : i32
      %ne3A_325 = arith.constant 0 : i32
      %ne3A_326 = arith.cmpi ne, %rem3A_324, %ne3A_325 : i32
      %lt3A_327 = arith.constant 0 : i32
      %lt3A_328 = arith.cmpi slt, %rem3A_324, %lt3A_327 : i32
      %lt3A_329 = arith.constant 0 : i32
      %lt3A_330 = arith.cmpi slt, %select_n3A_323, %lt3A_329 : i32
      %ne3A_331 = arith.xori %lt3A_328, %lt3A_330 : i1
      %and3A_332 = arith.andi %ne3A_331, %ne3A_326 : i1
      %add3A_333 = arith.addi %rem3A_324, %select_n3A_323 : i32
      %select_n3A_334 = arith.select %and3A_332, %add3A_333, %rem3A_324 : i32
      %jit3A_335 = arith.constant 2 : i32
      %div3A_336 = arith.divsi %select_n3A_334, %jit3A_335 : i32
      %sign3A_337 = arith.constant 0 : i32
      %sign3A_338 = arith.cmpi sgt, %select_n3A_334, %sign3A_337 : i32
      %sign3A_339 = arith.extui %sign3A_338 : i1 to i32
      %sign3A_340 = arith.constant 0 : i32
      %sign3A_341 = arith.cmpi slt, %select_n3A_334, %sign3A_340 : i32
      %sign3A_342 = arith.extui %sign3A_341 : i1 to i32
      %sign3A_343 = arith.subi %sign3A_339, %sign3A_342 : i32
      %sign3A_344 = arith.constant 0 : i32
      %sign3A_345 = arith.cmpi sgt, %jit3A_335, %sign3A_344 : i32
      %sign3A_346 = arith.extui %sign3A_345 : i1 to i32
      %sign3A_347 = arith.constant 0 : i32
      %sign3A_348 = arith.cmpi slt, %jit3A_335, %sign3A_347 : i32
      %sign3A_349 = arith.extui %sign3A_348 : i1 to i32
      %sign3A_350 = arith.subi %sign3A_346, %sign3A_349 : i32
      %ne3A_351 = arith.cmpi ne, %sign3A_343, %sign3A_350 : i32
      %rem3A_352 = arith.remsi %select_n3A_334, %jit3A_335 : i32
      %ne3A_353 = arith.constant 0 : i32
      %ne3A_354 = arith.cmpi ne, %rem3A_352, %ne3A_353 : i32
      %and3A_355 = arith.andi %ne3A_351, %ne3A_354 : i1
      %sub3A_356 = arith.constant 1 : i32
      %sub3A_357 = arith.subi %div3A_336, %sub3A_356 : i32
      %select_n3A_358 = arith.select %and3A_355, %sub3A_357, %div3A_336 : i32
      %broadcast_in_dim3A_359 = vector.broadcast %select_n3A_358 : i32 to vector<16x1xi32>
      %gather3A = vector.shape_cast %broadcast_in_dim3A_359 : vector<16x1xi32> to vector<16xi32>
      %gather3A_360 = tpu.dynamic_gather %select_n3A_318[%gather3A] in [0] : vector<16xf32>, vector<16xi32> -> vector<16xf32>
      %get3A_361 = arith.index_cast %scan3A_275 : i32 to index
      %get3A_362 = arith.constant 0 : index
      %get3A_363 = tpu.vector_load %arg13[%get3A_361, %get3A_362] {strides = array<i32>} : memref<128x144xf32, #tpu.memory_space<vmem>>, vector<16xf32>,
      %mul3A_364 = arith.mulf %get3A_363, %gather3A_360 : vector<16xf32>
      %swap3A = arith.index_cast %scan3A_275 : i32 to index
      %swap3A_365 = arith.constant 0 : index
      %swap3A_366 = tpu.vector_load %arg13[%swap3A, %swap3A_365] {strides = array<i32>} : memref<128x144xf32, #tpu.memory_space<vmem>>, vector<16xf32>,
      tpu.vector_store %arg13[%swap3A, %swap3A_365], %mul3A_364 {strides = array<i32>} : memref<128x144xf32, #tpu.memory_space<vmem>>, vector<16xf32>,
      %get3A_367 = arith.index_cast %scan3A_275 : i32 to index
      %get3A_368 = arith.constant 16 : index
      %get3A_369 = tpu.vector_load %arg13[%get3A_367, %get3A_368] {strides = array<i32>} : memref<128x144xf32, #tpu.memory_space<vmem>>, vector<16xf32>,
      %mul3A_370 = arith.mulf %get3A_369, %gather3A_360 : vector<16xf32>
      %swap3A_371 = arith.index_cast %scan3A_275 : i32 to index
      %swap3A_372 = arith.constant 16 : index
      %swap3A_373 = tpu.vector_load %arg13[%swap3A_371, %swap3A_372] {strides = array<i32>} : memref<128x144xf32, #tpu.memory_space<vmem>>, vector<16xf32>,
      tpu.vector_store %arg13[%swap3A_371, %swap3A_372], %mul3A_370 {strides = array<i32>} : memref<128x144xf32, #tpu.memory_space<vmem>>, vector<16xf32>,
      %get3A_374 = arith.index_cast %scan3A_275 : i32 to index
      %get3A_375 = arith.constant 32 : index
      %get3A_376 = tpu.vector_load %arg13[%get3A_374, %get3A_375] {strides = array<i32>} : memref<128x144xf32, #tpu.memory_space<vmem>>, vector<16xf32>,
      %mul3A_377 = arith.mulf %get3A_376, %gather3A_360 : vector<16xf32>
      %swap3A_378 = arith.index_cast %scan3A_275 : i32 to index
      %swap3A_379 = arith.constant 32 : index
      %swap3A_380 = tpu.vector_load %arg13[%swap3A_378, %swap3A_379] {strides = array<i32>} : memref<128x144xf32, #tpu.memory_space<vmem>>, vector<16xf32>,
      tpu.vector_store %arg13[%swap3A_378, %swap3A_379], %mul3A_377 {strides = array<i32>} : memref<128x144xf32, #tpu.memory_space<vmem>>, vector<16xf32>,
      %get3A_381 = arith.index_cast %scan3A_275 : i32 to index
      %get3A_382 = arith.constant 48 : index
      %get3A_383 = tpu.vector_load %arg13[%get3A_381, %get3A_382] {strides = array<i32>} : memref<128x144xf32, #tpu.memory_space<vmem>>, vector<16xf32>,
      %mul3A_384 = arith.mulf %get3A_383, %gather3A_360 : vector<16xf32>
      %swap3A_385 = arith.index_cast %scan3A_275 : i32 to index
      %swap3A_386 = arith.constant 48 : index
      %swap3A_387 = tpu.vector_load %arg13[%swap3A_385, %swap3A_386] {strides = array<i32>} : memref<128x144xf32, #tpu.memory_space<vmem>>, vector<16xf32>,
      tpu.vector_store %arg13[%swap3A_385, %swap3A_386], %mul3A_384 {strides = array<i32>} : memref<128x144xf32, #tpu.memory_space<vmem>>, vector<16xf32>,
      %get3A_388 = arith.index_cast %scan3A_275 : i32 to index
      %get3A_389 = arith.constant 64 : index
      %get3A_390 = tpu.vector_load %arg13[%get3A_388, %get3A_389] {strides = array<i32>} : memref<128x144xf32, #tpu.memory_space<vmem>>, vector<16xf32>,
      %mul3A_391 = arith.mulf %get3A_390, %gather3A_360 : vector<16xf32>
      %swap3A_392 = arith.index_cast %scan3A_275 : i32 to index
      %swap3A_393 = arith.constant 64 : index
      %swap3A_394 = tpu.vector_load %arg13[%swap3A_392, %swap3A_393] {strides = array<i32>} : memref<128x144xf32, #tpu.memory_space<vmem>>, vector<16xf32>,
      tpu.vector_store %arg13[%swap3A_392, %swap3A_393], %mul3A_391 {strides = array<i32>} : memref<128x144xf32, #tpu.memory_space<vmem>>, vector<16xf32>,
      %get3A_395 = arith.index_cast %scan3A_275 : i32 to index
      %get3A_396 = arith.constant 80 : index
      %get3A_397 = tpu.vector_load %arg13[%get3A_395, %get3A_396] {strides = array<i32>} : memref<128x144xf32, #tpu.memory_space<vmem>>, vector<16xf32>,
      %mul3A_398 = arith.mulf %get3A_397, %gather3A_360 : vector<16xf32>
      %swap3A_399 = arith.index_cast %scan3A_275 : i32 to index
      %swap3A_400 = arith.constant 80 : index
      %swap3A_401 = tpu.vector_load %arg13[%swap3A_399, %swap3A_400] {strides = array<i32>} : memref<128x144xf32, #tpu.memory_space<vmem>>, vector<16xf32>,
      tpu.vector_store %arg13[%swap3A_399, %swap3A_400], %mul3A_398 {strides = array<i32>} : memref<128x144xf32, #tpu.memory_space<vmem>>, vector<16xf32>,
      %get3A_402 = arith.index_cast %scan3A_275 : i32 to index
      %get3A_403 = arith.constant 96 : index
      %get3A_404 = tpu.vector_load %arg13[%get3A_402, %get3A_403] {strides = array<i32>} : memref<128x144xf32, #tpu.memory_space<vmem>>, vector<16xf32>,
      %mul3A_405 = arith.mulf %get3A_404, %gather3A_360 : vector<16xf32>
      %swap3A_406 = arith.index_cast %scan3A_275 : i32 to index
      %swap3A_407 = arith.constant 96 : index
      %swap3A_408 = tpu.vector_load %arg13[%swap3A_406, %swap3A_407] {strides = array<i32>} : memref<128x144xf32, #tpu.memory_space<vmem>>, vector<16xf32>,
      tpu.vector_store %arg13[%swap3A_406, %swap3A_407], %mul3A_405 {strides = array<i32>} : memref<128x144xf32, #tpu.memory_space<vmem>>, vector<16xf32>,
      %get3A_409 = arith.index_cast %scan3A_275 : i32 to index
      %get3A_410 = arith.constant 112 : index
      %get3A_411 = tpu.vector_load %arg13[%get3A_409, %get3A_410] {strides = array<i32>} : memref<128x144xf32, #tpu.memory_space<vmem>>, vector<16xf32>,
      %mul3A_412 = arith.mulf %get3A_411, %gather3A_360 : vector<16xf32>
      %swap3A_413 = arith.index_cast %scan3A_275 : i32 to index
      %swap3A_414 = arith.constant 112 : index
      %swap3A_415 = tpu.vector_load %arg13[%swap3A_413, %swap3A_414] {strides = array<i32>} : memref<128x144xf32, #tpu.memory_space<vmem>>, vector<16xf32>,
      tpu.vector_store %arg13[%swap3A_413, %swap3A_414], %mul3A_412 {strides = array<i32>} : memref<128x144xf32, #tpu.memory_space<vmem>>, vector<16xf32>,
      %scan3A_416 = arith.constant 0 : i32
      scf.yield %scan3A_416 : i32
    }
    %scan3A_81 = arith.constant 128 : i32
    %dma_start3A_82 = arith.constant 0 : i32
    %dma_start3A_83 = arith.constant 0 : i32
    %dma_start3A_84 = tpu.memref_slice %arg9[%dma_start3A_82, %dma_start3A_83] : memref<6x128xi32, #tpu.memory_space<vmem>> -> memref<1x128xi32, #tpu.memory_space<vmem>>
    %dma_start3A_85 = tpu.memref_squeeze %dma_start3A_84 : memref<1x128xi32, #tpu.memory_space<vmem>> -> memref<128xi32, #tpu.memory_space<vmem>>
    %dma_start3A_86 = arith.constant 0 : i32
    %dma_start3A_87 = arith.constant 0 : i32
    %dma_start3A_88 = tpu.memref_slice %arg15[%dma_start3A_86, %dma_start3A_87] : memref<10000x144xf32, #tpu.memory_space<vmem_shared>> -> memref<10000x144xf32, #tpu.memory_space<vmem_shared>>
    tpu.enqueue_indirect_dma source(%arg13 : memref<128x144xf32, #tpu.memory_space<vmem>>) target(%dma_start3A_88 : memref<10000x144xf32, #tpu.memory_space<vmem_shared>>) offsets(%dma_start3A_85 : memref<128xi32, #tpu.memory_space<vmem>>) semaphore(%arg18 : memref<!tpu.dma_semaphore, #tpu.memory_space<semaphore_mem>>) {add = true}
    %dma_start3A_89 = arith.constant 256 : i32
    %dma_start3A_90 = tpu.memref_slice %arg7[%dma_start3A_89] : memref<768xi32, #tpu.memory_space<vmem>> -> memref<128xi32, #tpu.memory_space<vmem>>
    %dma_start3A_91 = arith.constant 0 : i32
    %dma_start3A_92 = arith.constant 0 : i32
    %dma_start3A_93 = tpu.memref_slice %arg2[%dma_start3A_91, %dma_start3A_92] : memref<10000x144xf32, #tpu.memory_space<hbm>> -> memref<10000x144xf32, #tpu.memory_space<hbm>>
    tpu.enqueue_indirect_dma source(%dma_start3A_93 : memref<10000x144xf32, #tpu.memory_space<hbm>>) target(%arg13 : memref<128x144xf32, #tpu.memory_space<vmem>>) offsets(%dma_start3A_90 : memref<128xi32, #tpu.memory_space<vmem>>) semaphore(%arg16 : memref<!tpu.dma_semaphore, #tpu.memory_space<semaphore_mem>>)
    %dma_wait3A_94 = arith.constant 0 : i32
    %dma_wait3A_95 = tpu.memref_slice %arg7[%dma_wait3A_94] : memref<768xi32, #tpu.memory_space<vmem>> -> memref<128xi32, #tpu.memory_space<vmem>>
    %dma_wait3A_96 = arith.constant 0 : i32
    %dma_wait3A_97 = arith.constant 0 : i32
    %dma_wait3A_98 = tpu.memref_slice %arg2[%dma_wait3A_96, %dma_wait3A_97] : memref<10000x144xf32, #tpu.memory_space<hbm>> -> memref<10000x144xf32, #tpu.memory_space<hbm>>
    tpu.wait_indirect_dma semaphore(%arg17 : memref<!tpu.dma_semaphore, #tpu.memory_space<semaphore_mem>>) src(%dma_wait3A_98 : memref<10000x144xf32, #tpu.memory_space<hbm>>) dst(%arg14 : memref<128x144xf32, #tpu.memory_space<vmem>>)
    %scan3A_99 = arith.constant 0 : i32
    %scan3A_100 = arith.constant 0 : i32
    %scan3A_101 = arith.constant 128 : i32
    %scan3A_102 = arith.addi %scan3A_100, %scan3A_101 : i32
    %scan3A_103 = arith.constant 1 : i32
    %scan3A_104 = scf.for %scan3A_275 = %scan3A_100 to %scan3A_102 step %scan3A_103 iter_args(%scan3A_276 = %scan3A_99) -> (i32)  : i32 {
      %jit3A_277 = arith.constant 32 : i32
      %div3A = arith.divsi %scan3A_275, %jit3A_277 : i32
      %sign3A = arith.constant 0 : i32
      %sign3A_278 = arith.cmpi sgt, %scan3A_275, %sign3A : i32
      %sign3A_279 = arith.extui %sign3A_278 : i1 to i32
      %sign3A_280 = arith.constant 0 : i32
      %sign3A_281 = arith.cmpi slt, %scan3A_275, %sign3A_280 : i32
      %sign3A_282 = arith.extui %sign3A_281 : i1 to i32
      %sign3A_283 = arith.subi %sign3A_279, %sign3A_282 : i32
      %sign3A_284 = arith.constant 0 : i32
      %sign3A_285 = arith.cmpi sgt, %jit3A_277, %sign3A_284 : i32
      %sign3A_286 = arith.extui %sign3A_285 : i1 to i32
      %sign3A_287 = arith.constant 0 : i32
      %sign3A_288 = arith.cmpi slt, %jit3A_277, %sign3A_287 : i32
      %sign3A_289 = arith.extui %sign3A_288 : i1 to i32
      %sign3A_290 = arith.subi %sign3A_286, %sign3A_289 : i32
      %ne3A = arith.cmpi ne, %sign3A_283, %sign3A_290 : i32
      %rem3A = arith.remsi %scan3A_275, %jit3A_277 : i32
      %ne3A_291 = arith.constant 0 : i32
      %ne3A_292 = arith.cmpi ne, %rem3A, %ne3A_291 : i32
      %and3A = arith.andi %ne3A, %ne3A_292 : i1
      %sub3A = arith.constant 1 : i32
      %sub3A_293 = arith.subi %div3A, %sub3A : i32
      %select_n3A_294 = arith.select %and3A, %sub3A_293, %div3A : i32
      %mul3A_295 = arith.constant 32 : i32
      %mul3A_296 = arith.muli %select_n3A_294, %mul3A_295 : i32
      %add3A_297 = arith.constant 128 : i32
      %add3A_298 = arith.addi %add3A_297, %mul3A_296 : i32
      %get3A = arith.index_cast %add3A_298 : i32 to index
      %get3A_299 = tpu.vector_load %arg8[%get3A] {strides = array<i32>} : memref<768xbf16, #tpu.memory_space<vmem>>, vector<32xbf16>,
      %unpack3A = tpu.unpack_subelements %get3A_299, 0 {pack_format = #tpu.pack_format<interleaved>} : vector<32xbf16> -> vector<16xf32>
      %unpack3A_300 = tpu.unpack_subelements %get3A_299, 1 {pack_format = #tpu.pack_format<interleaved>} : vector<32xbf16> -> vector<16xf32>
      %jit3A_301 = arith.constant 2 : i32
      %eq3A = arith.constant 0 : i32
      %eq3A_302 = arith.cmpi eq, %jit3A_301, %eq3A : i32
      %jit3A_303 = arith.constant 1 : i32
      %select_n3A_304 = arith.select %eq3A_302, %jit3A_303, %jit3A_301 : i32
      %rem3A_305 = arith.remsi %scan3A_275, %select_n3A_304 : i32
      %ne3A_306 = arith.constant 0 : i32
      %ne3A_307 = arith.cmpi ne, %rem3A_305, %ne3A_306 : i32
      %lt3A_308 = arith.constant 0 : i32
      %lt3A_309 = arith.cmpi slt, %rem3A_305, %lt3A_308 : i32
      %lt3A_310 = arith.constant 0 : i32
      %lt3A_311 = arith.cmpi slt, %select_n3A_304, %lt3A_310 : i32
      %ne3A_312 = arith.xori %lt3A_309, %lt3A_311 : i1
      %and3A_313 = arith.andi %ne3A_312, %ne3A_307 : i1
      %add3A_314 = arith.addi %rem3A_305, %select_n3A_304 : i32
      %select_n3A_315 = arith.select %and3A_313, %add3A_314, %rem3A_305 : i32
      %eq3A_316 = arith.constant 0 : i32
      %eq3A_317 = arith.cmpi eq, %select_n3A_315, %eq3A_316 : i32
      %select_n3A_318 = arith.select %eq3A_317, %unpack3A, %unpack3A_300 : vector<16xf32>
      %jit3A_319 = arith.constant 32 : i32
      %eq3A_320 = arith.constant 0 : i32
      %eq3A_321 = arith.cmpi eq, %jit3A_319, %eq3A_320 : i32
      %jit3A_322 = arith.constant 1 : i32
      %select_n3A_323 = arith.select %eq3A_321, %jit3A_322, %jit3A_319 : i32
      %rem3A_324 = arith.remsi %scan3A_275, %select_n3A_323 : i32
      %ne3A_325 = arith.constant 0 : i32
      %ne3A_326 = arith.cmpi ne, %rem3A_324, %ne3A_325 : i32
      %lt3A_327 = arith.constant 0 : i32
      %lt3A_328 = arith.cmpi slt, %rem3A_324, %lt3A_327 : i32
      %lt3A_329 = arith.constant 0 : i32
      %lt3A_330 = arith.cmpi slt, %select_n3A_323, %lt3A_329 : i32
      %ne3A_331 = arith.xori %lt3A_328, %lt3A_330 : i1
      %and3A_332 = arith.andi %ne3A_331, %ne3A_326 : i1
      %add3A_333 = arith.addi %rem3A_324, %select_n3A_323 : i32
      %select_n3A_334 = arith.select %and3A_332, %add3A_333, %rem3A_324 : i32
      %jit3A_335 = arith.constant 2 : i32
      %div3A_336 = arith.divsi %select_n3A_334, %jit3A_335 : i32
      %sign3A_337 = arith.constant 0 : i32
      %sign3A_338 = arith.cmpi sgt, %select_n3A_334, %sign3A_337 : i32
      %sign3A_339 = arith.extui %sign3A_338 : i1 to i32
      %sign3A_340 = arith.constant 0 : i32
      %sign3A_341 = arith.cmpi slt, %select_n3A_334, %sign3A_340 : i32
      %sign3A_342 = arith.extui %sign3A_341 : i1 to i32
      %sign3A_343 = arith.subi %sign3A_339, %sign3A_342 : i32
      %sign3A_344 = arith.constant 0 : i32
      %sign3A_345 = arith.cmpi sgt, %jit3A_335, %sign3A_344 : i32
      %sign3A_346 = arith.extui %sign3A_345 : i1 to i32
      %sign3A_347 = arith.constant 0 : i32
      %sign3A_348 = arith.cmpi slt, %jit3A_335, %sign3A_347 : i32
      %sign3A_349 = arith.extui %sign3A_348 : i1 to i32
      %sign3A_350 = arith.subi %sign3A_346, %sign3A_349 : i32
      %ne3A_351 = arith.cmpi ne, %sign3A_343, %sign3A_350 : i32
      %rem3A_352 = arith.remsi %select_n3A_334, %jit3A_335 : i32
      %ne3A_353 = arith.constant 0 : i32
      %ne3A_354 = arith.cmpi ne, %rem3A_352, %ne3A_353 : i32
      %and3A_355 = arith.andi %ne3A_351, %ne3A_354 : i1
      %sub3A_356 = arith.constant 1 : i32
      %sub3A_357 = arith.subi %div3A_336, %sub3A_356 : i32
      %select_n3A_358 = arith.select %and3A_355, %sub3A_357, %div3A_336 : i32
      %broadcast_in_dim3A_359 = vector.broadcast %select_n3A_358 : i32 to vector<16x1xi32>
      %gather3A = vector.shape_cast %broadcast_in_dim3A_359 : vector<16x1xi32> to vector<16xi32>
      %gather3A_360 = tpu.dynamic_gather %select_n3A_318[%gather3A] in [0] : vector<16xf32>, vector<16xi32> -> vector<16xf32>
      %get3A_361 = arith.index_cast %scan3A_275 : i32 to index
      %get3A_362 = arith.constant 0 : index
      %get3A_363 = tpu.vector_load %arg14[%get3A_361, %get3A_362] {strides = array<i32>} : memref<128x144xf32, #tpu.memory_space<vmem>>, vector<16xf32>,
      %mul3A_364 = arith.mulf %get3A_363, %gather3A_360 : vector<16xf32>
      %swap3A = arith.index_cast %scan3A_275 : i32 to index
      %swap3A_365 = arith.constant 0 : index
      %swap3A_366 = tpu.vector_load %arg14[%swap3A, %swap3A_365] {strides = array<i32>} : memref<128x144xf32, #tpu.memory_space<vmem>>, vector<16xf32>,
      tpu.vector_store %arg14[%swap3A, %swap3A_365], %mul3A_364 {strides = array<i32>} : memref<128x144xf32, #tpu.memory_space<vmem>>, vector<16xf32>,
      %get3A_367 = arith.index_cast %scan3A_275 : i32 to index
      %get3A_368 = arith.constant 16 : index
      %get3A_369 = tpu.vector_load %arg14[%get3A_367, %get3A_368] {strides = array<i32>} : memref<128x144xf32, #tpu.memory_space<vmem>>, vector<16xf32>,
      %mul3A_370 = arith.mulf %get3A_369, %gather3A_360 : vector<16xf32>
      %swap3A_371 = arith.index_cast %scan3A_275 : i32 to index
      %swap3A_372 = arith.constant 16 : index
      %swap3A_373 = tpu.vector_load %arg14[%swap3A_371, %swap3A_372] {strides = array<i32>} : memref<128x144xf32, #tpu.memory_space<vmem>>, vector<16xf32>,
      tpu.vector_store %arg14[%swap3A_371, %swap3A_372], %mul3A_370 {strides = array<i32>} : memref<128x144xf32, #tpu.memory_space<vmem>>, vector<16xf32>,
      %get3A_374 = arith.index_cast %scan3A_275 : i32 to index
      %get3A_375 = arith.constant 32 : index
      %get3A_376 = tpu.vector_load %arg14[%get3A_374, %get3A_375] {strides = array<i32>} : memref<128x144xf32, #tpu.memory_space<vmem>>, vector<16xf32>,
      %mul3A_377 = arith.mulf %get3A_376, %gather3A_360 : vector<16xf32>
      %swap3A_378 = arith.index_cast %scan3A_275 : i32 to index
      %swap3A_379 = arith.constant 32 : index
      %swap3A_380 = tpu.vector_load %arg14[%swap3A_378, %swap3A_379] {strides = array<i32>} : memref<128x144xf32, #tpu.memory_space<vmem>>, vector<16xf32>,
      tpu.vector_store %arg14[%swap3A_378, %swap3A_379], %mul3A_377 {strides = array<i32>} : memref<128x144xf32, #tpu.memory_space<vmem>>, vector<16xf32>,
      %get3A_381 = arith.index_cast %scan3A_275 : i32 to index
      %get3A_382 = arith.constant 48 : index
      %get3A_383 = tpu.vector_load %arg14[%get3A_381, %get3A_382] {strides = array<i32>} : memref<128x144xf32, #tpu.memory_space<vmem>>, vector<16xf32>,
      %mul3A_384 = arith.mulf %get3A_383, %gather3A_360 : vector<16xf32>
      %swap3A_385 = arith.index_cast %scan3A_275 : i32 to index
      %swap3A_386 = arith.constant 48 : index
      %swap3A_387 = tpu.vector_load %arg14[%swap3A_385, %swap3A_386] {strides = array<i32>} : memref<128x144xf32, #tpu.memory_space<vmem>>, vector<16xf32>,
      tpu.vector_store %arg14[%swap3A_385, %swap3A_386], %mul3A_384 {strides = array<i32>} : memref<128x144xf32, #tpu.memory_space<vmem>>, vector<16xf32>,
      %get3A_388 = arith.index_cast %scan3A_275 : i32 to index
      %get3A_389 = arith.constant 64 : index
      %get3A_390 = tpu.vector_load %arg14[%get3A_388, %get3A_389] {strides = array<i32>} : memref<128x144xf32, #tpu.memory_space<vmem>>, vector<16xf32>,
      %mul3A_391 = arith.mulf %get3A_390, %gather3A_360 : vector<16xf32>
      %swap3A_392 = arith.index_cast %scan3A_275 : i32 to index
      %swap3A_393 = arith.constant 64 : index
      %swap3A_394 = tpu.vector_load %arg14[%swap3A_392, %swap3A_393] {strides = array<i32>} : memref<128x144xf32, #tpu.memory_space<vmem>>, vector<16xf32>,
      tpu.vector_store %arg14[%swap3A_392, %swap3A_393], %mul3A_391 {strides = array<i32>} : memref<128x144xf32, #tpu.memory_space<vmem>>, vector<16xf32>,
      %get3A_395 = arith.index_cast %scan3A_275 : i32 to index
      %get3A_396 = arith.constant 80 : index
      %get3A_397 = tpu.vector_load %arg14[%get3A_395, %get3A_396] {strides = array<i32>} : memref<128x144xf32, #tpu.memory_space<vmem>>, vector<16xf32>,
      %mul3A_398 = arith.mulf %get3A_397, %gather3A_360 : vector<16xf32>
      %swap3A_399 = arith.index_cast %scan3A_275 : i32 to index
      %swap3A_400 = arith.constant 80 : index
      %swap3A_401 = tpu.vector_load %arg14[%swap3A_399, %swap3A_400] {strides = array<i32>} : memref<128x144xf32, #tpu.memory_space<vmem>>, vector<16xf32>,
      tpu.vector_store %arg14[%swap3A_399, %swap3A_400], %mul3A_398 {strides = array<i32>} : memref<128x144xf32, #tpu.memory_space<vmem>>, vector<16xf32>,
      %get3A_402 = arith.index_cast %scan3A_275 : i32 to index
      %get3A_403 = arith.constant 96 : index
      %get3A_404 = tpu.vector_load %arg14[%get3A_402, %get3A_403] {strides = array<i32>} : memref<128x144xf32, #tpu.memory_space<vmem>>, vector<16xf32>,
      %mul3A_405 = arith.mulf %get3A_404, %gather3A_360 : vector<16xf32>
      %swap3A_406 = arith.index_cast %scan3A_275 : i32 to index
      %swap3A_407 = arith.constant 96 : index
      %swap3A_408 = tpu.vector_load %arg14[%swap3A_406, %swap3A_407] {strides = array<i32>} : memref<128x144xf32, #tpu.memory_space<vmem>>, vector<16xf32>,
      tpu.vector_store %arg14[%swap3A_406, %swap3A_407], %mul3A_405 {strides = array<i32>} : memref<128x144xf32, #tpu.memory_space<vmem>>, vector<16xf32>,
      %get3A_409 = arith.index_cast %scan3A_275 : i32 to index
      %get3A_410 = arith.constant 112 : index
      %get3A_411 = tpu.vector_load %arg14[%get3A_409, %get3A_410] {strides = array<i32>} : memref<128x144xf32, #tpu.memory_space<vmem>>, vector<16xf32>,
      %mul3A_412 = arith.mulf %get3A_411, %gather3A_360 : vector<16xf32>
      %swap3A_413 = arith.index_cast %scan3A_275 : i32 to index
      %swap3A_414 = arith.constant 112 : index
      %swap3A_415 = tpu.vector_load %arg14[%swap3A_413, %swap3A_414] {strides = array<i32>} : memref<128x144xf32, #tpu.memory_space<vmem>>, vector<16xf32>,
      tpu.vector_store %arg14[%swap3A_413, %swap3A_414], %mul3A_412 {strides = array<i32>} : memref<128x144xf32, #tpu.memory_space<vmem>>, vector<16xf32>,
      %scan3A_416 = arith.constant 0 : i32
      scf.yield %scan3A_416 : i32
    }
    %scan3A_105 = arith.constant 128 : i32
    %dma_start3A_106 = arith.constant 1 : i32
    %dma_start3A_107 = arith.constant 0 : i32
    %dma_start3A_108 = tpu.memref_slice %arg9[%dma_start3A_106, %dma_start3A_107] : memref<6x128xi32, #tpu.memory_space<vmem>> -> memref<1x128xi32, #tpu.memory_space<vmem>>
    %dma_start3A_109 = tpu.memref_squeeze %dma_start3A_108 : memref<1x128xi32, #tpu.memory_space<vmem>> -> memref<128xi32, #tpu.memory_space<vmem>>
    %dma_start3A_110 = arith.constant 0 : i32
    %dma_start3A_111 = arith.constant 0 : i32
    %dma_start3A_112 = tpu.memref_slice %arg15[%dma_start3A_110, %dma_start3A_111] : memref<10000x144xf32, #tpu.memory_space<vmem_shared>> -> memref<10000x144xf32, #tpu.memory_space<vmem_shared>>
    tpu.enqueue_indirect_dma source(%arg14 : memref<128x144xf32, #tpu.memory_space<vmem>>) target(%dma_start3A_112 : memref<10000x144xf32, #tpu.memory_space<vmem_shared>>) offsets(%dma_start3A_109 : memref<128xi32, #tpu.memory_space<vmem>>) semaphore(%arg19 : memref<!tpu.dma_semaphore, #tpu.memory_space<semaphore_mem>>) {add = true}
    %dma_start3A_113 = arith.constant 384 : i32
    %dma_start3A_114 = tpu.memref_slice %arg7[%dma_start3A_113] : memref<768xi32, #tpu.memory_space<vmem>> -> memref<128xi32, #tpu.memory_space<vmem>>
    %dma_start3A_115 = arith.constant 0 : i32
    %dma_start3A_116 = arith.constant 0 : i32
    %dma_start3A_117 = tpu.memref_slice %arg2[%dma_start3A_115, %dma_start3A_116] : memref<10000x144xf32, #tpu.memory_space<hbm>> -> memref<10000x144xf32, #tpu.memory_space<hbm>>
    tpu.enqueue_indirect_dma source(%dma_start3A_117 : memref<10000x144xf32, #tpu.memory_space<hbm>>) target(%arg14 : memref<128x144xf32, #tpu.memory_space<vmem>>) offsets(%dma_start3A_114 : memref<128xi32, #tpu.memory_space<vmem>>) semaphore(%arg17 : memref<!tpu.dma_semaphore, #tpu.memory_space<semaphore_mem>>)
    %gt3A = arith.constant 6 : i32
    %gt3A_118 = arith.cmpi sgt, %add3A_8, %gt3A : i32
    %convert_element_type3A = arith.extui %gt3A_118 : i1 to i32
    %cond3A = arith.constant 0 : i32
    %cond3A_119 = arith.cmpi ne, %convert_element_type3A, %cond3A : i32
    scf.if %cond3A_119 {
      %add3A_275 = arith.constant 6 : i32
      %add3A_276 = arith.addi %add3A_4, %add3A_275 : i32
      %mul3A_277 = arith.constant 128 : i32
      %mul3A_278 = arith.muli %add3A_276, %mul3A_277 : i32
      %dma_start3A_279 = tpu.memref_slice %arg3[%mul3A_278] : memref<320000xi32, #tpu.memory_space<hbm>> -> memref<768xi32, #tpu.memory_space<hbm>>
      %dma_start3A_280 = tpu.memref_slice %arg3[%mul3A_278] : memref<320000xi32, #tpu.memory_space<hbm>> -> memref<768xi32, #tpu.memory_space<hbm>>
      tpu.enqueue_dma source(%dma_start3A_280 : memref<768xi32, #tpu.memory_space<hbm>>) target(%arg10 : memref<768xi32, #tpu.memory_space<vmem>>) target_semaphore(%arg21 : memref<!tpu.dma_semaphore, #tpu.memory_space<semaphore_mem>>)
      %dma_start3A_281 = tpu.memref_slice %arg5[%mul3A_278] : memref<320000xbf16, #tpu.memory_space<hbm>> -> memref<768xbf16, #tpu.memory_space<hbm>>
      %dma_start3A_282 = tpu.memref_slice %arg5[%mul3A_278] : memref<320000xbf16, #tpu.memory_space<hbm>> -> memref<768xbf16, #tpu.memory_space<hbm>>
      tpu.enqueue_dma source(%dma_start3A_282 : memref<768xbf16, #tpu.memory_space<hbm>>) target(%arg11 : memref<768xbf16, #tpu.memory_space<vmem>>) target_semaphore(%arg21 : memref<!tpu.dma_semaphore, #tpu.memory_space<semaphore_mem>>)
      %dma_start3A_283 = arith.constant 0 : i32
      %dma_start3A_284 = tpu.memref_slice %arg4[%add3A_276, %dma_start3A_283] : memref<2500x128xi32, #tpu.memory_space<hbm>> -> memref<6x128xi32, #tpu.memory_space<hbm>>
      %dma_start3A_285 = arith.constant 0 : i32
      %dma_start3A_286 = tpu.memref_slice %arg4[%add3A_276, %dma_start3A_285] : memref<2500x128xi32, #tpu.memory_space<hbm>> -> memref<6x128xi32, #tpu.memory_space<hbm>>
      tpu.enqueue_dma source(%dma_start3A_286 : memref<6x128xi32, #tpu.memory_space<hbm>>) target(%arg12 : memref<6x128xi32, #tpu.memory_space<vmem>>) target_semaphore(%arg21 : memref<!tpu.dma_semaphore, #tpu.memory_space<semaphore_mem>>)
    } else {
    }
    %dma_wait3A_120 = arith.constant 0 : i32
    %dma_wait3A_121 = tpu.memref_slice %arg7[%dma_wait3A_120] : memref<768xi32, #tpu.memory_space<vmem>> -> memref<128xi32, #tpu.memory_space<vmem>>
    %dma_wait3A_122 = arith.constant 0 : i32
    %dma_wait3A_123 = arith.constant 0 : i32
    %dma_wait3A_124 = tpu.memref_slice %arg2[%dma_wait3A_122, %dma_wait3A_123] : memref<10000x144xf32, #tpu.memory_space<hbm>> -> memref<10000x144xf32, #tpu.memory_space<hbm>>
    tpu.wait_indirect_dma semaphore(%arg16 : memref<!tpu.dma_semaphore, #tpu.memory_space<semaphore_mem>>) src(%dma_wait3A_124 : memref<10000x144xf32, #tpu.memory_space<hbm>>) dst(%arg13 : memref<128x144xf32, #tpu.memory_space<vmem>>)
    %dma_wait3A_125 = arith.constant 0 : i32
    %dma_wait3A_126 = arith.constant 0 : i32
    %dma_wait3A_127 = tpu.memref_slice %arg9[%dma_wait3A_125, %dma_wait3A_126] : memref<6x128xi32, #tpu.memory_space<vmem>> -> memref<1x128xi32, #tpu.memory_space<vmem>>
    %dma_wait3A_128 = tpu.memref_squeeze %dma_wait3A_127 : memref<1x128xi32, #tpu.memory_space<vmem>> -> memref<128xi32, #tpu.memory_space<vmem>>
    %dma_wait3A_129 = arith.constant 0 : i32
    %dma_wait3A_130 = arith.constant 0 : i32
    %dma_wait3A_131 = tpu.memref_slice %arg15[%dma_wait3A_129, %dma_wait3A_130] : memref<10000x144xf32, #tpu.memory_space<vmem_shared>> -> memref<10000x144xf32, #tpu.memory_space<vmem_shared>>
    tpu.wait_indirect_dma semaphore(%arg18 : memref<!tpu.dma_semaphore, #tpu.memory_space<semaphore_mem>>) src(%arg13 : memref<128x144xf32, #tpu.memory_space<vmem>>) dst(%dma_wait3A_131 : memref<10000x144xf32, #tpu.memory_space<vmem_shared>>)
    %scan3A_132 = arith.constant 0 : i32
    %scan3A_133 = arith.constant 0 : i32
    %scan3A_134 = arith.constant 128 : i32
    %scan3A_135 = arith.addi %scan3A_133, %scan3A_134 : i32
    %scan3A_136 = arith.constant 1 : i32
    %scan3A_137 = scf.for %scan3A_275 = %scan3A_133 to %scan3A_135 step %scan3A_136 iter_args(%scan3A_276 = %scan3A_132) -> (i32)  : i32 {
      %jit3A_277 = arith.constant 32 : i32
      %div3A = arith.divsi %scan3A_275, %jit3A_277 : i32
      %sign3A = arith.constant 0 : i32
      %sign3A_278 = arith.cmpi sgt, %scan3A_275, %sign3A : i32
      %sign3A_279 = arith.extui %sign3A_278 : i1 to i32
      %sign3A_280 = arith.constant 0 : i32
      %sign3A_281 = arith.cmpi slt, %scan3A_275, %sign3A_280 : i32
      %sign3A_282 = arith.extui %sign3A_281 : i1 to i32
      %sign3A_283 = arith.subi %sign3A_279, %sign3A_282 : i32
      %sign3A_284 = arith.constant 0 : i32
      %sign3A_285 = arith.cmpi sgt, %jit3A_277, %sign3A_284 : i32
      %sign3A_286 = arith.extui %sign3A_285 : i1 to i32
      %sign3A_287 = arith.constant 0 : i32
      %sign3A_288 = arith.cmpi slt, %jit3A_277, %sign3A_287 : i32
      %sign3A_289 = arith.extui %sign3A_288 : i1 to i32
      %sign3A_290 = arith.subi %sign3A_286, %sign3A_289 : i32
      %ne3A = arith.cmpi ne, %sign3A_283, %sign3A_290 : i32
      %rem3A = arith.remsi %scan3A_275, %jit3A_277 : i32
      %ne3A_291 = arith.constant 0 : i32
      %ne3A_292 = arith.cmpi ne, %rem3A, %ne3A_291 : i32
      %and3A = arith.andi %ne3A, %ne3A_292 : i1
      %sub3A = arith.constant 1 : i32
      %sub3A_293 = arith.subi %div3A, %sub3A : i32
      %select_n3A_294 = arith.select %and3A, %sub3A_293, %div3A : i32
      %mul3A_295 = arith.constant 32 : i32
      %mul3A_296 = arith.muli %select_n3A_294, %mul3A_295 : i32
      %add3A_297 = arith.constant 256 : i32
      %add3A_298 = arith.addi %add3A_297, %mul3A_296 : i32
      %get3A = arith.index_cast %add3A_298 : i32 to index
      %get3A_299 = tpu.vector_load %arg8[%get3A] {strides = array<i32>} : memref<768xbf16, #tpu.memory_space<vmem>>, vector<32xbf16>,
      %unpack3A = tpu.unpack_subelements %get3A_299, 0 {pack_format = #tpu.pack_format<interleaved>} : vector<32xbf16> -> vector<16xf32>
      %unpack3A_300 = tpu.unpack_subelements %get3A_299, 1 {pack_format = #tpu.pack_format<interleaved>} : vector<32xbf16> -> vector<16xf32>
      %jit3A_301 = arith.constant 2 : i32
      %eq3A = arith.constant 0 : i32
      %eq3A_302 = arith.cmpi eq, %jit3A_301, %eq3A : i32
      %jit3A_303 = arith.constant 1 : i32
      %select_n3A_304 = arith.select %eq3A_302, %jit3A_303, %jit3A_301 : i32
      %rem3A_305 = arith.remsi %scan3A_275, %select_n3A_304 : i32
      %ne3A_306 = arith.constant 0 : i32
      %ne3A_307 = arith.cmpi ne, %rem3A_305, %ne3A_306 : i32
      %lt3A_308 = arith.constant 0 : i32
      %lt3A_309 = arith.cmpi slt, %rem3A_305, %lt3A_308 : i32
      %lt3A_310 = arith.constant 0 : i32
      %lt3A_311 = arith.cmpi slt, %select_n3A_304, %lt3A_310 : i32
      %ne3A_312 = arith.xori %lt3A_309, %lt3A_311 : i1
      %and3A_313 = arith.andi %ne3A_312, %ne3A_307 : i1
      %add3A_314 = arith.addi %rem3A_305, %select_n3A_304 : i32
      %select_n3A_315 = arith.select %and3A_313, %add3A_314, %rem3A_305 : i32
      %eq3A_316 = arith.constant 0 : i32
      %eq3A_317 = arith.cmpi eq, %select_n3A_315, %eq3A_316 : i32
      %select_n3A_318 = arith.select %eq3A_317, %unpack3A, %unpack3A_300 : vector<16xf32>
      %jit3A_319 = arith.constant 32 : i32
      %eq3A_320 = arith.constant 0 : i32
      %eq3A_321 = arith.cmpi eq, %jit3A_319, %eq3A_320 : i32
      %jit3A_322 = arith.constant 1 : i32
      %select_n3A_323 = arith.select %eq3A_321, %jit3A_322, %jit3A_319 : i32
      %rem3A_324 = arith.remsi %scan3A_275, %select_n3A_323 : i32
      %ne3A_325 = arith.constant 0 : i32
      %ne3A_326 = arith.cmpi ne, %rem3A_324, %ne3A_325 : i32
      %lt3A_327 = arith.constant 0 : i32
      %lt3A_328 = arith.cmpi slt, %rem3A_324, %lt3A_327 : i32
      %lt3A_329 = arith.constant 0 : i32
      %lt3A_330 = arith.cmpi slt, %select_n3A_323, %lt3A_329 : i32
      %ne3A_331 = arith.xori %lt3A_328, %lt3A_330 : i1
      %and3A_332 = arith.andi %ne3A_331, %ne3A_326 : i1
      %add3A_333 = arith.addi %rem3A_324, %select_n3A_323 : i32
      %select_n3A_334 = arith.select %and3A_332, %add3A_333, %rem3A_324 : i32
      %jit3A_335 = arith.constant 2 : i32
      %div3A_336 = arith.divsi %select_n3A_334, %jit3A_335 : i32
      %sign3A_337 = arith.constant 0 : i32
      %sign3A_338 = arith.cmpi sgt, %select_n3A_334, %sign3A_337 : i32
      %sign3A_339 = arith.extui %sign3A_338 : i1 to i32
      %sign3A_340 = arith.constant 0 : i32
      %sign3A_341 = arith.cmpi slt, %select_n3A_334, %sign3A_340 : i32
      %sign3A_342 = arith.extui %sign3A_341 : i1 to i32
      %sign3A_343 = arith.subi %sign3A_339, %sign3A_342 : i32
      %sign3A_344 = arith.constant 0 : i32
      %sign3A_345 = arith.cmpi sgt, %jit3A_335, %sign3A_344 : i32
      %sign3A_346 = arith.extui %sign3A_345 : i1 to i32
      %sign3A_347 = arith.constant 0 : i32
      %sign3A_348 = arith.cmpi slt, %jit3A_335, %sign3A_347 : i32
      %sign3A_349 = arith.extui %sign3A_348 : i1 to i32
      %sign3A_350 = arith.subi %sign3A_346, %sign3A_349 : i32
      %ne3A_351 = arith.cmpi ne, %sign3A_343, %sign3A_350 : i32
      %rem3A_352 = arith.remsi %select_n3A_334, %jit3A_335 : i32
      %ne3A_353 = arith.constant 0 : i32
      %ne3A_354 = arith.cmpi ne, %rem3A_352, %ne3A_353 : i32
      %and3A_355 = arith.andi %ne3A_351, %ne3A_354 : i1
      %sub3A_356 = arith.constant 1 : i32
      %sub3A_357 = arith.subi %div3A_336, %sub3A_356 : i32
      %select_n3A_358 = arith.select %and3A_355, %sub3A_357, %div3A_336 : i32
      %broadcast_in_dim3A_359 = vector.broadcast %select_n3A_358 : i32 to vector<16x1xi32>
      %gather3A = vector.shape_cast %broadcast_in_dim3A_359 : vector<16x1xi32> to vector<16xi32>
      %gather3A_360 = tpu.dynamic_gather %select_n3A_318[%gather3A] in [0] : vector<16xf32>, vector<16xi32> -> vector<16xf32>
      %get3A_361 = arith.index_cast %scan3A_275 : i32 to index
      %get3A_362 = arith.constant 0 : index
      %get3A_363 = tpu.vector_load %arg13[%get3A_361, %get3A_362] {strides = array<i32>} : memref<128x144xf32, #tpu.memory_space<vmem>>, vector<16xf32>,
      %mul3A_364 = arith.mulf %get3A_363, %gather3A_360 : vector<16xf32>
      %swap3A = arith.index_cast %scan3A_275 : i32 to index
      %swap3A_365 = arith.constant 0 : index
      %swap3A_366 = tpu.vector_load %arg13[%swap3A, %swap3A_365] {strides = array<i32>} : memref<128x144xf32, #tpu.memory_space<vmem>>, vector<16xf32>,
      tpu.vector_store %arg13[%swap3A, %swap3A_365], %mul3A_364 {strides = array<i32>} : memref<128x144xf32, #tpu.memory_space<vmem>>, vector<16xf32>,
      %get3A_367 = arith.index_cast %scan3A_275 : i32 to index
      %get3A_368 = arith.constant 16 : index
      %get3A_369 = tpu.vector_load %arg13[%get3A_367, %get3A_368] {strides = array<i32>} : memref<128x144xf32, #tpu.memory_space<vmem>>, vector<16xf32>,
      %mul3A_370 = arith.mulf %get3A_369, %gather3A_360 : vector<16xf32>
      %swap3A_371 = arith.index_cast %scan3A_275 : i32 to index
      %swap3A_372 = arith.constant 16 : index
      %swap3A_373 = tpu.vector_load %arg13[%swap3A_371, %swap3A_372] {strides = array<i32>} : memref<128x144xf32, #tpu.memory_space<vmem>>, vector<16xf32>,
      tpu.vector_store %arg13[%swap3A_371, %swap3A_372], %mul3A_370 {strides = array<i32>} : memref<128x144xf32, #tpu.memory_space<vmem>>, vector<16xf32>,
      %get3A_374 = arith.index_cast %scan3A_275 : i32 to index
      %get3A_375 = arith.constant 32 : index
      %get3A_376 = tpu.vector_load %arg13[%get3A_374, %get3A_375] {strides = array<i32>} : memref<128x144xf32, #tpu.memory_space<vmem>>, vector<16xf32>,
      %mul3A_377 = arith.mulf %get3A_376, %gather3A_360 : vector<16xf32>
      %swap3A_378 = arith.index_cast %scan3A_275 : i32 to index
      %swap3A_379 = arith.constant 32 : index
      %swap3A_380 = tpu.vector_load %arg13[%swap3A_378, %swap3A_379] {strides = array<i32>} : memref<128x144xf32, #tpu.memory_space<vmem>>, vector<16xf32>,
      tpu.vector_store %arg13[%swap3A_378, %swap3A_379], %mul3A_377 {strides = array<i32>} : memref<128x144xf32, #tpu.memory_space<vmem>>, vector<16xf32>,
      %get3A_381 = arith.index_cast %scan3A_275 : i32 to index
      %get3A_382 = arith.constant 48 : index
      %get3A_383 = tpu.vector_load %arg13[%get3A_381, %get3A_382] {strides = array<i32>} : memref<128x144xf32, #tpu.memory_space<vmem>>, vector<16xf32>,
      %mul3A_384 = arith.mulf %get3A_383, %gather3A_360 : vector<16xf32>
      %swap3A_385 = arith.index_cast %scan3A_275 : i32 to index
      %swap3A_386 = arith.constant 48 : index
      %swap3A_387 = tpu.vector_load %arg13[%swap3A_385, %swap3A_386] {strides = array<i32>} : memref<128x144xf32, #tpu.memory_space<vmem>>, vector<16xf32>,
      tpu.vector_store %arg13[%swap3A_385, %swap3A_386], %mul3A_384 {strides = array<i32>} : memref<128x144xf32, #tpu.memory_space<vmem>>, vector<16xf32>,
      %get3A_388 = arith.index_cast %scan3A_275 : i32 to index
      %get3A_389 = arith.constant 64 : index
      %get3A_390 = tpu.vector_load %arg13[%get3A_388, %get3A_389] {strides = array<i32>} : memref<128x144xf32, #tpu.memory_space<vmem>>, vector<16xf32>,
      %mul3A_391 = arith.mulf %get3A_390, %gather3A_360 : vector<16xf32>
      %swap3A_392 = arith.index_cast %scan3A_275 : i32 to index
      %swap3A_393 = arith.constant 64 : index
      %swap3A_394 = tpu.vector_load %arg13[%swap3A_392, %swap3A_393] {strides = array<i32>} : memref<128x144xf32, #tpu.memory_space<vmem>>, vector<16xf32>,
      tpu.vector_store %arg13[%swap3A_392, %swap3A_393], %mul3A_391 {strides = array<i32>} : memref<128x144xf32, #tpu.memory_space<vmem>>, vector<16xf32>,
      %get3A_395 = arith.index_cast %scan3A_275 : i32 to index
      %get3A_396 = arith.constant 80 : index
      %get3A_397 = tpu.vector_load %arg13[%get3A_395, %get3A_396] {strides = array<i32>} : memref<128x144xf32, #tpu.memory_space<vmem>>, vector<16xf32>,
      %mul3A_398 = arith.mulf %get3A_397, %gather3A_360 : vector<16xf32>
      %swap3A_399 = arith.index_cast %scan3A_275 : i32 to index
      %swap3A_400 = arith.constant 80 : index
      %swap3A_401 = tpu.vector_load %arg13[%swap3A_399, %swap3A_400] {strides = array<i32>} : memref<128x144xf32, #tpu.memory_space<vmem>>, vector<16xf32>,
      tpu.vector_store %arg13[%swap3A_399, %swap3A_400], %mul3A_398 {strides = array<i32>} : memref<128x144xf32, #tpu.memory_space<vmem>>, vector<16xf32>,
      %get3A_402 = arith.index_cast %scan3A_275 : i32 to index
      %get3A_403 = arith.constant 96 : index
      %get3A_404 = tpu.vector_load %arg13[%get3A_402, %get3A_403] {strides = array<i32>} : memref<128x144xf32, #tpu.memory_space<vmem>>, vector<16xf32>,
      %mul3A_405 = arith.mulf %get3A_404, %gather3A_360 : vector<16xf32>
      %swap3A_406 = arith.index_cast %scan3A_275 : i32 to index
      %swap3A_407 = arith.constant 96 : index
      %swap3A_408 = tpu.vector_load %arg13[%swap3A_406, %swap3A_407] {strides = array<i32>} : memref<128x144xf32, #tpu.memory_space<vmem>>, vector<16xf32>,
      tpu.vector_store %arg13[%swap3A_406, %swap3A_407], %mul3A_405 {strides = array<i32>} : memref<128x144xf32, #tpu.memory_space<vmem>>, vector<16xf32>,
      %get3A_409 = arith.index_cast %scan3A_275 : i32 to index
      %get3A_410 = arith.constant 112 : index
      %get3A_411 = tpu.vector_load %arg13[%get3A_409, %get3A_410] {strides = array<i32>} : memref<128x144xf32, #tpu.memory_space<vmem>>, vector<16xf32>,
      %mul3A_412 = arith.mulf %get3A_411, %gather3A_360 : vector<16xf32>
      %swap3A_413 = arith.index_cast %scan3A_275 : i32 to index
      %swap3A_414 = arith.constant 112 : index
      %swap3A_415 = tpu.vector_load %arg13[%swap3A_413, %swap3A_414] {strides = array<i32>} : memref<128x144xf32, #tpu.memory_space<vmem>>, vector<16xf32>,
      tpu.vector_store %arg13[%swap3A_413, %swap3A_414], %mul3A_412 {strides = array<i32>} : memref<128x144xf32, #tpu.memory_space<vmem>>, vector<16xf32>,
      %scan3A_416 = arith.constant 0 : i32
      scf.yield %scan3A_416 : i32
    }
    %scan3A_138 = arith.constant 128 : i32
    %dma_start3A_139 = arith.constant 2 : i32
    %dma_start3A_140 = arith.constant 0 : i32
    %dma_start3A_141 = tpu.memref_slice %arg9[%dma_start3A_139, %dma_start3A_140] : memref<6x128xi32, #tpu.memory_space<vmem>> -> memref<1x128xi32, #tpu.memory_space<vmem>>
    %dma_start3A_142 = tpu.memref_squeeze %dma_start3A_141 : memref<1x128xi32, #tpu.memory_space<vmem>> -> memref<128xi32, #tpu.memory_space<vmem>>
    %dma_start3A_143 = arith.constant 0 : i32
    %dma_start3A_144 = arith.constant 0 : i32
    %dma_start3A_145 = tpu.memref_slice %arg15[%dma_start3A_143, %dma_start3A_144] : memref<10000x144xf32, #tpu.memory_space<vmem_shared>> -> memref<10000x144xf32, #tpu.memory_space<vmem_shared>>
    tpu.enqueue_indirect_dma source(%arg13 : memref<128x144xf32, #tpu.memory_space<vmem>>) target(%dma_start3A_145 : memref<10000x144xf32, #tpu.memory_space<vmem_shared>>) offsets(%dma_start3A_142 : memref<128xi32, #tpu.memory_space<vmem>>) semaphore(%arg18 : memref<!tpu.dma_semaphore, #tpu.memory_space<semaphore_mem>>) {add = true}
    %dma_start3A_146 = arith.constant 512 : i32
    %dma_start3A_147 = tpu.memref_slice %arg7[%dma_start3A_146] : memref<768xi32, #tpu.memory_space<vmem>> -> memref<128xi32, #tpu.memory_space<vmem>>
    %dma_start3A_148 = arith.constant 0 : i32
    %dma_start3A_149 = arith.constant 0 : i32
    %dma_start3A_150 = tpu.memref_slice %arg2[%dma_start3A_148, %dma_start3A_149] : memref<10000x144xf32, #tpu.memory_space<hbm>> -> memref<10000x144xf32, #tpu.memory_space<hbm>>
    tpu.enqueue_indirect_dma source(%dma_start3A_150 : memref<10000x144xf32, #tpu.memory_space<hbm>>) target(%arg13 : memref<128x144xf32, #tpu.memory_space<vmem>>) offsets(%dma_start3A_147 : memref<128xi32, #tpu.memory_space<vmem>>) semaphore(%arg16 : memref<!tpu.dma_semaphore, #tpu.memory_space<semaphore_mem>>)
    %dma_wait3A_151 = arith.constant 0 : i32
    %dma_wait3A_152 = tpu.memref_slice %arg7[%dma_wait3A_151] : memref<768xi32, #tpu.memory_space<vmem>> -> memref<128xi32, #tpu.memory_space<vmem>>
    %dma_wait3A_153 = arith.constant 0 : i32
    %dma_wait3A_154 = arith.constant 0 : i32
    %dma_wait3A_155 = tpu.memref_slice %arg2[%dma_wait3A_153, %dma_wait3A_154] : memref<10000x144xf32, #tpu.memory_space<hbm>> -> memref<10000x144xf32, #tpu.memory_space<hbm>>
    tpu.wait_indirect_dma semaphore(%arg17 : memref<!tpu.dma_semaphore, #tpu.memory_space<semaphore_mem>>) src(%dma_wait3A_155 : memref<10000x144xf32, #tpu.memory_space<hbm>>) dst(%arg14 : memref<128x144xf32, #tpu.memory_space<vmem>>)
    %dma_wait3A_156 = arith.constant 0 : i32
    %dma_wait3A_157 = arith.constant 0 : i32
    %dma_wait3A_158 = tpu.memref_slice %arg9[%dma_wait3A_156, %dma_wait3A_157] : memref<6x128xi32, #tpu.memory_space<vmem>> -> memref<1x128xi32, #tpu.memory_space<vmem>>
    %dma_wait3A_159 = tpu.memref_squeeze %dma_wait3A_158 : memref<1x128xi32, #tpu.memory_space<vmem>> -> memref<128xi32, #tpu.memory_space<vmem>>
    %dma_wait3A_160 = arith.constant 0 : i32
    %dma_wait3A_161 = arith.constant 0 : i32
    %dma_wait3A_162 = tpu.memref_slice %arg15[%dma_wait3A_160, %dma_wait3A_161] : memref<10000x144xf32, #tpu.memory_space<vmem_shared>> -> memref<10000x144xf32, #tpu.memory_space<vmem_shared>>
    tpu.wait_indirect_dma semaphore(%arg19 : memref<!tpu.dma_semaphore, #tpu.memory_space<semaphore_mem>>) src(%arg14 : memref<128x144xf32, #tpu.memory_space<vmem>>) dst(%dma_wait3A_162 : memref<10000x144xf32, #tpu.memory_space<vmem_shared>>)
    %scan3A_163 = arith.constant 0 : i32
    %scan3A_164 = arith.constant 0 : i32
    %scan3A_165 = arith.constant 128 : i32
    %scan3A_166 = arith.addi %scan3A_164, %scan3A_165 : i32
    %scan3A_167 = arith.constant 1 : i32
    %scan3A_168 = scf.for %scan3A_275 = %scan3A_164 to %scan3A_166 step %scan3A_167 iter_args(%scan3A_276 = %scan3A_163) -> (i32)  : i32 {
      %jit3A_277 = arith.constant 32 : i32
      %div3A = arith.divsi %scan3A_275, %jit3A_277 : i32
      %sign3A = arith.constant 0 : i32
      %sign3A_278 = arith.cmpi sgt, %scan3A_275, %sign3A : i32
      %sign3A_279 = arith.extui %sign3A_278 : i1 to i32
      %sign3A_280 = arith.constant 0 : i32
      %sign3A_281 = arith.cmpi slt, %scan3A_275, %sign3A_280 : i32
      %sign3A_282 = arith.extui %sign3A_281 : i1 to i32
      %sign3A_283 = arith.subi %sign3A_279, %sign3A_282 : i32
      %sign3A_284 = arith.constant 0 : i32
      %sign3A_285 = arith.cmpi sgt, %jit3A_277, %sign3A_284 : i32
      %sign3A_286 = arith.extui %sign3A_285 : i1 to i32
      %sign3A_287 = arith.constant 0 : i32
      %sign3A_288 = arith.cmpi slt, %jit3A_277, %sign3A_287 : i32
      %sign3A_289 = arith.extui %sign3A_288 : i1 to i32
      %sign3A_290 = arith.subi %sign3A_286, %sign3A_289 : i32
      %ne3A = arith.cmpi ne, %sign3A_283, %sign3A_290 : i32
      %rem3A = arith.remsi %scan3A_275, %jit3A_277 : i32
      %ne3A_291 = arith.constant 0 : i32
      %ne3A_292 = arith.cmpi ne, %rem3A, %ne3A_291 : i32
      %and3A = arith.andi %ne3A, %ne3A_292 : i1
      %sub3A = arith.constant 1 : i32
      %sub3A_293 = arith.subi %div3A, %sub3A : i32
      %select_n3A_294 = arith.select %and3A, %sub3A_293, %div3A : i32
      %mul3A_295 = arith.constant 32 : i32
      %mul3A_296 = arith.muli %select_n3A_294, %mul3A_295 : i32
      %add3A_297 = arith.constant 384 : i32
      %add3A_298 = arith.addi %add3A_297, %mul3A_296 : i32
      %get3A = arith.index_cast %add3A_298 : i32 to index
      %get3A_299 = tpu.vector_load %arg8[%get3A] {strides = array<i32>} : memref<768xbf16, #tpu.memory_space<vmem>>, vector<32xbf16>,
      %unpack3A = tpu.unpack_subelements %get3A_299, 0 {pack_format = #tpu.pack_format<interleaved>} : vector<32xbf16> -> vector<16xf32>
      %unpack3A_300 = tpu.unpack_subelements %get3A_299, 1 {pack_format = #tpu.pack_format<interleaved>} : vector<32xbf16> -> vector<16xf32>
      %jit3A_301 = arith.constant 2 : i32
      %eq3A = arith.constant 0 : i32
      %eq3A_302 = arith.cmpi eq, %jit3A_301, %eq3A : i32
      %jit3A_303 = arith.constant 1 : i32
      %select_n3A_304 = arith.select %eq3A_302, %jit3A_303, %jit3A_301 : i32
      %rem3A_305 = arith.remsi %scan3A_275, %select_n3A_304 : i32
      %ne3A_306 = arith.constant 0 : i32
      %ne3A_307 = arith.cmpi ne, %rem3A_305, %ne3A_306 : i32
      %lt3A_308 = arith.constant 0 : i32
      %lt3A_309 = arith.cmpi slt, %rem3A_305, %lt3A_308 : i32
      %lt3A_310 = arith.constant 0 : i32
      %lt3A_311 = arith.cmpi slt, %select_n3A_304, %lt3A_310 : i32
      %ne3A_312 = arith.xori %lt3A_309, %lt3A_311 : i1
      %and3A_313 = arith.andi %ne3A_312, %ne3A_307 : i1
      %add3A_314 = arith.addi %rem3A_305, %select_n3A_304 : i32
      %select_n3A_315 = arith.select %and3A_313, %add3A_314, %rem3A_305 : i32
      %eq3A_316 = arith.constant 0 : i32
      %eq3A_317 = arith.cmpi eq, %select_n3A_315, %eq3A_316 : i32
      %select_n3A_318 = arith.select %eq3A_317, %unpack3A, %unpack3A_300 : vector<16xf32>
      %jit3A_319 = arith.constant 32 : i32
      %eq3A_320 = arith.constant 0 : i32
      %eq3A_321 = arith.cmpi eq, %jit3A_319, %eq3A_320 : i32
      %jit3A_322 = arith.constant 1 : i32
      %select_n3A_323 = arith.select %eq3A_321, %jit3A_322, %jit3A_319 : i32
      %rem3A_324 = arith.remsi %scan3A_275, %select_n3A_323 : i32
      %ne3A_325 = arith.constant 0 : i32
      %ne3A_326 = arith.cmpi ne, %rem3A_324, %ne3A_325 : i32
      %lt3A_327 = arith.constant 0 : i32
      %lt3A_328 = arith.cmpi slt, %rem3A_324, %lt3A_327 : i32
      %lt3A_329 = arith.constant 0 : i32
      %lt3A_330 = arith.cmpi slt, %select_n3A_323, %lt3A_329 : i32
      %ne3A_331 = arith.xori %lt3A_328, %lt3A_330 : i1
      %and3A_332 = arith.andi %ne3A_331, %ne3A_326 : i1
      %add3A_333 = arith.addi %rem3A_324, %select_n3A_323 : i32
      %select_n3A_334 = arith.select %and3A_332, %add3A_333, %rem3A_324 : i32
      %jit3A_335 = arith.constant 2 : i32
      %div3A_336 = arith.divsi %select_n3A_334, %jit3A_335 : i32
      %sign3A_337 = arith.constant 0 : i32
      %sign3A_338 = arith.cmpi sgt, %select_n3A_334, %sign3A_337 : i32
      %sign3A_339 = arith.extui %sign3A_338 : i1 to i32
      %sign3A_340 = arith.constant 0 : i32
      %sign3A_341 = arith.cmpi slt, %select_n3A_334, %sign3A_340 : i32
      %sign3A_342 = arith.extui %sign3A_341 : i1 to i32
      %sign3A_343 = arith.subi %sign3A_339, %sign3A_342 : i32
      %sign3A_344 = arith.constant 0 : i32
      %sign3A_345 = arith.cmpi sgt, %jit3A_335, %sign3A_344 : i32
      %sign3A_346 = arith.extui %sign3A_345 : i1 to i32
      %sign3A_347 = arith.constant 0 : i32
      %sign3A_348 = arith.cmpi slt, %jit3A_335, %sign3A_347 : i32
      %sign3A_349 = arith.extui %sign3A_348 : i1 to i32
      %sign3A_350 = arith.subi %sign3A_346, %sign3A_349 : i32
      %ne3A_351 = arith.cmpi ne, %sign3A_343, %sign3A_350 : i32
      %rem3A_352 = arith.remsi %select_n3A_334, %jit3A_335 : i32
      %ne3A_353 = arith.constant 0 : i32
      %ne3A_354 = arith.cmpi ne, %rem3A_352, %ne3A_353 : i32
      %and3A_355 = arith.andi %ne3A_351, %ne3A_354 : i1
      %sub3A_356 = arith.constant 1 : i32
      %sub3A_357 = arith.subi %div3A_336, %sub3A_356 : i32
      %select_n3A_358 = arith.select %and3A_355, %sub3A_357, %div3A_336 : i32
      %broadcast_in_dim3A_359 = vector.broadcast %select_n3A_358 : i32 to vector<16x1xi32>
      %gather3A = vector.shape_cast %broadcast_in_dim3A_359 : vector<16x1xi32> to vector<16xi32>
      %gather3A_360 = tpu.dynamic_gather %select_n3A_318[%gather3A] in [0] : vector<16xf32>, vector<16xi32> -> vector<16xf32>
      %get3A_361 = arith.index_cast %scan3A_275 : i32 to index
      %get3A_362 = arith.constant 0 : index
      %get3A_363 = tpu.vector_load %arg14[%get3A_361, %get3A_362] {strides = array<i32>} : memref<128x144xf32, #tpu.memory_space<vmem>>, vector<16xf32>,
      %mul3A_364 = arith.mulf %get3A_363, %gather3A_360 : vector<16xf32>
      %swap3A = arith.index_cast %scan3A_275 : i32 to index
      %swap3A_365 = arith.constant 0 : index
      %swap3A_366 = tpu.vector_load %arg14[%swap3A, %swap3A_365] {strides = array<i32>} : memref<128x144xf32, #tpu.memory_space<vmem>>, vector<16xf32>,
      tpu.vector_store %arg14[%swap3A, %swap3A_365], %mul3A_364 {strides = array<i32>} : memref<128x144xf32, #tpu.memory_space<vmem>>, vector<16xf32>,
      %get3A_367 = arith.index_cast %scan3A_275 : i32 to index
      %get3A_368 = arith.constant 16 : index
      %get3A_369 = tpu.vector_load %arg14[%get3A_367, %get3A_368] {strides = array<i32>} : memref<128x144xf32, #tpu.memory_space<vmem>>, vector<16xf32>,
      %mul3A_370 = arith.mulf %get3A_369, %gather3A_360 : vector<16xf32>
      %swap3A_371 = arith.index_cast %scan3A_275 : i32 to index
      %swap3A_372 = arith.constant 16 : index
      %swap3A_373 = tpu.vector_load %arg14[%swap3A_371, %swap3A_372] {strides = array<i32>} : memref<128x144xf32, #tpu.memory_space<vmem>>, vector<16xf32>,
      tpu.vector_store %arg14[%swap3A_371, %swap3A_372], %mul3A_370 {strides = array<i32>} : memref<128x144xf32, #tpu.memory_space<vmem>>, vector<16xf32>,
      %get3A_374 = arith.index_cast %scan3A_275 : i32 to index
      %get3A_375 = arith.constant 32 : index
      %get3A_376 = tpu.vector_load %arg14[%get3A_374, %get3A_375] {strides = array<i32>} : memref<128x144xf32, #tpu.memory_space<vmem>>, vector<16xf32>,
      %mul3A_377 = arith.mulf %get3A_376, %gather3A_360 : vector<16xf32>
      %swap3A_378 = arith.index_cast %scan3A_275 : i32 to index
      %swap3A_379 = arith.constant 32 : index
      %swap3A_380 = tpu.vector_load %arg14[%swap3A_378, %swap3A_379] {strides = array<i32>} : memref<128x144xf32, #tpu.memory_space<vmem>>, vector<16xf32>,
      tpu.vector_store %arg14[%swap3A_378, %swap3A_379], %mul3A_377 {strides = array<i32>} : memref<128x144xf32, #tpu.memory_space<vmem>>, vector<16xf32>,
      %get3A_381 = arith.index_cast %scan3A_275 : i32 to index
      %get3A_382 = arith.constant 48 : index
      %get3A_383 = tpu.vector_load %arg14[%get3A_381, %get3A_382] {strides = array<i32>} : memref<128x144xf32, #tpu.memory_space<vmem>>, vector<16xf32>,
      %mul3A_384 = arith.mulf %get3A_383, %gather3A_360 : vector<16xf32>
      %swap3A_385 = arith.index_cast %scan3A_275 : i32 to index
      %swap3A_386 = arith.constant 48 : index
      %swap3A_387 = tpu.vector_load %arg14[%swap3A_385, %swap3A_386] {strides = array<i32>} : memref<128x144xf32, #tpu.memory_space<vmem>>, vector<16xf32>,
      tpu.vector_store %arg14[%swap3A_385, %swap3A_386], %mul3A_384 {strides = array<i32>} : memref<128x144xf32, #tpu.memory_space<vmem>>, vector<16xf32>,
      %get3A_388 = arith.index_cast %scan3A_275 : i32 to index
      %get3A_389 = arith.constant 64 : index
      %get3A_390 = tpu.vector_load %arg14[%get3A_388, %get3A_389] {strides = array<i32>} : memref<128x144xf32, #tpu.memory_space<vmem>>, vector<16xf32>,
      %mul3A_391 = arith.mulf %get3A_390, %gather3A_360 : vector<16xf32>
      %swap3A_392 = arith.index_cast %scan3A_275 : i32 to index
      %swap3A_393 = arith.constant 64 : index
      %swap3A_394 = tpu.vector_load %arg14[%swap3A_392, %swap3A_393] {strides = array<i32>} : memref<128x144xf32, #tpu.memory_space<vmem>>, vector<16xf32>,
      tpu.vector_store %arg14[%swap3A_392, %swap3A_393], %mul3A_391 {strides = array<i32>} : memref<128x144xf32, #tpu.memory_space<vmem>>, vector<16xf32>,
      %get3A_395 = arith.index_cast %scan3A_275 : i32 to index
      %get3A_396 = arith.constant 80 : index
      %get3A_397 = tpu.vector_load %arg14[%get3A_395, %get3A_396] {strides = array<i32>} : memref<128x144xf32, #tpu.memory_space<vmem>>, vector<16xf32>,
      %mul3A_398 = arith.mulf %get3A_397, %gather3A_360 : vector<16xf32>
      %swap3A_399 = arith.index_cast %scan3A_275 : i32 to index
      %swap3A_400 = arith.constant 80 : index
      %swap3A_401 = tpu.vector_load %arg14[%swap3A_399, %swap3A_400] {strides = array<i32>} : memref<128x144xf32, #tpu.memory_space<vmem>>, vector<16xf32>,
      tpu.vector_store %arg14[%swap3A_399, %swap3A_400], %mul3A_398 {strides = array<i32>} : memref<128x144xf32, #tpu.memory_space<vmem>>, vector<16xf32>,
      %get3A_402 = arith.index_cast %scan3A_275 : i32 to index
      %get3A_403 = arith.constant 96 : index
      %get3A_404 = tpu.vector_load %arg14[%get3A_402, %get3A_403] {strides = array<i32>} : memref<128x144xf32, #tpu.memory_space<vmem>>, vector<16xf32>,
      %mul3A_405 = arith.mulf %get3A_404, %gather3A_360 : vector<16xf32>
      %swap3A_406 = arith.index_cast %scan3A_275 : i32 to index
      %swap3A_407 = arith.constant 96 : index
      %swap3A_408 = tpu.vector_load %arg14[%swap3A_406, %swap3A_407] {strides = array<i32>} : memref<128x144xf32, #tpu.memory_space<vmem>>, vector<16xf32>,
      tpu.vector_store %arg14[%swap3A_406, %swap3A_407], %mul3A_405 {strides = array<i32>} : memref<128x144xf32, #tpu.memory_space<vmem>>, vector<16xf32>,
      %get3A_409 = arith.index_cast %scan3A_275 : i32 to index
      %get3A_410 = arith.constant 112 : index
      %get3A_411 = tpu.vector_load %arg14[%get3A_409, %get3A_410] {strides = array<i32>} : memref<128x144xf32, #tpu.memory_space<vmem>>, vector<16xf32>,
      %mul3A_412 = arith.mulf %get3A_411, %gather3A_360 : vector<16xf32>
      %swap3A_413 = arith.index_cast %scan3A_275 : i32 to index
      %swap3A_414 = arith.constant 112 : index
      %swap3A_415 = tpu.vector_load %arg14[%swap3A_413, %swap3A_414] {strides = array<i32>} : memref<128x144xf32, #tpu.memory_space<vmem>>, vector<16xf32>,
      tpu.vector_store %arg14[%swap3A_413, %swap3A_414], %mul3A_412 {strides = array<i32>} : memref<128x144xf32, #tpu.memory_space<vmem>>, vector<16xf32>,
      %scan3A_416 = arith.constant 0 : i32
      scf.yield %scan3A_416 : i32
    }
    %scan3A_169 = arith.constant 128 : i32
    %dma_start3A_170 = arith.constant 3 : i32
    %dma_start3A_171 = arith.constant 0 : i32
    %dma_start3A_172 = tpu.memref_slice %arg9[%dma_start3A_170, %dma_start3A_171] : memref<6x128xi32, #tpu.memory_space<vmem>> -> memref<1x128xi32, #tpu.memory_space<vmem>>
    %dma_start3A_173 = tpu.memref_squeeze %dma_start3A_172 : memref<1x128xi32, #tpu.memory_space<vmem>> -> memref<128xi32, #tpu.memory_space<vmem>>
    %dma_start3A_174 = arith.constant 0 : i32
    %dma_start3A_175 = arith.constant 0 : i32
    %dma_start3A_176 = tpu.memref_slice %arg15[%dma_start3A_174, %dma_start3A_175] : memref<10000x144xf32, #tpu.memory_space<vmem_shared>> -> memref<10000x144xf32, #tpu.memory_space<vmem_shared>>
    tpu.enqueue_indirect_dma source(%arg14 : memref<128x144xf32, #tpu.memory_space<vmem>>) target(%dma_start3A_176 : memref<10000x144xf32, #tpu.memory_space<vmem_shared>>) offsets(%dma_start3A_173 : memref<128xi32, #tpu.memory_space<vmem>>) semaphore(%arg19 : memref<!tpu.dma_semaphore, #tpu.memory_space<semaphore_mem>>) {add = true}
    %dma_start3A_177 = arith.constant 640 : i32
    %dma_start3A_178 = tpu.memref_slice %arg7[%dma_start3A_177] : memref<768xi32, #tpu.memory_space<vmem>> -> memref<128xi32, #tpu.memory_space<vmem>>
    %dma_start3A_179 = arith.constant 0 : i32
    %dma_start3A_180 = arith.constant 0 : i32
    %dma_start3A_181 = tpu.memref_slice %arg2[%dma_start3A_179, %dma_start3A_180] : memref<10000x144xf32, #tpu.memory_space<hbm>> -> memref<10000x144xf32, #tpu.memory_space<hbm>>
    tpu.enqueue_indirect_dma source(%dma_start3A_181 : memref<10000x144xf32, #tpu.memory_space<hbm>>) target(%arg14 : memref<128x144xf32, #tpu.memory_space<vmem>>) offsets(%dma_start3A_178 : memref<128xi32, #tpu.memory_space<vmem>>) semaphore(%arg17 : memref<!tpu.dma_semaphore, #tpu.memory_space<semaphore_mem>>)
    %dma_wait3A_182 = arith.constant 0 : i32
    %dma_wait3A_183 = tpu.memref_slice %arg7[%dma_wait3A_182] : memref<768xi32, #tpu.memory_space<vmem>> -> memref<128xi32, #tpu.memory_space<vmem>>
    %dma_wait3A_184 = arith.constant 0 : i32
    %dma_wait3A_185 = arith.constant 0 : i32
    %dma_wait3A_186 = tpu.memref_slice %arg2[%dma_wait3A_184, %dma_wait3A_185] : memref<10000x144xf32, #tpu.memory_space<hbm>> -> memref<10000x144xf32, #tpu.memory_space<hbm>>
    tpu.wait_indirect_dma semaphore(%arg16 : memref<!tpu.dma_semaphore, #tpu.memory_space<semaphore_mem>>) src(%dma_wait3A_186 : memref<10000x144xf32, #tpu.memory_space<hbm>>) dst(%arg13 : memref<128x144xf32, #tpu.memory_space<vmem>>)
    %dma_wait3A_187 = arith.constant 0 : i32
    %dma_wait3A_188 = arith.constant 0 : i32
    %dma_wait3A_189 = tpu.memref_slice %arg9[%dma_wait3A_187, %dma_wait3A_188] : memref<6x128xi32, #tpu.memory_space<vmem>> -> memref<1x128xi32, #tpu.memory_space<vmem>>
    %dma_wait3A_190 = tpu.memref_squeeze %dma_wait3A_189 : memref<1x128xi32, #tpu.memory_space<vmem>> -> memref<128xi32, #tpu.memory_space<vmem>>
    %dma_wait3A_191 = arith.constant 0 : i32
    %dma_wait3A_192 = arith.constant 0 : i32
    %dma_wait3A_193 = tpu.memref_slice %arg15[%dma_wait3A_191, %dma_wait3A_192] : memref<10000x144xf32, #tpu.memory_space<vmem_shared>> -> memref<10000x144xf32, #tpu.memory_space<vmem_shared>>
    tpu.wait_indirect_dma semaphore(%arg18 : memref<!tpu.dma_semaphore, #tpu.memory_space<semaphore_mem>>) src(%arg13 : memref<128x144xf32, #tpu.memory_space<vmem>>) dst(%dma_wait3A_193 : memref<10000x144xf32, #tpu.memory_space<vmem_shared>>)
    %scan3A_194 = arith.constant 0 : i32
    %scan3A_195 = arith.constant 0 : i32
    %scan3A_196 = arith.constant 128 : i32
    %scan3A_197 = arith.addi %scan3A_195, %scan3A_196 : i32
    %scan3A_198 = arith.constant 1 : i32
    %scan3A_199 = scf.for %scan3A_275 = %scan3A_195 to %scan3A_197 step %scan3A_198 iter_args(%scan3A_276 = %scan3A_194) -> (i32)  : i32 {
      %jit3A_277 = arith.constant 32 : i32
      %div3A = arith.divsi %scan3A_275, %jit3A_277 : i32
      %sign3A = arith.constant 0 : i32
      %sign3A_278 = arith.cmpi sgt, %scan3A_275, %sign3A : i32
      %sign3A_279 = arith.extui %sign3A_278 : i1 to i32
      %sign3A_280 = arith.constant 0 : i32
      %sign3A_281 = arith.cmpi slt, %scan3A_275, %sign3A_280 : i32
      %sign3A_282 = arith.extui %sign3A_281 : i1 to i32
      %sign3A_283 = arith.subi %sign3A_279, %sign3A_282 : i32
      %sign3A_284 = arith.constant 0 : i32
      %sign3A_285 = arith.cmpi sgt, %jit3A_277, %sign3A_284 : i32
      %sign3A_286 = arith.extui %sign3A_285 : i1 to i32
      %sign3A_287 = arith.constant 0 : i32
      %sign3A_288 = arith.cmpi slt, %jit3A_277, %sign3A_287 : i32
      %sign3A_289 = arith.extui %sign3A_288 : i1 to i32
      %sign3A_290 = arith.subi %sign3A_286, %sign3A_289 : i32
      %ne3A = arith.cmpi ne, %sign3A_283, %sign3A_290 : i32
      %rem3A = arith.remsi %scan3A_275, %jit3A_277 : i32
      %ne3A_291 = arith.constant 0 : i32
      %ne3A_292 = arith.cmpi ne, %rem3A, %ne3A_291 : i32
      %and3A = arith.andi %ne3A, %ne3A_292 : i1
      %sub3A = arith.constant 1 : i32
      %sub3A_293 = arith.subi %div3A, %sub3A : i32
      %select_n3A_294 = arith.select %and3A, %sub3A_293, %div3A : i32
      %mul3A_295 = arith.constant 32 : i32
      %mul3A_296 = arith.muli %select_n3A_294, %mul3A_295 : i32
      %add3A_297 = arith.constant 512 : i32
      %add3A_298 = arith.addi %add3A_297, %mul3A_296 : i32
      %get3A = arith.index_cast %add3A_298 : i32 to index
      %get3A_299 = tpu.vector_load %arg8[%get3A] {strides = array<i32>} : memref<768xbf16, #tpu.memory_space<vmem>>, vector<32xbf16>,
      %unpack3A = tpu.unpack_subelements %get3A_299, 0 {pack_format = #tpu.pack_format<interleaved>} : vector<32xbf16> -> vector<16xf32>
      %unpack3A_300 = tpu.unpack_subelements %get3A_299, 1 {pack_format = #tpu.pack_format<interleaved>} : vector<32xbf16> -> vector<16xf32>
      %jit3A_301 = arith.constant 2 : i32
      %eq3A = arith.constant 0 : i32
      %eq3A_302 = arith.cmpi eq, %jit3A_301, %eq3A : i32
      %jit3A_303 = arith.constant 1 : i32
      %select_n3A_304 = arith.select %eq3A_302, %jit3A_303, %jit3A_301 : i32
      %rem3A_305 = arith.remsi %scan3A_275, %select_n3A_304 : i32
      %ne3A_306 = arith.constant 0 : i32
      %ne3A_307 = arith.cmpi ne, %rem3A_305, %ne3A_306 : i32
      %lt3A_308 = arith.constant 0 : i32
      %lt3A_309 = arith.cmpi slt, %rem3A_305, %lt3A_308 : i32
      %lt3A_310 = arith.constant 0 : i32
      %lt3A_311 = arith.cmpi slt, %select_n3A_304, %lt3A_310 : i32
      %ne3A_312 = arith.xori %lt3A_309, %lt3A_311 : i1
      %and3A_313 = arith.andi %ne3A_312, %ne3A_307 : i1
      %add3A_314 = arith.addi %rem3A_305, %select_n3A_304 : i32
      %select_n3A_315 = arith.select %and3A_313, %add3A_314, %rem3A_305 : i32
      %eq3A_316 = arith.constant 0 : i32
      %eq3A_317 = arith.cmpi eq, %select_n3A_315, %eq3A_316 : i32
      %select_n3A_318 = arith.select %eq3A_317, %unpack3A, %unpack3A_300 : vector<16xf32>
      %jit3A_319 = arith.constant 32 : i32
      %eq3A_320 = arith.constant 0 : i32
      %eq3A_321 = arith.cmpi eq, %jit3A_319, %eq3A_320 : i32
      %jit3A_322 = arith.constant 1 : i32
      %select_n3A_323 = arith.select %eq3A_321, %jit3A_322, %jit3A_319 : i32
      %rem3A_324 = arith.remsi %scan3A_275, %select_n3A_323 : i32
      %ne3A_325 = arith.constant 0 : i32
      %ne3A_326 = arith.cmpi ne, %rem3A_324, %ne3A_325 : i32
      %lt3A_327 = arith.constant 0 : i32
      %lt3A_328 = arith.cmpi slt, %rem3A_324, %lt3A_327 : i32
      %lt3A_329 = arith.constant 0 : i32
      %lt3A_330 = arith.cmpi slt, %select_n3A_323, %lt3A_329 : i32
      %ne3A_331 = arith.xori %lt3A_328, %lt3A_330 : i1
      %and3A_332 = arith.andi %ne3A_331, %ne3A_326 : i1
      %add3A_333 = arith.addi %rem3A_324, %select_n3A_323 : i32
      %select_n3A_334 = arith.select %and3A_332, %add3A_333, %rem3A_324 : i32
      %jit3A_335 = arith.constant 2 : i32
      %div3A_336 = arith.divsi %select_n3A_334, %jit3A_335 : i32
      %sign3A_337 = arith.constant 0 : i32
      %sign3A_338 = arith.cmpi sgt, %select_n3A_334, %sign3A_337 : i32
      %sign3A_339 = arith.extui %sign3A_338 : i1 to i32
      %sign3A_340 = arith.constant 0 : i32
      %sign3A_341 = arith.cmpi slt, %select_n3A_334, %sign3A_340 : i32
      %sign3A_342 = arith.extui %sign3A_341 : i1 to i32
      %sign3A_343 = arith.subi %sign3A_339, %sign3A_342 : i32
      %sign3A_344 = arith.constant 0 : i32
      %sign3A_345 = arith.cmpi sgt, %jit3A_335, %sign3A_344 : i32
      %sign3A_346 = arith.extui %sign3A_345 : i1 to i32
      %sign3A_347 = arith.constant 0 : i32
      %sign3A_348 = arith.cmpi slt, %jit3A_335, %sign3A_347 : i32
      %sign3A_349 = arith.extui %sign3A_348 : i1 to i32
      %sign3A_350 = arith.subi %sign3A_346, %sign3A_349 : i32
      %ne3A_351 = arith.cmpi ne, %sign3A_343, %sign3A_350 : i32
      %rem3A_352 = arith.remsi %select_n3A_334, %jit3A_335 : i32
      %ne3A_353 = arith.constant 0 : i32
      %ne3A_354 = arith.cmpi ne, %rem3A_352, %ne3A_353 : i32
      %and3A_355 = arith.andi %ne3A_351, %ne3A_354 : i1
      %sub3A_356 = arith.constant 1 : i32
      %sub3A_357 = arith.subi %div3A_336, %sub3A_356 : i32
      %select_n3A_358 = arith.select %and3A_355, %sub3A_357, %div3A_336 : i32
      %broadcast_in_dim3A_359 = vector.broadcast %select_n3A_358 : i32 to vector<16x1xi32>
      %gather3A = vector.shape_cast %broadcast_in_dim3A_359 : vector<16x1xi32> to vector<16xi32>
      %gather3A_360 = tpu.dynamic_gather %select_n3A_318[%gather3A] in [0] : vector<16xf32>, vector<16xi32> -> vector<16xf32>
      %get3A_361 = arith.index_cast %scan3A_275 : i32 to index
      %get3A_362 = arith.constant 0 : index
      %get3A_363 = tpu.vector_load %arg13[%get3A_361, %get3A_362] {strides = array<i32>} : memref<128x144xf32, #tpu.memory_space<vmem>>, vector<16xf32>,
      %mul3A_364 = arith.mulf %get3A_363, %gather3A_360 : vector<16xf32>
      %swap3A = arith.index_cast %scan3A_275 : i32 to index
      %swap3A_365 = arith.constant 0 : index
      %swap3A_366 = tpu.vector_load %arg13[%swap3A, %swap3A_365] {strides = array<i32>} : memref<128x144xf32, #tpu.memory_space<vmem>>, vector<16xf32>,
      tpu.vector_store %arg13[%swap3A, %swap3A_365], %mul3A_364 {strides = array<i32>} : memref<128x144xf32, #tpu.memory_space<vmem>>, vector<16xf32>,
      %get3A_367 = arith.index_cast %scan3A_275 : i32 to index
      %get3A_368 = arith.constant 16 : index
      %get3A_369 = tpu.vector_load %arg13[%get3A_367, %get3A_368] {strides = array<i32>} : memref<128x144xf32, #tpu.memory_space<vmem>>, vector<16xf32>,
      %mul3A_370 = arith.mulf %get3A_369, %gather3A_360 : vector<16xf32>
      %swap3A_371 = arith.index_cast %scan3A_275 : i32 to index
      %swap3A_372 = arith.constant 16 : index
      %swap3A_373 = tpu.vector_load %arg13[%swap3A_371, %swap3A_372] {strides = array<i32>} : memref<128x144xf32, #tpu.memory_space<vmem>>, vector<16xf32>,
      tpu.vector_store %arg13[%swap3A_371, %swap3A_372], %mul3A_370 {strides = array<i32>} : memref<128x144xf32, #tpu.memory_space<vmem>>, vector<16xf32>,
      %get3A_374 = arith.index_cast %scan3A_275 : i32 to index
      %get3A_375 = arith.constant 32 : index
      %get3A_376 = tpu.vector_load %arg13[%get3A_374, %get3A_375] {strides = array<i32>} : memref<128x144xf32, #tpu.memory_space<vmem>>, vector<16xf32>,
      %mul3A_377 = arith.mulf %get3A_376, %gather3A_360 : vector<16xf32>
      %swap3A_378 = arith.index_cast %scan3A_275 : i32 to index
      %swap3A_379 = arith.constant 32 : index
      %swap3A_380 = tpu.vector_load %arg13[%swap3A_378, %swap3A_379] {strides = array<i32>} : memref<128x144xf32, #tpu.memory_space<vmem>>, vector<16xf32>,
      tpu.vector_store %arg13[%swap3A_378, %swap3A_379], %mul3A_377 {strides = array<i32>} : memref<128x144xf32, #tpu.memory_space<vmem>>, vector<16xf32>,
      %get3A_381 = arith.index_cast %scan3A_275 : i32 to index
      %get3A_382 = arith.constant 48 : index
      %get3A_383 = tpu.vector_load %arg13[%get3A_381, %get3A_382] {strides = array<i32>} : memref<128x144xf32, #tpu.memory_space<vmem>>, vector<16xf32>,
      %mul3A_384 = arith.mulf %get3A_383, %gather3A_360 : vector<16xf32>
      %swap3A_385 = arith.index_cast %scan3A_275 : i32 to index
      %swap3A_386 = arith.constant 48 : index
      %swap3A_387 = tpu.vector_load %arg13[%swap3A_385, %swap3A_386] {strides = array<i32>} : memref<128x144xf32, #tpu.memory_space<vmem>>, vector<16xf32>,
      tpu.vector_store %arg13[%swap3A_385, %swap3A_386], %mul3A_384 {strides = array<i32>} : memref<128x144xf32, #tpu.memory_space<vmem>>, vector<16xf32>,
      %get3A_388 = arith.index_cast %scan3A_275 : i32 to index
      %get3A_389 = arith.constant 64 : index
      %get3A_390 = tpu.vector_load %arg13[%get3A_388, %get3A_389] {strides = array<i32>} : memref<128x144xf32, #tpu.memory_space<vmem>>, vector<16xf32>,
      %mul3A_391 = arith.mulf %get3A_390, %gather3A_360 : vector<16xf32>
      %swap3A_392 = arith.index_cast %scan3A_275 : i32 to index
      %swap3A_393 = arith.constant 64 : index
      %swap3A_394 = tpu.vector_load %arg13[%swap3A_392, %swap3A_393] {strides = array<i32>} : memref<128x144xf32, #tpu.memory_space<vmem>>, vector<16xf32>,
      tpu.vector_store %arg13[%swap3A_392, %swap3A_393], %mul3A_391 {strides = array<i32>} : memref<128x144xf32, #tpu.memory_space<vmem>>, vector<16xf32>,
      %get3A_395 = arith.index_cast %scan3A_275 : i32 to index
      %get3A_396 = arith.constant 80 : index
      %get3A_397 = tpu.vector_load %arg13[%get3A_395, %get3A_396] {strides = array<i32>} : memref<128x144xf32, #tpu.memory_space<vmem>>, vector<16xf32>,
      %mul3A_398 = arith.mulf %get3A_397, %gather3A_360 : vector<16xf32>
      %swap3A_399 = arith.index_cast %scan3A_275 : i32 to index
      %swap3A_400 = arith.constant 80 : index
      %swap3A_401 = tpu.vector_load %arg13[%swap3A_399, %swap3A_400] {strides = array<i32>} : memref<128x144xf32, #tpu.memory_space<vmem>>, vector<16xf32>,
      tpu.vector_store %arg13[%swap3A_399, %swap3A_400], %mul3A_398 {strides = array<i32>} : memref<128x144xf32, #tpu.memory_space<vmem>>, vector<16xf32>,
      %get3A_402 = arith.index_cast %scan3A_275 : i32 to index
      %get3A_403 = arith.constant 96 : index
      %get3A_404 = tpu.vector_load %arg13[%get3A_402, %get3A_403] {strides = array<i32>} : memref<128x144xf32, #tpu.memory_space<vmem>>, vector<16xf32>,
      %mul3A_405 = arith.mulf %get3A_404, %gather3A_360 : vector<16xf32>
      %swap3A_406 = arith.index_cast %scan3A_275 : i32 to index
      %swap3A_407 = arith.constant 96 : index
      %swap3A_408 = tpu.vector_load %arg13[%swap3A_406, %swap3A_407] {strides = array<i32>} : memref<128x144xf32, #tpu.memory_space<vmem>>, vector<16xf32>,
      tpu.vector_store %arg13[%swap3A_406, %swap3A_407], %mul3A_405 {strides = array<i32>} : memref<128x144xf32, #tpu.memory_space<vmem>>, vector<16xf32>,
      %get3A_409 = arith.index_cast %scan3A_275 : i32 to index
      %get3A_410 = arith.constant 112 : index
      %get3A_411 = tpu.vector_load %arg13[%get3A_409, %get3A_410] {strides = array<i32>} : memref<128x144xf32, #tpu.memory_space<vmem>>, vector<16xf32>,
      %mul3A_412 = arith.mulf %get3A_411, %gather3A_360 : vector<16xf32>
      %swap3A_413 = arith.index_cast %scan3A_275 : i32 to index
      %swap3A_414 = arith.constant 112 : index
      %swap3A_415 = tpu.vector_load %arg13[%swap3A_413, %swap3A_414] {strides = array<i32>} : memref<128x144xf32, #tpu.memory_space<vmem>>, vector<16xf32>,
      tpu.vector_store %arg13[%swap3A_413, %swap3A_414], %mul3A_412 {strides = array<i32>} : memref<128x144xf32, #tpu.memory_space<vmem>>, vector<16xf32>,
      %scan3A_416 = arith.constant 0 : i32
      scf.yield %scan3A_416 : i32
    }
    %scan3A_200 = arith.constant 128 : i32
    %dma_start3A_201 = arith.constant 4 : i32
    %dma_start3A_202 = arith.constant 0 : i32
    %dma_start3A_203 = tpu.memref_slice %arg9[%dma_start3A_201, %dma_start3A_202] : memref<6x128xi32, #tpu.memory_space<vmem>> -> memref<1x128xi32, #tpu.memory_space<vmem>>
    %dma_start3A_204 = tpu.memref_squeeze %dma_start3A_203 : memref<1x128xi32, #tpu.memory_space<vmem>> -> memref<128xi32, #tpu.memory_space<vmem>>
    %dma_start3A_205 = arith.constant 0 : i32
    %dma_start3A_206 = arith.constant 0 : i32
    %dma_start3A_207 = tpu.memref_slice %arg15[%dma_start3A_205, %dma_start3A_206] : memref<10000x144xf32, #tpu.memory_space<vmem_shared>> -> memref<10000x144xf32, #tpu.memory_space<vmem_shared>>
    tpu.enqueue_indirect_dma source(%arg13 : memref<128x144xf32, #tpu.memory_space<vmem>>) target(%dma_start3A_207 : memref<10000x144xf32, #tpu.memory_space<vmem_shared>>) offsets(%dma_start3A_204 : memref<128xi32, #tpu.memory_space<vmem>>) semaphore(%arg18 : memref<!tpu.dma_semaphore, #tpu.memory_space<semaphore_mem>>) {add = true}
    %gt3A_208 = arith.constant 6 : i32
    %gt3A_209 = arith.cmpi sgt, %add3A_8, %gt3A_208 : i32
    %convert_element_type3A_210 = arith.extui %gt3A_209 : i1 to i32
    %cond3A_211 = arith.constant 0 : i32
    %cond3A_212 = arith.cmpi ne, %convert_element_type3A_210, %cond3A_211 : i32
    scf.if %cond3A_212 {
      %dma_wait3A_275 = arith.constant 0 : i32
      %dma_wait3A_276 = tpu.memref_slice %arg3[%dma_wait3A_275] : memref<320000xi32, #tpu.memory_space<hbm>> -> memref<768xi32, #tpu.memory_space<hbm>>
      %dma_wait3A_277 = arith.constant 0 : i32
      %dma_wait3A_278 = tpu.memref_slice %arg3[%dma_wait3A_277] : memref<320000xi32, #tpu.memory_space<hbm>> -> memref<768xi32, #tpu.memory_space<hbm>>
      tpu.wait_dma2 semaphore(%arg21 : memref<!tpu.dma_semaphore, #tpu.memory_space<semaphore_mem>>) src(%dma_wait3A_278 : memref<768xi32, #tpu.memory_space<hbm>>) dst(%arg10 : memref<768xi32, #tpu.memory_space<vmem>>)
      %dma_wait3A_279 = arith.constant 0 : i32
      %dma_wait3A_280 = tpu.memref_slice %arg5[%dma_wait3A_279] : memref<320000xbf16, #tpu.memory_space<hbm>> -> memref<768xbf16, #tpu.memory_space<hbm>>
      %dma_wait3A_281 = arith.constant 0 : i32
      %dma_wait3A_282 = tpu.memref_slice %arg5[%dma_wait3A_281] : memref<320000xbf16, #tpu.memory_space<hbm>> -> memref<768xbf16, #tpu.memory_space<hbm>>
      tpu.wait_dma2 semaphore(%arg21 : memref<!tpu.dma_semaphore, #tpu.memory_space<semaphore_mem>>) src(%dma_wait3A_282 : memref<768xbf16, #tpu.memory_space<hbm>>) dst(%arg11 : memref<768xbf16, #tpu.memory_space<vmem>>)
      %dma_wait3A_283 = arith.constant 0 : i32
      %dma_wait3A_284 = arith.constant 0 : i32
      %dma_wait3A_285 = tpu.memref_slice %arg4[%dma_wait3A_283, %dma_wait3A_284] : memref<2500x128xi32, #tpu.memory_space<hbm>> -> memref<6x128xi32, #tpu.memory_space<hbm>>
      %dma_wait3A_286 = arith.constant 0 : i32
      %dma_wait3A_287 = arith.constant 0 : i32
      %dma_wait3A_288 = tpu.memref_slice %arg4[%dma_wait3A_286, %dma_wait3A_287] : memref<2500x128xi32, #tpu.memory_space<hbm>> -> memref<6x128xi32, #tpu.memory_space<hbm>>
      tpu.wait_dma2 semaphore(%arg21 : memref<!tpu.dma_semaphore, #tpu.memory_space<semaphore_mem>>) src(%dma_wait3A_288 : memref<6x128xi32, #tpu.memory_space<hbm>>) dst(%arg12 : memref<6x128xi32, #tpu.memory_space<vmem>>)
      %dma_start3A_289 = arith.constant 0 : i32
      %dma_start3A_290 = tpu.memref_slice %arg10[%dma_start3A_289] : memref<768xi32, #tpu.memory_space<vmem>> -> memref<128xi32, #tpu.memory_space<vmem>>
      %dma_start3A_291 = arith.constant 0 : i32
      %dma_start3A_292 = arith.constant 0 : i32
      %dma_start3A_293 = tpu.memref_slice %arg2[%dma_start3A_291, %dma_start3A_292] : memref<10000x144xf32, #tpu.memory_space<hbm>> -> memref<10000x144xf32, #tpu.memory_space<hbm>>
      tpu.enqueue_indirect_dma source(%dma_start3A_293 : memref<10000x144xf32, #tpu.memory_space<hbm>>) target(%arg13 : memref<128x144xf32, #tpu.memory_space<vmem>>) offsets(%dma_start3A_290 : memref<128xi32, #tpu.memory_space<vmem>>) semaphore(%arg16 : memref<!tpu.dma_semaphore, #tpu.memory_space<semaphore_mem>>)
    } else {
    }
    %dma_wait3A_213 = arith.constant 0 : i32
    %dma_wait3A_214 = tpu.memref_slice %arg7[%dma_wait3A_213] : memref<768xi32, #tpu.memory_space<vmem>> -> memref<128xi32, #tpu.memory_space<vmem>>
    %dma_wait3A_215 = arith.constant 0 : i32
    %dma_wait3A_216 = arith.constant 0 : i32
    %dma_wait3A_217 = tpu.memref_slice %arg2[%dma_wait3A_215, %dma_wait3A_216] : memref<10000x144xf32, #tpu.memory_space<hbm>> -> memref<10000x144xf32, #tpu.memory_space<hbm>>
    tpu.wait_indirect_dma semaphore(%arg17 : memref<!tpu.dma_semaphore, #tpu.memory_space<semaphore_mem>>) src(%dma_wait3A_217 : memref<10000x144xf32, #tpu.memory_space<hbm>>) dst(%arg14 : memref<128x144xf32, #tpu.memory_space<vmem>>)
    %dma_wait3A_218 = arith.constant 0 : i32
    %dma_wait3A_219 = arith.constant 0 : i32
    %dma_wait3A_220 = tpu.memref_slice %arg9[%dma_wait3A_218, %dma_wait3A_219] : memref<6x128xi32, #tpu.memory_space<vmem>> -> memref<1x128xi32, #tpu.memory_space<vmem>>
    %dma_wait3A_221 = tpu.memref_squeeze %dma_wait3A_220 : memref<1x128xi32, #tpu.memory_space<vmem>> -> memref<128xi32, #tpu.memory_space<vmem>>
    %dma_wait3A_222 = arith.constant 0 : i32
    %dma_wait3A_223 = arith.constant 0 : i32
    %dma_wait3A_224 = tpu.memref_slice %arg15[%dma_wait3A_222, %dma_wait3A_223] : memref<10000x144xf32, #tpu.memory_space<vmem_shared>> -> memref<10000x144xf32, #tpu.memory_space<vmem_shared>>
    tpu.wait_indirect_dma semaphore(%arg19 : memref<!tpu.dma_semaphore, #tpu.memory_space<semaphore_mem>>) src(%arg14 : memref<128x144xf32, #tpu.memory_space<vmem>>) dst(%dma_wait3A_224 : memref<10000x144xf32, #tpu.memory_space<vmem_shared>>)
    %scan3A_225 = arith.constant 0 : i32
    %scan3A_226 = arith.constant 0 : i32
    %scan3A_227 = arith.constant 128 : i32
    %scan3A_228 = arith.addi %scan3A_226, %scan3A_227 : i32
    %scan3A_229 = arith.constant 1 : i32
    %scan3A_230 = scf.for %scan3A_275 = %scan3A_226 to %scan3A_228 step %scan3A_229 iter_args(%scan3A_276 = %scan3A_225) -> (i32)  : i32 {
      %jit3A_277 = arith.constant 32 : i32
      %div3A = arith.divsi %scan3A_275, %jit3A_277 : i32
      %sign3A = arith.constant 0 : i32
      %sign3A_278 = arith.cmpi sgt, %scan3A_275, %sign3A : i32
      %sign3A_279 = arith.extui %sign3A_278 : i1 to i32
      %sign3A_280 = arith.constant 0 : i32
      %sign3A_281 = arith.cmpi slt, %scan3A_275, %sign3A_280 : i32
      %sign3A_282 = arith.extui %sign3A_281 : i1 to i32
      %sign3A_283 = arith.subi %sign3A_279, %sign3A_282 : i32
      %sign3A_284 = arith.constant 0 : i32
      %sign3A_285 = arith.cmpi sgt, %jit3A_277, %sign3A_284 : i32
      %sign3A_286 = arith.extui %sign3A_285 : i1 to i32
      %sign3A_287 = arith.constant 0 : i32
      %sign3A_288 = arith.cmpi slt, %jit3A_277, %sign3A_287 : i32
      %sign3A_289 = arith.extui %sign3A_288 : i1 to i32
      %sign3A_290 = arith.subi %sign3A_286, %sign3A_289 : i32
      %ne3A = arith.cmpi ne, %sign3A_283, %sign3A_290 : i32
      %rem3A = arith.remsi %scan3A_275, %jit3A_277 : i32
      %ne3A_291 = arith.constant 0 : i32
      %ne3A_292 = arith.cmpi ne, %rem3A, %ne3A_291 : i32
      %and3A = arith.andi %ne3A, %ne3A_292 : i1
      %sub3A = arith.constant 1 : i32
      %sub3A_293 = arith.subi %div3A, %sub3A : i32
      %select_n3A_294 = arith.select %and3A, %sub3A_293, %div3A : i32
      %mul3A_295 = arith.constant 32 : i32
      %mul3A_296 = arith.muli %select_n3A_294, %mul3A_295 : i32
      %add3A_297 = arith.constant 640 : i32
      %add3A_298 = arith.addi %add3A_297, %mul3A_296 : i32
      %get3A = arith.index_cast %add3A_298 : i32 to index
      %get3A_299 = tpu.vector_load %arg8[%get3A] {strides = array<i32>} : memref<768xbf16, #tpu.memory_space<vmem>>, vector<32xbf16>,
      %unpack3A = tpu.unpack_subelements %get3A_299, 0 {pack_format = #tpu.pack_format<interleaved>} : vector<32xbf16> -> vector<16xf32>
      %unpack3A_300 = tpu.unpack_subelements %get3A_299, 1 {pack_format = #tpu.pack_format<interleaved>} : vector<32xbf16> -> vector<16xf32>
      %jit3A_301 = arith.constant 2 : i32
      %eq3A = arith.constant 0 : i32
      %eq3A_302 = arith.cmpi eq, %jit3A_301, %eq3A : i32
      %jit3A_303 = arith.constant 1 : i32
      %select_n3A_304 = arith.select %eq3A_302, %jit3A_303, %jit3A_301 : i32
      %rem3A_305 = arith.remsi %scan3A_275, %select_n3A_304 : i32
      %ne3A_306 = arith.constant 0 : i32
      %ne3A_307 = arith.cmpi ne, %rem3A_305, %ne3A_306 : i32
      %lt3A_308 = arith.constant 0 : i32
      %lt3A_309 = arith.cmpi slt, %rem3A_305, %lt3A_308 : i32
      %lt3A_310 = arith.constant 0 : i32
      %lt3A_311 = arith.cmpi slt, %select_n3A_304, %lt3A_310 : i32
      %ne3A_312 = arith.xori %lt3A_309, %lt3A_311 : i1
      %and3A_313 = arith.andi %ne3A_312, %ne3A_307 : i1
      %add3A_314 = arith.addi %rem3A_305, %select_n3A_304 : i32
      %select_n3A_315 = arith.select %and3A_313, %add3A_314, %rem3A_305 : i32
      %eq3A_316 = arith.constant 0 : i32
      %eq3A_317 = arith.cmpi eq, %select_n3A_315, %eq3A_316 : i32
      %select_n3A_318 = arith.select %eq3A_317, %unpack3A, %unpack3A_300 : vector<16xf32>
      %jit3A_319 = arith.constant 32 : i32
      %eq3A_320 = arith.constant 0 : i32
      %eq3A_321 = arith.cmpi eq, %jit3A_319, %eq3A_320 : i32
      %jit3A_322 = arith.constant 1 : i32
      %select_n3A_323 = arith.select %eq3A_321, %jit3A_322, %jit3A_319 : i32
      %rem3A_324 = arith.remsi %scan3A_275, %select_n3A_323 : i32
      %ne3A_325 = arith.constant 0 : i32
      %ne3A_326 = arith.cmpi ne, %rem3A_324, %ne3A_325 : i32
      %lt3A_327 = arith.constant 0 : i32
      %lt3A_328 = arith.cmpi slt, %rem3A_324, %lt3A_327 : i32
      %lt3A_329 = arith.constant 0 : i32
      %lt3A_330 = arith.cmpi slt, %select_n3A_323, %lt3A_329 : i32
      %ne3A_331 = arith.xori %lt3A_328, %lt3A_330 : i1
      %and3A_332 = arith.andi %ne3A_331, %ne3A_326 : i1
      %add3A_333 = arith.addi %rem3A_324, %select_n3A_323 : i32
      %select_n3A_334 = arith.select %and3A_332, %add3A_333, %rem3A_324 : i32
      %jit3A_335 = arith.constant 2 : i32
      %div3A_336 = arith.divsi %select_n3A_334, %jit3A_335 : i32
      %sign3A_337 = arith.constant 0 : i32
      %sign3A_338 = arith.cmpi sgt, %select_n3A_334, %sign3A_337 : i32
      %sign3A_339 = arith.extui %sign3A_338 : i1 to i32
      %sign3A_340 = arith.constant 0 : i32
      %sign3A_341 = arith.cmpi slt, %select_n3A_334, %sign3A_340 : i32
      %sign3A_342 = arith.extui %sign3A_341 : i1 to i32
      %sign3A_343 = arith.subi %sign3A_339, %sign3A_342 : i32
      %sign3A_344 = arith.constant 0 : i32
      %sign3A_345 = arith.cmpi sgt, %jit3A_335, %sign3A_344 : i32
      %sign3A_346 = arith.extui %sign3A_345 : i1 to i32
      %sign3A_347 = arith.constant 0 : i32
      %sign3A_348 = arith.cmpi slt, %jit3A_335, %sign3A_347 : i32
      %sign3A_349 = arith.extui %sign3A_348 : i1 to i32
      %sign3A_350 = arith.subi %sign3A_346, %sign3A_349 : i32
      %ne3A_351 = arith.cmpi ne, %sign3A_343, %sign3A_350 : i32
      %rem3A_352 = arith.remsi %select_n3A_334, %jit3A_335 : i32
      %ne3A_353 = arith.constant 0 : i32
      %ne3A_354 = arith.cmpi ne, %rem3A_352, %ne3A_353 : i32
      %and3A_355 = arith.andi %ne3A_351, %ne3A_354 : i1
      %sub3A_356 = arith.constant 1 : i32
      %sub3A_357 = arith.subi %div3A_336, %sub3A_356 : i32
      %select_n3A_358 = arith.select %and3A_355, %sub3A_357, %div3A_336 : i32
      %broadcast_in_dim3A_359 = vector.broadcast %select_n3A_358 : i32 to vector<16x1xi32>
      %gather3A = vector.shape_cast %broadcast_in_dim3A_359 : vector<16x1xi32> to vector<16xi32>
      %gather3A_360 = tpu.dynamic_gather %select_n3A_318[%gather3A] in [0] : vector<16xf32>, vector<16xi32> -> vector<16xf32>
      %get3A_361 = arith.index_cast %scan3A_275 : i32 to index
      %get3A_362 = arith.constant 0 : index
      %get3A_363 = tpu.vector_load %arg14[%get3A_361, %get3A_362] {strides = array<i32>} : memref<128x144xf32, #tpu.memory_space<vmem>>, vector<16xf32>,
      %mul3A_364 = arith.mulf %get3A_363, %gather3A_360 : vector<16xf32>
      %swap3A = arith.index_cast %scan3A_275 : i32 to index
      %swap3A_365 = arith.constant 0 : index
      %swap3A_366 = tpu.vector_load %arg14[%swap3A, %swap3A_365] {strides = array<i32>} : memref<128x144xf32, #tpu.memory_space<vmem>>, vector<16xf32>,
      tpu.vector_store %arg14[%swap3A, %swap3A_365], %mul3A_364 {strides = array<i32>} : memref<128x144xf32, #tpu.memory_space<vmem>>, vector<16xf32>,
      %get3A_367 = arith.index_cast %scan3A_275 : i32 to index
      %get3A_368 = arith.constant 16 : index
      %get3A_369 = tpu.vector_load %arg14[%get3A_367, %get3A_368] {strides = array<i32>} : memref<128x144xf32, #tpu.memory_space<vmem>>, vector<16xf32>,
      %mul3A_370 = arith.mulf %get3A_369, %gather3A_360 : vector<16xf32>
      %swap3A_371 = arith.index_cast %scan3A_275 : i32 to index
      %swap3A_372 = arith.constant 16 : index
      %swap3A_373 = tpu.vector_load %arg14[%swap3A_371, %swap3A_372] {strides = array<i32>} : memref<128x144xf32, #tpu.memory_space<vmem>>, vector<16xf32>,
      tpu.vector_store %arg14[%swap3A_371, %swap3A_372], %mul3A_370 {strides = array<i32>} : memref<128x144xf32, #tpu.memory_space<vmem>>, vector<16xf32>,
      %get3A_374 = arith.index_cast %scan3A_275 : i32 to index
      %get3A_375 = arith.constant 32 : index
      %get3A_376 = tpu.vector_load %arg14[%get3A_374, %get3A_375] {strides = array<i32>} : memref<128x144xf32, #tpu.memory_space<vmem>>, vector<16xf32>,
      %mul3A_377 = arith.mulf %get3A_376, %gather3A_360 : vector<16xf32>
      %swap3A_378 = arith.index_cast %scan3A_275 : i32 to index
      %swap3A_379 = arith.constant 32 : index
      %swap3A_380 = tpu.vector_load %arg14[%swap3A_378, %swap3A_379] {strides = array<i32>} : memref<128x144xf32, #tpu.memory_space<vmem>>, vector<16xf32>,
      tpu.vector_store %arg14[%swap3A_378, %swap3A_379], %mul3A_377 {strides = array<i32>} : memref<128x144xf32, #tpu.memory_space<vmem>>, vector<16xf32>,
      %get3A_381 = arith.index_cast %scan3A_275 : i32 to index
      %get3A_382 = arith.constant 48 : index
      %get3A_383 = tpu.vector_load %arg14[%get3A_381, %get3A_382] {strides = array<i32>} : memref<128x144xf32, #tpu.memory_space<vmem>>, vector<16xf32>,
      %mul3A_384 = arith.mulf %get3A_383, %gather3A_360 : vector<16xf32>
      %swap3A_385 = arith.index_cast %scan3A_275 : i32 to index
      %swap3A_386 = arith.constant 48 : index
      %swap3A_387 = tpu.vector_load %arg14[%swap3A_385, %swap3A_386] {strides = array<i32>} : memref<128x144xf32, #tpu.memory_space<vmem>>, vector<16xf32>,
      tpu.vector_store %arg14[%swap3A_385, %swap3A_386], %mul3A_384 {strides = array<i32>} : memref<128x144xf32, #tpu.memory_space<vmem>>, vector<16xf32>,
      %get3A_388 = arith.index_cast %scan3A_275 : i32 to index
      %get3A_389 = arith.constant 64 : index
      %get3A_390 = tpu.vector_load %arg14[%get3A_388, %get3A_389] {strides = array<i32>} : memref<128x144xf32, #tpu.memory_space<vmem>>, vector<16xf32>,
      %mul3A_391 = arith.mulf %get3A_390, %gather3A_360 : vector<16xf32>
      %swap3A_392 = arith.index_cast %scan3A_275 : i32 to index
      %swap3A_393 = arith.constant 64 : index
      %swap3A_394 = tpu.vector_load %arg14[%swap3A_392, %swap3A_393] {strides = array<i32>} : memref<128x144xf32, #tpu.memory_space<vmem>>, vector<16xf32>,
      tpu.vector_store %arg14[%swap3A_392, %swap3A_393], %mul3A_391 {strides = array<i32>} : memref<128x144xf32, #tpu.memory_space<vmem>>, vector<16xf32>,
      %get3A_395 = arith.index_cast %scan3A_275 : i32 to index
      %get3A_396 = arith.constant 80 : index
      %get3A_397 = tpu.vector_load %arg14[%get3A_395, %get3A_396] {strides = array<i32>} : memref<128x144xf32, #tpu.memory_space<vmem>>, vector<16xf32>,
      %mul3A_398 = arith.mulf %get3A_397, %gather3A_360 : vector<16xf32>
      %swap3A_399 = arith.index_cast %scan3A_275 : i32 to index
      %swap3A_400 = arith.constant 80 : index
      %swap3A_401 = tpu.vector_load %arg14[%swap3A_399, %swap3A_400] {strides = array<i32>} : memref<128x144xf32, #tpu.memory_space<vmem>>, vector<16xf32>,
      tpu.vector_store %arg14[%swap3A_399, %swap3A_400], %mul3A_398 {strides = array<i32>} : memref<128x144xf32, #tpu.memory_space<vmem>>, vector<16xf32>,
      %get3A_402 = arith.index_cast %scan3A_275 : i32 to index
      %get3A_403 = arith.constant 96 : index
      %get3A_404 = tpu.vector_load %arg14[%get3A_402, %get3A_403] {strides = array<i32>} : memref<128x144xf32, #tpu.memory_space<vmem>>, vector<16xf32>,
      %mul3A_405 = arith.mulf %get3A_404, %gather3A_360 : vector<16xf32>
      %swap3A_406 = arith.index_cast %scan3A_275 : i32 to index
      %swap3A_407 = arith.constant 96 : index
      %swap3A_408 = tpu.vector_load %arg14[%swap3A_406, %swap3A_407] {strides = array<i32>} : memref<128x144xf32, #tpu.memory_space<vmem>>, vector<16xf32>,
      tpu.vector_store %arg14[%swap3A_406, %swap3A_407], %mul3A_405 {strides = array<i32>} : memref<128x144xf32, #tpu.memory_space<vmem>>, vector<16xf32>,
      %get3A_409 = arith.index_cast %scan3A_275 : i32 to index
      %get3A_410 = arith.constant 112 : index
      %get3A_411 = tpu.vector_load %arg14[%get3A_409, %get3A_410] {strides = array<i32>} : memref<128x144xf32, #tpu.memory_space<vmem>>, vector<16xf32>,
      %mul3A_412 = arith.mulf %get3A_411, %gather3A_360 : vector<16xf32>
      %swap3A_413 = arith.index_cast %scan3A_275 : i32 to index
      %swap3A_414 = arith.constant 112 : index
      %swap3A_415 = tpu.vector_load %arg14[%swap3A_413, %swap3A_414] {strides = array<i32>} : memref<128x144xf32, #tpu.memory_space<vmem>>, vector<16xf32>,
      tpu.vector_store %arg14[%swap3A_413, %swap3A_414], %mul3A_412 {strides = array<i32>} : memref<128x144xf32, #tpu.memory_space<vmem>>, vector<16xf32>,
      %scan3A_416 = arith.constant 0 : i32
      scf.yield %scan3A_416 : i32
    }
    %scan3A_231 = arith.constant 128 : i32
    %dma_start3A_232 = arith.constant 5 : i32
    %dma_start3A_233 = arith.constant 0 : i32
    %dma_start3A_234 = tpu.memref_slice %arg9[%dma_start3A_232, %dma_start3A_233] : memref<6x128xi32, #tpu.memory_space<vmem>> -> memref<1x128xi32, #tpu.memory_space<vmem>>
    %dma_start3A_235 = tpu.memref_squeeze %dma_start3A_234 : memref<1x128xi32, #tpu.memory_space<vmem>> -> memref<128xi32, #tpu.memory_space<vmem>>
    %dma_start3A_236 = arith.constant 0 : i32
    %dma_start3A_237 = arith.constant 0 : i32
    %dma_start3A_238 = tpu.memref_slice %arg15[%dma_start3A_236, %dma_start3A_237] : memref<10000x144xf32, #tpu.memory_space<vmem_shared>> -> memref<10000x144xf32, #tpu.memory_space<vmem_shared>>
    tpu.enqueue_indirect_dma source(%arg14 : memref<128x144xf32, #tpu.memory_space<vmem>>) target(%dma_start3A_238 : memref<10000x144xf32, #tpu.memory_space<vmem_shared>>) offsets(%dma_start3A_235 : memref<128xi32, #tpu.memory_space<vmem>>) semaphore(%arg19 : memref<!tpu.dma_semaphore, #tpu.memory_space<semaphore_mem>>) {add = true}
    %gt3A_239 = arith.constant 7 : i32
    %gt3A_240 = arith.cmpi sgt, %add3A_8, %gt3A_239 : i32
    %convert_element_type3A_241 = arith.extui %gt3A_240 : i1 to i32
    %cond3A_242 = arith.constant 0 : i32
    %cond3A_243 = arith.cmpi ne, %convert_element_type3A_241, %cond3A_242 : i32
    scf.if %cond3A_243 {
      %dma_start3A_275 = arith.constant 128 : i32
      %dma_start3A_276 = tpu.memref_slice %arg10[%dma_start3A_275] : memref<768xi32, #tpu.memory_space<vmem>> -> memref<128xi32, #tpu.memory_space<vmem>>
      %dma_start3A_277 = arith.constant 0 : i32
      %dma_start3A_278 = arith.constant 0 : i32
      %dma_start3A_279 = tpu.memref_slice %arg2[%dma_start3A_277, %dma_start3A_278] : memref<10000x144xf32, #tpu.memory_space<hbm>> -> memref<10000x144xf32, #tpu.memory_space<hbm>>
      tpu.enqueue_indirect_dma source(%dma_start3A_279 : memref<10000x144xf32, #tpu.memory_space<hbm>>) target(%arg14 : memref<128x144xf32, #tpu.memory_space<vmem>>) offsets(%dma_start3A_276 : memref<128xi32, #tpu.memory_space<vmem>>) semaphore(%arg17 : memref<!tpu.dma_semaphore, #tpu.memory_space<semaphore_mem>>)
    } else {
    }
    %scan3A_244 = arith.constant 0 : i32
    %scan3A_245 = arith.constant 0 : i32
    %scan3A_246 = arith.constant 6 : i32
    %scan3A_247 = arith.addi %scan3A_245, %scan3A_246 : i32
    %scan3A_248 = arith.constant 1 : i32
    %scan3A_249 = scf.for %scan3A_275 = %scan3A_245 to %scan3A_247 step %scan3A_248 iter_args(%scan3A_276 = %scan3A_244) -> (i32)  : i32 {
      %mul3A_277 = arith.constant 2 : i32
      %mul3A_278 = arith.muli %mul3A_277, %scan3A_275 : i32
      %add3A_279 = arith.constant 1 : i32
      %add3A_280 = arith.addi %mul3A_278, %add3A_279 : i32
      %dma_wait3A_281 = arith.constant 0 : i32
      %dma_wait3A_282 = tpu.memref_slice %arg7[%dma_wait3A_281] : memref<768xi32, #tpu.memory_space<vmem>> -> memref<128xi32, #tpu.memory_space<vmem>>
      %dma_wait3A_283 = arith.constant 0 : i32
      %dma_wait3A_284 = arith.constant 0 : i32
      %dma_wait3A_285 = tpu.memref_slice %arg2[%dma_wait3A_283, %dma_wait3A_284] : memref<10000x144xf32, #tpu.memory_space<hbm>> -> memref<10000x144xf32, #tpu.memory_space<hbm>>
      tpu.wait_indirect_dma semaphore(%arg16 : memref<!tpu.dma_semaphore, #tpu.memory_space<semaphore_mem>>) src(%dma_wait3A_285 : memref<10000x144xf32, #tpu.memory_space<hbm>>) dst(%arg13 : memref<128x144xf32, #tpu.memory_space<vmem>>)
      %dma_wait3A_286 = arith.constant 0 : i32
      %dma_wait3A_287 = arith.constant 0 : i32
      %dma_wait3A_288 = tpu.memref_slice %arg9[%dma_wait3A_286, %dma_wait3A_287] : memref<6x128xi32, #tpu.memory_space<vmem>> -> memref<1x128xi32, #tpu.memory_space<vmem>>
      %dma_wait3A_289 = tpu.memref_squeeze %dma_wait3A_288 : memref<1x128xi32, #tpu.memory_space<vmem>> -> memref<128xi32, #tpu.memory_space<vmem>>
      %dma_wait3A_290 = arith.constant 0 : i32
      %dma_wait3A_291 = arith.constant 0 : i32
      %dma_wait3A_292 = tpu.memref_slice %arg15[%dma_wait3A_290, %dma_wait3A_291] : memref<10000x144xf32, #tpu.memory_space<vmem_shared>> -> memref<10000x144xf32, #tpu.memory_space<vmem_shared>>
      tpu.wait_indirect_dma semaphore(%arg18 : memref<!tpu.dma_semaphore, #tpu.memory_space<semaphore_mem>>) src(%arg13 : memref<128x144xf32, #tpu.memory_space<vmem>>) dst(%dma_wait3A_292 : memref<10000x144xf32, #tpu.memory_space<vmem_shared>>)
      %scan3A_293 = arith.constant 0 : i32
      %scan3A_294 = arith.constant 0 : i32
      %scan3A_295 = arith.constant 128 : i32
      %scan3A_296 = arith.addi %scan3A_294, %scan3A_295 : i32
      %scan3A_297 = arith.constant 1 : i32
      %scan3A_298 = scf.for %scan3A_690 = %scan3A_294 to %scan3A_296 step %scan3A_297 iter_args(%scan3A_691 = %scan3A_293) -> (i32)  : i32 {
        %jit3A_692 = arith.constant 32 : i32
        %div3A = arith.divsi %scan3A_690, %jit3A_692 : i32
        %sign3A = arith.constant 0 : i32
        %sign3A_693 = arith.cmpi sgt, %scan3A_690, %sign3A : i32
        %sign3A_694 = arith.extui %sign3A_693 : i1 to i32
        %sign3A_695 = arith.constant 0 : i32
        %sign3A_696 = arith.cmpi slt, %scan3A_690, %sign3A_695 : i32
        %sign3A_697 = arith.extui %sign3A_696 : i1 to i32
        %sign3A_698 = arith.subi %sign3A_694, %sign3A_697 : i32
        %sign3A_699 = arith.constant 0 : i32
        %sign3A_700 = arith.cmpi sgt, %jit3A_692, %sign3A_699 : i32
        %sign3A_701 = arith.extui %sign3A_700 : i1 to i32
        %sign3A_702 = arith.constant 0 : i32
        %sign3A_703 = arith.cmpi slt, %jit3A_692, %sign3A_702 : i32
        %sign3A_704 = arith.extui %sign3A_703 : i1 to i32
        %sign3A_705 = arith.subi %sign3A_701, %sign3A_704 : i32
        %ne3A = arith.cmpi ne, %sign3A_698, %sign3A_705 : i32
        %rem3A = arith.remsi %scan3A_690, %jit3A_692 : i32
        %ne3A_706 = arith.constant 0 : i32
        %ne3A_707 = arith.cmpi ne, %rem3A, %ne3A_706 : i32
        %and3A = arith.andi %ne3A, %ne3A_707 : i1
        %sub3A = arith.constant 1 : i32
        %sub3A_708 = arith.subi %div3A, %sub3A : i32
        %select_n3A_709 = arith.select %and3A, %sub3A_708, %div3A : i32
        %mul3A_710 = arith.constant 32 : i32
        %mul3A_711 = arith.muli %select_n3A_709, %mul3A_710 : i32
        %add3A_712 = arith.constant 0 : i32
        %add3A_713 = arith.addi %add3A_712, %mul3A_711 : i32
        %get3A = arith.index_cast %add3A_713 : i32 to index
        %get3A_714 = tpu.vector_load %arg11[%get3A] {strides = array<i32>} : memref<768xbf16, #tpu.memory_space<vmem>>, vector<32xbf16>,
        %unpack3A = tpu.unpack_subelements %get3A_714, 0 {pack_format = #tpu.pack_format<interleaved>} : vector<32xbf16> -> vector<16xf32>
        %unpack3A_715 = tpu.unpack_subelements %get3A_714, 1 {pack_format = #tpu.pack_format<interleaved>} : vector<32xbf16> -> vector<16xf32>
        %jit3A_716 = arith.constant 2 : i32
        %eq3A = arith.constant 0 : i32
        %eq3A_717 = arith.cmpi eq, %jit3A_716, %eq3A : i32
        %jit3A_718 = arith.constant 1 : i32
        %select_n3A_719 = arith.select %eq3A_717, %jit3A_718, %jit3A_716 : i32
        %rem3A_720 = arith.remsi %scan3A_690, %select_n3A_719 : i32
        %ne3A_721 = arith.constant 0 : i32
        %ne3A_722 = arith.cmpi ne, %rem3A_720, %ne3A_721 : i32
        %lt3A_723 = arith.constant 0 : i32
        %lt3A_724 = arith.cmpi slt, %rem3A_720, %lt3A_723 : i32
        %lt3A_725 = arith.constant 0 : i32
        %lt3A_726 = arith.cmpi slt, %select_n3A_719, %lt3A_725 : i32
        %ne3A_727 = arith.xori %lt3A_724, %lt3A_726 : i1
        %and3A_728 = arith.andi %ne3A_727, %ne3A_722 : i1
        %add3A_729 = arith.addi %rem3A_720, %select_n3A_719 : i32
        %select_n3A_730 = arith.select %and3A_728, %add3A_729, %rem3A_720 : i32
        %eq3A_731 = arith.constant 0 : i32
        %eq3A_732 = arith.cmpi eq, %select_n3A_730, %eq3A_731 : i32
        %select_n3A_733 = arith.select %eq3A_732, %unpack3A, %unpack3A_715 : vector<16xf32>
        %jit3A_734 = arith.constant 32 : i32
        %eq3A_735 = arith.constant 0 : i32
        %eq3A_736 = arith.cmpi eq, %jit3A_734, %eq3A_735 : i32
        %jit3A_737 = arith.constant 1 : i32
        %select_n3A_738 = arith.select %eq3A_736, %jit3A_737, %jit3A_734 : i32
        %rem3A_739 = arith.remsi %scan3A_690, %select_n3A_738 : i32
        %ne3A_740 = arith.constant 0 : i32
        %ne3A_741 = arith.cmpi ne, %rem3A_739, %ne3A_740 : i32
        %lt3A_742 = arith.constant 0 : i32
        %lt3A_743 = arith.cmpi slt, %rem3A_739, %lt3A_742 : i32
        %lt3A_744 = arith.constant 0 : i32
        %lt3A_745 = arith.cmpi slt, %select_n3A_738, %lt3A_744 : i32
        %ne3A_746 = arith.xori %lt3A_743, %lt3A_745 : i1
        %and3A_747 = arith.andi %ne3A_746, %ne3A_741 : i1
        %add3A_748 = arith.addi %rem3A_739, %select_n3A_738 : i32
        %select_n3A_749 = arith.select %and3A_747, %add3A_748, %rem3A_739 : i32
        %jit3A_750 = arith.constant 2 : i32
        %div3A_751 = arith.divsi %select_n3A_749, %jit3A_750 : i32
        %sign3A_752 = arith.constant 0 : i32
        %sign3A_753 = arith.cmpi sgt, %select_n3A_749, %sign3A_752 : i32
        %sign3A_754 = arith.extui %sign3A_753 : i1 to i32
        %sign3A_755 = arith.constant 0 : i32
        %sign3A_756 = arith.cmpi slt, %select_n3A_749, %sign3A_755 : i32
        %sign3A_757 = arith.extui %sign3A_756 : i1 to i32
        %sign3A_758 = arith.subi %sign3A_754, %sign3A_757 : i32
        %sign3A_759 = arith.constant 0 : i32
        %sign3A_760 = arith.cmpi sgt, %jit3A_750, %sign3A_759 : i32
        %sign3A_761 = arith.extui %sign3A_760 : i1 to i32
        %sign3A_762 = arith.constant 0 : i32
        %sign3A_763 = arith.cmpi slt, %jit3A_750, %sign3A_762 : i32
        %sign3A_764 = arith.extui %sign3A_763 : i1 to i32
        %sign3A_765 = arith.subi %sign3A_761, %sign3A_764 : i32
        %ne3A_766 = arith.cmpi ne, %sign3A_758, %sign3A_765 : i32
        %rem3A_767 = arith.remsi %select_n3A_749, %jit3A_750 : i32
        %ne3A_768 = arith.constant 0 : i32
        %ne3A_769 = arith.cmpi ne, %rem3A_767, %ne3A_768 : i32
        %and3A_770 = arith.andi %ne3A_766, %ne3A_769 : i1
        %sub3A_771 = arith.constant 1 : i32
        %sub3A_772 = arith.subi %div3A_751, %sub3A_771 : i32
        %select_n3A_773 = arith.select %and3A_770, %sub3A_772, %div3A_751 : i32
        %broadcast_in_dim3A_774 = vector.broadcast %select_n3A_773 : i32 to vector<16x1xi32>
        %gather3A = vector.shape_cast %broadcast_in_dim3A_774 : vector<16x1xi32> to vector<16xi32>
        %gather3A_775 = tpu.dynamic_gather %select_n3A_733[%gather3A] in [0] : vector<16xf32>, vector<16xi32> -> vector<16xf32>
        %get3A_776 = arith.index_cast %scan3A_690 : i32 to index
        %get3A_777 = arith.constant 0 : index
        %get3A_778 = tpu.vector_load %arg13[%get3A_776, %get3A_777] {strides = array<i32>} : memref<128x144xf32, #tpu.memory_space<vmem>>, vector<16xf32>,
        %mul3A_779 = arith.mulf %get3A_778, %gather3A_775 : vector<16xf32>
        %swap3A = arith.index_cast %scan3A_690 : i32 to index
        %swap3A_780 = arith.constant 0 : index
        %swap3A_781 = tpu.vector_load %arg13[%swap3A, %swap3A_780] {strides = array<i32>} : memref<128x144xf32, #tpu.memory_space<vmem>>, vector<16xf32>,
        tpu.vector_store %arg13[%swap3A, %swap3A_780], %mul3A_779 {strides = array<i32>} : memref<128x144xf32, #tpu.memory_space<vmem>>, vector<16xf32>,
        %get3A_782 = arith.index_cast %scan3A_690 : i32 to index
        %get3A_783 = arith.constant 16 : index
        %get3A_784 = tpu.vector_load %arg13[%get3A_782, %get3A_783] {strides = array<i32>} : memref<128x144xf32, #tpu.memory_space<vmem>>, vector<16xf32>,
        %mul3A_785 = arith.mulf %get3A_784, %gather3A_775 : vector<16xf32>
        %swap3A_786 = arith.index_cast %scan3A_690 : i32 to index
        %swap3A_787 = arith.constant 16 : index
        %swap3A_788 = tpu.vector_load %arg13[%swap3A_786, %swap3A_787] {strides = array<i32>} : memref<128x144xf32, #tpu.memory_space<vmem>>, vector<16xf32>,
        tpu.vector_store %arg13[%swap3A_786, %swap3A_787], %mul3A_785 {strides = array<i32>} : memref<128x144xf32, #tpu.memory_space<vmem>>, vector<16xf32>,
        %get3A_789 = arith.index_cast %scan3A_690 : i32 to index
        %get3A_790 = arith.constant 32 : index
        %get3A_791 = tpu.vector_load %arg13[%get3A_789, %get3A_790] {strides = array<i32>} : memref<128x144xf32, #tpu.memory_space<vmem>>, vector<16xf32>,
        %mul3A_792 = arith.mulf %get3A_791, %gather3A_775 : vector<16xf32>
        %swap3A_793 = arith.index_cast %scan3A_690 : i32 to index
        %swap3A_794 = arith.constant 32 : index
        %swap3A_795 = tpu.vector_load %arg13[%swap3A_793, %swap3A_794] {strides = array<i32>} : memref<128x144xf32, #tpu.memory_space<vmem>>, vector<16xf32>,
        tpu.vector_store %arg13[%swap3A_793, %swap3A_794], %mul3A_792 {strides = array<i32>} : memref<128x144xf32, #tpu.memory_space<vmem>>, vector<16xf32>,
        %get3A_796 = arith.index_cast %scan3A_690 : i32 to index
        %get3A_797 = arith.constant 48 : index
        %get3A_798 = tpu.vector_load %arg13[%get3A_796, %get3A_797] {strides = array<i32>} : memref<128x144xf32, #tpu.memory_space<vmem>>, vector<16xf32>,
        %mul3A_799 = arith.mulf %get3A_798, %gather3A_775 : vector<16xf32>
        %swap3A_800 = arith.index_cast %scan3A_690 : i32 to index
        %swap3A_801 = arith.constant 48 : index
        %swap3A_802 = tpu.vector_load %arg13[%swap3A_800, %swap3A_801] {strides = array<i32>} : memref<128x144xf32, #tpu.memory_space<vmem>>, vector<16xf32>,
        tpu.vector_store %arg13[%swap3A_800, %swap3A_801], %mul3A_799 {strides = array<i32>} : memref<128x144xf32, #tpu.memory_space<vmem>>, vector<16xf32>,
        %get3A_803 = arith.index_cast %scan3A_690 : i32 to index
        %get3A_804 = arith.constant 64 : index
        %get3A_805 = tpu.vector_load %arg13[%get3A_803, %get3A_804] {strides = array<i32>} : memref<128x144xf32, #tpu.memory_space<vmem>>, vector<16xf32>,
        %mul3A_806 = arith.mulf %get3A_805, %gather3A_775 : vector<16xf32>
        %swap3A_807 = arith.index_cast %scan3A_690 : i32 to index
        %swap3A_808 = arith.constant 64 : index
        %swap3A_809 = tpu.vector_load %arg13[%swap3A_807, %swap3A_808] {strides = array<i32>} : memref<128x144xf32, #tpu.memory_space<vmem>>, vector<16xf32>,
        tpu.vector_store %arg13[%swap3A_807, %swap3A_808], %mul3A_806 {strides = array<i32>} : memref<128x144xf32, #tpu.memory_space<vmem>>, vector<16xf32>,
        %get3A_810 = arith.index_cast %scan3A_690 : i32 to index
        %get3A_811 = arith.constant 80 : index
        %get3A_812 = tpu.vector_load %arg13[%get3A_810, %get3A_811] {strides = array<i32>} : memref<128x144xf32, #tpu.memory_space<vmem>>, vector<16xf32>,
        %mul3A_813 = arith.mulf %get3A_812, %gather3A_775 : vector<16xf32>
        %swap3A_814 = arith.index_cast %scan3A_690 : i32 to index
        %swap3A_815 = arith.constant 80 : index
        %swap3A_816 = tpu.vector_load %arg13[%swap3A_814, %swap3A_815] {strides = array<i32>} : memref<128x144xf32, #tpu.memory_space<vmem>>, vector<16xf32>,
        tpu.vector_store %arg13[%swap3A_814, %swap3A_815], %mul3A_813 {strides = array<i32>} : memref<128x144xf32, #tpu.memory_space<vmem>>, vector<16xf32>,
        %get3A_817 = arith.index_cast %scan3A_690 : i32 to index
        %get3A_818 = arith.constant 96 : index
        %get3A_819 = tpu.vector_load %arg13[%get3A_817, %get3A_818] {strides = array<i32>} : memref<128x144xf32, #tpu.memory_space<vmem>>, vector<16xf32>,
        %mul3A_820 = arith.mulf %get3A_819, %gather3A_775 : vector<16xf32>
        %swap3A_821 = arith.index_cast %scan3A_690 : i32 to index
        %swap3A_822 = arith.constant 96 : index
        %swap3A_823 = tpu.vector_load %arg13[%swap3A_821, %swap3A_822] {strides = array<i32>} : memref<128x144xf32, #tpu.memory_space<vmem>>, vector<16xf32>,
        tpu.vector_store %arg13[%swap3A_821, %swap3A_822], %mul3A_820 {strides = array<i32>} : memref<128x144xf32, #tpu.memory_space<vmem>>, vector<16xf32>,
        %get3A_824 = arith.index_cast %scan3A_690 : i32 to index
        %get3A_825 = arith.constant 112 : index
        %get3A_826 = tpu.vector_load %arg13[%get3A_824, %get3A_825] {strides = array<i32>} : memref<128x144xf32, #tpu.memory_space<vmem>>, vector<16xf32>,
        %mul3A_827 = arith.mulf %get3A_826, %gather3A_775 : vector<16xf32>
        %swap3A_828 = arith.index_cast %scan3A_690 : i32 to index
        %swap3A_829 = arith.constant 112 : index
        %swap3A_830 = tpu.vector_load %arg13[%swap3A_828, %swap3A_829] {strides = array<i32>} : memref<128x144xf32, #tpu.memory_space<vmem>>, vector<16xf32>,
        tpu.vector_store %arg13[%swap3A_828, %swap3A_829], %mul3A_827 {strides = array<i32>} : memref<128x144xf32, #tpu.memory_space<vmem>>, vector<16xf32>,
        %scan3A_831 = arith.constant 0 : i32
        scf.yield %scan3A_831 : i32
      }
      %scan3A_299 = arith.constant 128 : i32
      %dma_start3A_300 = arith.constant 0 : i32
      %dma_start3A_301 = arith.constant 0 : i32
      %dma_start3A_302 = tpu.memref_slice %arg12[%dma_start3A_300, %dma_start3A_301] : memref<6x128xi32, #tpu.memory_space<vmem>> -> memref<1x128xi32, #tpu.memory_space<vmem>>
      %dma_start3A_303 = tpu.memref_squeeze %dma_start3A_302 : memref<1x128xi32, #tpu.memory_space<vmem>> -> memref<128xi32, #tpu.memory_space<vmem>>
      %dma_start3A_304 = arith.constant 0 : i32
      %dma_start3A_305 = arith.constant 0 : i32
      %dma_start3A_306 = tpu.memref_slice %arg15[%dma_start3A_304, %dma_start3A_305] : memref<10000x144xf32, #tpu.memory_space<vmem_shared>> -> memref<10000x144xf32, #tpu.memory_space<vmem_shared>>
      tpu.enqueue_indirect_dma source(%arg13 : memref<128x144xf32, #tpu.memory_space<vmem>>) target(%dma_start3A_306 : memref<10000x144xf32, #tpu.memory_space<vmem_shared>>) offsets(%dma_start3A_303 : memref<128xi32, #tpu.memory_space<vmem>>) semaphore(%arg18 : memref<!tpu.dma_semaphore, #tpu.memory_space<semaphore_mem>>) {add = true}
      %dma_start3A_307 = arith.constant 256 : i32
      %dma_start3A_308 = tpu.memref_slice %arg10[%dma_start3A_307] : memref<768xi32, #tpu.memory_space<vmem>> -> memref<128xi32, #tpu.memory_space<vmem>>
      %dma_start3A_309 = arith.constant 0 : i32
      %dma_start3A_310 = arith.constant 0 : i32
      %dma_start3A_311 = tpu.memref_slice %arg2[%dma_start3A_309, %dma_start3A_310] : memref<10000x144xf32, #tpu.memory_space<hbm>> -> memref<10000x144xf32, #tpu.memory_space<hbm>>
      tpu.enqueue_indirect_dma source(%dma_start3A_311 : memref<10000x144xf32, #tpu.memory_space<hbm>>) target(%arg13 : memref<128x144xf32, #tpu.memory_space<vmem>>) offsets(%dma_start3A_308 : memref<128xi32, #tpu.memory_space<vmem>>) semaphore(%arg16 : memref<!tpu.dma_semaphore, #tpu.memory_space<semaphore_mem>>)
      %dma_wait3A_312 = arith.constant 0 : i32
      %dma_wait3A_313 = tpu.memref_slice %arg7[%dma_wait3A_312] : memref<768xi32, #tpu.memory_space<vmem>> -> memref<128xi32, #tpu.memory_space<vmem>>
      %dma_wait3A_314 = arith.constant 0 : i32
      %dma_wait3A_315 = arith.constant 0 : i32
      %dma_wait3A_316 = tpu.memref_slice %arg2[%dma_wait3A_314, %dma_wait3A_315] : memref<10000x144xf32, #tpu.memory_space<hbm>> -> memref<10000x144xf32, #tpu.memory_space<hbm>>
      tpu.wait_indirect_dma semaphore(%arg17 : memref<!tpu.dma_semaphore, #tpu.memory_space<semaphore_mem>>) src(%dma_wait3A_316 : memref<10000x144xf32, #tpu.memory_space<hbm>>) dst(%arg14 : memref<128x144xf32, #tpu.memory_space<vmem>>)
      %dma_wait3A_317 = arith.constant 0 : i32
      %dma_wait3A_318 = arith.constant 0 : i32
      %dma_wait3A_319 = tpu.memref_slice %arg9[%dma_wait3A_317, %dma_wait3A_318] : memref<6x128xi32, #tpu.memory_space<vmem>> -> memref<1x128xi32, #tpu.memory_space<vmem>>
      %dma_wait3A_320 = tpu.memref_squeeze %dma_wait3A_319 : memref<1x128xi32, #tpu.memory_space<vmem>> -> memref<128xi32, #tpu.memory_space<vmem>>
      %dma_wait3A_321 = arith.constant 0 : i32
      %dma_wait3A_322 = arith.constant 0 : i32
      %dma_wait3A_323 = tpu.memref_slice %arg15[%dma_wait3A_321, %dma_wait3A_322] : memref<10000x144xf32, #tpu.memory_space<vmem_shared>> -> memref<10000x144xf32, #tpu.memory_space<vmem_shared>>
      tpu.wait_indirect_dma semaphore(%arg19 : memref<!tpu.dma_semaphore, #tpu.memory_space<semaphore_mem>>) src(%arg14 : memref<128x144xf32, #tpu.memory_space<vmem>>) dst(%dma_wait3A_323 : memref<10000x144xf32, #tpu.memory_space<vmem_shared>>)
      %scan3A_324 = arith.constant 0 : i32
      %scan3A_325 = arith.constant 0 : i32
      %scan3A_326 = arith.constant 128 : i32
      %scan3A_327 = arith.addi %scan3A_325, %scan3A_326 : i32
      %scan3A_328 = arith.constant 1 : i32
      %scan3A_329 = scf.for %scan3A_690 = %scan3A_325 to %scan3A_327 step %scan3A_328 iter_args(%scan3A_691 = %scan3A_324) -> (i32)  : i32 {
        %jit3A_692 = arith.constant 32 : i32
        %div3A = arith.divsi %scan3A_690, %jit3A_692 : i32
        %sign3A = arith.constant 0 : i32
        %sign3A_693 = arith.cmpi sgt, %scan3A_690, %sign3A : i32
        %sign3A_694 = arith.extui %sign3A_693 : i1 to i32
        %sign3A_695 = arith.constant 0 : i32
        %sign3A_696 = arith.cmpi slt, %scan3A_690, %sign3A_695 : i32
        %sign3A_697 = arith.extui %sign3A_696 : i1 to i32
        %sign3A_698 = arith.subi %sign3A_694, %sign3A_697 : i32
        %sign3A_699 = arith.constant 0 : i32
        %sign3A_700 = arith.cmpi sgt, %jit3A_692, %sign3A_699 : i32
        %sign3A_701 = arith.extui %sign3A_700 : i1 to i32
        %sign3A_702 = arith.constant 0 : i32
        %sign3A_703 = arith.cmpi slt, %jit3A_692, %sign3A_702 : i32
        %sign3A_704 = arith.extui %sign3A_703 : i1 to i32
        %sign3A_705 = arith.subi %sign3A_701, %sign3A_704 : i32
        %ne3A = arith.cmpi ne, %sign3A_698, %sign3A_705 : i32
        %rem3A = arith.remsi %scan3A_690, %jit3A_692 : i32
        %ne3A_706 = arith.constant 0 : i32
        %ne3A_707 = arith.cmpi ne, %rem3A, %ne3A_706 : i32
        %and3A = arith.andi %ne3A, %ne3A_707 : i1
        %sub3A = arith.constant 1 : i32
        %sub3A_708 = arith.subi %div3A, %sub3A : i32
        %select_n3A_709 = arith.select %and3A, %sub3A_708, %div3A : i32
        %mul3A_710 = arith.constant 32 : i32
        %mul3A_711 = arith.muli %select_n3A_709, %mul3A_710 : i32
        %add3A_712 = arith.constant 128 : i32
        %add3A_713 = arith.addi %add3A_712, %mul3A_711 : i32
        %get3A = arith.index_cast %add3A_713 : i32 to index
        %get3A_714 = tpu.vector_load %arg11[%get3A] {strides = array<i32>} : memref<768xbf16, #tpu.memory_space<vmem>>, vector<32xbf16>,
        %unpack3A = tpu.unpack_subelements %get3A_714, 0 {pack_format = #tpu.pack_format<interleaved>} : vector<32xbf16> -> vector<16xf32>
        %unpack3A_715 = tpu.unpack_subelements %get3A_714, 1 {pack_format = #tpu.pack_format<interleaved>} : vector<32xbf16> -> vector<16xf32>
        %jit3A_716 = arith.constant 2 : i32
        %eq3A = arith.constant 0 : i32
        %eq3A_717 = arith.cmpi eq, %jit3A_716, %eq3A : i32
        %jit3A_718 = arith.constant 1 : i32
        %select_n3A_719 = arith.select %eq3A_717, %jit3A_718, %jit3A_716 : i32
        %rem3A_720 = arith.remsi %scan3A_690, %select_n3A_719 : i32
        %ne3A_721 = arith.constant 0 : i32
        %ne3A_722 = arith.cmpi ne, %rem3A_720, %ne3A_721 : i32
        %lt3A_723 = arith.constant 0 : i32
        %lt3A_724 = arith.cmpi slt, %rem3A_720, %lt3A_723 : i32
        %lt3A_725 = arith.constant 0 : i32
        %lt3A_726 = arith.cmpi slt, %select_n3A_719, %lt3A_725 : i32
        %ne3A_727 = arith.xori %lt3A_724, %lt3A_726 : i1
        %and3A_728 = arith.andi %ne3A_727, %ne3A_722 : i1
        %add3A_729 = arith.addi %rem3A_720, %select_n3A_719 : i32
        %select_n3A_730 = arith.select %and3A_728, %add3A_729, %rem3A_720 : i32
        %eq3A_731 = arith.constant 0 : i32
        %eq3A_732 = arith.cmpi eq, %select_n3A_730, %eq3A_731 : i32
        %select_n3A_733 = arith.select %eq3A_732, %unpack3A, %unpack3A_715 : vector<16xf32>
        %jit3A_734 = arith.constant 32 : i32
        %eq3A_735 = arith.constant 0 : i32
        %eq3A_736 = arith.cmpi eq, %jit3A_734, %eq3A_735 : i32
        %jit3A_737 = arith.constant 1 : i32
        %select_n3A_738 = arith.select %eq3A_736, %jit3A_737, %jit3A_734 : i32
        %rem3A_739 = arith.remsi %scan3A_690, %select_n3A_738 : i32
        %ne3A_740 = arith.constant 0 : i32
        %ne3A_741 = arith.cmpi ne, %rem3A_739, %ne3A_740 : i32
        %lt3A_742 = arith.constant 0 : i32
        %lt3A_743 = arith.cmpi slt, %rem3A_739, %lt3A_742 : i32
        %lt3A_744 = arith.constant 0 : i32
        %lt3A_745 = arith.cmpi slt, %select_n3A_738, %lt3A_744 : i32
        %ne3A_746 = arith.xori %lt3A_743, %lt3A_745 : i1
        %and3A_747 = arith.andi %ne3A_746, %ne3A_741 : i1
        %add3A_748 = arith.addi %rem3A_739, %select_n3A_738 : i32
        %select_n3A_749 = arith.select %and3A_747, %add3A_748, %rem3A_739 : i32
        %jit3A_750 = arith.constant 2 : i32
        %div3A_751 = arith.divsi %select_n3A_749, %jit3A_750 : i32
        %sign3A_752 = arith.constant 0 : i32
        %sign3A_753 = arith.cmpi sgt, %select_n3A_749, %sign3A_752 : i32
        %sign3A_754 = arith.extui %sign3A_753 : i1 to i32
        %sign3A_755 = arith.constant 0 : i32
        %sign3A_756 = arith.cmpi slt, %select_n3A_749, %sign3A_755 : i32
        %sign3A_757 = arith.extui %sign3A_756 : i1 to i32
        %sign3A_758 = arith.subi %sign3A_754, %sign3A_757 : i32
        %sign3A_759 = arith.constant 0 : i32
        %sign3A_760 = arith.cmpi sgt, %jit3A_750, %sign3A_759 : i32
        %sign3A_761 = arith.extui %sign3A_760 : i1 to i32
        %sign3A_762 = arith.constant 0 : i32
        %sign3A_763 = arith.cmpi slt, %jit3A_750, %sign3A_762 : i32
        %sign3A_764 = arith.extui %sign3A_763 : i1 to i32
        %sign3A_765 = arith.subi %sign3A_761, %sign3A_764 : i32
        %ne3A_766 = arith.cmpi ne, %sign3A_758, %sign3A_765 : i32
        %rem3A_767 = arith.remsi %select_n3A_749, %jit3A_750 : i32
        %ne3A_768 = arith.constant 0 : i32
        %ne3A_769 = arith.cmpi ne, %rem3A_767, %ne3A_768 : i32
        %and3A_770 = arith.andi %ne3A_766, %ne3A_769 : i1
        %sub3A_771 = arith.constant 1 : i32
        %sub3A_772 = arith.subi %div3A_751, %sub3A_771 : i32
        %select_n3A_773 = arith.select %and3A_770, %sub3A_772, %div3A_751 : i32
        %broadcast_in_dim3A_774 = vector.broadcast %select_n3A_773 : i32 to vector<16x1xi32>
        %gather3A = vector.shape_cast %broadcast_in_dim3A_774 : vector<16x1xi32> to vector<16xi32>
        %gather3A_775 = tpu.dynamic_gather %select_n3A_733[%gather3A] in [0] : vector<16xf32>, vector<16xi32> -> vector<16xf32>
        %get3A_776 = arith.index_cast %scan3A_690 : i32 to index
        %get3A_777 = arith.constant 0 : index
        %get3A_778 = tpu.vector_load %arg14[%get3A_776, %get3A_777] {strides = array<i32>} : memref<128x144xf32, #tpu.memory_space<vmem>>, vector<16xf32>,
        %mul3A_779 = arith.mulf %get3A_778, %gather3A_775 : vector<16xf32>
        %swap3A = arith.index_cast %scan3A_690 : i32 to index
        %swap3A_780 = arith.constant 0 : index
        %swap3A_781 = tpu.vector_load %arg14[%swap3A, %swap3A_780] {strides = array<i32>} : memref<128x144xf32, #tpu.memory_space<vmem>>, vector<16xf32>,
        tpu.vector_store %arg14[%swap3A, %swap3A_780], %mul3A_779 {strides = array<i32>} : memref<128x144xf32, #tpu.memory_space<vmem>>, vector<16xf32>,
        %get3A_782 = arith.index_cast %scan3A_690 : i32 to index
        %get3A_783 = arith.constant 16 : index
        %get3A_784 = tpu.vector_load %arg14[%get3A_782, %get3A_783] {strides = array<i32>} : memref<128x144xf32, #tpu.memory_space<vmem>>, vector<16xf32>,
        %mul3A_785 = arith.mulf %get3A_784, %gather3A_775 : vector<16xf32>
        %swap3A_786 = arith.index_cast %scan3A_690 : i32 to index
        %swap3A_787 = arith.constant 16 : index
        %swap3A_788 = tpu.vector_load %arg14[%swap3A_786, %swap3A_787] {strides = array<i32>} : memref<128x144xf32, #tpu.memory_space<vmem>>, vector<16xf32>,
        tpu.vector_store %arg14[%swap3A_786, %swap3A_787], %mul3A_785 {strides = array<i32>} : memref<128x144xf32, #tpu.memory_space<vmem>>, vector<16xf32>,
        %get3A_789 = arith.index_cast %scan3A_690 : i32 to index
        %get3A_790 = arith.constant 32 : index
        %get3A_791 = tpu.vector_load %arg14[%get3A_789, %get3A_790] {strides = array<i32>} : memref<128x144xf32, #tpu.memory_space<vmem>>, vector<16xf32>,
        %mul3A_792 = arith.mulf %get3A_791, %gather3A_775 : vector<16xf32>
        %swap3A_793 = arith.index_cast %scan3A_690 : i32 to index
        %swap3A_794 = arith.constant 32 : index
        %swap3A_795 = tpu.vector_load %arg14[%swap3A_793, %swap3A_794] {strides = array<i32>} : memref<128x144xf32, #tpu.memory_space<vmem>>, vector<16xf32>,
        tpu.vector_store %arg14[%swap3A_793, %swap3A_794], %mul3A_792 {strides = array<i32>} : memref<128x144xf32, #tpu.memory_space<vmem>>, vector<16xf32>,
        %get3A_796 = arith.index_cast %scan3A_690 : i32 to index
        %get3A_797 = arith.constant 48 : index
        %get3A_798 = tpu.vector_load %arg14[%get3A_796, %get3A_797] {strides = array<i32>} : memref<128x144xf32, #tpu.memory_space<vmem>>, vector<16xf32>,
        %mul3A_799 = arith.mulf %get3A_798, %gather3A_775 : vector<16xf32>
        %swap3A_800 = arith.index_cast %scan3A_690 : i32 to index
        %swap3A_801 = arith.constant 48 : index
        %swap3A_802 = tpu.vector_load %arg14[%swap3A_800, %swap3A_801] {strides = array<i32>} : memref<128x144xf32, #tpu.memory_space<vmem>>, vector<16xf32>,
        tpu.vector_store %arg14[%swap3A_800, %swap3A_801], %mul3A_799 {strides = array<i32>} : memref<128x144xf32, #tpu.memory_space<vmem>>, vector<16xf32>,
        %get3A_803 = arith.index_cast %scan3A_690 : i32 to index
        %get3A_804 = arith.constant 64 : index
        %get3A_805 = tpu.vector_load %arg14[%get3A_803, %get3A_804] {strides = array<i32>} : memref<128x144xf32, #tpu.memory_space<vmem>>, vector<16xf32>,
        %mul3A_806 = arith.mulf %get3A_805, %gather3A_775 : vector<16xf32>
        %swap3A_807 = arith.index_cast %scan3A_690 : i32 to index
        %swap3A_808 = arith.constant 64 : index
        %swap3A_809 = tpu.vector_load %arg14[%swap3A_807, %swap3A_808] {strides = array<i32>} : memref<128x144xf32, #tpu.memory_space<vmem>>, vector<16xf32>,
        tpu.vector_store %arg14[%swap3A_807, %swap3A_808], %mul3A_806 {strides = array<i32>} : memref<128x144xf32, #tpu.memory_space<vmem>>, vector<16xf32>,
        %get3A_810 = arith.index_cast %scan3A_690 : i32 to index
        %get3A_811 = arith.constant 80 : index
        %get3A_812 = tpu.vector_load %arg14[%get3A_810, %get3A_811] {strides = array<i32>} : memref<128x144xf32, #tpu.memory_space<vmem>>, vector<16xf32>,
        %mul3A_813 = arith.mulf %get3A_812, %gather3A_775 : vector<16xf32>
        %swap3A_814 = arith.index_cast %scan3A_690 : i32 to index
        %swap3A_815 = arith.constant 80 : index
        %swap3A_816 = tpu.vector_load %arg14[%swap3A_814, %swap3A_815] {strides = array<i32>} : memref<128x144xf32, #tpu.memory_space<vmem>>, vector<16xf32>,
        tpu.vector_store %arg14[%swap3A_814, %swap3A_815], %mul3A_813 {strides = array<i32>} : memref<128x144xf32, #tpu.memory_space<vmem>>, vector<16xf32>,
        %get3A_817 = arith.index_cast %scan3A_690 : i32 to index
        %get3A_818 = arith.constant 96 : index
        %get3A_819 = tpu.vector_load %arg14[%get3A_817, %get3A_818] {strides = array<i32>} : memref<128x144xf32, #tpu.memory_space<vmem>>, vector<16xf32>,
        %mul3A_820 = arith.mulf %get3A_819, %gather3A_775 : vector<16xf32>
        %swap3A_821 = arith.index_cast %scan3A_690 : i32 to index
        %swap3A_822 = arith.constant 96 : index
        %swap3A_823 = tpu.vector_load %arg14[%swap3A_821, %swap3A_822] {strides = array<i32>} : memref<128x144xf32, #tpu.memory_space<vmem>>, vector<16xf32>,
        tpu.vector_store %arg14[%swap3A_821, %swap3A_822], %mul3A_820 {strides = array<i32>} : memref<128x144xf32, #tpu.memory_space<vmem>>, vector<16xf32>,
        %get3A_824 = arith.index_cast %scan3A_690 : i32 to index
        %get3A_825 = arith.constant 112 : index
        %get3A_826 = tpu.vector_load %arg14[%get3A_824, %get3A_825] {strides = array<i32>} : memref<128x144xf32, #tpu.memory_space<vmem>>, vector<16xf32>,
        %mul3A_827 = arith.mulf %get3A_826, %gather3A_775 : vector<16xf32>
        %swap3A_828 = arith.index_cast %scan3A_690 : i32 to index
        %swap3A_829 = arith.constant 112 : index
        %swap3A_830 = tpu.vector_load %arg14[%swap3A_828, %swap3A_829] {strides = array<i32>} : memref<128x144xf32, #tpu.memory_space<vmem>>, vector<16xf32>,
        tpu.vector_store %arg14[%swap3A_828, %swap3A_829], %mul3A_827 {strides = array<i32>} : memref<128x144xf32, #tpu.memory_space<vmem>>, vector<16xf32>,
        %scan3A_831 = arith.constant 0 : i32
        scf.yield %scan3A_831 : i32
      }
      %scan3A_330 = arith.constant 128 : i32
      %dma_start3A_331 = arith.constant 1 : i32
      %dma_start3A_332 = arith.constant 0 : i32
      %dma_start3A_333 = tpu.memref_slice %arg12[%dma_start3A_331, %dma_start3A_332] : memref<6x128xi32, #tpu.memory_space<vmem>> -> memref<1x128xi32, #tpu.memory_space<vmem>>
      %dma_start3A_334 = tpu.memref_squeeze %dma_start3A_333 : memref<1x128xi32, #tpu.memory_space<vmem>> -> memref<128xi32, #tpu.memory_space<vmem>>
      %dma_start3A_335 = arith.constant 0 : i32
      %dma_start3A_336 = arith.constant 0 : i32
      %dma_start3A_337 = tpu.memref_slice %arg15[%dma_start3A_335, %dma_start3A_336] : memref<10000x144xf32, #tpu.memory_space<vmem_shared>> -> memref<10000x144xf32, #tpu.memory_space<vmem_shared>>
      tpu.enqueue_indirect_dma source(%arg14 : memref<128x144xf32, #tpu.memory_space<vmem>>) target(%dma_start3A_337 : memref<10000x144xf32, #tpu.memory_space<vmem_shared>>) offsets(%dma_start3A_334 : memref<128xi32, #tpu.memory_space<vmem>>) semaphore(%arg19 : memref<!tpu.dma_semaphore, #tpu.memory_space<semaphore_mem>>) {add = true}
      %dma_start3A_338 = arith.constant 384 : i32
      %dma_start3A_339 = tpu.memref_slice %arg10[%dma_start3A_338] : memref<768xi32, #tpu.memory_space<vmem>> -> memref<128xi32, #tpu.memory_space<vmem>>
      %dma_start3A_340 = arith.constant 0 : i32
      %dma_start3A_341 = arith.constant 0 : i32
      %dma_start3A_342 = tpu.memref_slice %arg2[%dma_start3A_340, %dma_start3A_341] : memref<10000x144xf32, #tpu.memory_space<hbm>> -> memref<10000x144xf32, #tpu.memory_space<hbm>>
      tpu.enqueue_indirect_dma source(%dma_start3A_342 : memref<10000x144xf32, #tpu.memory_space<hbm>>) target(%arg14 : memref<128x144xf32, #tpu.memory_space<vmem>>) offsets(%dma_start3A_339 : memref<128xi32, #tpu.memory_space<vmem>>) semaphore(%arg17 : memref<!tpu.dma_semaphore, #tpu.memory_space<semaphore_mem>>)
      %add3A_343 = arith.constant 1 : i32
      %add3A_344 = arith.addi %add3A_280, %add3A_343 : i32
      %mul3A_345 = arith.constant 6 : i32
      %mul3A_346 = arith.muli %add3A_344, %mul3A_345 : i32
      %lt3A_347 = arith.cmpi slt, %mul3A_346, %add3A_8 : i32
      %convert_element_type3A_348 = arith.extui %lt3A_347 : i1 to i32
      %cond3A_349 = arith.constant 0 : i32
      %cond3A_350 = arith.cmpi ne, %convert_element_type3A_348, %cond3A_349 : i32
      scf.if %cond3A_350 {
        %add3A_690 = arith.constant 1 : i32
        %add3A_691 = arith.addi %add3A_280, %add3A_690 : i32
        %mul3A_692 = arith.constant 6 : i32
        %mul3A_693 = arith.muli %add3A_691, %mul3A_692 : i32
        %add3A_694 = arith.addi %add3A_4, %mul3A_693 : i32
        %mul3A_695 = arith.constant 128 : i32
        %mul3A_696 = arith.muli %add3A_694, %mul3A_695 : i32
        %dma_start3A_697 = tpu.memref_slice %arg3[%mul3A_696] : memref<320000xi32, #tpu.memory_space<hbm>> -> memref<768xi32, #tpu.memory_space<hbm>>
        %dma_start3A_698 = tpu.memref_slice %arg3[%mul3A_696] : memref<320000xi32, #tpu.memory_space<hbm>> -> memref<768xi32, #tpu.memory_space<hbm>>
        tpu.enqueue_dma source(%dma_start3A_698 : memref<768xi32, #tpu.memory_space<hbm>>) target(%arg7 : memref<768xi32, #tpu.memory_space<vmem>>) target_semaphore(%arg20 : memref<!tpu.dma_semaphore, #tpu.memory_space<semaphore_mem>>)
        %dma_start3A_699 = tpu.memref_slice %arg5[%mul3A_696] : memref<320000xbf16, #tpu.memory_space<hbm>> -> memref<768xbf16, #tpu.memory_space<hbm>>
        %dma_start3A_700 = tpu.memref_slice %arg5[%mul3A_696] : memref<320000xbf16, #tpu.memory_space<hbm>> -> memref<768xbf16, #tpu.memory_space<hbm>>
        tpu.enqueue_dma source(%dma_start3A_700 : memref<768xbf16, #tpu.memory_space<hbm>>) target(%arg8 : memref<768xbf16, #tpu.memory_space<vmem>>) target_semaphore(%arg20 : memref<!tpu.dma_semaphore, #tpu.memory_space<semaphore_mem>>)
        %dma_start3A_701 = arith.constant 0 : i32
        %dma_start3A_702 = tpu.memref_slice %arg4[%add3A_694, %dma_start3A_701] : memref<2500x128xi32, #tpu.memory_space<hbm>> -> memref<6x128xi32, #tpu.memory_space<hbm>>
        %dma_start3A_703 = arith.constant 0 : i32
        %dma_start3A_704 = tpu.memref_slice %arg4[%add3A_694, %dma_start3A_703] : memref<2500x128xi32, #tpu.memory_space<hbm>> -> memref<6x128xi32, #tpu.memory_space<hbm>>
        tpu.enqueue_dma source(%dma_start3A_704 : memref<6x128xi32, #tpu.memory_space<hbm>>) target(%arg9 : memref<6x128xi32, #tpu.memory_space<vmem>>) target_semaphore(%arg20 : memref<!tpu.dma_semaphore, #tpu.memory_space<semaphore_mem>>)
      } else {
      }
      %dma_wait3A_351 = arith.constant 0 : i32
      %dma_wait3A_352 = tpu.memref_slice %arg7[%dma_wait3A_351] : memref<768xi32, #tpu.memory_space<vmem>> -> memref<128xi32, #tpu.memory_space<vmem>>
      %dma_wait3A_353 = arith.constant 0 : i32
      %dma_wait3A_354 = arith.constant 0 : i32
      %dma_wait3A_355 = tpu.memref_slice %arg2[%dma_wait3A_353, %dma_wait3A_354] : memref<10000x144xf32, #tpu.memory_space<hbm>> -> memref<10000x144xf32, #tpu.memory_space<hbm>>
      tpu.wait_indirect_dma semaphore(%arg16 : memref<!tpu.dma_semaphore, #tpu.memory_space<semaphore_mem>>) src(%dma_wait3A_355 : memref<10000x144xf32, #tpu.memory_space<hbm>>) dst(%arg13 : memref<128x144xf32, #tpu.memory_space<vmem>>)
      %dma_wait3A_356 = arith.constant 0 : i32
      %dma_wait3A_357 = arith.constant 0 : i32
      %dma_wait3A_358 = tpu.memref_slice %arg9[%dma_wait3A_356, %dma_wait3A_357] : memref<6x128xi32, #tpu.memory_space<vmem>> -> memref<1x128xi32, #tpu.memory_space<vmem>>
      %dma_wait3A_359 = tpu.memref_squeeze %dma_wait3A_358 : memref<1x128xi32, #tpu.memory_space<vmem>> -> memref<128xi32, #tpu.memory_space<vmem>>
      %dma_wait3A_360 = arith.constant 0 : i32
      %dma_wait3A_361 = arith.constant 0 : i32
      %dma_wait3A_362 = tpu.memref_slice %arg15[%dma_wait3A_360, %dma_wait3A_361] : memref<10000x144xf32, #tpu.memory_space<vmem_shared>> -> memref<10000x144xf32, #tpu.memory_space<vmem_shared>>
      tpu.wait_indirect_dma semaphore(%arg18 : memref<!tpu.dma_semaphore, #tpu.memory_space<semaphore_mem>>) src(%arg13 : memref<128x144xf32, #tpu.memory_space<vmem>>) dst(%dma_wait3A_362 : memref<10000x144xf32, #tpu.memory_space<vmem_shared>>)
      %scan3A_363 = arith.constant 0 : i32
      %scan3A_364 = arith.constant 0 : i32
      %scan3A_365 = arith.constant 128 : i32
      %scan3A_366 = arith.addi %scan3A_364, %scan3A_365 : i32
      %scan3A_367 = arith.constant 1 : i32
      %scan3A_368 = scf.for %scan3A_690 = %scan3A_364 to %scan3A_366 step %scan3A_367 iter_args(%scan3A_691 = %scan3A_363) -> (i32)  : i32 {
        %jit3A_692 = arith.constant 32 : i32
        %div3A = arith.divsi %scan3A_690, %jit3A_692 : i32
        %sign3A = arith.constant 0 : i32
        %sign3A_693 = arith.cmpi sgt, %scan3A_690, %sign3A : i32
        %sign3A_694 = arith.extui %sign3A_693 : i1 to i32
        %sign3A_695 = arith.constant 0 : i32
        %sign3A_696 = arith.cmpi slt, %scan3A_690, %sign3A_695 : i32
        %sign3A_697 = arith.extui %sign3A_696 : i1 to i32
        %sign3A_698 = arith.subi %sign3A_694, %sign3A_697 : i32
        %sign3A_699 = arith.constant 0 : i32
        %sign3A_700 = arith.cmpi sgt, %jit3A_692, %sign3A_699 : i32
        %sign3A_701 = arith.extui %sign3A_700 : i1 to i32
        %sign3A_702 = arith.constant 0 : i32
        %sign3A_703 = arith.cmpi slt, %jit3A_692, %sign3A_702 : i32
        %sign3A_704 = arith.extui %sign3A_703 : i1 to i32
        %sign3A_705 = arith.subi %sign3A_701, %sign3A_704 : i32
        %ne3A = arith.cmpi ne, %sign3A_698, %sign3A_705 : i32
        %rem3A = arith.remsi %scan3A_690, %jit3A_692 : i32
        %ne3A_706 = arith.constant 0 : i32
        %ne3A_707 = arith.cmpi ne, %rem3A, %ne3A_706 : i32
        %and3A = arith.andi %ne3A, %ne3A_707 : i1
        %sub3A = arith.constant 1 : i32
        %sub3A_708 = arith.subi %div3A, %sub3A : i32
        %select_n3A_709 = arith.select %and3A, %sub3A_708, %div3A : i32
        %mul3A_710 = arith.constant 32 : i32
        %mul3A_711 = arith.muli %select_n3A_709, %mul3A_710 : i32
        %add3A_712 = arith.constant 256 : i32
        %add3A_713 = arith.addi %add3A_712, %mul3A_711 : i32
        %get3A = arith.index_cast %add3A_713 : i32 to index
        %get3A_714 = tpu.vector_load %arg11[%get3A] {strides = array<i32>} : memref<768xbf16, #tpu.memory_space<vmem>>, vector<32xbf16>,
        %unpack3A = tpu.unpack_subelements %get3A_714, 0 {pack_format = #tpu.pack_format<interleaved>} : vector<32xbf16> -> vector<16xf32>
        %unpack3A_715 = tpu.unpack_subelements %get3A_714, 1 {pack_format = #tpu.pack_format<interleaved>} : vector<32xbf16> -> vector<16xf32>
        %jit3A_716 = arith.constant 2 : i32
        %eq3A = arith.constant 0 : i32
        %eq3A_717 = arith.cmpi eq, %jit3A_716, %eq3A : i32
        %jit3A_718 = arith.constant 1 : i32
        %select_n3A_719 = arith.select %eq3A_717, %jit3A_718, %jit3A_716 : i32
        %rem3A_720 = arith.remsi %scan3A_690, %select_n3A_719 : i32
        %ne3A_721 = arith.constant 0 : i32
        %ne3A_722 = arith.cmpi ne, %rem3A_720, %ne3A_721 : i32
        %lt3A_723 = arith.constant 0 : i32
        %lt3A_724 = arith.cmpi slt, %rem3A_720, %lt3A_723 : i32
        %lt3A_725 = arith.constant 0 : i32
        %lt3A_726 = arith.cmpi slt, %select_n3A_719, %lt3A_725 : i32
        %ne3A_727 = arith.xori %lt3A_724, %lt3A_726 : i1
        %and3A_728 = arith.andi %ne3A_727, %ne3A_722 : i1
        %add3A_729 = arith.addi %rem3A_720, %select_n3A_719 : i32
        %select_n3A_730 = arith.select %and3A_728, %add3A_729, %rem3A_720 : i32
        %eq3A_731 = arith.constant 0 : i32
        %eq3A_732 = arith.cmpi eq, %select_n3A_730, %eq3A_731 : i32
        %select_n3A_733 = arith.select %eq3A_732, %unpack3A, %unpack3A_715 : vector<16xf32>
        %jit3A_734 = arith.constant 32 : i32
        %eq3A_735 = arith.constant 0 : i32
        %eq3A_736 = arith.cmpi eq, %jit3A_734, %eq3A_735 : i32
        %jit3A_737 = arith.constant 1 : i32
        %select_n3A_738 = arith.select %eq3A_736, %jit3A_737, %jit3A_734 : i32
        %rem3A_739 = arith.remsi %scan3A_690, %select_n3A_738 : i32
        %ne3A_740 = arith.constant 0 : i32
        %ne3A_741 = arith.cmpi ne, %rem3A_739, %ne3A_740 : i32
        %lt3A_742 = arith.constant 0 : i32
        %lt3A_743 = arith.cmpi slt, %rem3A_739, %lt3A_742 : i32
        %lt3A_744 = arith.constant 0 : i32
        %lt3A_745 = arith.cmpi slt, %select_n3A_738, %lt3A_744 : i32
        %ne3A_746 = arith.xori %lt3A_743, %lt3A_745 : i1
        %and3A_747 = arith.andi %ne3A_746, %ne3A_741 : i1
        %add3A_748 = arith.addi %rem3A_739, %select_n3A_738 : i32
        %select_n3A_749 = arith.select %and3A_747, %add3A_748, %rem3A_739 : i32
        %jit3A_750 = arith.constant 2 : i32
        %div3A_751 = arith.divsi %select_n3A_749, %jit3A_750 : i32
        %sign3A_752 = arith.constant 0 : i32
        %sign3A_753 = arith.cmpi sgt, %select_n3A_749, %sign3A_752 : i32
        %sign3A_754 = arith.extui %sign3A_753 : i1 to i32
        %sign3A_755 = arith.constant 0 : i32
        %sign3A_756 = arith.cmpi slt, %select_n3A_749, %sign3A_755 : i32
        %sign3A_757 = arith.extui %sign3A_756 : i1 to i32
        %sign3A_758 = arith.subi %sign3A_754, %sign3A_757 : i32
        %sign3A_759 = arith.constant 0 : i32
        %sign3A_760 = arith.cmpi sgt, %jit3A_750, %sign3A_759 : i32
        %sign3A_761 = arith.extui %sign3A_760 : i1 to i32
        %sign3A_762 = arith.constant 0 : i32
        %sign3A_763 = arith.cmpi slt, %jit3A_750, %sign3A_762 : i32
        %sign3A_764 = arith.extui %sign3A_763 : i1 to i32
        %sign3A_765 = arith.subi %sign3A_761, %sign3A_764 : i32
        %ne3A_766 = arith.cmpi ne, %sign3A_758, %sign3A_765 : i32
        %rem3A_767 = arith.remsi %select_n3A_749, %jit3A_750 : i32
        %ne3A_768 = arith.constant 0 : i32
        %ne3A_769 = arith.cmpi ne, %rem3A_767, %ne3A_768 : i32
        %and3A_770 = arith.andi %ne3A_766, %ne3A_769 : i1
        %sub3A_771 = arith.constant 1 : i32
        %sub3A_772 = arith.subi %div3A_751, %sub3A_771 : i32
        %select_n3A_773 = arith.select %and3A_770, %sub3A_772, %div3A_751 : i32
        %broadcast_in_dim3A_774 = vector.broadcast %select_n3A_773 : i32 to vector<16x1xi32>
        %gather3A = vector.shape_cast %broadcast_in_dim3A_774 : vector<16x1xi32> to vector<16xi32>
        %gather3A_775 = tpu.dynamic_gather %select_n3A_733[%gather3A] in [0] : vector<16xf32>, vector<16xi32> -> vector<16xf32>
        %get3A_776 = arith.index_cast %scan3A_690 : i32 to index
        %get3A_777 = arith.constant 0 : index
        %get3A_778 = tpu.vector_load %arg13[%get3A_776, %get3A_777] {strides = array<i32>} : memref<128x144xf32, #tpu.memory_space<vmem>>, vector<16xf32>,
        %mul3A_779 = arith.mulf %get3A_778, %gather3A_775 : vector<16xf32>
        %swap3A = arith.index_cast %scan3A_690 : i32 to index
        %swap3A_780 = arith.constant 0 : index
        %swap3A_781 = tpu.vector_load %arg13[%swap3A, %swap3A_780] {strides = array<i32>} : memref<128x144xf32, #tpu.memory_space<vmem>>, vector<16xf32>,
        tpu.vector_store %arg13[%swap3A, %swap3A_780], %mul3A_779 {strides = array<i32>} : memref<128x144xf32, #tpu.memory_space<vmem>>, vector<16xf32>,
        %get3A_782 = arith.index_cast %scan3A_690 : i32 to index
        %get3A_783 = arith.constant 16 : index
        %get3A_784 = tpu.vector_load %arg13[%get3A_782, %get3A_783] {strides = array<i32>} : memref<128x144xf32, #tpu.memory_space<vmem>>, vector<16xf32>,
        %mul3A_785 = arith.mulf %get3A_784, %gather3A_775 : vector<16xf32>
        %swap3A_786 = arith.index_cast %scan3A_690 : i32 to index
        %swap3A_787 = arith.constant 16 : index
        %swap3A_788 = tpu.vector_load %arg13[%swap3A_786, %swap3A_787] {strides = array<i32>} : memref<128x144xf32, #tpu.memory_space<vmem>>, vector<16xf32>,
        tpu.vector_store %arg13[%swap3A_786, %swap3A_787], %mul3A_785 {strides = array<i32>} : memref<128x144xf32, #tpu.memory_space<vmem>>, vector<16xf32>,
        %get3A_789 = arith.index_cast %scan3A_690 : i32 to index
        %get3A_790 = arith.constant 32 : index
        %get3A_791 = tpu.vector_load %arg13[%get3A_789, %get3A_790] {strides = array<i32>} : memref<128x144xf32, #tpu.memory_space<vmem>>, vector<16xf32>,
        %mul3A_792 = arith.mulf %get3A_791, %gather3A_775 : vector<16xf32>
        %swap3A_793 = arith.index_cast %scan3A_690 : i32 to index
        %swap3A_794 = arith.constant 32 : index
        %swap3A_795 = tpu.vector_load %arg13[%swap3A_793, %swap3A_794] {strides = array<i32>} : memref<128x144xf32, #tpu.memory_space<vmem>>, vector<16xf32>,
        tpu.vector_store %arg13[%swap3A_793, %swap3A_794], %mul3A_792 {strides = array<i32>} : memref<128x144xf32, #tpu.memory_space<vmem>>, vector<16xf32>,
        %get3A_796 = arith.index_cast %scan3A_690 : i32 to index
        %get3A_797 = arith.constant 48 : index
        %get3A_798 = tpu.vector_load %arg13[%get3A_796, %get3A_797] {strides = array<i32>} : memref<128x144xf32, #tpu.memory_space<vmem>>, vector<16xf32>,
        %mul3A_799 = arith.mulf %get3A_798, %gather3A_775 : vector<16xf32>
        %swap3A_800 = arith.index_cast %scan3A_690 : i32 to index
        %swap3A_801 = arith.constant 48 : index
        %swap3A_802 = tpu.vector_load %arg13[%swap3A_800, %swap3A_801] {strides = array<i32>} : memref<128x144xf32, #tpu.memory_space<vmem>>, vector<16xf32>,
        tpu.vector_store %arg13[%swap3A_800, %swap3A_801], %mul3A_799 {strides = array<i32>} : memref<128x144xf32, #tpu.memory_space<vmem>>, vector<16xf32>,
        %get3A_803 = arith.index_cast %scan3A_690 : i32 to index
        %get3A_804 = arith.constant 64 : index
        %get3A_805 = tpu.vector_load %arg13[%get3A_803, %get3A_804] {strides = array<i32>} : memref<128x144xf32, #tpu.memory_space<vmem>>, vector<16xf32>,
        %mul3A_806 = arith.mulf %get3A_805, %gather3A_775 : vector<16xf32>
        %swap3A_807 = arith.index_cast %scan3A_690 : i32 to index
        %swap3A_808 = arith.constant 64 : index
        %swap3A_809 = tpu.vector_load %arg13[%swap3A_807, %swap3A_808] {strides = array<i32>} : memref<128x144xf32, #tpu.memory_space<vmem>>, vector<16xf32>,
        tpu.vector_store %arg13[%swap3A_807, %swap3A_808], %mul3A_806 {strides = array<i32>} : memref<128x144xf32, #tpu.memory_space<vmem>>, vector<16xf32>,
        %get3A_810 = arith.index_cast %scan3A_690 : i32 to index
        %get3A_811 = arith.constant 80 : index
        %get3A_812 = tpu.vector_load %arg13[%get3A_810, %get3A_811] {strides = array<i32>} : memref<128x144xf32, #tpu.memory_space<vmem>>, vector<16xf32>,
        %mul3A_813 = arith.mulf %get3A_812, %gather3A_775 : vector<16xf32>
        %swap3A_814 = arith.index_cast %scan3A_690 : i32 to index
        %swap3A_815 = arith.constant 80 : index
        %swap3A_816 = tpu.vector_load %arg13[%swap3A_814, %swap3A_815] {strides = array<i32>} : memref<128x144xf32, #tpu.memory_space<vmem>>, vector<16xf32>,
        tpu.vector_store %arg13[%swap3A_814, %swap3A_815], %mul3A_813 {strides = array<i32>} : memref<128x144xf32, #tpu.memory_space<vmem>>, vector<16xf32>,
        %get3A_817 = arith.index_cast %scan3A_690 : i32 to index
        %get3A_818 = arith.constant 96 : index
        %get3A_819 = tpu.vector_load %arg13[%get3A_817, %get3A_818] {strides = array<i32>} : memref<128x144xf32, #tpu.memory_space<vmem>>, vector<16xf32>,
        %mul3A_820 = arith.mulf %get3A_819, %gather3A_775 : vector<16xf32>
        %swap3A_821 = arith.index_cast %scan3A_690 : i32 to index
        %swap3A_822 = arith.constant 96 : index
        %swap3A_823 = tpu.vector_load %arg13[%swap3A_821, %swap3A_822] {strides = array<i32>} : memref<128x144xf32, #tpu.memory_space<vmem>>, vector<16xf32>,
        tpu.vector_store %arg13[%swap3A_821, %swap3A_822], %mul3A_820 {strides = array<i32>} : memref<128x144xf32, #tpu.memory_space<vmem>>, vector<16xf32>,
        %get3A_824 = arith.index_cast %scan3A_690 : i32 to index
        %get3A_825 = arith.constant 112 : index
        %get3A_826 = tpu.vector_load %arg13[%get3A_824, %get3A_825] {strides = array<i32>} : memref<128x144xf32, #tpu.memory_space<vmem>>, vector<16xf32>,
        %mul3A_827 = arith.mulf %get3A_826, %gather3A_775 : vector<16xf32>
        %swap3A_828 = arith.index_cast %scan3A_690 : i32 to index
        %swap3A_829 = arith.constant 112 : index
        %swap3A_830 = tpu.vector_load %arg13[%swap3A_828, %swap3A_829] {strides = array<i32>} : memref<128x144xf32, #tpu.memory_space<vmem>>, vector<16xf32>,
        tpu.vector_store %arg13[%swap3A_828, %swap3A_829], %mul3A_827 {strides = array<i32>} : memref<128x144xf32, #tpu.memory_space<vmem>>, vector<16xf32>,
        %scan3A_831 = arith.constant 0 : i32
        scf.yield %scan3A_831 : i32
      }
      %scan3A_369 = arith.constant 128 : i32
      %dma_start3A_370 = arith.constant 2 : i32
      %dma_start3A_371 = arith.constant 0 : i32
      %dma_start3A_372 = tpu.memref_slice %arg12[%dma_start3A_370, %dma_start3A_371] : memref<6x128xi32, #tpu.memory_space<vmem>> -> memref<1x128xi32, #tpu.memory_space<vmem>>
      %dma_start3A_373 = tpu.memref_squeeze %dma_start3A_372 : memref<1x128xi32, #tpu.memory_space<vmem>> -> memref<128xi32, #tpu.memory_space<vmem>>
      %dma_start3A_374 = arith.constant 0 : i32
      %dma_start3A_375 = arith.constant 0 : i32
      %dma_start3A_376 = tpu.memref_slice %arg15[%dma_start3A_374, %dma_start3A_375] : memref<10000x144xf32, #tpu.memory_space<vmem_shared>> -> memref<10000x144xf32, #tpu.memory_space<vmem_shared>>
      tpu.enqueue_indirect_dma source(%arg13 : memref<128x144xf32, #tpu.memory_space<vmem>>) target(%dma_start3A_376 : memref<10000x144xf32, #tpu.memory_space<vmem_shared>>) offsets(%dma_start3A_373 : memref<128xi32, #tpu.memory_space<vmem>>) semaphore(%arg18 : memref<!tpu.dma_semaphore, #tpu.memory_space<semaphore_mem>>) {add = true}
      %dma_start3A_377 = arith.constant 512 : i32
      %dma_start3A_378 = tpu.memref_slice %arg10[%dma_start3A_377] : memref<768xi32, #tpu.memory_space<vmem>> -> memref<128xi32, #tpu.memory_space<vmem>>
      %dma_start3A_379 = arith.constant 0 : i32
      %dma_start3A_380 = arith.constant 0 : i32
      %dma_start3A_381 = tpu.memref_slice %arg2[%dma_start3A_379, %dma_start3A_380] : memref<10000x144xf32, #tpu.memory_space<hbm>> -> memref<10000x144xf32, #tpu.memory_space<hbm>>
      tpu.enqueue_indirect_dma source(%dma_start3A_381 : memref<10000x144xf32, #tpu.memory_space<hbm>>) target(%arg13 : memref<128x144xf32, #tpu.memory_space<vmem>>) offsets(%dma_start3A_378 : memref<128xi32, #tpu.memory_space<vmem>>) semaphore(%arg16 : memref<!tpu.dma_semaphore, #tpu.memory_space<semaphore_mem>>)
      %dma_wait3A_382 = arith.constant 0 : i32
      %dma_wait3A_383 = tpu.memref_slice %arg7[%dma_wait3A_382] : memref<768xi32, #tpu.memory_space<vmem>> -> memref<128xi32, #tpu.memory_space<vmem>>
      %dma_wait3A_384 = arith.constant 0 : i32
      %dma_wait3A_385 = arith.constant 0 : i32
      %dma_wait3A_386 = tpu.memref_slice %arg2[%dma_wait3A_384, %dma_wait3A_385] : memref<10000x144xf32, #tpu.memory_space<hbm>> -> memref<10000x144xf32, #tpu.memory_space<hbm>>
      tpu.wait_indirect_dma semaphore(%arg17 : memref<!tpu.dma_semaphore, #tpu.memory_space<semaphore_mem>>) src(%dma_wait3A_386 : memref<10000x144xf32, #tpu.memory_space<hbm>>) dst(%arg14 : memref<128x144xf32, #tpu.memory_space<vmem>>)
      %dma_wait3A_387 = arith.constant 0 : i32
      %dma_wait3A_388 = arith.constant 0 : i32
      %dma_wait3A_389 = tpu.memref_slice %arg9[%dma_wait3A_387, %dma_wait3A_388] : memref<6x128xi32, #tpu.memory_space<vmem>> -> memref<1x128xi32, #tpu.memory_space<vmem>>
      %dma_wait3A_390 = tpu.memref_squeeze %dma_wait3A_389 : memref<1x128xi32, #tpu.memory_space<vmem>> -> memref<128xi32, #tpu.memory_space<vmem>>
      %dma_wait3A_391 = arith.constant 0 : i32
      %dma_wait3A_392 = arith.constant 0 : i32
      %dma_wait3A_393 = tpu.memref_slice %arg15[%dma_wait3A_391, %dma_wait3A_392] : memref<10000x144xf32, #tpu.memory_space<vmem_shared>> -> memref<10000x144xf32, #tpu.memory_space<vmem_shared>>
      tpu.wait_indirect_dma semaphore(%arg19 : memref<!tpu.dma_semaphore, #tpu.memory_space<semaphore_mem>>) src(%arg14 : memref<128x144xf32, #tpu.memory_space<vmem>>) dst(%dma_wait3A_393 : memref<10000x144xf32, #tpu.memory_space<vmem_shared>>)
      %scan3A_394 = arith.constant 0 : i32
      %scan3A_395 = arith.constant 0 : i32
      %scan3A_396 = arith.constant 128 : i32
      %scan3A_397 = arith.addi %scan3A_395, %scan3A_396 : i32
      %scan3A_398 = arith.constant 1 : i32
      %scan3A_399 = scf.for %scan3A_690 = %scan3A_395 to %scan3A_397 step %scan3A_398 iter_args(%scan3A_691 = %scan3A_394) -> (i32)  : i32 {
        %jit3A_692 = arith.constant 32 : i32
        %div3A = arith.divsi %scan3A_690, %jit3A_692 : i32
        %sign3A = arith.constant 0 : i32
        %sign3A_693 = arith.cmpi sgt, %scan3A_690, %sign3A : i32
        %sign3A_694 = arith.extui %sign3A_693 : i1 to i32
        %sign3A_695 = arith.constant 0 : i32
        %sign3A_696 = arith.cmpi slt, %scan3A_690, %sign3A_695 : i32
        %sign3A_697 = arith.extui %sign3A_696 : i1 to i32
        %sign3A_698 = arith.subi %sign3A_694, %sign3A_697 : i32
        %sign3A_699 = arith.constant 0 : i32
        %sign3A_700 = arith.cmpi sgt, %jit3A_692, %sign3A_699 : i32
        %sign3A_701 = arith.extui %sign3A_700 : i1 to i32
        %sign3A_702 = arith.constant 0 : i32
        %sign3A_703 = arith.cmpi slt, %jit3A_692, %sign3A_702 : i32
        %sign3A_704 = arith.extui %sign3A_703 : i1 to i32
        %sign3A_705 = arith.subi %sign3A_701, %sign3A_704 : i32
        %ne3A = arith.cmpi ne, %sign3A_698, %sign3A_705 : i32
        %rem3A = arith.remsi %scan3A_690, %jit3A_692 : i32
        %ne3A_706 = arith.constant 0 : i32
        %ne3A_707 = arith.cmpi ne, %rem3A, %ne3A_706 : i32
        %and3A = arith.andi %ne3A, %ne3A_707 : i1
        %sub3A = arith.constant 1 : i32
        %sub3A_708 = arith.subi %div3A, %sub3A : i32
        %select_n3A_709 = arith.select %and3A, %sub3A_708, %div3A : i32
        %mul3A_710 = arith.constant 32 : i32
        %mul3A_711 = arith.muli %select_n3A_709, %mul3A_710 : i32
        %add3A_712 = arith.constant 384 : i32
        %add3A_713 = arith.addi %add3A_712, %mul3A_711 : i32
        %get3A = arith.index_cast %add3A_713 : i32 to index
        %get3A_714 = tpu.vector_load %arg11[%get3A] {strides = array<i32>} : memref<768xbf16, #tpu.memory_space<vmem>>, vector<32xbf16>,
        %unpack3A = tpu.unpack_subelements %get3A_714, 0 {pack_format = #tpu.pack_format<interleaved>} : vector<32xbf16> -> vector<16xf32>
        %unpack3A_715 = tpu.unpack_subelements %get3A_714, 1 {pack_format = #tpu.pack_format<interleaved>} : vector<32xbf16> -> vector<16xf32>
        %jit3A_716 = arith.constant 2 : i32
        %eq3A = arith.constant 0 : i32
        %eq3A_717 = arith.cmpi eq, %jit3A_716, %eq3A : i32
        %jit3A_718 = arith.constant 1 : i32
        %select_n3A_719 = arith.select %eq3A_717, %jit3A_718, %jit3A_716 : i32
        %rem3A_720 = arith.remsi %scan3A_690, %select_n3A_719 : i32
        %ne3A_721 = arith.constant 0 : i32
        %ne3A_722 = arith.cmpi ne, %rem3A_720, %ne3A_721 : i32
        %lt3A_723 = arith.constant 0 : i32
        %lt3A_724 = arith.cmpi slt, %rem3A_720, %lt3A_723 : i32
        %lt3A_725 = arith.constant 0 : i32
        %lt3A_726 = arith.cmpi slt, %select_n3A_719, %lt3A_725 : i32
        %ne3A_727 = arith.xori %lt3A_724, %lt3A_726 : i1
        %and3A_728 = arith.andi %ne3A_727, %ne3A_722 : i1
        %add3A_729 = arith.addi %rem3A_720, %select_n3A_719 : i32
        %select_n3A_730 = arith.select %and3A_728, %add3A_729, %rem3A_720 : i32
        %eq3A_731 = arith.constant 0 : i32
        %eq3A_732 = arith.cmpi eq, %select_n3A_730, %eq3A_731 : i32
        %select_n3A_733 = arith.select %eq3A_732, %unpack3A, %unpack3A_715 : vector<16xf32>
        %jit3A_734 = arith.constant 32 : i32
        %eq3A_735 = arith.constant 0 : i32
        %eq3A_736 = arith.cmpi eq, %jit3A_734, %eq3A_735 : i32
        %jit3A_737 = arith.constant 1 : i32
        %select_n3A_738 = arith.select %eq3A_736, %jit3A_737, %jit3A_734 : i32
        %rem3A_739 = arith.remsi %scan3A_690, %select_n3A_738 : i32
        %ne3A_740 = arith.constant 0 : i32
        %ne3A_741 = arith.cmpi ne, %rem3A_739, %ne3A_740 : i32
        %lt3A_742 = arith.constant 0 : i32
        %lt3A_743 = arith.cmpi slt, %rem3A_739, %lt3A_742 : i32
        %lt3A_744 = arith.constant 0 : i32
        %lt3A_745 = arith.cmpi slt, %select_n3A_738, %lt3A_744 : i32
        %ne3A_746 = arith.xori %lt3A_743, %lt3A_745 : i1
        %and3A_747 = arith.andi %ne3A_746, %ne3A_741 : i1
        %add3A_748 = arith.addi %rem3A_739, %select_n3A_738 : i32
        %select_n3A_749 = arith.select %and3A_747, %add3A_748, %rem3A_739 : i32
        %jit3A_750 = arith.constant 2 : i32
        %div3A_751 = arith.divsi %select_n3A_749, %jit3A_750 : i32
        %sign3A_752 = arith.constant 0 : i32
        %sign3A_753 = arith.cmpi sgt, %select_n3A_749, %sign3A_752 : i32
        %sign3A_754 = arith.extui %sign3A_753 : i1 to i32
        %sign3A_755 = arith.constant 0 : i32
        %sign3A_756 = arith.cmpi slt, %select_n3A_749, %sign3A_755 : i32
        %sign3A_757 = arith.extui %sign3A_756 : i1 to i32
        %sign3A_758 = arith.subi %sign3A_754, %sign3A_757 : i32
        %sign3A_759 = arith.constant 0 : i32
        %sign3A_760 = arith.cmpi sgt, %jit3A_750, %sign3A_759 : i32
        %sign3A_761 = arith.extui %sign3A_760 : i1 to i32
        %sign3A_762 = arith.constant 0 : i32
        %sign3A_763 = arith.cmpi slt, %jit3A_750, %sign3A_762 : i32
        %sign3A_764 = arith.extui %sign3A_763 : i1 to i32
        %sign3A_765 = arith.subi %sign3A_761, %sign3A_764 : i32
        %ne3A_766 = arith.cmpi ne, %sign3A_758, %sign3A_765 : i32
        %rem3A_767 = arith.remsi %select_n3A_749, %jit3A_750 : i32
        %ne3A_768 = arith.constant 0 : i32
        %ne3A_769 = arith.cmpi ne, %rem3A_767, %ne3A_768 : i32
        %and3A_770 = arith.andi %ne3A_766, %ne3A_769 : i1
        %sub3A_771 = arith.constant 1 : i32
        %sub3A_772 = arith.subi %div3A_751, %sub3A_771 : i32
        %select_n3A_773 = arith.select %and3A_770, %sub3A_772, %div3A_751 : i32
        %broadcast_in_dim3A_774 = vector.broadcast %select_n3A_773 : i32 to vector<16x1xi32>
        %gather3A = vector.shape_cast %broadcast_in_dim3A_774 : vector<16x1xi32> to vector<16xi32>
        %gather3A_775 = tpu.dynamic_gather %select_n3A_733[%gather3A] in [0] : vector<16xf32>, vector<16xi32> -> vector<16xf32>
        %get3A_776 = arith.index_cast %scan3A_690 : i32 to index
        %get3A_777 = arith.constant 0 : index
        %get3A_778 = tpu.vector_load %arg14[%get3A_776, %get3A_777] {strides = array<i32>} : memref<128x144xf32, #tpu.memory_space<vmem>>, vector<16xf32>,
        %mul3A_779 = arith.mulf %get3A_778, %gather3A_775 : vector<16xf32>
        %swap3A = arith.index_cast %scan3A_690 : i32 to index
        %swap3A_780 = arith.constant 0 : index
        %swap3A_781 = tpu.vector_load %arg14[%swap3A, %swap3A_780] {strides = array<i32>} : memref<128x144xf32, #tpu.memory_space<vmem>>, vector<16xf32>,
        tpu.vector_store %arg14[%swap3A, %swap3A_780], %mul3A_779 {strides = array<i32>} : memref<128x144xf32, #tpu.memory_space<vmem>>, vector<16xf32>,
        %get3A_782 = arith.index_cast %scan3A_690 : i32 to index
        %get3A_783 = arith.constant 16 : index
        %get3A_784 = tpu.vector_load %arg14[%get3A_782, %get3A_783] {strides = array<i32>} : memref<128x144xf32, #tpu.memory_space<vmem>>, vector<16xf32>,
        %mul3A_785 = arith.mulf %get3A_784, %gather3A_775 : vector<16xf32>
        %swap3A_786 = arith.index_cast %scan3A_690 : i32 to index
        %swap3A_787 = arith.constant 16 : index
        %swap3A_788 = tpu.vector_load %arg14[%swap3A_786, %swap3A_787] {strides = array<i32>} : memref<128x144xf32, #tpu.memory_space<vmem>>, vector<16xf32>,
        tpu.vector_store %arg14[%swap3A_786, %swap3A_787], %mul3A_785 {strides = array<i32>} : memref<128x144xf32, #tpu.memory_space<vmem>>, vector<16xf32>,
        %get3A_789 = arith.index_cast %scan3A_690 : i32 to index
        %get3A_790 = arith.constant 32 : index
        %get3A_791 = tpu.vector_load %arg14[%get3A_789, %get3A_790] {strides = array<i32>} : memref<128x144xf32, #tpu.memory_space<vmem>>, vector<16xf32>,
        %mul3A_792 = arith.mulf %get3A_791, %gather3A_775 : vector<16xf32>
        %swap3A_793 = arith.index_cast %scan3A_690 : i32 to index
        %swap3A_794 = arith.constant 32 : index
        %swap3A_795 = tpu.vector_load %arg14[%swap3A_793, %swap3A_794] {strides = array<i32>} : memref<128x144xf32, #tpu.memory_space<vmem>>, vector<16xf32>,
        tpu.vector_store %arg14[%swap3A_793, %swap3A_794], %mul3A_792 {strides = array<i32>} : memref<128x144xf32, #tpu.memory_space<vmem>>, vector<16xf32>,
        %get3A_796 = arith.index_cast %scan3A_690 : i32 to index
        %get3A_797 = arith.constant 48 : index
        %get3A_798 = tpu.vector_load %arg14[%get3A_796, %get3A_797] {strides = array<i32>} : memref<128x144xf32, #tpu.memory_space<vmem>>, vector<16xf32>,
        %mul3A_799 = arith.mulf %get3A_798, %gather3A_775 : vector<16xf32>
        %swap3A_800 = arith.index_cast %scan3A_690 : i32 to index
        %swap3A_801 = arith.constant 48 : index
        %swap3A_802 = tpu.vector_load %arg14[%swap3A_800, %swap3A_801] {strides = array<i32>} : memref<128x144xf32, #tpu.memory_space<vmem>>, vector<16xf32>,
        tpu.vector_store %arg14[%swap3A_800, %swap3A_801], %mul3A_799 {strides = array<i32>} : memref<128x144xf32, #tpu.memory_space<vmem>>, vector<16xf32>,
        %get3A_803 = arith.index_cast %scan3A_690 : i32 to index
        %get3A_804 = arith.constant 64 : index
        %get3A_805 = tpu.vector_load %arg14[%get3A_803, %get3A_804] {strides = array<i32>} : memref<128x144xf32, #tpu.memory_space<vmem>>, vector<16xf32>,
        %mul3A_806 = arith.mulf %get3A_805, %gather3A_775 : vector<16xf32>
        %swap3A_807 = arith.index_cast %scan3A_690 : i32 to index
        %swap3A_808 = arith.constant 64 : index
        %swap3A_809 = tpu.vector_load %arg14[%swap3A_807, %swap3A_808] {strides = array<i32>} : memref<128x144xf32, #tpu.memory_space<vmem>>, vector<16xf32>,
        tpu.vector_store %arg14[%swap3A_807, %swap3A_808], %mul3A_806 {strides = array<i32>} : memref<128x144xf32, #tpu.memory_space<vmem>>, vector<16xf32>,
        %get3A_810 = arith.index_cast %scan3A_690 : i32 to index
        %get3A_811 = arith.constant 80 : index
        %get3A_812 = tpu.vector_load %arg14[%get3A_810, %get3A_811] {strides = array<i32>} : memref<128x144xf32, #tpu.memory_space<vmem>>, vector<16xf32>,
        %mul3A_813 = arith.mulf %get3A_812, %gather3A_775 : vector<16xf32>
        %swap3A_814 = arith.index_cast %scan3A_690 : i32 to index
        %swap3A_815 = arith.constant 80 : index
        %swap3A_816 = tpu.vector_load %arg14[%swap3A_814, %swap3A_815] {strides = array<i32>} : memref<128x144xf32, #tpu.memory_space<vmem>>, vector<16xf32>,
        tpu.vector_store %arg14[%swap3A_814, %swap3A_815], %mul3A_813 {strides = array<i32>} : memref<128x144xf32, #tpu.memory_space<vmem>>, vector<16xf32>,
        %get3A_817 = arith.index_cast %scan3A_690 : i32 to index
        %get3A_818 = arith.constant 96 : index
        %get3A_819 = tpu.vector_load %arg14[%get3A_817, %get3A_818] {strides = array<i32>} : memref<128x144xf32, #tpu.memory_space<vmem>>, vector<16xf32>,
        %mul3A_820 = arith.mulf %get3A_819, %gather3A_775 : vector<16xf32>
        %swap3A_821 = arith.index_cast %scan3A_690 : i32 to index
        %swap3A_822 = arith.constant 96 : index
        %swap3A_823 = tpu.vector_load %arg14[%swap3A_821, %swap3A_822] {strides = array<i32>} : memref<128x144xf32, #tpu.memory_space<vmem>>, vector<16xf32>,
        tpu.vector_store %arg14[%swap3A_821, %swap3A_822], %mul3A_820 {strides = array<i32>} : memref<128x144xf32, #tpu.memory_space<vmem>>, vector<16xf32>,
        %get3A_824 = arith.index_cast %scan3A_690 : i32 to index
        %get3A_825 = arith.constant 112 : index
        %get3A_826 = tpu.vector_load %arg14[%get3A_824, %get3A_825] {strides = array<i32>} : memref<128x144xf32, #tpu.memory_space<vmem>>, vector<16xf32>,
        %mul3A_827 = arith.mulf %get3A_826, %gather3A_775 : vector<16xf32>
        %swap3A_828 = arith.index_cast %scan3A_690 : i32 to index
        %swap3A_829 = arith.constant 112 : index
        %swap3A_830 = tpu.vector_load %arg14[%swap3A_828, %swap3A_829] {strides = array<i32>} : memref<128x144xf32, #tpu.memory_space<vmem>>, vector<16xf32>,
        tpu.vector_store %arg14[%swap3A_828, %swap3A_829], %mul3A_827 {strides = array<i32>} : memref<128x144xf32, #tpu.memory_space<vmem>>, vector<16xf32>,
        %scan3A_831 = arith.constant 0 : i32
        scf.yield %scan3A_831 : i32
      }
      %scan3A_400 = arith.constant 128 : i32
      %dma_start3A_401 = arith.constant 3 : i32
      %dma_start3A_402 = arith.constant 0 : i32
      %dma_start3A_403 = tpu.memref_slice %arg12[%dma_start3A_401, %dma_start3A_402] : memref<6x128xi32, #tpu.memory_space<vmem>> -> memref<1x128xi32, #tpu.memory_space<vmem>>
      %dma_start3A_404 = tpu.memref_squeeze %dma_start3A_403 : memref<1x128xi32, #tpu.memory_space<vmem>> -> memref<128xi32, #tpu.memory_space<vmem>>
      %dma_start3A_405 = arith.constant 0 : i32
      %dma_start3A_406 = arith.constant 0 : i32
      %dma_start3A_407 = tpu.memref_slice %arg15[%dma_start3A_405, %dma_start3A_406] : memref<10000x144xf32, #tpu.memory_space<vmem_shared>> -> memref<10000x144xf32, #tpu.memory_space<vmem_shared>>
      tpu.enqueue_indirect_dma source(%arg14 : memref<128x144xf32, #tpu.memory_space<vmem>>) target(%dma_start3A_407 : memref<10000x144xf32, #tpu.memory_space<vmem_shared>>) offsets(%dma_start3A_404 : memref<128xi32, #tpu.memory_space<vmem>>) semaphore(%arg19 : memref<!tpu.dma_semaphore, #tpu.memory_space<semaphore_mem>>) {add = true}
      %dma_start3A_408 = arith.constant 640 : i32
      %dma_start3A_409 = tpu.memref_slice %arg10[%dma_start3A_408] : memref<768xi32, #tpu.memory_space<vmem>> -> memref<128xi32, #tpu.memory_space<vmem>>
      %dma_start3A_410 = arith.constant 0 : i32
      %dma_start3A_411 = arith.constant 0 : i32
      %dma_start3A_412 = tpu.memref_slice %arg2[%dma_start3A_410, %dma_start3A_411] : memref<10000x144xf32, #tpu.memory_space<hbm>> -> memref<10000x144xf32, #tpu.memory_space<hbm>>
      tpu.enqueue_indirect_dma source(%dma_start3A_412 : memref<10000x144xf32, #tpu.memory_space<hbm>>) target(%arg14 : memref<128x144xf32, #tpu.memory_space<vmem>>) offsets(%dma_start3A_409 : memref<128xi32, #tpu.memory_space<vmem>>) semaphore(%arg17 : memref<!tpu.dma_semaphore, #tpu.memory_space<semaphore_mem>>)
      %dma_wait3A_413 = arith.constant 0 : i32
      %dma_wait3A_414 = tpu.memref_slice %arg7[%dma_wait3A_413] : memref<768xi32, #tpu.memory_space<vmem>> -> memref<128xi32, #tpu.memory_space<vmem>>
      %dma_wait3A_415 = arith.constant 0 : i32
      %dma_wait3A_416 = arith.constant 0 : i32
      %dma_wait3A_417 = tpu.memref_slice %arg2[%dma_wait3A_415, %dma_wait3A_416] : memref<10000x144xf32, #tpu.memory_space<hbm>> -> memref<10000x144xf32, #tpu.memory_space<hbm>>
      tpu.wait_indirect_dma semaphore(%arg16 : memref<!tpu.dma_semaphore, #tpu.memory_space<semaphore_mem>>) src(%dma_wait3A_417 : memref<10000x144xf32, #tpu.memory_space<hbm>>) dst(%arg13 : memref<128x144xf32, #tpu.memory_space<vmem>>)
      %dma_wait3A_418 = arith.constant 0 : i32
      %dma_wait3A_419 = arith.constant 0 : i32
      %dma_wait3A_420 = tpu.memref_slice %arg9[%dma_wait3A_418, %dma_wait3A_419] : memref<6x128xi32, #tpu.memory_space<vmem>> -> memref<1x128xi32, #tpu.memory_space<vmem>>
      %dma_wait3A_421 = tpu.memref_squeeze %dma_wait3A_420 : memref<1x128xi32, #tpu.memory_space<vmem>> -> memref<128xi32, #tpu.memory_space<vmem>>
      %dma_wait3A_422 = arith.constant 0 : i32
      %dma_wait3A_423 = arith.constant 0 : i32
      %dma_wait3A_424 = tpu.memref_slice %arg15[%dma_wait3A_422, %dma_wait3A_423] : memref<10000x144xf32, #tpu.memory_space<vmem_shared>> -> memref<10000x144xf32, #tpu.memory_space<vmem_shared>>
      tpu.wait_indirect_dma semaphore(%arg18 : memref<!tpu.dma_semaphore, #tpu.memory_space<semaphore_mem>>) src(%arg13 : memref<128x144xf32, #tpu.memory_space<vmem>>) dst(%dma_wait3A_424 : memref<10000x144xf32, #tpu.memory_space<vmem_shared>>)
      %scan3A_425 = arith.constant 0 : i32
      %scan3A_426 = arith.constant 0 : i32
      %scan3A_427 = arith.constant 128 : i32
      %scan3A_428 = arith.addi %scan3A_426, %scan3A_427 : i32
      %scan3A_429 = arith.constant 1 : i32
      %scan3A_430 = scf.for %scan3A_690 = %scan3A_426 to %scan3A_428 step %scan3A_429 iter_args(%scan3A_691 = %scan3A_425) -> (i32)  : i32 {
        %jit3A_692 = arith.constant 32 : i32
        %div3A = arith.divsi %scan3A_690, %jit3A_692 : i32
        %sign3A = arith.constant 0 : i32
        %sign3A_693 = arith.cmpi sgt, %scan3A_690, %sign3A : i32
        %sign3A_694 = arith.extui %sign3A_693 : i1 to i32
        %sign3A_695 = arith.constant 0 : i32
        %sign3A_696 = arith.cmpi slt, %scan3A_690, %sign3A_695 : i32
        %sign3A_697 = arith.extui %sign3A_696 : i1 to i32
        %sign3A_698 = arith.subi %sign3A_694, %sign3A_697 : i32
        %sign3A_699 = arith.constant 0 : i32
        %sign3A_700 = arith.cmpi sgt, %jit3A_692, %sign3A_699 : i32
        %sign3A_701 = arith.extui %sign3A_700 : i1 to i32
        %sign3A_702 = arith.constant 0 : i32
        %sign3A_703 = arith.cmpi slt, %jit3A_692, %sign3A_702 : i32
        %sign3A_704 = arith.extui %sign3A_703 : i1 to i32
        %sign3A_705 = arith.subi %sign3A_701, %sign3A_704 : i32
        %ne3A = arith.cmpi ne, %sign3A_698, %sign3A_705 : i32
        %rem3A = arith.remsi %scan3A_690, %jit3A_692 : i32
        %ne3A_706 = arith.constant 0 : i32
        %ne3A_707 = arith.cmpi ne, %rem3A, %ne3A_706 : i32
        %and3A = arith.andi %ne3A, %ne3A_707 : i1
        %sub3A = arith.constant 1 : i32
        %sub3A_708 = arith.subi %div3A, %sub3A : i32
        %select_n3A_709 = arith.select %and3A, %sub3A_708, %div3A : i32
        %mul3A_710 = arith.constant 32 : i32
        %mul3A_711 = arith.muli %select_n3A_709, %mul3A_710 : i32
        %add3A_712 = arith.constant 512 : i32
        %add3A_713 = arith.addi %add3A_712, %mul3A_711 : i32
        %get3A = arith.index_cast %add3A_713 : i32 to index
        %get3A_714 = tpu.vector_load %arg11[%get3A] {strides = array<i32>} : memref<768xbf16, #tpu.memory_space<vmem>>, vector<32xbf16>,
        %unpack3A = tpu.unpack_subelements %get3A_714, 0 {pack_format = #tpu.pack_format<interleaved>} : vector<32xbf16> -> vector<16xf32>
        %unpack3A_715 = tpu.unpack_subelements %get3A_714, 1 {pack_format = #tpu.pack_format<interleaved>} : vector<32xbf16> -> vector<16xf32>
        %jit3A_716 = arith.constant 2 : i32
        %eq3A = arith.constant 0 : i32
        %eq3A_717 = arith.cmpi eq, %jit3A_716, %eq3A : i32
        %jit3A_718 = arith.constant 1 : i32
        %select_n3A_719 = arith.select %eq3A_717, %jit3A_718, %jit3A_716 : i32
        %rem3A_720 = arith.remsi %scan3A_690, %select_n3A_719 : i32
        %ne3A_721 = arith.constant 0 : i32
        %ne3A_722 = arith.cmpi ne, %rem3A_720, %ne3A_721 : i32
        %lt3A_723 = arith.constant 0 : i32
        %lt3A_724 = arith.cmpi slt, %rem3A_720, %lt3A_723 : i32
        %lt3A_725 = arith.constant 0 : i32
        %lt3A_726 = arith.cmpi slt, %select_n3A_719, %lt3A_725 : i32
        %ne3A_727 = arith.xori %lt3A_724, %lt3A_726 : i1
        %and3A_728 = arith.andi %ne3A_727, %ne3A_722 : i1
        %add3A_729 = arith.addi %rem3A_720, %select_n3A_719 : i32
        %select_n3A_730 = arith.select %and3A_728, %add3A_729, %rem3A_720 : i32
        %eq3A_731 = arith.constant 0 : i32
        %eq3A_732 = arith.cmpi eq, %select_n3A_730, %eq3A_731 : i32
        %select_n3A_733 = arith.select %eq3A_732, %unpack3A, %unpack3A_715 : vector<16xf32>
        %jit3A_734 = arith.constant 32 : i32
        %eq3A_735 = arith.constant 0 : i32
        %eq3A_736 = arith.cmpi eq, %jit3A_734, %eq3A_735 : i32
        %jit3A_737 = arith.constant 1 : i32
        %select_n3A_738 = arith.select %eq3A_736, %jit3A_737, %jit3A_734 : i32
        %rem3A_739 = arith.remsi %scan3A_690, %select_n3A_738 : i32
        %ne3A_740 = arith.constant 0 : i32
        %ne3A_741 = arith.cmpi ne, %rem3A_739, %ne3A_740 : i32
        %lt3A_742 = arith.constant 0 : i32
        %lt3A_743 = arith.cmpi slt, %rem3A_739, %lt3A_742 : i32
        %lt3A_744 = arith.constant 0 : i32
        %lt3A_745 = arith.cmpi slt, %select_n3A_738, %lt3A_744 : i32
        %ne3A_746 = arith.xori %lt3A_743, %lt3A_745 : i1
        %and3A_747 = arith.andi %ne3A_746, %ne3A_741 : i1
        %add3A_748 = arith.addi %rem3A_739, %select_n3A_738 : i32
        %select_n3A_749 = arith.select %and3A_747, %add3A_748, %rem3A_739 : i32
        %jit3A_750 = arith.constant 2 : i32
        %div3A_751 = arith.divsi %select_n3A_749, %jit3A_750 : i32
        %sign3A_752 = arith.constant 0 : i32
        %sign3A_753 = arith.cmpi sgt, %select_n3A_749, %sign3A_752 : i32
        %sign3A_754 = arith.extui %sign3A_753 : i1 to i32
        %sign3A_755 = arith.constant 0 : i32
        %sign3A_756 = arith.cmpi slt, %select_n3A_749, %sign3A_755 : i32
        %sign3A_757 = arith.extui %sign3A_756 : i1 to i32
        %sign3A_758 = arith.subi %sign3A_754, %sign3A_757 : i32
        %sign3A_759 = arith.constant 0 : i32
        %sign3A_760 = arith.cmpi sgt, %jit3A_750, %sign3A_759 : i32
        %sign3A_761 = arith.extui %sign3A_760 : i1 to i32
        %sign3A_762 = arith.constant 0 : i32
        %sign3A_763 = arith.cmpi slt, %jit3A_750, %sign3A_762 : i32
        %sign3A_764 = arith.extui %sign3A_763 : i1 to i32
        %sign3A_765 = arith.subi %sign3A_761, %sign3A_764 : i32
        %ne3A_766 = arith.cmpi ne, %sign3A_758, %sign3A_765 : i32
        %rem3A_767 = arith.remsi %select_n3A_749, %jit3A_750 : i32
        %ne3A_768 = arith.constant 0 : i32
        %ne3A_769 = arith.cmpi ne, %rem3A_767, %ne3A_768 : i32
        %and3A_770 = arith.andi %ne3A_766, %ne3A_769 : i1
        %sub3A_771 = arith.constant 1 : i32
        %sub3A_772 = arith.subi %div3A_751, %sub3A_771 : i32
        %select_n3A_773 = arith.select %and3A_770, %sub3A_772, %div3A_751 : i32
        %broadcast_in_dim3A_774 = vector.broadcast %select_n3A_773 : i32 to vector<16x1xi32>
        %gather3A = vector.shape_cast %broadcast_in_dim3A_774 : vector<16x1xi32> to vector<16xi32>
        %gather3A_775 = tpu.dynamic_gather %select_n3A_733[%gather3A] in [0] : vector<16xf32>, vector<16xi32> -> vector<16xf32>
        %get3A_776 = arith.index_cast %scan3A_690 : i32 to index
        %get3A_777 = arith.constant 0 : index
        %get3A_778 = tpu.vector_load %arg13[%get3A_776, %get3A_777] {strides = array<i32>} : memref<128x144xf32, #tpu.memory_space<vmem>>, vector<16xf32>,
        %mul3A_779 = arith.mulf %get3A_778, %gather3A_775 : vector<16xf32>
        %swap3A = arith.index_cast %scan3A_690 : i32 to index
        %swap3A_780 = arith.constant 0 : index
        %swap3A_781 = tpu.vector_load %arg13[%swap3A, %swap3A_780] {strides = array<i32>} : memref<128x144xf32, #tpu.memory_space<vmem>>, vector<16xf32>,
        tpu.vector_store %arg13[%swap3A, %swap3A_780], %mul3A_779 {strides = array<i32>} : memref<128x144xf32, #tpu.memory_space<vmem>>, vector<16xf32>,
        %get3A_782 = arith.index_cast %scan3A_690 : i32 to index
        %get3A_783 = arith.constant 16 : index
        %get3A_784 = tpu.vector_load %arg13[%get3A_782, %get3A_783] {strides = array<i32>} : memref<128x144xf32, #tpu.memory_space<vmem>>, vector<16xf32>,
        %mul3A_785 = arith.mulf %get3A_784, %gather3A_775 : vector<16xf32>
        %swap3A_786 = arith.index_cast %scan3A_690 : i32 to index
        %swap3A_787 = arith.constant 16 : index
        %swap3A_788 = tpu.vector_load %arg13[%swap3A_786, %swap3A_787] {strides = array<i32>} : memref<128x144xf32, #tpu.memory_space<vmem>>, vector<16xf32>,
        tpu.vector_store %arg13[%swap3A_786, %swap3A_787], %mul3A_785 {strides = array<i32>} : memref<128x144xf32, #tpu.memory_space<vmem>>, vector<16xf32>,
        %get3A_789 = arith.index_cast %scan3A_690 : i32 to index
        %get3A_790 = arith.constant 32 : index
        %get3A_791 = tpu.vector_load %arg13[%get3A_789, %get3A_790] {strides = array<i32>} : memref<128x144xf32, #tpu.memory_space<vmem>>, vector<16xf32>,
        %mul3A_792 = arith.mulf %get3A_791, %gather3A_775 : vector<16xf32>
        %swap3A_793 = arith.index_cast %scan3A_690 : i32 to index
        %swap3A_794 = arith.constant 32 : index
        %swap3A_795 = tpu.vector_load %arg13[%swap3A_793, %swap3A_794] {strides = array<i32>} : memref<128x144xf32, #tpu.memory_space<vmem>>, vector<16xf32>,
        tpu.vector_store %arg13[%swap3A_793, %swap3A_794], %mul3A_792 {strides = array<i32>} : memref<128x144xf32, #tpu.memory_space<vmem>>, vector<16xf32>,
        %get3A_796 = arith.index_cast %scan3A_690 : i32 to index
        %get3A_797 = arith.constant 48 : index
        %get3A_798 = tpu.vector_load %arg13[%get3A_796, %get3A_797] {strides = array<i32>} : memref<128x144xf32, #tpu.memory_space<vmem>>, vector<16xf32>,
        %mul3A_799 = arith.mulf %get3A_798, %gather3A_775 : vector<16xf32>
        %swap3A_800 = arith.index_cast %scan3A_690 : i32 to index
        %swap3A_801 = arith.constant 48 : index
        %swap3A_802 = tpu.vector_load %arg13[%swap3A_800, %swap3A_801] {strides = array<i32>} : memref<128x144xf32, #tpu.memory_space<vmem>>, vector<16xf32>,
        tpu.vector_store %arg13[%swap3A_800, %swap3A_801], %mul3A_799 {strides = array<i32>} : memref<128x144xf32, #tpu.memory_space<vmem>>, vector<16xf32>,
        %get3A_803 = arith.index_cast %scan3A_690 : i32 to index
        %get3A_804 = arith.constant 64 : index
        %get3A_805 = tpu.vector_load %arg13[%get3A_803, %get3A_804] {strides = array<i32>} : memref<128x144xf32, #tpu.memory_space<vmem>>, vector<16xf32>,
        %mul3A_806 = arith.mulf %get3A_805, %gather3A_775 : vector<16xf32>
        %swap3A_807 = arith.index_cast %scan3A_690 : i32 to index
        %swap3A_808 = arith.constant 64 : index
        %swap3A_809 = tpu.vector_load %arg13[%swap3A_807, %swap3A_808] {strides = array<i32>} : memref<128x144xf32, #tpu.memory_space<vmem>>, vector<16xf32>,
        tpu.vector_store %arg13[%swap3A_807, %swap3A_808], %mul3A_806 {strides = array<i32>} : memref<128x144xf32, #tpu.memory_space<vmem>>, vector<16xf32>,
        %get3A_810 = arith.index_cast %scan3A_690 : i32 to index
        %get3A_811 = arith.constant 80 : index
        %get3A_812 = tpu.vector_load %arg13[%get3A_810, %get3A_811] {strides = array<i32>} : memref<128x144xf32, #tpu.memory_space<vmem>>, vector<16xf32>,
        %mul3A_813 = arith.mulf %get3A_812, %gather3A_775 : vector<16xf32>
        %swap3A_814 = arith.index_cast %scan3A_690 : i32 to index
        %swap3A_815 = arith.constant 80 : index
        %swap3A_816 = tpu.vector_load %arg13[%swap3A_814, %swap3A_815] {strides = array<i32>} : memref<128x144xf32, #tpu.memory_space<vmem>>, vector<16xf32>,
        tpu.vector_store %arg13[%swap3A_814, %swap3A_815], %mul3A_813 {strides = array<i32>} : memref<128x144xf32, #tpu.memory_space<vmem>>, vector<16xf32>,
        %get3A_817 = arith.index_cast %scan3A_690 : i32 to index
        %get3A_818 = arith.constant 96 : index
        %get3A_819 = tpu.vector_load %arg13[%get3A_817, %get3A_818] {strides = array<i32>} : memref<128x144xf32, #tpu.memory_space<vmem>>, vector<16xf32>,
        %mul3A_820 = arith.mulf %get3A_819, %gather3A_775 : vector<16xf32>
        %swap3A_821 = arith.index_cast %scan3A_690 : i32 to index
        %swap3A_822 = arith.constant 96 : index
        %swap3A_823 = tpu.vector_load %arg13[%swap3A_821, %swap3A_822] {strides = array<i32>} : memref<128x144xf32, #tpu.memory_space<vmem>>, vector<16xf32>,
        tpu.vector_store %arg13[%swap3A_821, %swap3A_822], %mul3A_820 {strides = array<i32>} : memref<128x144xf32, #tpu.memory_space<vmem>>, vector<16xf32>,
        %get3A_824 = arith.index_cast %scan3A_690 : i32 to index
        %get3A_825 = arith.constant 112 : index
        %get3A_826 = tpu.vector_load %arg13[%get3A_824, %get3A_825] {strides = array<i32>} : memref<128x144xf32, #tpu.memory_space<vmem>>, vector<16xf32>,
        %mul3A_827 = arith.mulf %get3A_826, %gather3A_775 : vector<16xf32>
        %swap3A_828 = arith.index_cast %scan3A_690 : i32 to index
        %swap3A_829 = arith.constant 112 : index
        %swap3A_830 = tpu.vector_load %arg13[%swap3A_828, %swap3A_829] {strides = array<i32>} : memref<128x144xf32, #tpu.memory_space<vmem>>, vector<16xf32>,
        tpu.vector_store %arg13[%swap3A_828, %swap3A_829], %mul3A_827 {strides = array<i32>} : memref<128x144xf32, #tpu.memory_space<vmem>>, vector<16xf32>,
        %scan3A_831 = arith.constant 0 : i32
        scf.yield %scan3A_831 : i32
      }
      %scan3A_431 = arith.constant 128 : i32
      %dma_start3A_432 = arith.constant 4 : i32
      %dma_start3A_433 = arith.constant 0 : i32
      %dma_start3A_434 = tpu.memref_slice %arg12[%dma_start3A_432, %dma_start3A_433] : memref<6x128xi32, #tpu.memory_space<vmem>> -> memref<1x128xi32, #tpu.memory_space<vmem>>
      %dma_start3A_435 = tpu.memref_squeeze %dma_start3A_434 : memref<1x128xi32, #tpu.memory_space<vmem>> -> memref<128xi32, #tpu.memory_space<vmem>>
      %dma_start3A_436 = arith.constant 0 : i32
      %dma_start3A_437 = arith.constant 0 : i32
      %dma_start3A_438 = tpu.memref_slice %arg15[%dma_start3A_436, %dma_start3A_437] : memref<10000x144xf32, #tpu.memory_space<vmem_shared>> -> memref<10000x144xf32, #tpu.memory_space<vmem_shared>>
      tpu.enqueue_indirect_dma source(%arg13 : memref<128x144xf32, #tpu.memory_space<vmem>>) target(%dma_start3A_438 : memref<10000x144xf32, #tpu.memory_space<vmem_shared>>) offsets(%dma_start3A_435 : memref<128xi32, #tpu.memory_space<vmem>>) semaphore(%arg18 : memref<!tpu.dma_semaphore, #tpu.memory_space<semaphore_mem>>) {add = true}
      %add3A_439 = arith.constant 1 : i32
      %add3A_440 = arith.addi %add3A_280, %add3A_439 : i32
      %mul3A_441 = arith.constant 6 : i32
      %mul3A_442 = arith.muli %add3A_440, %mul3A_441 : i32
      %lt3A_443 = arith.cmpi slt, %mul3A_442, %add3A_8 : i32
      %convert_element_type3A_444 = arith.extui %lt3A_443 : i1 to i32
      %cond3A_445 = arith.constant 0 : i32
      %cond3A_446 = arith.cmpi ne, %convert_element_type3A_444, %cond3A_445 : i32
      scf.if %cond3A_446 {
        %dma_wait3A_690 = arith.constant 0 : i32
        %dma_wait3A_691 = tpu.memref_slice %arg3[%dma_wait3A_690] : memref<320000xi32, #tpu.memory_space<hbm>> -> memref<768xi32, #tpu.memory_space<hbm>>
        %dma_wait3A_692 = arith.constant 0 : i32
        %dma_wait3A_693 = tpu.memref_slice %arg3[%dma_wait3A_692] : memref<320000xi32, #tpu.memory_space<hbm>> -> memref<768xi32, #tpu.memory_space<hbm>>
        tpu.wait_dma2 semaphore(%arg20 : memref<!tpu.dma_semaphore, #tpu.memory_space<semaphore_mem>>) src(%dma_wait3A_693 : memref<768xi32, #tpu.memory_space<hbm>>) dst(%arg7 : memref<768xi32, #tpu.memory_space<vmem>>)
        %dma_wait3A_694 = arith.constant 0 : i32
        %dma_wait3A_695 = tpu.memref_slice %arg5[%dma_wait3A_694] : memref<320000xbf16, #tpu.memory_space<hbm>> -> memref<768xbf16, #tpu.memory_space<hbm>>
        %dma_wait3A_696 = arith.constant 0 : i32
        %dma_wait3A_697 = tpu.memref_slice %arg5[%dma_wait3A_696] : memref<320000xbf16, #tpu.memory_space<hbm>> -> memref<768xbf16, #tpu.memory_space<hbm>>
        tpu.wait_dma2 semaphore(%arg20 : memref<!tpu.dma_semaphore, #tpu.memory_space<semaphore_mem>>) src(%dma_wait3A_697 : memref<768xbf16, #tpu.memory_space<hbm>>) dst(%arg8 : memref<768xbf16, #tpu.memory_space<vmem>>)
        %dma_wait3A_698 = arith.constant 0 : i32
        %dma_wait3A_699 = arith.constant 0 : i32
        %dma_wait3A_700 = tpu.memref_slice %arg4[%dma_wait3A_698, %dma_wait3A_699] : memref<2500x128xi32, #tpu.memory_space<hbm>> -> memref<6x128xi32, #tpu.memory_space<hbm>>
        %dma_wait3A_701 = arith.constant 0 : i32
        %dma_wait3A_702 = arith.constant 0 : i32
        %dma_wait3A_703 = tpu.memref_slice %arg4[%dma_wait3A_701, %dma_wait3A_702] : memref<2500x128xi32, #tpu.memory_space<hbm>> -> memref<6x128xi32, #tpu.memory_space<hbm>>
        tpu.wait_dma2 semaphore(%arg20 : memref<!tpu.dma_semaphore, #tpu.memory_space<semaphore_mem>>) src(%dma_wait3A_703 : memref<6x128xi32, #tpu.memory_space<hbm>>) dst(%arg9 : memref<6x128xi32, #tpu.memory_space<vmem>>)
        %dma_start3A_704 = arith.constant 0 : i32
        %dma_start3A_705 = tpu.memref_slice %arg7[%dma_start3A_704] : memref<768xi32, #tpu.memory_space<vmem>> -> memref<128xi32, #tpu.memory_space<vmem>>
        %dma_start3A_706 = arith.constant 0 : i32
        %dma_start3A_707 = arith.constant 0 : i32
        %dma_start3A_708 = tpu.memref_slice %arg2[%dma_start3A_706, %dma_start3A_707] : memref<10000x144xf32, #tpu.memory_space<hbm>> -> memref<10000x144xf32, #tpu.memory_space<hbm>>
        tpu.enqueue_indirect_dma source(%dma_start3A_708 : memref<10000x144xf32, #tpu.memory_space<hbm>>) target(%arg13 : memref<128x144xf32, #tpu.memory_space<vmem>>) offsets(%dma_start3A_705 : memref<128xi32, #tpu.memory_space<vmem>>) semaphore(%arg16 : memref<!tpu.dma_semaphore, #tpu.memory_space<semaphore_mem>>)
      } else {
      }
      %dma_wait3A_447 = arith.constant 0 : i32
      %dma_wait3A_448 = tpu.memref_slice %arg7[%dma_wait3A_447] : memref<768xi32, #tpu.memory_space<vmem>> -> memref<128xi32, #tpu.memory_space<vmem>>
      %dma_wait3A_449 = arith.constant 0 : i32
      %dma_wait3A_450 = arith.constant 0 : i32
      %dma_wait3A_451 = tpu.memref_slice %arg2[%dma_wait3A_449, %dma_wait3A_450] : memref<10000x144xf32, #tpu.memory_space<hbm>> -> memref<10000x144xf32, #tpu.memory_space<hbm>>
      tpu.wait_indirect_dma semaphore(%arg17 : memref<!tpu.dma_semaphore, #tpu.memory_space<semaphore_mem>>) src(%dma_wait3A_451 : memref<10000x144xf32, #tpu.memory_space<hbm>>) dst(%arg14 : memref<128x144xf32, #tpu.memory_space<vmem>>)
      %dma_wait3A_452 = arith.constant 0 : i32
      %dma_wait3A_453 = arith.constant 0 : i32
      %dma_wait3A_454 = tpu.memref_slice %arg9[%dma_wait3A_452, %dma_wait3A_453] : memref<6x128xi32, #tpu.memory_space<vmem>> -> memref<1x128xi32, #tpu.memory_space<vmem>>
      %dma_wait3A_455 = tpu.memref_squeeze %dma_wait3A_454 : memref<1x128xi32, #tpu.memory_space<vmem>> -> memref<128xi32, #tpu.memory_space<vmem>>
      %dma_wait3A_456 = arith.constant 0 : i32
      %dma_wait3A_457 = arith.constant 0 : i32
      %dma_wait3A_458 = tpu.memref_slice %arg15[%dma_wait3A_456, %dma_wait3A_457] : memref<10000x144xf32, #tpu.memory_space<vmem_shared>> -> memref<10000x144xf32, #tpu.memory_space<vmem_shared>>
      tpu.wait_indirect_dma semaphore(%arg19 : memref<!tpu.dma_semaphore, #tpu.memory_space<semaphore_mem>>) src(%arg14 : memref<128x144xf32, #tpu.memory_space<vmem>>) dst(%dma_wait3A_458 : memref<10000x144xf32, #tpu.memory_space<vmem_shared>>)
      %scan3A_459 = arith.constant 0 : i32
      %scan3A_460 = arith.constant 0 : i32
      %scan3A_461 = arith.constant 128 : i32
      %scan3A_462 = arith.addi %scan3A_460, %scan3A_461 : i32
      %scan3A_463 = arith.constant 1 : i32
      %scan3A_464 = scf.for %scan3A_690 = %scan3A_460 to %scan3A_462 step %scan3A_463 iter_args(%scan3A_691 = %scan3A_459) -> (i32)  : i32 {
        %jit3A_692 = arith.constant 32 : i32
        %div3A = arith.divsi %scan3A_690, %jit3A_692 : i32
        %sign3A = arith.constant 0 : i32
        %sign3A_693 = arith.cmpi sgt, %scan3A_690, %sign3A : i32
        %sign3A_694 = arith.extui %sign3A_693 : i1 to i32
        %sign3A_695 = arith.constant 0 : i32
        %sign3A_696 = arith.cmpi slt, %scan3A_690, %sign3A_695 : i32
        %sign3A_697 = arith.extui %sign3A_696 : i1 to i32
        %sign3A_698 = arith.subi %sign3A_694, %sign3A_697 : i32
        %sign3A_699 = arith.constant 0 : i32
        %sign3A_700 = arith.cmpi sgt, %jit3A_692, %sign3A_699 : i32
        %sign3A_701 = arith.extui %sign3A_700 : i1 to i32
        %sign3A_702 = arith.constant 0 : i32
        %sign3A_703 = arith.cmpi slt, %jit3A_692, %sign3A_702 : i32
        %sign3A_704 = arith.extui %sign3A_703 : i1 to i32
        %sign3A_705 = arith.subi %sign3A_701, %sign3A_704 : i32
        %ne3A = arith.cmpi ne, %sign3A_698, %sign3A_705 : i32
        %rem3A = arith.remsi %scan3A_690, %jit3A_692 : i32
        %ne3A_706 = arith.constant 0 : i32
        %ne3A_707 = arith.cmpi ne, %rem3A, %ne3A_706 : i32
        %and3A = arith.andi %ne3A, %ne3A_707 : i1
        %sub3A = arith.constant 1 : i32
        %sub3A_708 = arith.subi %div3A, %sub3A : i32
        %select_n3A_709 = arith.select %and3A, %sub3A_708, %div3A : i32
        %mul3A_710 = arith.constant 32 : i32
        %mul3A_711 = arith.muli %select_n3A_709, %mul3A_710 : i32
        %add3A_712 = arith.constant 640 : i32
        %add3A_713 = arith.addi %add3A_712, %mul3A_711 : i32
        %get3A = arith.index_cast %add3A_713 : i32 to index
        %get3A_714 = tpu.vector_load %arg11[%get3A] {strides = array<i32>} : memref<768xbf16, #tpu.memory_space<vmem>>, vector<32xbf16>,
        %unpack3A = tpu.unpack_subelements %get3A_714, 0 {pack_format = #tpu.pack_format<interleaved>} : vector<32xbf16> -> vector<16xf32>
        %unpack3A_715 = tpu.unpack_subelements %get3A_714, 1 {pack_format = #tpu.pack_format<interleaved>} : vector<32xbf16> -> vector<16xf32>
        %jit3A_716 = arith.constant 2 : i32
        %eq3A = arith.constant 0 : i32
        %eq3A_717 = arith.cmpi eq, %jit3A_716, %eq3A : i32
        %jit3A_718 = arith.constant 1 : i32
        %select_n3A_719 = arith.select %eq3A_717, %jit3A_718, %jit3A_716 : i32
        %rem3A_720 = arith.remsi %scan3A_690, %select_n3A_719 : i32
        %ne3A_721 = arith.constant 0 : i32
        %ne3A_722 = arith.cmpi ne, %rem3A_720, %ne3A_721 : i32
        %lt3A_723 = arith.constant 0 : i32
        %lt3A_724 = arith.cmpi slt, %rem3A_720, %lt3A_723 : i32
        %lt3A_725 = arith.constant 0 : i32
        %lt3A_726 = arith.cmpi slt, %select_n3A_719, %lt3A_725 : i32
        %ne3A_727 = arith.xori %lt3A_724, %lt3A_726 : i1
        %and3A_728 = arith.andi %ne3A_727, %ne3A_722 : i1
        %add3A_729 = arith.addi %rem3A_720, %select_n3A_719 : i32
        %select_n3A_730 = arith.select %and3A_728, %add3A_729, %rem3A_720 : i32
        %eq3A_731 = arith.constant 0 : i32
        %eq3A_732 = arith.cmpi eq, %select_n3A_730, %eq3A_731 : i32
        %select_n3A_733 = arith.select %eq3A_732, %unpack3A, %unpack3A_715 : vector<16xf32>
        %jit3A_734 = arith.constant 32 : i32
        %eq3A_735 = arith.constant 0 : i32
        %eq3A_736 = arith.cmpi eq, %jit3A_734, %eq3A_735 : i32
        %jit3A_737 = arith.constant 1 : i32
        %select_n3A_738 = arith.select %eq3A_736, %jit3A_737, %jit3A_734 : i32
        %rem3A_739 = arith.remsi %scan3A_690, %select_n3A_738 : i32
        %ne3A_740 = arith.constant 0 : i32
        %ne3A_741 = arith.cmpi ne, %rem3A_739, %ne3A_740 : i32
        %lt3A_742 = arith.constant 0 : i32
        %lt3A_743 = arith.cmpi slt, %rem3A_739, %lt3A_742 : i32
        %lt3A_744 = arith.constant 0 : i32
        %lt3A_745 = arith.cmpi slt, %select_n3A_738, %lt3A_744 : i32
        %ne3A_746 = arith.xori %lt3A_743, %lt3A_745 : i1
        %and3A_747 = arith.andi %ne3A_746, %ne3A_741 : i1
        %add3A_748 = arith.addi %rem3A_739, %select_n3A_738 : i32
        %select_n3A_749 = arith.select %and3A_747, %add3A_748, %rem3A_739 : i32
        %jit3A_750 = arith.constant 2 : i32
        %div3A_751 = arith.divsi %select_n3A_749, %jit3A_750 : i32
        %sign3A_752 = arith.constant 0 : i32
        %sign3A_753 = arith.cmpi sgt, %select_n3A_749, %sign3A_752 : i32
        %sign3A_754 = arith.extui %sign3A_753 : i1 to i32
        %sign3A_755 = arith.constant 0 : i32
        %sign3A_756 = arith.cmpi slt, %select_n3A_749, %sign3A_755 : i32
        %sign3A_757 = arith.extui %sign3A_756 : i1 to i32
        %sign3A_758 = arith.subi %sign3A_754, %sign3A_757 : i32
        %sign3A_759 = arith.constant 0 : i32
        %sign3A_760 = arith.cmpi sgt, %jit3A_750, %sign3A_759 : i32
        %sign3A_761 = arith.extui %sign3A_760 : i1 to i32
        %sign3A_762 = arith.constant 0 : i32
        %sign3A_763 = arith.cmpi slt, %jit3A_750, %sign3A_762 : i32
        %sign3A_764 = arith.extui %sign3A_763 : i1 to i32
        %sign3A_765 = arith.subi %sign3A_761, %sign3A_764 : i32
        %ne3A_766 = arith.cmpi ne, %sign3A_758, %sign3A_765 : i32
        %rem3A_767 = arith.remsi %select_n3A_749, %jit3A_750 : i32
        %ne3A_768 = arith.constant 0 : i32
        %ne3A_769 = arith.cmpi ne, %rem3A_767, %ne3A_768 : i32
        %and3A_770 = arith.andi %ne3A_766, %ne3A_769 : i1
        %sub3A_771 = arith.constant 1 : i32
        %sub3A_772 = arith.subi %div3A_751, %sub3A_771 : i32
        %select_n3A_773 = arith.select %and3A_770, %sub3A_772, %div3A_751 : i32
        %broadcast_in_dim3A_774 = vector.broadcast %select_n3A_773 : i32 to vector<16x1xi32>
        %gather3A = vector.shape_cast %broadcast_in_dim3A_774 : vector<16x1xi32> to vector<16xi32>
        %gather3A_775 = tpu.dynamic_gather %select_n3A_733[%gather3A] in [0] : vector<16xf32>, vector<16xi32> -> vector<16xf32>
        %get3A_776 = arith.index_cast %scan3A_690 : i32 to index
        %get3A_777 = arith.constant 0 : index
        %get3A_778 = tpu.vector_load %arg14[%get3A_776, %get3A_777] {strides = array<i32>} : memref<128x144xf32, #tpu.memory_space<vmem>>, vector<16xf32>,
        %mul3A_779 = arith.mulf %get3A_778, %gather3A_775 : vector<16xf32>
        %swap3A = arith.index_cast %scan3A_690 : i32 to index
        %swap3A_780 = arith.constant 0 : index
        %swap3A_781 = tpu.vector_load %arg14[%swap3A, %swap3A_780] {strides = array<i32>} : memref<128x144xf32, #tpu.memory_space<vmem>>, vector<16xf32>,
        tpu.vector_store %arg14[%swap3A, %swap3A_780], %mul3A_779 {strides = array<i32>} : memref<128x144xf32, #tpu.memory_space<vmem>>, vector<16xf32>,
        %get3A_782 = arith.index_cast %scan3A_690 : i32 to index
        %get3A_783 = arith.constant 16 : index
        %get3A_784 = tpu.vector_load %arg14[%get3A_782, %get3A_783] {strides = array<i32>} : memref<128x144xf32, #tpu.memory_space<vmem>>, vector<16xf32>,
        %mul3A_785 = arith.mulf %get3A_784, %gather3A_775 : vector<16xf32>
        %swap3A_786 = arith.index_cast %scan3A_690 : i32 to index
        %swap3A_787 = arith.constant 16 : index
        %swap3A_788 = tpu.vector_load %arg14[%swap3A_786, %swap3A_787] {strides = array<i32>} : memref<128x144xf32, #tpu.memory_space<vmem>>, vector<16xf32>,
        tpu.vector_store %arg14[%swap3A_786, %swap3A_787], %mul3A_785 {strides = array<i32>} : memref<128x144xf32, #tpu.memory_space<vmem>>, vector<16xf32>,
        %get3A_789 = arith.index_cast %scan3A_690 : i32 to index
        %get3A_790 = arith.constant 32 : index
        %get3A_791 = tpu.vector_load %arg14[%get3A_789, %get3A_790] {strides = array<i32>} : memref<128x144xf32, #tpu.memory_space<vmem>>, vector<16xf32>,
        %mul3A_792 = arith.mulf %get3A_791, %gather3A_775 : vector<16xf32>
        %swap3A_793 = arith.index_cast %scan3A_690 : i32 to index
        %swap3A_794 = arith.constant 32 : index
        %swap3A_795 = tpu.vector_load %arg14[%swap3A_793, %swap3A_794] {strides = array<i32>} : memref<128x144xf32, #tpu.memory_space<vmem>>, vector<16xf32>,
        tpu.vector_store %arg14[%swap3A_793, %swap3A_794], %mul3A_792 {strides = array<i32>} : memref<128x144xf32, #tpu.memory_space<vmem>>, vector<16xf32>,
        %get3A_796 = arith.index_cast %scan3A_690 : i32 to index
        %get3A_797 = arith.constant 48 : index
        %get3A_798 = tpu.vector_load %arg14[%get3A_796, %get3A_797] {strides = array<i32>} : memref<128x144xf32, #tpu.memory_space<vmem>>, vector<16xf32>,
        %mul3A_799 = arith.mulf %get3A_798, %gather3A_775 : vector<16xf32>
        %swap3A_800 = arith.index_cast %scan3A_690 : i32 to index
        %swap3A_801 = arith.constant 48 : index
        %swap3A_802 = tpu.vector_load %arg14[%swap3A_800, %swap3A_801] {strides = array<i32>} : memref<128x144xf32, #tpu.memory_space<vmem>>, vector<16xf32>,
        tpu.vector_store %arg14[%swap3A_800, %swap3A_801], %mul3A_799 {strides = array<i32>} : memref<128x144xf32, #tpu.memory_space<vmem>>, vector<16xf32>,
        %get3A_803 = arith.index_cast %scan3A_690 : i32 to index
        %get3A_804 = arith.constant 64 : index
        %get3A_805 = tpu.vector_load %arg14[%get3A_803, %get3A_804] {strides = array<i32>} : memref<128x144xf32, #tpu.memory_space<vmem>>, vector<16xf32>,
        %mul3A_806 = arith.mulf %get3A_805, %gather3A_775 : vector<16xf32>
        %swap3A_807 = arith.index_cast %scan3A_690 : i32 to index
        %swap3A_808 = arith.constant 64 : index
        %swap3A_809 = tpu.vector_load %arg14[%swap3A_807, %swap3A_808] {strides = array<i32>} : memref<128x144xf32, #tpu.memory_space<vmem>>, vector<16xf32>,
        tpu.vector_store %arg14[%swap3A_807, %swap3A_808], %mul3A_806 {strides = array<i32>} : memref<128x144xf32, #tpu.memory_space<vmem>>, vector<16xf32>,
        %get3A_810 = arith.index_cast %scan3A_690 : i32 to index
        %get3A_811 = arith.constant 80 : index
        %get3A_812 = tpu.vector_load %arg14[%get3A_810, %get3A_811] {strides = array<i32>} : memref<128x144xf32, #tpu.memory_space<vmem>>, vector<16xf32>,
        %mul3A_813 = arith.mulf %get3A_812, %gather3A_775 : vector<16xf32>
        %swap3A_814 = arith.index_cast %scan3A_690 : i32 to index
        %swap3A_815 = arith.constant 80 : index
        %swap3A_816 = tpu.vector_load %arg14[%swap3A_814, %swap3A_815] {strides = array<i32>} : memref<128x144xf32, #tpu.memory_space<vmem>>, vector<16xf32>,
        tpu.vector_store %arg14[%swap3A_814, %swap3A_815], %mul3A_813 {strides = array<i32>} : memref<128x144xf32, #tpu.memory_space<vmem>>, vector<16xf32>,
        %get3A_817 = arith.index_cast %scan3A_690 : i32 to index
        %get3A_818 = arith.constant 96 : index
        %get3A_819 = tpu.vector_load %arg14[%get3A_817, %get3A_818] {strides = array<i32>} : memref<128x144xf32, #tpu.memory_space<vmem>>, vector<16xf32>,
        %mul3A_820 = arith.mulf %get3A_819, %gather3A_775 : vector<16xf32>
        %swap3A_821 = arith.index_cast %scan3A_690 : i32 to index
        %swap3A_822 = arith.constant 96 : index
        %swap3A_823 = tpu.vector_load %arg14[%swap3A_821, %swap3A_822] {strides = array<i32>} : memref<128x144xf32, #tpu.memory_space<vmem>>, vector<16xf32>,
        tpu.vector_store %arg14[%swap3A_821, %swap3A_822], %mul3A_820 {strides = array<i32>} : memref<128x144xf32, #tpu.memory_space<vmem>>, vector<16xf32>,
        %get3A_824 = arith.index_cast %scan3A_690 : i32 to index
        %get3A_825 = arith.constant 112 : index
        %get3A_826 = tpu.vector_load %arg14[%get3A_824, %get3A_825] {strides = array<i32>} : memref<128x144xf32, #tpu.memory_space<vmem>>, vector<16xf32>,
        %mul3A_827 = arith.mulf %get3A_826, %gather3A_775 : vector<16xf32>
        %swap3A_828 = arith.index_cast %scan3A_690 : i32 to index
        %swap3A_829 = arith.constant 112 : index
        %swap3A_830 = tpu.vector_load %arg14[%swap3A_828, %swap3A_829] {strides = array<i32>} : memref<128x144xf32, #tpu.memory_space<vmem>>, vector<16xf32>,
        tpu.vector_store %arg14[%swap3A_828, %swap3A_829], %mul3A_827 {strides = array<i32>} : memref<128x144xf32, #tpu.memory_space<vmem>>, vector<16xf32>,
        %scan3A_831 = arith.constant 0 : i32
        scf.yield %scan3A_831 : i32
      }
      %scan3A_465 = arith.constant 128 : i32
      %dma_start3A_466 = arith.constant 5 : i32
      %dma_start3A_467 = arith.constant 0 : i32
      %dma_start3A_468 = tpu.memref_slice %arg12[%dma_start3A_466, %dma_start3A_467] : memref<6x128xi32, #tpu.memory_space<vmem>> -> memref<1x128xi32, #tpu.memory_space<vmem>>
      %dma_start3A_469 = tpu.memref_squeeze %dma_start3A_468 : memref<1x128xi32, #tpu.memory_space<vmem>> -> memref<128xi32, #tpu.memory_space<vmem>>
      %dma_start3A_470 = arith.constant 0 : i32
      %dma_start3A_471 = arith.constant 0 : i32
      %dma_start3A_472 = tpu.memref_slice %arg15[%dma_start3A_470, %dma_start3A_471] : memref<10000x144xf32, #tpu.memory_space<vmem_shared>> -> memref<10000x144xf32, #tpu.memory_space<vmem_shared>>
      tpu.enqueue_indirect_dma source(%arg14 : memref<128x144xf32, #tpu.memory_space<vmem>>) target(%dma_start3A_472 : memref<10000x144xf32, #tpu.memory_space<vmem_shared>>) offsets(%dma_start3A_469 : memref<128xi32, #tpu.memory_space<vmem>>) semaphore(%arg19 : memref<!tpu.dma_semaphore, #tpu.memory_space<semaphore_mem>>) {add = true}
      %add3A_473 = arith.constant 1 : i32
      %add3A_474 = arith.addi %add3A_280, %add3A_473 : i32
      %mul3A_475 = arith.constant 6 : i32
      %mul3A_476 = arith.muli %add3A_474, %mul3A_475 : i32
      %add3A_477 = arith.constant 1 : i32
      %add3A_478 = arith.addi %mul3A_476, %add3A_477 : i32
      %lt3A_479 = arith.cmpi slt, %add3A_478, %add3A_8 : i32
      %convert_element_type3A_480 = arith.extui %lt3A_479 : i1 to i32
      %cond3A_481 = arith.constant 0 : i32
      %cond3A_482 = arith.cmpi ne, %convert_element_type3A_480, %cond3A_481 : i32
      scf.if %cond3A_482 {
        %dma_start3A_690 = arith.constant 128 : i32
        %dma_start3A_691 = tpu.memref_slice %arg7[%dma_start3A_690] : memref<768xi32, #tpu.memory_space<vmem>> -> memref<128xi32, #tpu.memory_space<vmem>>
        %dma_start3A_692 = arith.constant 0 : i32
        %dma_start3A_693 = arith.constant 0 : i32
        %dma_start3A_694 = tpu.memref_slice %arg2[%dma_start3A_692, %dma_start3A_693] : memref<10000x144xf32, #tpu.memory_space<hbm>> -> memref<10000x144xf32, #tpu.memory_space<hbm>>
        tpu.enqueue_indirect_dma source(%dma_start3A_694 : memref<10000x144xf32, #tpu.memory_space<hbm>>) target(%arg14 : memref<128x144xf32, #tpu.memory_space<vmem>>) offsets(%dma_start3A_691 : memref<128xi32, #tpu.memory_space<vmem>>) semaphore(%arg17 : memref<!tpu.dma_semaphore, #tpu.memory_space<semaphore_mem>>)
      } else {
      }
      %mul3A_483 = arith.constant 2 : i32
      %mul3A_484 = arith.muli %mul3A_483, %scan3A_275 : i32
      %add3A_485 = arith.constant 2 : i32
      %add3A_486 = arith.addi %mul3A_484, %add3A_485 : i32
      %dma_wait3A_487 = arith.constant 0 : i32
      %dma_wait3A_488 = tpu.memref_slice %arg7[%dma_wait3A_487] : memref<768xi32, #tpu.memory_space<vmem>> -> memref<128xi32, #tpu.memory_space<vmem>>
      %dma_wait3A_489 = arith.constant 0 : i32
      %dma_wait3A_490 = arith.constant 0 : i32
      %dma_wait3A_491 = tpu.memref_slice %arg2[%dma_wait3A_489, %dma_wait3A_490] : memref<10000x144xf32, #tpu.memory_space<hbm>> -> memref<10000x144xf32, #tpu.memory_space<hbm>>
      tpu.wait_indirect_dma semaphore(%arg16 : memref<!tpu.dma_semaphore, #tpu.memory_space<semaphore_mem>>) src(%dma_wait3A_491 : memref<10000x144xf32, #tpu.memory_space<hbm>>) dst(%arg13 : memref<128x144xf32, #tpu.memory_space<vmem>>)
      %dma_wait3A_492 = arith.constant 0 : i32
      %dma_wait3A_493 = arith.constant 0 : i32
      %dma_wait3A_494 = tpu.memref_slice %arg9[%dma_wait3A_492, %dma_wait3A_493] : memref<6x128xi32, #tpu.memory_space<vmem>> -> memref<1x128xi32, #tpu.memory_space<vmem>>
      %dma_wait3A_495 = tpu.memref_squeeze %dma_wait3A_494 : memref<1x128xi32, #tpu.memory_space<vmem>> -> memref<128xi32, #tpu.memory_space<vmem>>
      %dma_wait3A_496 = arith.constant 0 : i32
      %dma_wait3A_497 = arith.constant 0 : i32
      %dma_wait3A_498 = tpu.memref_slice %arg15[%dma_wait3A_496, %dma_wait3A_497] : memref<10000x144xf32, #tpu.memory_space<vmem_shared>> -> memref<10000x144xf32, #tpu.memory_space<vmem_shared>>
      tpu.wait_indirect_dma semaphore(%arg18 : memref<!tpu.dma_semaphore, #tpu.memory_space<semaphore_mem>>) src(%arg13 : memref<128x144xf32, #tpu.memory_space<vmem>>) dst(%dma_wait3A_498 : memref<10000x144xf32, #tpu.memory_space<vmem_shared>>)
      %scan3A_499 = arith.constant 0 : i32
      %scan3A_500 = arith.constant 0 : i32
      %scan3A_501 = arith.constant 128 : i32
      %scan3A_502 = arith.addi %scan3A_500, %scan3A_501 : i32
      %scan3A_503 = arith.constant 1 : i32
      %scan3A_504 = scf.for %scan3A_690 = %scan3A_500 to %scan3A_502 step %scan3A_503 iter_args(%scan3A_691 = %scan3A_499) -> (i32)  : i32 {
        %jit3A_692 = arith.constant 32 : i32
        %div3A = arith.divsi %scan3A_690, %jit3A_692 : i32
        %sign3A = arith.constant 0 : i32
        %sign3A_693 = arith.cmpi sgt, %scan3A_690, %sign3A : i32
        %sign3A_694 = arith.extui %sign3A_693 : i1 to i32
        %sign3A_695 = arith.constant 0 : i32
        %sign3A_696 = arith.cmpi slt, %scan3A_690, %sign3A_695 : i32
        %sign3A_697 = arith.extui %sign3A_696 : i1 to i32
        %sign3A_698 = arith.subi %sign3A_694, %sign3A_697 : i32
        %sign3A_699 = arith.constant 0 : i32
        %sign3A_700 = arith.cmpi sgt, %jit3A_692, %sign3A_699 : i32
        %sign3A_701 = arith.extui %sign3A_700 : i1 to i32
        %sign3A_702 = arith.constant 0 : i32
        %sign3A_703 = arith.cmpi slt, %jit3A_692, %sign3A_702 : i32
        %sign3A_704 = arith.extui %sign3A_703 : i1 to i32
        %sign3A_705 = arith.subi %sign3A_701, %sign3A_704 : i32
        %ne3A = arith.cmpi ne, %sign3A_698, %sign3A_705 : i32
        %rem3A = arith.remsi %scan3A_690, %jit3A_692 : i32
        %ne3A_706 = arith.constant 0 : i32
        %ne3A_707 = arith.cmpi ne, %rem3A, %ne3A_706 : i32
        %and3A = arith.andi %ne3A, %ne3A_707 : i1
        %sub3A = arith.constant 1 : i32
        %sub3A_708 = arith.subi %div3A, %sub3A : i32
        %select_n3A_709 = arith.select %and3A, %sub3A_708, %div3A : i32
        %mul3A_710 = arith.constant 32 : i32
        %mul3A_711 = arith.muli %select_n3A_709, %mul3A_710 : i32
        %add3A_712 = arith.constant 0 : i32
        %add3A_713 = arith.addi %add3A_712, %mul3A_711 : i32
        %get3A = arith.index_cast %add3A_713 : i32 to index
        %get3A_714 = tpu.vector_load %arg8[%get3A] {strides = array<i32>} : memref<768xbf16, #tpu.memory_space<vmem>>, vector<32xbf16>,
        %unpack3A = tpu.unpack_subelements %get3A_714, 0 {pack_format = #tpu.pack_format<interleaved>} : vector<32xbf16> -> vector<16xf32>
        %unpack3A_715 = tpu.unpack_subelements %get3A_714, 1 {pack_format = #tpu.pack_format<interleaved>} : vector<32xbf16> -> vector<16xf32>
        %jit3A_716 = arith.constant 2 : i32
        %eq3A = arith.constant 0 : i32
        %eq3A_717 = arith.cmpi eq, %jit3A_716, %eq3A : i32
        %jit3A_718 = arith.constant 1 : i32
        %select_n3A_719 = arith.select %eq3A_717, %jit3A_718, %jit3A_716 : i32
        %rem3A_720 = arith.remsi %scan3A_690, %select_n3A_719 : i32
        %ne3A_721 = arith.constant 0 : i32
        %ne3A_722 = arith.cmpi ne, %rem3A_720, %ne3A_721 : i32
        %lt3A_723 = arith.constant 0 : i32
        %lt3A_724 = arith.cmpi slt, %rem3A_720, %lt3A_723 : i32
        %lt3A_725 = arith.constant 0 : i32
        %lt3A_726 = arith.cmpi slt, %select_n3A_719, %lt3A_725 : i32
        %ne3A_727 = arith.xori %lt3A_724, %lt3A_726 : i1
        %and3A_728 = arith.andi %ne3A_727, %ne3A_722 : i1
        %add3A_729 = arith.addi %rem3A_720, %select_n3A_719 : i32
        %select_n3A_730 = arith.select %and3A_728, %add3A_729, %rem3A_720 : i32
        %eq3A_731 = arith.constant 0 : i32
        %eq3A_732 = arith.cmpi eq, %select_n3A_730, %eq3A_731 : i32
        %select_n3A_733 = arith.select %eq3A_732, %unpack3A, %unpack3A_715 : vector<16xf32>
        %jit3A_734 = arith.constant 32 : i32
        %eq3A_735 = arith.constant 0 : i32
        %eq3A_736 = arith.cmpi eq, %jit3A_734, %eq3A_735 : i32
        %jit3A_737 = arith.constant 1 : i32
        %select_n3A_738 = arith.select %eq3A_736, %jit3A_737, %jit3A_734 : i32
        %rem3A_739 = arith.remsi %scan3A_690, %select_n3A_738 : i32
        %ne3A_740 = arith.constant 0 : i32
        %ne3A_741 = arith.cmpi ne, %rem3A_739, %ne3A_740 : i32
        %lt3A_742 = arith.constant 0 : i32
        %lt3A_743 = arith.cmpi slt, %rem3A_739, %lt3A_742 : i32
        %lt3A_744 = arith.constant 0 : i32
        %lt3A_745 = arith.cmpi slt, %select_n3A_738, %lt3A_744 : i32
        %ne3A_746 = arith.xori %lt3A_743, %lt3A_745 : i1
        %and3A_747 = arith.andi %ne3A_746, %ne3A_741 : i1
        %add3A_748 = arith.addi %rem3A_739, %select_n3A_738 : i32
        %select_n3A_749 = arith.select %and3A_747, %add3A_748, %rem3A_739 : i32
        %jit3A_750 = arith.constant 2 : i32
        %div3A_751 = arith.divsi %select_n3A_749, %jit3A_750 : i32
        %sign3A_752 = arith.constant 0 : i32
        %sign3A_753 = arith.cmpi sgt, %select_n3A_749, %sign3A_752 : i32
        %sign3A_754 = arith.extui %sign3A_753 : i1 to i32
        %sign3A_755 = arith.constant 0 : i32
        %sign3A_756 = arith.cmpi slt, %select_n3A_749, %sign3A_755 : i32
        %sign3A_757 = arith.extui %sign3A_756 : i1 to i32
        %sign3A_758 = arith.subi %sign3A_754, %sign3A_757 : i32
        %sign3A_759 = arith.constant 0 : i32
        %sign3A_760 = arith.cmpi sgt, %jit3A_750, %sign3A_759 : i32
        %sign3A_761 = arith.extui %sign3A_760 : i1 to i32
        %sign3A_762 = arith.constant 0 : i32
        %sign3A_763 = arith.cmpi slt, %jit3A_750, %sign3A_762 : i32
        %sign3A_764 = arith.extui %sign3A_763 : i1 to i32
        %sign3A_765 = arith.subi %sign3A_761, %sign3A_764 : i32
        %ne3A_766 = arith.cmpi ne, %sign3A_758, %sign3A_765 : i32
        %rem3A_767 = arith.remsi %select_n3A_749, %jit3A_750 : i32
        %ne3A_768 = arith.constant 0 : i32
        %ne3A_769 = arith.cmpi ne, %rem3A_767, %ne3A_768 : i32
        %and3A_770 = arith.andi %ne3A_766, %ne3A_769 : i1
        %sub3A_771 = arith.constant 1 : i32
        %sub3A_772 = arith.subi %div3A_751, %sub3A_771 : i32
        %select_n3A_773 = arith.select %and3A_770, %sub3A_772, %div3A_751 : i32
        %broadcast_in_dim3A_774 = vector.broadcast %select_n3A_773 : i32 to vector<16x1xi32>
        %gather3A = vector.shape_cast %broadcast_in_dim3A_774 : vector<16x1xi32> to vector<16xi32>
        %gather3A_775 = tpu.dynamic_gather %select_n3A_733[%gather3A] in [0] : vector<16xf32>, vector<16xi32> -> vector<16xf32>
        %get3A_776 = arith.index_cast %scan3A_690 : i32 to index
        %get3A_777 = arith.constant 0 : index
        %get3A_778 = tpu.vector_load %arg13[%get3A_776, %get3A_777] {strides = array<i32>} : memref<128x144xf32, #tpu.memory_space<vmem>>, vector<16xf32>,
        %mul3A_779 = arith.mulf %get3A_778, %gather3A_775 : vector<16xf32>
        %swap3A = arith.index_cast %scan3A_690 : i32 to index
        %swap3A_780 = arith.constant 0 : index
        %swap3A_781 = tpu.vector_load %arg13[%swap3A, %swap3A_780] {strides = array<i32>} : memref<128x144xf32, #tpu.memory_space<vmem>>, vector<16xf32>,
        tpu.vector_store %arg13[%swap3A, %swap3A_780], %mul3A_779 {strides = array<i32>} : memref<128x144xf32, #tpu.memory_space<vmem>>, vector<16xf32>,
        %get3A_782 = arith.index_cast %scan3A_690 : i32 to index
        %get3A_783 = arith.constant 16 : index
        %get3A_784 = tpu.vector_load %arg13[%get3A_782, %get3A_783] {strides = array<i32>} : memref<128x144xf32, #tpu.memory_space<vmem>>, vector<16xf32>,
        %mul3A_785 = arith.mulf %get3A_784, %gather3A_775 : vector<16xf32>
        %swap3A_786 = arith.index_cast %scan3A_690 : i32 to index
        %swap3A_787 = arith.constant 16 : index
        %swap3A_788 = tpu.vector_load %arg13[%swap3A_786, %swap3A_787] {strides = array<i32>} : memref<128x144xf32, #tpu.memory_space<vmem>>, vector<16xf32>,
        tpu.vector_store %arg13[%swap3A_786, %swap3A_787], %mul3A_785 {strides = array<i32>} : memref<128x144xf32, #tpu.memory_space<vmem>>, vector<16xf32>,
        %get3A_789 = arith.index_cast %scan3A_690 : i32 to index
        %get3A_790 = arith.constant 32 : index
        %get3A_791 = tpu.vector_load %arg13[%get3A_789, %get3A_790] {strides = array<i32>} : memref<128x144xf32, #tpu.memory_space<vmem>>, vector<16xf32>,
        %mul3A_792 = arith.mulf %get3A_791, %gather3A_775 : vector<16xf32>
        %swap3A_793 = arith.index_cast %scan3A_690 : i32 to index
        %swap3A_794 = arith.constant 32 : index
        %swap3A_795 = tpu.vector_load %arg13[%swap3A_793, %swap3A_794] {strides = array<i32>} : memref<128x144xf32, #tpu.memory_space<vmem>>, vector<16xf32>,
        tpu.vector_store %arg13[%swap3A_793, %swap3A_794], %mul3A_792 {strides = array<i32>} : memref<128x144xf32, #tpu.memory_space<vmem>>, vector<16xf32>,
        %get3A_796 = arith.index_cast %scan3A_690 : i32 to index
        %get3A_797 = arith.constant 48 : index
        %get3A_798 = tpu.vector_load %arg13[%get3A_796, %get3A_797] {strides = array<i32>} : memref<128x144xf32, #tpu.memory_space<vmem>>, vector<16xf32>,
        %mul3A_799 = arith.mulf %get3A_798, %gather3A_775 : vector<16xf32>
        %swap3A_800 = arith.index_cast %scan3A_690 : i32 to index
        %swap3A_801 = arith.constant 48 : index
        %swap3A_802 = tpu.vector_load %arg13[%swap3A_800, %swap3A_801] {strides = array<i32>} : memref<128x144xf32, #tpu.memory_space<vmem>>, vector<16xf32>,
        tpu.vector_store %arg13[%swap3A_800, %swap3A_801], %mul3A_799 {strides = array<i32>} : memref<128x144xf32, #tpu.memory_space<vmem>>, vector<16xf32>,
        %get3A_803 = arith.index_cast %scan3A_690 : i32 to index
        %get3A_804 = arith.constant 64 : index
        %get3A_805 = tpu.vector_load %arg13[%get3A_803, %get3A_804] {strides = array<i32>} : memref<128x144xf32, #tpu.memory_space<vmem>>, vector<16xf32>,
        %mul3A_806 = arith.mulf %get3A_805, %gather3A_775 : vector<16xf32>
        %swap3A_807 = arith.index_cast %scan3A_690 : i32 to index
        %swap3A_808 = arith.constant 64 : index
        %swap3A_809 = tpu.vector_load %arg13[%swap3A_807, %swap3A_808] {strides = array<i32>} : memref<128x144xf32, #tpu.memory_space<vmem>>, vector<16xf32>,
        tpu.vector_store %arg13[%swap3A_807, %swap3A_808], %mul3A_806 {strides = array<i32>} : memref<128x144xf32, #tpu.memory_space<vmem>>, vector<16xf32>,
        %get3A_810 = arith.index_cast %scan3A_690 : i32 to index
        %get3A_811 = arith.constant 80 : index
        %get3A_812 = tpu.vector_load %arg13[%get3A_810, %get3A_811] {strides = array<i32>} : memref<128x144xf32, #tpu.memory_space<vmem>>, vector<16xf32>,
        %mul3A_813 = arith.mulf %get3A_812, %gather3A_775 : vector<16xf32>
        %swap3A_814 = arith.index_cast %scan3A_690 : i32 to index
        %swap3A_815 = arith.constant 80 : index
        %swap3A_816 = tpu.vector_load %arg13[%swap3A_814, %swap3A_815] {strides = array<i32>} : memref<128x144xf32, #tpu.memory_space<vmem>>, vector<16xf32>,
        tpu.vector_store %arg13[%swap3A_814, %swap3A_815], %mul3A_813 {strides = array<i32>} : memref<128x144xf32, #tpu.memory_space<vmem>>, vector<16xf32>,
        %get3A_817 = arith.index_cast %scan3A_690 : i32 to index
        %get3A_818 = arith.constant 96 : index
        %get3A_819 = tpu.vector_load %arg13[%get3A_817, %get3A_818] {strides = array<i32>} : memref<128x144xf32, #tpu.memory_space<vmem>>, vector<16xf32>,
        %mul3A_820 = arith.mulf %get3A_819, %gather3A_775 : vector<16xf32>
        %swap3A_821 = arith.index_cast %scan3A_690 : i32 to index
        %swap3A_822 = arith.constant 96 : index
        %swap3A_823 = tpu.vector_load %arg13[%swap3A_821, %swap3A_822] {strides = array<i32>} : memref<128x144xf32, #tpu.memory_space<vmem>>, vector<16xf32>,
        tpu.vector_store %arg13[%swap3A_821, %swap3A_822], %mul3A_820 {strides = array<i32>} : memref<128x144xf32, #tpu.memory_space<vmem>>, vector<16xf32>,
        %get3A_824 = arith.index_cast %scan3A_690 : i32 to index
        %get3A_825 = arith.constant 112 : index
        %get3A_826 = tpu.vector_load %arg13[%get3A_824, %get3A_825] {strides = array<i32>} : memref<128x144xf32, #tpu.memory_space<vmem>>, vector<16xf32>,
        %mul3A_827 = arith.mulf %get3A_826, %gather3A_775 : vector<16xf32>
        %swap3A_828 = arith.index_cast %scan3A_690 : i32 to index
        %swap3A_829 = arith.constant 112 : index
        %swap3A_830 = tpu.vector_load %arg13[%swap3A_828, %swap3A_829] {strides = array<i32>} : memref<128x144xf32, #tpu.memory_space<vmem>>, vector<16xf32>,
        tpu.vector_store %arg13[%swap3A_828, %swap3A_829], %mul3A_827 {strides = array<i32>} : memref<128x144xf32, #tpu.memory_space<vmem>>, vector<16xf32>,
        %scan3A_831 = arith.constant 0 : i32
        scf.yield %scan3A_831 : i32
      }
      %scan3A_505 = arith.constant 128 : i32
      %dma_start3A_506 = arith.constant 0 : i32
      %dma_start3A_507 = arith.constant 0 : i32
      %dma_start3A_508 = tpu.memref_slice %arg9[%dma_start3A_506, %dma_start3A_507] : memref<6x128xi32, #tpu.memory_space<vmem>> -> memref<1x128xi32, #tpu.memory_space<vmem>>
      %dma_start3A_509 = tpu.memref_squeeze %dma_start3A_508 : memref<1x128xi32, #tpu.memory_space<vmem>> -> memref<128xi32, #tpu.memory_space<vmem>>
      %dma_start3A_510 = arith.constant 0 : i32
      %dma_start3A_511 = arith.constant 0 : i32
      %dma_start3A_512 = tpu.memref_slice %arg15[%dma_start3A_510, %dma_start3A_511] : memref<10000x144xf32, #tpu.memory_space<vmem_shared>> -> memref<10000x144xf32, #tpu.memory_space<vmem_shared>>
      tpu.enqueue_indirect_dma source(%arg13 : memref<128x144xf32, #tpu.memory_space<vmem>>) target(%dma_start3A_512 : memref<10000x144xf32, #tpu.memory_space<vmem_shared>>) offsets(%dma_start3A_509 : memref<128xi32, #tpu.memory_space<vmem>>) semaphore(%arg18 : memref<!tpu.dma_semaphore, #tpu.memory_space<semaphore_mem>>) {add = true}
      %dma_start3A_513 = arith.constant 256 : i32
      %dma_start3A_514 = tpu.memref_slice %arg7[%dma_start3A_513] : memref<768xi32, #tpu.memory_space<vmem>> -> memref<128xi32, #tpu.memory_space<vmem>>
      %dma_start3A_515 = arith.constant 0 : i32
      %dma_start3A_516 = arith.constant 0 : i32
      %dma_start3A_517 = tpu.memref_slice %arg2[%dma_start3A_515, %dma_start3A_516] : memref<10000x144xf32, #tpu.memory_space<hbm>> -> memref<10000x144xf32, #tpu.memory_space<hbm>>
      tpu.enqueue_indirect_dma source(%dma_start3A_517 : memref<10000x144xf32, #tpu.memory_space<hbm>>) target(%arg13 : memref<128x144xf32, #tpu.memory_space<vmem>>) offsets(%dma_start3A_514 : memref<128xi32, #tpu.memory_space<vmem>>) semaphore(%arg16 : memref<!tpu.dma_semaphore, #tpu.memory_space<semaphore_mem>>)
      %dma_wait3A_518 = arith.constant 0 : i32
      %dma_wait3A_519 = tpu.memref_slice %arg7[%dma_wait3A_518] : memref<768xi32, #tpu.memory_space<vmem>> -> memref<128xi32, #tpu.memory_space<vmem>>
      %dma_wait3A_520 = arith.constant 0 : i32
      %dma_wait3A_521 = arith.constant 0 : i32
      %dma_wait3A_522 = tpu.memref_slice %arg2[%dma_wait3A_520, %dma_wait3A_521] : memref<10000x144xf32, #tpu.memory_space<hbm>> -> memref<10000x144xf32, #tpu.memory_space<hbm>>
      tpu.wait_indirect_dma semaphore(%arg17 : memref<!tpu.dma_semaphore, #tpu.memory_space<semaphore_mem>>) src(%dma_wait3A_522 : memref<10000x144xf32, #tpu.memory_space<hbm>>) dst(%arg14 : memref<128x144xf32, #tpu.memory_space<vmem>>)
      %dma_wait3A_523 = arith.constant 0 : i32
      %dma_wait3A_524 = arith.constant 0 : i32
      %dma_wait3A_525 = tpu.memref_slice %arg9[%dma_wait3A_523, %dma_wait3A_524] : memref<6x128xi32, #tpu.memory_space<vmem>> -> memref<1x128xi32, #tpu.memory_space<vmem>>
      %dma_wait3A_526 = tpu.memref_squeeze %dma_wait3A_525 : memref<1x128xi32, #tpu.memory_space<vmem>> -> memref<128xi32, #tpu.memory_space<vmem>>
      %dma_wait3A_527 = arith.constant 0 : i32
      %dma_wait3A_528 = arith.constant 0 : i32
      %dma_wait3A_529 = tpu.memref_slice %arg15[%dma_wait3A_527, %dma_wait3A_528] : memref<10000x144xf32, #tpu.memory_space<vmem_shared>> -> memref<10000x144xf32, #tpu.memory_space<vmem_shared>>
      tpu.wait_indirect_dma semaphore(%arg19 : memref<!tpu.dma_semaphore, #tpu.memory_space<semaphore_mem>>) src(%arg14 : memref<128x144xf32, #tpu.memory_space<vmem>>) dst(%dma_wait3A_529 : memref<10000x144xf32, #tpu.memory_space<vmem_shared>>)
      %scan3A_530 = arith.constant 0 : i32
      %scan3A_531 = arith.constant 0 : i32
      %scan3A_532 = arith.constant 128 : i32
      %scan3A_533 = arith.addi %scan3A_531, %scan3A_532 : i32
      %scan3A_534 = arith.constant 1 : i32
      %scan3A_535 = scf.for %scan3A_690 = %scan3A_531 to %scan3A_533 step %scan3A_534 iter_args(%scan3A_691 = %scan3A_530) -> (i32)  : i32 {
        %jit3A_692 = arith.constant 32 : i32
        %div3A = arith.divsi %scan3A_690, %jit3A_692 : i32
        %sign3A = arith.constant 0 : i32
        %sign3A_693 = arith.cmpi sgt, %scan3A_690, %sign3A : i32
        %sign3A_694 = arith.extui %sign3A_693 : i1 to i32
        %sign3A_695 = arith.constant 0 : i32
        %sign3A_696 = arith.cmpi slt, %scan3A_690, %sign3A_695 : i32
        %sign3A_697 = arith.extui %sign3A_696 : i1 to i32
        %sign3A_698 = arith.subi %sign3A_694, %sign3A_697 : i32
        %sign3A_699 = arith.constant 0 : i32
        %sign3A_700 = arith.cmpi sgt, %jit3A_692, %sign3A_699 : i32
        %sign3A_701 = arith.extui %sign3A_700 : i1 to i32
        %sign3A_702 = arith.constant 0 : i32
        %sign3A_703 = arith.cmpi slt, %jit3A_692, %sign3A_702 : i32
        %sign3A_704 = arith.extui %sign3A_703 : i1 to i32
        %sign3A_705 = arith.subi %sign3A_701, %sign3A_704 : i32
        %ne3A = arith.cmpi ne, %sign3A_698, %sign3A_705 : i32
        %rem3A = arith.remsi %scan3A_690, %jit3A_692 : i32
        %ne3A_706 = arith.constant 0 : i32
        %ne3A_707 = arith.cmpi ne, %rem3A, %ne3A_706 : i32
        %and3A = arith.andi %ne3A, %ne3A_707 : i1
        %sub3A = arith.constant 1 : i32
        %sub3A_708 = arith.subi %div3A, %sub3A : i32
        %select_n3A_709 = arith.select %and3A, %sub3A_708, %div3A : i32
        %mul3A_710 = arith.constant 32 : i32
        %mul3A_711 = arith.muli %select_n3A_709, %mul3A_710 : i32
        %add3A_712 = arith.constant 128 : i32
        %add3A_713 = arith.addi %add3A_712, %mul3A_711 : i32
        %get3A = arith.index_cast %add3A_713 : i32 to index
        %get3A_714 = tpu.vector_load %arg8[%get3A] {strides = array<i32>} : memref<768xbf16, #tpu.memory_space<vmem>>, vector<32xbf16>,
        %unpack3A = tpu.unpack_subelements %get3A_714, 0 {pack_format = #tpu.pack_format<interleaved>} : vector<32xbf16> -> vector<16xf32>
        %unpack3A_715 = tpu.unpack_subelements %get3A_714, 1 {pack_format = #tpu.pack_format<interleaved>} : vector<32xbf16> -> vector<16xf32>
        %jit3A_716 = arith.constant 2 : i32
        %eq3A = arith.constant 0 : i32
        %eq3A_717 = arith.cmpi eq, %jit3A_716, %eq3A : i32
        %jit3A_718 = arith.constant 1 : i32
        %select_n3A_719 = arith.select %eq3A_717, %jit3A_718, %jit3A_716 : i32
        %rem3A_720 = arith.remsi %scan3A_690, %select_n3A_719 : i32
        %ne3A_721 = arith.constant 0 : i32
        %ne3A_722 = arith.cmpi ne, %rem3A_720, %ne3A_721 : i32
        %lt3A_723 = arith.constant 0 : i32
        %lt3A_724 = arith.cmpi slt, %rem3A_720, %lt3A_723 : i32
        %lt3A_725 = arith.constant 0 : i32
        %lt3A_726 = arith.cmpi slt, %select_n3A_719, %lt3A_725 : i32
        %ne3A_727 = arith.xori %lt3A_724, %lt3A_726 : i1
        %and3A_728 = arith.andi %ne3A_727, %ne3A_722 : i1
        %add3A_729 = arith.addi %rem3A_720, %select_n3A_719 : i32
        %select_n3A_730 = arith.select %and3A_728, %add3A_729, %rem3A_720 : i32
        %eq3A_731 = arith.constant 0 : i32
        %eq3A_732 = arith.cmpi eq, %select_n3A_730, %eq3A_731 : i32
        %select_n3A_733 = arith.select %eq3A_732, %unpack3A, %unpack3A_715 : vector<16xf32>
        %jit3A_734 = arith.constant 32 : i32
        %eq3A_735 = arith.constant 0 : i32
        %eq3A_736 = arith.cmpi eq, %jit3A_734, %eq3A_735 : i32
        %jit3A_737 = arith.constant 1 : i32
        %select_n3A_738 = arith.select %eq3A_736, %jit3A_737, %jit3A_734 : i32
        %rem3A_739 = arith.remsi %scan3A_690, %select_n3A_738 : i32
        %ne3A_740 = arith.constant 0 : i32
        %ne3A_741 = arith.cmpi ne, %rem3A_739, %ne3A_740 : i32
        %lt3A_742 = arith.constant 0 : i32
        %lt3A_743 = arith.cmpi slt, %rem3A_739, %lt3A_742 : i32
        %lt3A_744 = arith.constant 0 : i32
        %lt3A_745 = arith.cmpi slt, %select_n3A_738, %lt3A_744 : i32
        %ne3A_746 = arith.xori %lt3A_743, %lt3A_745 : i1
        %and3A_747 = arith.andi %ne3A_746, %ne3A_741 : i1
        %add3A_748 = arith.addi %rem3A_739, %select_n3A_738 : i32
        %select_n3A_749 = arith.select %and3A_747, %add3A_748, %rem3A_739 : i32
        %jit3A_750 = arith.constant 2 : i32
        %div3A_751 = arith.divsi %select_n3A_749, %jit3A_750 : i32
        %sign3A_752 = arith.constant 0 : i32
        %sign3A_753 = arith.cmpi sgt, %select_n3A_749, %sign3A_752 : i32
        %sign3A_754 = arith.extui %sign3A_753 : i1 to i32
        %sign3A_755 = arith.constant 0 : i32
        %sign3A_756 = arith.cmpi slt, %select_n3A_749, %sign3A_755 : i32
        %sign3A_757 = arith.extui %sign3A_756 : i1 to i32
        %sign3A_758 = arith.subi %sign3A_754, %sign3A_757 : i32
        %sign3A_759 = arith.constant 0 : i32
        %sign3A_760 = arith.cmpi sgt, %jit3A_750, %sign3A_759 : i32
        %sign3A_761 = arith.extui %sign3A_760 : i1 to i32
        %sign3A_762 = arith.constant 0 : i32
        %sign3A_763 = arith.cmpi slt, %jit3A_750, %sign3A_762 : i32
        %sign3A_764 = arith.extui %sign3A_763 : i1 to i32
        %sign3A_765 = arith.subi %sign3A_761, %sign3A_764 : i32
        %ne3A_766 = arith.cmpi ne, %sign3A_758, %sign3A_765 : i32
        %rem3A_767 = arith.remsi %select_n3A_749, %jit3A_750 : i32
        %ne3A_768 = arith.constant 0 : i32
        %ne3A_769 = arith.cmpi ne, %rem3A_767, %ne3A_768 : i32
        %and3A_770 = arith.andi %ne3A_766, %ne3A_769 : i1
        %sub3A_771 = arith.constant 1 : i32
        %sub3A_772 = arith.subi %div3A_751, %sub3A_771 : i32
        %select_n3A_773 = arith.select %and3A_770, %sub3A_772, %div3A_751 : i32
        %broadcast_in_dim3A_774 = vector.broadcast %select_n3A_773 : i32 to vector<16x1xi32>
        %gather3A = vector.shape_cast %broadcast_in_dim3A_774 : vector<16x1xi32> to vector<16xi32>
        %gather3A_775 = tpu.dynamic_gather %select_n3A_733[%gather3A] in [0] : vector<16xf32>, vector<16xi32> -> vector<16xf32>
        %get3A_776 = arith.index_cast %scan3A_690 : i32 to index
        %get3A_777 = arith.constant 0 : index
        %get3A_778 = tpu.vector_load %arg14[%get3A_776, %get3A_777] {strides = array<i32>} : memref<128x144xf32, #tpu.memory_space<vmem>>, vector<16xf32>,
        %mul3A_779 = arith.mulf %get3A_778, %gather3A_775 : vector<16xf32>
        %swap3A = arith.index_cast %scan3A_690 : i32 to index
        %swap3A_780 = arith.constant 0 : index
        %swap3A_781 = tpu.vector_load %arg14[%swap3A, %swap3A_780] {strides = array<i32>} : memref<128x144xf32, #tpu.memory_space<vmem>>, vector<16xf32>,
        tpu.vector_store %arg14[%swap3A, %swap3A_780], %mul3A_779 {strides = array<i32>} : memref<128x144xf32, #tpu.memory_space<vmem>>, vector<16xf32>,
        %get3A_782 = arith.index_cast %scan3A_690 : i32 to index
        %get3A_783 = arith.constant 16 : index
        %get3A_784 = tpu.vector_load %arg14[%get3A_782, %get3A_783] {strides = array<i32>} : memref<128x144xf32, #tpu.memory_space<vmem>>, vector<16xf32>,
        %mul3A_785 = arith.mulf %get3A_784, %gather3A_775 : vector<16xf32>
        %swap3A_786 = arith.index_cast %scan3A_690 : i32 to index
        %swap3A_787 = arith.constant 16 : index
        %swap3A_788 = tpu.vector_load %arg14[%swap3A_786, %swap3A_787] {strides = array<i32>} : memref<128x144xf32, #tpu.memory_space<vmem>>, vector<16xf32>,
        tpu.vector_store %arg14[%swap3A_786, %swap3A_787], %mul3A_785 {strides = array<i32>} : memref<128x144xf32, #tpu.memory_space<vmem>>, vector<16xf32>,
        %get3A_789 = arith.index_cast %scan3A_690 : i32 to index
        %get3A_790 = arith.constant 32 : index
        %get3A_791 = tpu.vector_load %arg14[%get3A_789, %get3A_790] {strides = array<i32>} : memref<128x144xf32, #tpu.memory_space<vmem>>, vector<16xf32>,
        %mul3A_792 = arith.mulf %get3A_791, %gather3A_775 : vector<16xf32>
        %swap3A_793 = arith.index_cast %scan3A_690 : i32 to index
        %swap3A_794 = arith.constant 32 : index
        %swap3A_795 = tpu.vector_load %arg14[%swap3A_793, %swap3A_794] {strides = array<i32>} : memref<128x144xf32, #tpu.memory_space<vmem>>, vector<16xf32>,
        tpu.vector_store %arg14[%swap3A_793, %swap3A_794], %mul3A_792 {strides = array<i32>} : memref<128x144xf32, #tpu.memory_space<vmem>>, vector<16xf32>,
        %get3A_796 = arith.index_cast %scan3A_690 : i32 to index
        %get3A_797 = arith.constant 48 : index
        %get3A_798 = tpu.vector_load %arg14[%get3A_796, %get3A_797] {strides = array<i32>} : memref<128x144xf32, #tpu.memory_space<vmem>>, vector<16xf32>,
        %mul3A_799 = arith.mulf %get3A_798, %gather3A_775 : vector<16xf32>
        %swap3A_800 = arith.index_cast %scan3A_690 : i32 to index
        %swap3A_801 = arith.constant 48 : index
        %swap3A_802 = tpu.vector_load %arg14[%swap3A_800, %swap3A_801] {strides = array<i32>} : memref<128x144xf32, #tpu.memory_space<vmem>>, vector<16xf32>,
        tpu.vector_store %arg14[%swap3A_800, %swap3A_801], %mul3A_799 {strides = array<i32>} : memref<128x144xf32, #tpu.memory_space<vmem>>, vector<16xf32>,
        %get3A_803 = arith.index_cast %scan3A_690 : i32 to index
        %get3A_804 = arith.constant 64 : index
        %get3A_805 = tpu.vector_load %arg14[%get3A_803, %get3A_804] {strides = array<i32>} : memref<128x144xf32, #tpu.memory_space<vmem>>, vector<16xf32>,
        %mul3A_806 = arith.mulf %get3A_805, %gather3A_775 : vector<16xf32>
        %swap3A_807 = arith.index_cast %scan3A_690 : i32 to index
        %swap3A_808 = arith.constant 64 : index
        %swap3A_809 = tpu.vector_load %arg14[%swap3A_807, %swap3A_808] {strides = array<i32>} : memref<128x144xf32, #tpu.memory_space<vmem>>, vector<16xf32>,
        tpu.vector_store %arg14[%swap3A_807, %swap3A_808], %mul3A_806 {strides = array<i32>} : memref<128x144xf32, #tpu.memory_space<vmem>>, vector<16xf32>,
        %get3A_810 = arith.index_cast %scan3A_690 : i32 to index
        %get3A_811 = arith.constant 80 : index
        %get3A_812 = tpu.vector_load %arg14[%get3A_810, %get3A_811] {strides = array<i32>} : memref<128x144xf32, #tpu.memory_space<vmem>>, vector<16xf32>,
        %mul3A_813 = arith.mulf %get3A_812, %gather3A_775 : vector<16xf32>
        %swap3A_814 = arith.index_cast %scan3A_690 : i32 to index
        %swap3A_815 = arith.constant 80 : index
        %swap3A_816 = tpu.vector_load %arg14[%swap3A_814, %swap3A_815] {strides = array<i32>} : memref<128x144xf32, #tpu.memory_space<vmem>>, vector<16xf32>,
        tpu.vector_store %arg14[%swap3A_814, %swap3A_815], %mul3A_813 {strides = array<i32>} : memref<128x144xf32, #tpu.memory_space<vmem>>, vector<16xf32>,
        %get3A_817 = arith.index_cast %scan3A_690 : i32 to index
        %get3A_818 = arith.constant 96 : index
        %get3A_819 = tpu.vector_load %arg14[%get3A_817, %get3A_818] {strides = array<i32>} : memref<128x144xf32, #tpu.memory_space<vmem>>, vector<16xf32>,
        %mul3A_820 = arith.mulf %get3A_819, %gather3A_775 : vector<16xf32>
        %swap3A_821 = arith.index_cast %scan3A_690 : i32 to index
        %swap3A_822 = arith.constant 96 : index
        %swap3A_823 = tpu.vector_load %arg14[%swap3A_821, %swap3A_822] {strides = array<i32>} : memref<128x144xf32, #tpu.memory_space<vmem>>, vector<16xf32>,
        tpu.vector_store %arg14[%swap3A_821, %swap3A_822], %mul3A_820 {strides = array<i32>} : memref<128x144xf32, #tpu.memory_space<vmem>>, vector<16xf32>,
        %get3A_824 = arith.index_cast %scan3A_690 : i32 to index
        %get3A_825 = arith.constant 112 : index
        %get3A_826 = tpu.vector_load %arg14[%get3A_824, %get3A_825] {strides = array<i32>} : memref<128x144xf32, #tpu.memory_space<vmem>>, vector<16xf32>,
        %mul3A_827 = arith.mulf %get3A_826, %gather3A_775 : vector<16xf32>
        %swap3A_828 = arith.index_cast %scan3A_690 : i32 to index
        %swap3A_829 = arith.constant 112 : index
        %swap3A_830 = tpu.vector_load %arg14[%swap3A_828, %swap3A_829] {strides = array<i32>} : memref<128x144xf32, #tpu.memory_space<vmem>>, vector<16xf32>,
        tpu.vector_store %arg14[%swap3A_828, %swap3A_829], %mul3A_827 {strides = array<i32>} : memref<128x144xf32, #tpu.memory_space<vmem>>, vector<16xf32>,
        %scan3A_831 = arith.constant 0 : i32
        scf.yield %scan3A_831 : i32
      }
      %scan3A_536 = arith.constant 128 : i32
      %dma_start3A_537 = arith.constant 1 : i32
      %dma_start3A_538 = arith.constant 0 : i32
      %dma_start3A_539 = tpu.memref_slice %arg9[%dma_start3A_537, %dma_start3A_538] : memref<6x128xi32, #tpu.memory_space<vmem>> -> memref<1x128xi32, #tpu.memory_space<vmem>>
      %dma_start3A_540 = tpu.memref_squeeze %dma_start3A_539 : memref<1x128xi32, #tpu.memory_space<vmem>> -> memref<128xi32, #tpu.memory_space<vmem>>
      %dma_start3A_541 = arith.constant 0 : i32
      %dma_start3A_542 = arith.constant 0 : i32
      %dma_start3A_543 = tpu.memref_slice %arg15[%dma_start3A_541, %dma_start3A_542] : memref<10000x144xf32, #tpu.memory_space<vmem_shared>> -> memref<10000x144xf32, #tpu.memory_space<vmem_shared>>
      tpu.enqueue_indirect_dma source(%arg14 : memref<128x144xf32, #tpu.memory_space<vmem>>) target(%dma_start3A_543 : memref<10000x144xf32, #tpu.memory_space<vmem_shared>>) offsets(%dma_start3A_540 : memref<128xi32, #tpu.memory_space<vmem>>) semaphore(%arg19 : memref<!tpu.dma_semaphore, #tpu.memory_space<semaphore_mem>>) {add = true}
      %dma_start3A_544 = arith.constant 384 : i32
      %dma_start3A_545 = tpu.memref_slice %arg7[%dma_start3A_544] : memref<768xi32, #tpu.memory_space<vmem>> -> memref<128xi32, #tpu.memory_space<vmem>>
      %dma_start3A_546 = arith.constant 0 : i32
      %dma_start3A_547 = arith.constant 0 : i32
      %dma_start3A_548 = tpu.memref_slice %arg2[%dma_start3A_546, %dma_start3A_547] : memref<10000x144xf32, #tpu.memory_space<hbm>> -> memref<10000x144xf32, #tpu.memory_space<hbm>>
      tpu.enqueue_indirect_dma source(%dma_start3A_548 : memref<10000x144xf32, #tpu.memory_space<hbm>>) target(%arg14 : memref<128x144xf32, #tpu.memory_space<vmem>>) offsets(%dma_start3A_545 : memref<128xi32, #tpu.memory_space<vmem>>) semaphore(%arg17 : memref<!tpu.dma_semaphore, #tpu.memory_space<semaphore_mem>>)
      %add3A_549 = arith.constant 1 : i32
      %add3A_550 = arith.addi %add3A_486, %add3A_549 : i32
      %mul3A_551 = arith.constant 6 : i32
      %mul3A_552 = arith.muli %add3A_550, %mul3A_551 : i32
      %lt3A_553 = arith.cmpi slt, %mul3A_552, %add3A_8 : i32
      %convert_element_type3A_554 = arith.extui %lt3A_553 : i1 to i32
      %cond3A_555 = arith.constant 0 : i32
      %cond3A_556 = arith.cmpi ne, %convert_element_type3A_554, %cond3A_555 : i32
      scf.if %cond3A_556 {
        %add3A_690 = arith.constant 1 : i32
        %add3A_691 = arith.addi %add3A_486, %add3A_690 : i32
        %mul3A_692 = arith.constant 6 : i32
        %mul3A_693 = arith.muli %add3A_691, %mul3A_692 : i32
        %add3A_694 = arith.addi %add3A_4, %mul3A_693 : i32
        %mul3A_695 = arith.constant 128 : i32
        %mul3A_696 = arith.muli %add3A_694, %mul3A_695 : i32
        %dma_start3A_697 = tpu.memref_slice %arg3[%mul3A_696] : memref<320000xi32, #tpu.memory_space<hbm>> -> memref<768xi32, #tpu.memory_space<hbm>>
        %dma_start3A_698 = tpu.memref_slice %arg3[%mul3A_696] : memref<320000xi32, #tpu.memory_space<hbm>> -> memref<768xi32, #tpu.memory_space<hbm>>
        tpu.enqueue_dma source(%dma_start3A_698 : memref<768xi32, #tpu.memory_space<hbm>>) target(%arg10 : memref<768xi32, #tpu.memory_space<vmem>>) target_semaphore(%arg21 : memref<!tpu.dma_semaphore, #tpu.memory_space<semaphore_mem>>)
        %dma_start3A_699 = tpu.memref_slice %arg5[%mul3A_696] : memref<320000xbf16, #tpu.memory_space<hbm>> -> memref<768xbf16, #tpu.memory_space<hbm>>
        %dma_start3A_700 = tpu.memref_slice %arg5[%mul3A_696] : memref<320000xbf16, #tpu.memory_space<hbm>> -> memref<768xbf16, #tpu.memory_space<hbm>>
        tpu.enqueue_dma source(%dma_start3A_700 : memref<768xbf16, #tpu.memory_space<hbm>>) target(%arg11 : memref<768xbf16, #tpu.memory_space<vmem>>) target_semaphore(%arg21 : memref<!tpu.dma_semaphore, #tpu.memory_space<semaphore_mem>>)
        %dma_start3A_701 = arith.constant 0 : i32
        %dma_start3A_702 = tpu.memref_slice %arg4[%add3A_694, %dma_start3A_701] : memref<2500x128xi32, #tpu.memory_space<hbm>> -> memref<6x128xi32, #tpu.memory_space<hbm>>
        %dma_start3A_703 = arith.constant 0 : i32
        %dma_start3A_704 = tpu.memref_slice %arg4[%add3A_694, %dma_start3A_703] : memref<2500x128xi32, #tpu.memory_space<hbm>> -> memref<6x128xi32, #tpu.memory_space<hbm>>
        tpu.enqueue_dma source(%dma_start3A_704 : memref<6x128xi32, #tpu.memory_space<hbm>>) target(%arg12 : memref<6x128xi32, #tpu.memory_space<vmem>>) target_semaphore(%arg21 : memref<!tpu.dma_semaphore, #tpu.memory_space<semaphore_mem>>)
      } else {
      }
      %dma_wait3A_557 = arith.constant 0 : i32
      %dma_wait3A_558 = tpu.memref_slice %arg7[%dma_wait3A_557] : memref<768xi32, #tpu.memory_space<vmem>> -> memref<128xi32, #tpu.memory_space<vmem>>
      %dma_wait3A_559 = arith.constant 0 : i32
      %dma_wait3A_560 = arith.constant 0 : i32
      %dma_wait3A_561 = tpu.memref_slice %arg2[%dma_wait3A_559, %dma_wait3A_560] : memref<10000x144xf32, #tpu.memory_space<hbm>> -> memref<10000x144xf32, #tpu.memory_space<hbm>>
      tpu.wait_indirect_dma semaphore(%arg16 : memref<!tpu.dma_semaphore, #tpu.memory_space<semaphore_mem>>) src(%dma_wait3A_561 : memref<10000x144xf32, #tpu.memory_space<hbm>>) dst(%arg13 : memref<128x144xf32, #tpu.memory_space<vmem>>)
      %dma_wait3A_562 = arith.constant 0 : i32
      %dma_wait3A_563 = arith.constant 0 : i32
      %dma_wait3A_564 = tpu.memref_slice %arg9[%dma_wait3A_562, %dma_wait3A_563] : memref<6x128xi32, #tpu.memory_space<vmem>> -> memref<1x128xi32, #tpu.memory_space<vmem>>
      %dma_wait3A_565 = tpu.memref_squeeze %dma_wait3A_564 : memref<1x128xi32, #tpu.memory_space<vmem>> -> memref<128xi32, #tpu.memory_space<vmem>>
      %dma_wait3A_566 = arith.constant 0 : i32
      %dma_wait3A_567 = arith.constant 0 : i32
      %dma_wait3A_568 = tpu.memref_slice %arg15[%dma_wait3A_566, %dma_wait3A_567] : memref<10000x144xf32, #tpu.memory_space<vmem_shared>> -> memref<10000x144xf32, #tpu.memory_space<vmem_shared>>
      tpu.wait_indirect_dma semaphore(%arg18 : memref<!tpu.dma_semaphore, #tpu.memory_space<semaphore_mem>>) src(%arg13 : memref<128x144xf32, #tpu.memory_space<vmem>>) dst(%dma_wait3A_568 : memref<10000x144xf32, #tpu.memory_space<vmem_shared>>)
      %scan3A_569 = arith.constant 0 : i32
      %scan3A_570 = arith.constant 0 : i32
      %scan3A_571 = arith.constant 128 : i32
      %scan3A_572 = arith.addi %scan3A_570, %scan3A_571 : i32
      %scan3A_573 = arith.constant 1 : i32
      %scan3A_574 = scf.for %scan3A_690 = %scan3A_570 to %scan3A_572 step %scan3A_573 iter_args(%scan3A_691 = %scan3A_569) -> (i32)  : i32 {
        %jit3A_692 = arith.constant 32 : i32
        %div3A = arith.divsi %scan3A_690, %jit3A_692 : i32
        %sign3A = arith.constant 0 : i32
        %sign3A_693 = arith.cmpi sgt, %scan3A_690, %sign3A : i32
        %sign3A_694 = arith.extui %sign3A_693 : i1 to i32
        %sign3A_695 = arith.constant 0 : i32
        %sign3A_696 = arith.cmpi slt, %scan3A_690, %sign3A_695 : i32
        %sign3A_697 = arith.extui %sign3A_696 : i1 to i32
        %sign3A_698 = arith.subi %sign3A_694, %sign3A_697 : i32
        %sign3A_699 = arith.constant 0 : i32
        %sign3A_700 = arith.cmpi sgt, %jit3A_692, %sign3A_699 : i32
        %sign3A_701 = arith.extui %sign3A_700 : i1 to i32
        %sign3A_702 = arith.constant 0 : i32
        %sign3A_703 = arith.cmpi slt, %jit3A_692, %sign3A_702 : i32
        %sign3A_704 = arith.extui %sign3A_703 : i1 to i32
        %sign3A_705 = arith.subi %sign3A_701, %sign3A_704 : i32
        %ne3A = arith.cmpi ne, %sign3A_698, %sign3A_705 : i32
        %rem3A = arith.remsi %scan3A_690, %jit3A_692 : i32
        %ne3A_706 = arith.constant 0 : i32
        %ne3A_707 = arith.cmpi ne, %rem3A, %ne3A_706 : i32
        %and3A = arith.andi %ne3A, %ne3A_707 : i1
        %sub3A = arith.constant 1 : i32
        %sub3A_708 = arith.subi %div3A, %sub3A : i32
        %select_n3A_709 = arith.select %and3A, %sub3A_708, %div3A : i32
        %mul3A_710 = arith.constant 32 : i32
        %mul3A_711 = arith.muli %select_n3A_709, %mul3A_710 : i32
        %add3A_712 = arith.constant 256 : i32
        %add3A_713 = arith.addi %add3A_712, %mul3A_711 : i32
        %get3A = arith.index_cast %add3A_713 : i32 to index
        %get3A_714 = tpu.vector_load %arg8[%get3A] {strides = array<i32>} : memref<768xbf16, #tpu.memory_space<vmem>>, vector<32xbf16>,
        %unpack3A = tpu.unpack_subelements %get3A_714, 0 {pack_format = #tpu.pack_format<interleaved>} : vector<32xbf16> -> vector<16xf32>
        %unpack3A_715 = tpu.unpack_subelements %get3A_714, 1 {pack_format = #tpu.pack_format<interleaved>} : vector<32xbf16> -> vector<16xf32>
        %jit3A_716 = arith.constant 2 : i32
        %eq3A = arith.constant 0 : i32
        %eq3A_717 = arith.cmpi eq, %jit3A_716, %eq3A : i32
        %jit3A_718 = arith.constant 1 : i32
        %select_n3A_719 = arith.select %eq3A_717, %jit3A_718, %jit3A_716 : i32
        %rem3A_720 = arith.remsi %scan3A_690, %select_n3A_719 : i32
        %ne3A_721 = arith.constant 0 : i32
        %ne3A_722 = arith.cmpi ne, %rem3A_720, %ne3A_721 : i32
        %lt3A_723 = arith.constant 0 : i32
        %lt3A_724 = arith.cmpi slt, %rem3A_720, %lt3A_723 : i32
        %lt3A_725 = arith.constant 0 : i32
        %lt3A_726 = arith.cmpi slt, %select_n3A_719, %lt3A_725 : i32
        %ne3A_727 = arith.xori %lt3A_724, %lt3A_726 : i1
        %and3A_728 = arith.andi %ne3A_727, %ne3A_722 : i1
        %add3A_729 = arith.addi %rem3A_720, %select_n3A_719 : i32
        %select_n3A_730 = arith.select %and3A_728, %add3A_729, %rem3A_720 : i32
        %eq3A_731 = arith.constant 0 : i32
        %eq3A_732 = arith.cmpi eq, %select_n3A_730, %eq3A_731 : i32
        %select_n3A_733 = arith.select %eq3A_732, %unpack3A, %unpack3A_715 : vector<16xf32>
        %jit3A_734 = arith.constant 32 : i32
        %eq3A_735 = arith.constant 0 : i32
        %eq3A_736 = arith.cmpi eq, %jit3A_734, %eq3A_735 : i32
        %jit3A_737 = arith.constant 1 : i32
        %select_n3A_738 = arith.select %eq3A_736, %jit3A_737, %jit3A_734 : i32
        %rem3A_739 = arith.remsi %scan3A_690, %select_n3A_738 : i32
        %ne3A_740 = arith.constant 0 : i32
        %ne3A_741 = arith.cmpi ne, %rem3A_739, %ne3A_740 : i32
        %lt3A_742 = arith.constant 0 : i32
        %lt3A_743 = arith.cmpi slt, %rem3A_739, %lt3A_742 : i32
        %lt3A_744 = arith.constant 0 : i32
        %lt3A_745 = arith.cmpi slt, %select_n3A_738, %lt3A_744 : i32
        %ne3A_746 = arith.xori %lt3A_743, %lt3A_745 : i1
        %and3A_747 = arith.andi %ne3A_746, %ne3A_741 : i1
        %add3A_748 = arith.addi %rem3A_739, %select_n3A_738 : i32
        %select_n3A_749 = arith.select %and3A_747, %add3A_748, %rem3A_739 : i32
        %jit3A_750 = arith.constant 2 : i32
        %div3A_751 = arith.divsi %select_n3A_749, %jit3A_750 : i32
        %sign3A_752 = arith.constant 0 : i32
        %sign3A_753 = arith.cmpi sgt, %select_n3A_749, %sign3A_752 : i32
        %sign3A_754 = arith.extui %sign3A_753 : i1 to i32
        %sign3A_755 = arith.constant 0 : i32
        %sign3A_756 = arith.cmpi slt, %select_n3A_749, %sign3A_755 : i32
        %sign3A_757 = arith.extui %sign3A_756 : i1 to i32
        %sign3A_758 = arith.subi %sign3A_754, %sign3A_757 : i32
        %sign3A_759 = arith.constant 0 : i32
        %sign3A_760 = arith.cmpi sgt, %jit3A_750, %sign3A_759 : i32
        %sign3A_761 = arith.extui %sign3A_760 : i1 to i32
        %sign3A_762 = arith.constant 0 : i32
        %sign3A_763 = arith.cmpi slt, %jit3A_750, %sign3A_762 : i32
        %sign3A_764 = arith.extui %sign3A_763 : i1 to i32
        %sign3A_765 = arith.subi %sign3A_761, %sign3A_764 : i32
        %ne3A_766 = arith.cmpi ne, %sign3A_758, %sign3A_765 : i32
        %rem3A_767 = arith.remsi %select_n3A_749, %jit3A_750 : i32
        %ne3A_768 = arith.constant 0 : i32
        %ne3A_769 = arith.cmpi ne, %rem3A_767, %ne3A_768 : i32
        %and3A_770 = arith.andi %ne3A_766, %ne3A_769 : i1
        %sub3A_771 = arith.constant 1 : i32
        %sub3A_772 = arith.subi %div3A_751, %sub3A_771 : i32
        %select_n3A_773 = arith.select %and3A_770, %sub3A_772, %div3A_751 : i32
        %broadcast_in_dim3A_774 = vector.broadcast %select_n3A_773 : i32 to vector<16x1xi32>
        %gather3A = vector.shape_cast %broadcast_in_dim3A_774 : vector<16x1xi32> to vector<16xi32>
        %gather3A_775 = tpu.dynamic_gather %select_n3A_733[%gather3A] in [0] : vector<16xf32>, vector<16xi32> -> vector<16xf32>
        %get3A_776 = arith.index_cast %scan3A_690 : i32 to index
        %get3A_777 = arith.constant 0 : index
        %get3A_778 = tpu.vector_load %arg13[%get3A_776, %get3A_777] {strides = array<i32>} : memref<128x144xf32, #tpu.memory_space<vmem>>, vector<16xf32>,
        %mul3A_779 = arith.mulf %get3A_778, %gather3A_775 : vector<16xf32>
        %swap3A = arith.index_cast %scan3A_690 : i32 to index
        %swap3A_780 = arith.constant 0 : index
        %swap3A_781 = tpu.vector_load %arg13[%swap3A, %swap3A_780] {strides = array<i32>} : memref<128x144xf32, #tpu.memory_space<vmem>>, vector<16xf32>,
        tpu.vector_store %arg13[%swap3A, %swap3A_780], %mul3A_779 {strides = array<i32>} : memref<128x144xf32, #tpu.memory_space<vmem>>, vector<16xf32>,
        %get3A_782 = arith.index_cast %scan3A_690 : i32 to index
        %get3A_783 = arith.constant 16 : index
        %get3A_784 = tpu.vector_load %arg13[%get3A_782, %get3A_783] {strides = array<i32>} : memref<128x144xf32, #tpu.memory_space<vmem>>, vector<16xf32>,
        %mul3A_785 = arith.mulf %get3A_784, %gather3A_775 : vector<16xf32>
        %swap3A_786 = arith.index_cast %scan3A_690 : i32 to index
        %swap3A_787 = arith.constant 16 : index
        %swap3A_788 = tpu.vector_load %arg13[%swap3A_786, %swap3A_787] {strides = array<i32>} : memref<128x144xf32, #tpu.memory_space<vmem>>, vector<16xf32>,
        tpu.vector_store %arg13[%swap3A_786, %swap3A_787], %mul3A_785 {strides = array<i32>} : memref<128x144xf32, #tpu.memory_space<vmem>>, vector<16xf32>,
        %get3A_789 = arith.index_cast %scan3A_690 : i32 to index
        %get3A_790 = arith.constant 32 : index
        %get3A_791 = tpu.vector_load %arg13[%get3A_789, %get3A_790] {strides = array<i32>} : memref<128x144xf32, #tpu.memory_space<vmem>>, vector<16xf32>,
        %mul3A_792 = arith.mulf %get3A_791, %gather3A_775 : vector<16xf32>
        %swap3A_793 = arith.index_cast %scan3A_690 : i32 to index
        %swap3A_794 = arith.constant 32 : index
        %swap3A_795 = tpu.vector_load %arg13[%swap3A_793, %swap3A_794] {strides = array<i32>} : memref<128x144xf32, #tpu.memory_space<vmem>>, vector<16xf32>,
        tpu.vector_store %arg13[%swap3A_793, %swap3A_794], %mul3A_792 {strides = array<i32>} : memref<128x144xf32, #tpu.memory_space<vmem>>, vector<16xf32>,
        %get3A_796 = arith.index_cast %scan3A_690 : i32 to index
        %get3A_797 = arith.constant 48 : index
        %get3A_798 = tpu.vector_load %arg13[%get3A_796, %get3A_797] {strides = array<i32>} : memref<128x144xf32, #tpu.memory_space<vmem>>, vector<16xf32>,
        %mul3A_799 = arith.mulf %get3A_798, %gather3A_775 : vector<16xf32>
        %swap3A_800 = arith.index_cast %scan3A_690 : i32 to index
        %swap3A_801 = arith.constant 48 : index
        %swap3A_802 = tpu.vector_load %arg13[%swap3A_800, %swap3A_801] {strides = array<i32>} : memref<128x144xf32, #tpu.memory_space<vmem>>, vector<16xf32>,
        tpu.vector_store %arg13[%swap3A_800, %swap3A_801], %mul3A_799 {strides = array<i32>} : memref<128x144xf32, #tpu.memory_space<vmem>>, vector<16xf32>,
        %get3A_803 = arith.index_cast %scan3A_690 : i32 to index
        %get3A_804 = arith.constant 64 : index
        %get3A_805 = tpu.vector_load %arg13[%get3A_803, %get3A_804] {strides = array<i32>} : memref<128x144xf32, #tpu.memory_space<vmem>>, vector<16xf32>,
        %mul3A_806 = arith.mulf %get3A_805, %gather3A_775 : vector<16xf32>
        %swap3A_807 = arith.index_cast %scan3A_690 : i32 to index
        %swap3A_808 = arith.constant 64 : index
        %swap3A_809 = tpu.vector_load %arg13[%swap3A_807, %swap3A_808] {strides = array<i32>} : memref<128x144xf32, #tpu.memory_space<vmem>>, vector<16xf32>,
        tpu.vector_store %arg13[%swap3A_807, %swap3A_808], %mul3A_806 {strides = array<i32>} : memref<128x144xf32, #tpu.memory_space<vmem>>, vector<16xf32>,
        %get3A_810 = arith.index_cast %scan3A_690 : i32 to index
        %get3A_811 = arith.constant 80 : index
        %get3A_812 = tpu.vector_load %arg13[%get3A_810, %get3A_811] {strides = array<i32>} : memref<128x144xf32, #tpu.memory_space<vmem>>, vector<16xf32>,
        %mul3A_813 = arith.mulf %get3A_812, %gather3A_775 : vector<16xf32>
        %swap3A_814 = arith.index_cast %scan3A_690 : i32 to index
        %swap3A_815 = arith.constant 80 : index
        %swap3A_816 = tpu.vector_load %arg13[%swap3A_814, %swap3A_815] {strides = array<i32>} : memref<128x144xf32, #tpu.memory_space<vmem>>, vector<16xf32>,
        tpu.vector_store %arg13[%swap3A_814, %swap3A_815], %mul3A_813 {strides = array<i32>} : memref<128x144xf32, #tpu.memory_space<vmem>>, vector<16xf32>,
        %get3A_817 = arith.index_cast %scan3A_690 : i32 to index
        %get3A_818 = arith.constant 96 : index
        %get3A_819 = tpu.vector_load %arg13[%get3A_817, %get3A_818] {strides = array<i32>} : memref<128x144xf32, #tpu.memory_space<vmem>>, vector<16xf32>,
        %mul3A_820 = arith.mulf %get3A_819, %gather3A_775 : vector<16xf32>
        %swap3A_821 = arith.index_cast %scan3A_690 : i32 to index
        %swap3A_822 = arith.constant 96 : index
        %swap3A_823 = tpu.vector_load %arg13[%swap3A_821, %swap3A_822] {strides = array<i32>} : memref<128x144xf32, #tpu.memory_space<vmem>>, vector<16xf32>,
        tpu.vector_store %arg13[%swap3A_821, %swap3A_822], %mul3A_820 {strides = array<i32>} : memref<128x144xf32, #tpu.memory_space<vmem>>, vector<16xf32>,
        %get3A_824 = arith.index_cast %scan3A_690 : i32 to index
        %get3A_825 = arith.constant 112 : index
        %get3A_826 = tpu.vector_load %arg13[%get3A_824, %get3A_825] {strides = array<i32>} : memref<128x144xf32, #tpu.memory_space<vmem>>, vector<16xf32>,
        %mul3A_827 = arith.mulf %get3A_826, %gather3A_775 : vector<16xf32>
        %swap3A_828 = arith.index_cast %scan3A_690 : i32 to index
        %swap3A_829 = arith.constant 112 : index
        %swap3A_830 = tpu.vector_load %arg13[%swap3A_828, %swap3A_829] {strides = array<i32>} : memref<128x144xf32, #tpu.memory_space<vmem>>, vector<16xf32>,
        tpu.vector_store %arg13[%swap3A_828, %swap3A_829], %mul3A_827 {strides = array<i32>} : memref<128x144xf32, #tpu.memory_space<vmem>>, vector<16xf32>,
        %scan3A_831 = arith.constant 0 : i32
        scf.yield %scan3A_831 : i32
      }
      %scan3A_575 = arith.constant 128 : i32
      %dma_start3A_576 = arith.constant 2 : i32
      %dma_start3A_577 = arith.constant 0 : i32
      %dma_start3A_578 = tpu.memref_slice %arg9[%dma_start3A_576, %dma_start3A_577] : memref<6x128xi32, #tpu.memory_space<vmem>> -> memref<1x128xi32, #tpu.memory_space<vmem>>
      %dma_start3A_579 = tpu.memref_squeeze %dma_start3A_578 : memref<1x128xi32, #tpu.memory_space<vmem>> -> memref<128xi32, #tpu.memory_space<vmem>>
      %dma_start3A_580 = arith.constant 0 : i32
      %dma_start3A_581 = arith.constant 0 : i32
      %dma_start3A_582 = tpu.memref_slice %arg15[%dma_start3A_580, %dma_start3A_581] : memref<10000x144xf32, #tpu.memory_space<vmem_shared>> -> memref<10000x144xf32, #tpu.memory_space<vmem_shared>>
      tpu.enqueue_indirect_dma source(%arg13 : memref<128x144xf32, #tpu.memory_space<vmem>>) target(%dma_start3A_582 : memref<10000x144xf32, #tpu.memory_space<vmem_shared>>) offsets(%dma_start3A_579 : memref<128xi32, #tpu.memory_space<vmem>>) semaphore(%arg18 : memref<!tpu.dma_semaphore, #tpu.memory_space<semaphore_mem>>) {add = true}
      %dma_start3A_583 = arith.constant 512 : i32
      %dma_start3A_584 = tpu.memref_slice %arg7[%dma_start3A_583] : memref<768xi32, #tpu.memory_space<vmem>> -> memref<128xi32, #tpu.memory_space<vmem>>
      %dma_start3A_585 = arith.constant 0 : i32
      %dma_start3A_586 = arith.constant 0 : i32
      %dma_start3A_587 = tpu.memref_slice %arg2[%dma_start3A_585, %dma_start3A_586] : memref<10000x144xf32, #tpu.memory_space<hbm>> -> memref<10000x144xf32, #tpu.memory_space<hbm>>
      tpu.enqueue_indirect_dma source(%dma_start3A_587 : memref<10000x144xf32, #tpu.memory_space<hbm>>) target(%arg13 : memref<128x144xf32, #tpu.memory_space<vmem>>) offsets(%dma_start3A_584 : memref<128xi32, #tpu.memory_space<vmem>>) semaphore(%arg16 : memref<!tpu.dma_semaphore, #tpu.memory_space<semaphore_mem>>)
      %dma_wait3A_588 = arith.constant 0 : i32
      %dma_wait3A_589 = tpu.memref_slice %arg7[%dma_wait3A_588] : memref<768xi32, #tpu.memory_space<vmem>> -> memref<128xi32, #tpu.memory_space<vmem>>
      %dma_wait3A_590 = arith.constant 0 : i32
      %dma_wait3A_591 = arith.constant 0 : i32
      %dma_wait3A_592 = tpu.memref_slice %arg2[%dma_wait3A_590, %dma_wait3A_591] : memref<10000x144xf32, #tpu.memory_space<hbm>> -> memref<10000x144xf32, #tpu.memory_space<hbm>>
      tpu.wait_indirect_dma semaphore(%arg17 : memref<!tpu.dma_semaphore, #tpu.memory_space<semaphore_mem>>) src(%dma_wait3A_592 : memref<10000x144xf32, #tpu.memory_space<hbm>>) dst(%arg14 : memref<128x144xf32, #tpu.memory_space<vmem>>)
      %dma_wait3A_593 = arith.constant 0 : i32
      %dma_wait3A_594 = arith.constant 0 : i32
      %dma_wait3A_595 = tpu.memref_slice %arg9[%dma_wait3A_593, %dma_wait3A_594] : memref<6x128xi32, #tpu.memory_space<vmem>> -> memref<1x128xi32, #tpu.memory_space<vmem>>
      %dma_wait3A_596 = tpu.memref_squeeze %dma_wait3A_595 : memref<1x128xi32, #tpu.memory_space<vmem>> -> memref<128xi32, #tpu.memory_space<vmem>>
      %dma_wait3A_597 = arith.constant 0 : i32
      %dma_wait3A_598 = arith.constant 0 : i32
      %dma_wait3A_599 = tpu.memref_slice %arg15[%dma_wait3A_597, %dma_wait3A_598] : memref<10000x144xf32, #tpu.memory_space<vmem_shared>> -> memref<10000x144xf32, #tpu.memory_space<vmem_shared>>
      tpu.wait_indirect_dma semaphore(%arg19 : memref<!tpu.dma_semaphore, #tpu.memory_space<semaphore_mem>>) src(%arg14 : memref<128x144xf32, #tpu.memory_space<vmem>>) dst(%dma_wait3A_599 : memref<10000x144xf32, #tpu.memory_space<vmem_shared>>)
      %scan3A_600 = arith.constant 0 : i32
      %scan3A_601 = arith.constant 0 : i32
      %scan3A_602 = arith.constant 128 : i32
      %scan3A_603 = arith.addi %scan3A_601, %scan3A_602 : i32
      %scan3A_604 = arith.constant 1 : i32
      %scan3A_605 = scf.for %scan3A_690 = %scan3A_601 to %scan3A_603 step %scan3A_604 iter_args(%scan3A_691 = %scan3A_600) -> (i32)  : i32 {
        %jit3A_692 = arith.constant 32 : i32
        %div3A = arith.divsi %scan3A_690, %jit3A_692 : i32
        %sign3A = arith.constant 0 : i32
        %sign3A_693 = arith.cmpi sgt, %scan3A_690, %sign3A : i32
        %sign3A_694 = arith.extui %sign3A_693 : i1 to i32
        %sign3A_695 = arith.constant 0 : i32
        %sign3A_696 = arith.cmpi slt, %scan3A_690, %sign3A_695 : i32
        %sign3A_697 = arith.extui %sign3A_696 : i1 to i32
        %sign3A_698 = arith.subi %sign3A_694, %sign3A_697 : i32
        %sign3A_699 = arith.constant 0 : i32
        %sign3A_700 = arith.cmpi sgt, %jit3A_692, %sign3A_699 : i32
        %sign3A_701 = arith.extui %sign3A_700 : i1 to i32
        %sign3A_702 = arith.constant 0 : i32
        %sign3A_703 = arith.cmpi slt, %jit3A_692, %sign3A_702 : i32
        %sign3A_704 = arith.extui %sign3A_703 : i1 to i32
        %sign3A_705 = arith.subi %sign3A_701, %sign3A_704 : i32
        %ne3A = arith.cmpi ne, %sign3A_698, %sign3A_705 : i32
        %rem3A = arith.remsi %scan3A_690, %jit3A_692 : i32
        %ne3A_706 = arith.constant 0 : i32
        %ne3A_707 = arith.cmpi ne, %rem3A, %ne3A_706 : i32
        %and3A = arith.andi %ne3A, %ne3A_707 : i1
        %sub3A = arith.constant 1 : i32
        %sub3A_708 = arith.subi %div3A, %sub3A : i32
        %select_n3A_709 = arith.select %and3A, %sub3A_708, %div3A : i32
        %mul3A_710 = arith.constant 32 : i32
        %mul3A_711 = arith.muli %select_n3A_709, %mul3A_710 : i32
        %add3A_712 = arith.constant 384 : i32
        %add3A_713 = arith.addi %add3A_712, %mul3A_711 : i32
        %get3A = arith.index_cast %add3A_713 : i32 to index
        %get3A_714 = tpu.vector_load %arg8[%get3A] {strides = array<i32>} : memref<768xbf16, #tpu.memory_space<vmem>>, vector<32xbf16>,
        %unpack3A = tpu.unpack_subelements %get3A_714, 0 {pack_format = #tpu.pack_format<interleaved>} : vector<32xbf16> -> vector<16xf32>
        %unpack3A_715 = tpu.unpack_subelements %get3A_714, 1 {pack_format = #tpu.pack_format<interleaved>} : vector<32xbf16> -> vector<16xf32>
        %jit3A_716 = arith.constant 2 : i32
        %eq3A = arith.constant 0 : i32
        %eq3A_717 = arith.cmpi eq, %jit3A_716, %eq3A : i32
        %jit3A_718 = arith.constant 1 : i32
        %select_n3A_719 = arith.select %eq3A_717, %jit3A_718, %jit3A_716 : i32
        %rem3A_720 = arith.remsi %scan3A_690, %select_n3A_719 : i32
        %ne3A_721 = arith.constant 0 : i32
        %ne3A_722 = arith.cmpi ne, %rem3A_720, %ne3A_721 : i32
        %lt3A_723 = arith.constant 0 : i32
        %lt3A_724 = arith.cmpi slt, %rem3A_720, %lt3A_723 : i32
        %lt3A_725 = arith.constant 0 : i32
        %lt3A_726 = arith.cmpi slt, %select_n3A_719, %lt3A_725 : i32
        %ne3A_727 = arith.xori %lt3A_724, %lt3A_726 : i1
        %and3A_728 = arith.andi %ne3A_727, %ne3A_722 : i1
        %add3A_729 = arith.addi %rem3A_720, %select_n3A_719 : i32
        %select_n3A_730 = arith.select %and3A_728, %add3A_729, %rem3A_720 : i32
        %eq3A_731 = arith.constant 0 : i32
        %eq3A_732 = arith.cmpi eq, %select_n3A_730, %eq3A_731 : i32
        %select_n3A_733 = arith.select %eq3A_732, %unpack3A, %unpack3A_715 : vector<16xf32>
        %jit3A_734 = arith.constant 32 : i32
        %eq3A_735 = arith.constant 0 : i32
        %eq3A_736 = arith.cmpi eq, %jit3A_734, %eq3A_735 : i32
        %jit3A_737 = arith.constant 1 : i32
        %select_n3A_738 = arith.select %eq3A_736, %jit3A_737, %jit3A_734 : i32
        %rem3A_739 = arith.remsi %scan3A_690, %select_n3A_738 : i32
        %ne3A_740 = arith.constant 0 : i32
        %ne3A_741 = arith.cmpi ne, %rem3A_739, %ne3A_740 : i32
        %lt3A_742 = arith.constant 0 : i32
        %lt3A_743 = arith.cmpi slt, %rem3A_739, %lt3A_742 : i32
        %lt3A_744 = arith.constant 0 : i32
        %lt3A_745 = arith.cmpi slt, %select_n3A_738, %lt3A_744 : i32
        %ne3A_746 = arith.xori %lt3A_743, %lt3A_745 : i1
        %and3A_747 = arith.andi %ne3A_746, %ne3A_741 : i1
        %add3A_748 = arith.addi %rem3A_739, %select_n3A_738 : i32
        %select_n3A_749 = arith.select %and3A_747, %add3A_748, %rem3A_739 : i32
        %jit3A_750 = arith.constant 2 : i32
        %div3A_751 = arith.divsi %select_n3A_749, %jit3A_750 : i32
        %sign3A_752 = arith.constant 0 : i32
        %sign3A_753 = arith.cmpi sgt, %select_n3A_749, %sign3A_752 : i32
        %sign3A_754 = arith.extui %sign3A_753 : i1 to i32
        %sign3A_755 = arith.constant 0 : i32
        %sign3A_756 = arith.cmpi slt, %select_n3A_749, %sign3A_755 : i32
        %sign3A_757 = arith.extui %sign3A_756 : i1 to i32
        %sign3A_758 = arith.subi %sign3A_754, %sign3A_757 : i32
        %sign3A_759 = arith.constant 0 : i32
        %sign3A_760 = arith.cmpi sgt, %jit3A_750, %sign3A_759 : i32
        %sign3A_761 = arith.extui %sign3A_760 : i1 to i32
        %sign3A_762 = arith.constant 0 : i32
        %sign3A_763 = arith.cmpi slt, %jit3A_750, %sign3A_762 : i32
        %sign3A_764 = arith.extui %sign3A_763 : i1 to i32
        %sign3A_765 = arith.subi %sign3A_761, %sign3A_764 : i32
        %ne3A_766 = arith.cmpi ne, %sign3A_758, %sign3A_765 : i32
        %rem3A_767 = arith.remsi %select_n3A_749, %jit3A_750 : i32
        %ne3A_768 = arith.constant 0 : i32
        %ne3A_769 = arith.cmpi ne, %rem3A_767, %ne3A_768 : i32
        %and3A_770 = arith.andi %ne3A_766, %ne3A_769 : i1
        %sub3A_771 = arith.constant 1 : i32
        %sub3A_772 = arith.subi %div3A_751, %sub3A_771 : i32
        %select_n3A_773 = arith.select %and3A_770, %sub3A_772, %div3A_751 : i32
        %broadcast_in_dim3A_774 = vector.broadcast %select_n3A_773 : i32 to vector<16x1xi32>
        %gather3A = vector.shape_cast %broadcast_in_dim3A_774 : vector<16x1xi32> to vector<16xi32>
        %gather3A_775 = tpu.dynamic_gather %select_n3A_733[%gather3A] in [0] : vector<16xf32>, vector<16xi32> -> vector<16xf32>
        %get3A_776 = arith.index_cast %scan3A_690 : i32 to index
        %get3A_777 = arith.constant 0 : index
        %get3A_778 = tpu.vector_load %arg14[%get3A_776, %get3A_777] {strides = array<i32>} : memref<128x144xf32, #tpu.memory_space<vmem>>, vector<16xf32>,
        %mul3A_779 = arith.mulf %get3A_778, %gather3A_775 : vector<16xf32>
        %swap3A = arith.index_cast %scan3A_690 : i32 to index
        %swap3A_780 = arith.constant 0 : index
        %swap3A_781 = tpu.vector_load %arg14[%swap3A, %swap3A_780] {strides = array<i32>} : memref<128x144xf32, #tpu.memory_space<vmem>>, vector<16xf32>,
        tpu.vector_store %arg14[%swap3A, %swap3A_780], %mul3A_779 {strides = array<i32>} : memref<128x144xf32, #tpu.memory_space<vmem>>, vector<16xf32>,
        %get3A_782 = arith.index_cast %scan3A_690 : i32 to index
        %get3A_783 = arith.constant 16 : index
        %get3A_784 = tpu.vector_load %arg14[%get3A_782, %get3A_783] {strides = array<i32>} : memref<128x144xf32, #tpu.memory_space<vmem>>, vector<16xf32>,
        %mul3A_785 = arith.mulf %get3A_784, %gather3A_775 : vector<16xf32>
        %swap3A_786 = arith.index_cast %scan3A_690 : i32 to index
        %swap3A_787 = arith.constant 16 : index
        %swap3A_788 = tpu.vector_load %arg14[%swap3A_786, %swap3A_787] {strides = array<i32>} : memref<128x144xf32, #tpu.memory_space<vmem>>, vector<16xf32>,
        tpu.vector_store %arg14[%swap3A_786, %swap3A_787], %mul3A_785 {strides = array<i32>} : memref<128x144xf32, #tpu.memory_space<vmem>>, vector<16xf32>,
        %get3A_789 = arith.index_cast %scan3A_690 : i32 to index
        %get3A_790 = arith.constant 32 : index
        %get3A_791 = tpu.vector_load %arg14[%get3A_789, %get3A_790] {strides = array<i32>} : memref<128x144xf32, #tpu.memory_space<vmem>>, vector<16xf32>,
        %mul3A_792 = arith.mulf %get3A_791, %gather3A_775 : vector<16xf32>
        %swap3A_793 = arith.index_cast %scan3A_690 : i32 to index
        %swap3A_794 = arith.constant 32 : index
        %swap3A_795 = tpu.vector_load %arg14[%swap3A_793, %swap3A_794] {strides = array<i32>} : memref<128x144xf32, #tpu.memory_space<vmem>>, vector<16xf32>,
        tpu.vector_store %arg14[%swap3A_793, %swap3A_794], %mul3A_792 {strides = array<i32>} : memref<128x144xf32, #tpu.memory_space<vmem>>, vector<16xf32>,
        %get3A_796 = arith.index_cast %scan3A_690 : i32 to index
        %get3A_797 = arith.constant 48 : index
        %get3A_798 = tpu.vector_load %arg14[%get3A_796, %get3A_797] {strides = array<i32>} : memref<128x144xf32, #tpu.memory_space<vmem>>, vector<16xf32>,
        %mul3A_799 = arith.mulf %get3A_798, %gather3A_775 : vector<16xf32>
        %swap3A_800 = arith.index_cast %scan3A_690 : i32 to index
        %swap3A_801 = arith.constant 48 : index
        %swap3A_802 = tpu.vector_load %arg14[%swap3A_800, %swap3A_801] {strides = array<i32>} : memref<128x144xf32, #tpu.memory_space<vmem>>, vector<16xf32>,
        tpu.vector_store %arg14[%swap3A_800, %swap3A_801], %mul3A_799 {strides = array<i32>} : memref<128x144xf32, #tpu.memory_space<vmem>>, vector<16xf32>,
        %get3A_803 = arith.index_cast %scan3A_690 : i32 to index
        %get3A_804 = arith.constant 64 : index
        %get3A_805 = tpu.vector_load %arg14[%get3A_803, %get3A_804] {strides = array<i32>} : memref<128x144xf32, #tpu.memory_space<vmem>>, vector<16xf32>,
        %mul3A_806 = arith.mulf %get3A_805, %gather3A_775 : vector<16xf32>
        %swap3A_807 = arith.index_cast %scan3A_690 : i32 to index
        %swap3A_808 = arith.constant 64 : index
        %swap3A_809 = tpu.vector_load %arg14[%swap3A_807, %swap3A_808] {strides = array<i32>} : memref<128x144xf32, #tpu.memory_space<vmem>>, vector<16xf32>,
        tpu.vector_store %arg14[%swap3A_807, %swap3A_808], %mul3A_806 {strides = array<i32>} : memref<128x144xf32, #tpu.memory_space<vmem>>, vector<16xf32>,
        %get3A_810 = arith.index_cast %scan3A_690 : i32 to index
        %get3A_811 = arith.constant 80 : index
        %get3A_812 = tpu.vector_load %arg14[%get3A_810, %get3A_811] {strides = array<i32>} : memref<128x144xf32, #tpu.memory_space<vmem>>, vector<16xf32>,
        %mul3A_813 = arith.mulf %get3A_812, %gather3A_775 : vector<16xf32>
        %swap3A_814 = arith.index_cast %scan3A_690 : i32 to index
        %swap3A_815 = arith.constant 80 : index
        %swap3A_816 = tpu.vector_load %arg14[%swap3A_814, %swap3A_815] {strides = array<i32>} : memref<128x144xf32, #tpu.memory_space<vmem>>, vector<16xf32>,
        tpu.vector_store %arg14[%swap3A_814, %swap3A_815], %mul3A_813 {strides = array<i32>} : memref<128x144xf32, #tpu.memory_space<vmem>>, vector<16xf32>,
        %get3A_817 = arith.index_cast %scan3A_690 : i32 to index
        %get3A_818 = arith.constant 96 : index
        %get3A_819 = tpu.vector_load %arg14[%get3A_817, %get3A_818] {strides = array<i32>} : memref<128x144xf32, #tpu.memory_space<vmem>>, vector<16xf32>,
        %mul3A_820 = arith.mulf %get3A_819, %gather3A_775 : vector<16xf32>
        %swap3A_821 = arith.index_cast %scan3A_690 : i32 to index
        %swap3A_822 = arith.constant 96 : index
        %swap3A_823 = tpu.vector_load %arg14[%swap3A_821, %swap3A_822] {strides = array<i32>} : memref<128x144xf32, #tpu.memory_space<vmem>>, vector<16xf32>,
        tpu.vector_store %arg14[%swap3A_821, %swap3A_822], %mul3A_820 {strides = array<i32>} : memref<128x144xf32, #tpu.memory_space<vmem>>, vector<16xf32>,
        %get3A_824 = arith.index_cast %scan3A_690 : i32 to index
        %get3A_825 = arith.constant 112 : index
        %get3A_826 = tpu.vector_load %arg14[%get3A_824, %get3A_825] {strides = array<i32>} : memref<128x144xf32, #tpu.memory_space<vmem>>, vector<16xf32>,
        %mul3A_827 = arith.mulf %get3A_826, %gather3A_775 : vector<16xf32>
        %swap3A_828 = arith.index_cast %scan3A_690 : i32 to index
        %swap3A_829 = arith.constant 112 : index
        %swap3A_830 = tpu.vector_load %arg14[%swap3A_828, %swap3A_829] {strides = array<i32>} : memref<128x144xf32, #tpu.memory_space<vmem>>, vector<16xf32>,
        tpu.vector_store %arg14[%swap3A_828, %swap3A_829], %mul3A_827 {strides = array<i32>} : memref<128x144xf32, #tpu.memory_space<vmem>>, vector<16xf32>,
        %scan3A_831 = arith.constant 0 : i32
        scf.yield %scan3A_831 : i32
      }
      %scan3A_606 = arith.constant 128 : i32
      %dma_start3A_607 = arith.constant 3 : i32
      %dma_start3A_608 = arith.constant 0 : i32
      %dma_start3A_609 = tpu.memref_slice %arg9[%dma_start3A_607, %dma_start3A_608] : memref<6x128xi32, #tpu.memory_space<vmem>> -> memref<1x128xi32, #tpu.memory_space<vmem>>
      %dma_start3A_610 = tpu.memref_squeeze %dma_start3A_609 : memref<1x128xi32, #tpu.memory_space<vmem>> -> memref<128xi32, #tpu.memory_space<vmem>>
      %dma_start3A_611 = arith.constant 0 : i32
      %dma_start3A_612 = arith.constant 0 : i32
      %dma_start3A_613 = tpu.memref_slice %arg15[%dma_start3A_611, %dma_start3A_612] : memref<10000x144xf32, #tpu.memory_space<vmem_shared>> -> memref<10000x144xf32, #tpu.memory_space<vmem_shared>>
      tpu.enqueue_indirect_dma source(%arg14 : memref<128x144xf32, #tpu.memory_space<vmem>>) target(%dma_start3A_613 : memref<10000x144xf32, #tpu.memory_space<vmem_shared>>) offsets(%dma_start3A_610 : memref<128xi32, #tpu.memory_space<vmem>>) semaphore(%arg19 : memref<!tpu.dma_semaphore, #tpu.memory_space<semaphore_mem>>) {add = true}
      %dma_start3A_614 = arith.constant 640 : i32
      %dma_start3A_615 = tpu.memref_slice %arg7[%dma_start3A_614] : memref<768xi32, #tpu.memory_space<vmem>> -> memref<128xi32, #tpu.memory_space<vmem>>
      %dma_start3A_616 = arith.constant 0 : i32
      %dma_start3A_617 = arith.constant 0 : i32
      %dma_start3A_618 = tpu.memref_slice %arg2[%dma_start3A_616, %dma_start3A_617] : memref<10000x144xf32, #tpu.memory_space<hbm>> -> memref<10000x144xf32, #tpu.memory_space<hbm>>
      tpu.enqueue_indirect_dma source(%dma_start3A_618 : memref<10000x144xf32, #tpu.memory_space<hbm>>) target(%arg14 : memref<128x144xf32, #tpu.memory_space<vmem>>) offsets(%dma_start3A_615 : memref<128xi32, #tpu.memory_space<vmem>>) semaphore(%arg17 : memref<!tpu.dma_semaphore, #tpu.memory_space<semaphore_mem>>)
      %dma_wait3A_619 = arith.constant 0 : i32
      %dma_wait3A_620 = tpu.memref_slice %arg7[%dma_wait3A_619] : memref<768xi32, #tpu.memory_space<vmem>> -> memref<128xi32, #tpu.memory_space<vmem>>
      %dma_wait3A_621 = arith.constant 0 : i32
      %dma_wait3A_622 = arith.constant 0 : i32
      %dma_wait3A_623 = tpu.memref_slice %arg2[%dma_wait3A_621, %dma_wait3A_622] : memref<10000x144xf32, #tpu.memory_space<hbm>> -> memref<10000x144xf32, #tpu.memory_space<hbm>>
      tpu.wait_indirect_dma semaphore(%arg16 : memref<!tpu.dma_semaphore, #tpu.memory_space<semaphore_mem>>) src(%dma_wait3A_623 : memref<10000x144xf32, #tpu.memory_space<hbm>>) dst(%arg13 : memref<128x144xf32, #tpu.memory_space<vmem>>)
      %dma_wait3A_624 = arith.constant 0 : i32
      %dma_wait3A_625 = arith.constant 0 : i32
      %dma_wait3A_626 = tpu.memref_slice %arg9[%dma_wait3A_624, %dma_wait3A_625] : memref<6x128xi32, #tpu.memory_space<vmem>> -> memref<1x128xi32, #tpu.memory_space<vmem>>
      %dma_wait3A_627 = tpu.memref_squeeze %dma_wait3A_626 : memref<1x128xi32, #tpu.memory_space<vmem>> -> memref<128xi32, #tpu.memory_space<vmem>>
      %dma_wait3A_628 = arith.constant 0 : i32
      %dma_wait3A_629 = arith.constant 0 : i32
      %dma_wait3A_630 = tpu.memref_slice %arg15[%dma_wait3A_628, %dma_wait3A_629] : memref<10000x144xf32, #tpu.memory_space<vmem_shared>> -> memref<10000x144xf32, #tpu.memory_space<vmem_shared>>
      tpu.wait_indirect_dma semaphore(%arg18 : memref<!tpu.dma_semaphore, #tpu.memory_space<semaphore_mem>>) src(%arg13 : memref<128x144xf32, #tpu.memory_space<vmem>>) dst(%dma_wait3A_630 : memref<10000x144xf32, #tpu.memory_space<vmem_shared>>)
      %scan3A_631 = arith.constant 0 : i32
      %scan3A_632 = arith.constant 0 : i32
      %scan3A_633 = arith.constant 128 : i32
      %scan3A_634 = arith.addi %scan3A_632, %scan3A_633 : i32
      %scan3A_635 = arith.constant 1 : i32
      %scan3A_636 = scf.for %scan3A_690 = %scan3A_632 to %scan3A_634 step %scan3A_635 iter_args(%scan3A_691 = %scan3A_631) -> (i32)  : i32 {
        %jit3A_692 = arith.constant 32 : i32
        %div3A = arith.divsi %scan3A_690, %jit3A_692 : i32
        %sign3A = arith.constant 0 : i32
        %sign3A_693 = arith.cmpi sgt, %scan3A_690, %sign3A : i32
        %sign3A_694 = arith.extui %sign3A_693 : i1 to i32
        %sign3A_695 = arith.constant 0 : i32
        %sign3A_696 = arith.cmpi slt, %scan3A_690, %sign3A_695 : i32
        %sign3A_697 = arith.extui %sign3A_696 : i1 to i32
        %sign3A_698 = arith.subi %sign3A_694, %sign3A_697 : i32
        %sign3A_699 = arith.constant 0 : i32
        %sign3A_700 = arith.cmpi sgt, %jit3A_692, %sign3A_699 : i32
        %sign3A_701 = arith.extui %sign3A_700 : i1 to i32
        %sign3A_702 = arith.constant 0 : i32
        %sign3A_703 = arith.cmpi slt, %jit3A_692, %sign3A_702 : i32
        %sign3A_704 = arith.extui %sign3A_703 : i1 to i32
        %sign3A_705 = arith.subi %sign3A_701, %sign3A_704 : i32
        %ne3A = arith.cmpi ne, %sign3A_698, %sign3A_705 : i32
        %rem3A = arith.remsi %scan3A_690, %jit3A_692 : i32
        %ne3A_706 = arith.constant 0 : i32
        %ne3A_707 = arith.cmpi ne, %rem3A, %ne3A_706 : i32
        %and3A = arith.andi %ne3A, %ne3A_707 : i1
        %sub3A = arith.constant 1 : i32
        %sub3A_708 = arith.subi %div3A, %sub3A : i32
        %select_n3A_709 = arith.select %and3A, %sub3A_708, %div3A : i32
        %mul3A_710 = arith.constant 32 : i32
        %mul3A_711 = arith.muli %select_n3A_709, %mul3A_710 : i32
        %add3A_712 = arith.constant 512 : i32
        %add3A_713 = arith.addi %add3A_712, %mul3A_711 : i32
        %get3A = arith.index_cast %add3A_713 : i32 to index
        %get3A_714 = tpu.vector_load %arg8[%get3A] {strides = array<i32>} : memref<768xbf16, #tpu.memory_space<vmem>>, vector<32xbf16>,
        %unpack3A = tpu.unpack_subelements %get3A_714, 0 {pack_format = #tpu.pack_format<interleaved>} : vector<32xbf16> -> vector<16xf32>
        %unpack3A_715 = tpu.unpack_subelements %get3A_714, 1 {pack_format = #tpu.pack_format<interleaved>} : vector<32xbf16> -> vector<16xf32>
        %jit3A_716 = arith.constant 2 : i32
        %eq3A = arith.constant 0 : i32
        %eq3A_717 = arith.cmpi eq, %jit3A_716, %eq3A : i32
        %jit3A_718 = arith.constant 1 : i32
        %select_n3A_719 = arith.select %eq3A_717, %jit3A_718, %jit3A_716 : i32
        %rem3A_720 = arith.remsi %scan3A_690, %select_n3A_719 : i32
        %ne3A_721 = arith.constant 0 : i32
        %ne3A_722 = arith.cmpi ne, %rem3A_720, %ne3A_721 : i32
        %lt3A_723 = arith.constant 0 : i32
        %lt3A_724 = arith.cmpi slt, %rem3A_720, %lt3A_723 : i32
        %lt3A_725 = arith.constant 0 : i32
        %lt3A_726 = arith.cmpi slt, %select_n3A_719, %lt3A_725 : i32
        %ne3A_727 = arith.xori %lt3A_724, %lt3A_726 : i1
        %and3A_728 = arith.andi %ne3A_727, %ne3A_722 : i1
        %add3A_729 = arith.addi %rem3A_720, %select_n3A_719 : i32
        %select_n3A_730 = arith.select %and3A_728, %add3A_729, %rem3A_720 : i32
        %eq3A_731 = arith.constant 0 : i32
        %eq3A_732 = arith.cmpi eq, %select_n3A_730, %eq3A_731 : i32
        %select_n3A_733 = arith.select %eq3A_732, %unpack3A, %unpack3A_715 : vector<16xf32>
        %jit3A_734 = arith.constant 32 : i32
        %eq3A_735 = arith.constant 0 : i32
        %eq3A_736 = arith.cmpi eq, %jit3A_734, %eq3A_735 : i32
        %jit3A_737 = arith.constant 1 : i32
        %select_n3A_738 = arith.select %eq3A_736, %jit3A_737, %jit3A_734 : i32
        %rem3A_739 = arith.remsi %scan3A_690, %select_n3A_738 : i32
        %ne3A_740 = arith.constant 0 : i32
        %ne3A_741 = arith.cmpi ne, %rem3A_739, %ne3A_740 : i32
        %lt3A_742 = arith.constant 0 : i32
        %lt3A_743 = arith.cmpi slt, %rem3A_739, %lt3A_742 : i32
        %lt3A_744 = arith.constant 0 : i32
        %lt3A_745 = arith.cmpi slt, %select_n3A_738, %lt3A_744 : i32
        %ne3A_746 = arith.xori %lt3A_743, %lt3A_745 : i1
        %and3A_747 = arith.andi %ne3A_746, %ne3A_741 : i1
        %add3A_748 = arith.addi %rem3A_739, %select_n3A_738 : i32
        %select_n3A_749 = arith.select %and3A_747, %add3A_748, %rem3A_739 : i32
        %jit3A_750 = arith.constant 2 : i32
        %div3A_751 = arith.divsi %select_n3A_749, %jit3A_750 : i32
        %sign3A_752 = arith.constant 0 : i32
        %sign3A_753 = arith.cmpi sgt, %select_n3A_749, %sign3A_752 : i32
        %sign3A_754 = arith.extui %sign3A_753 : i1 to i32
        %sign3A_755 = arith.constant 0 : i32
        %sign3A_756 = arith.cmpi slt, %select_n3A_749, %sign3A_755 : i32
        %sign3A_757 = arith.extui %sign3A_756 : i1 to i32
        %sign3A_758 = arith.subi %sign3A_754, %sign3A_757 : i32
        %sign3A_759 = arith.constant 0 : i32
        %sign3A_760 = arith.cmpi sgt, %jit3A_750, %sign3A_759 : i32
        %sign3A_761 = arith.extui %sign3A_760 : i1 to i32
        %sign3A_762 = arith.constant 0 : i32
        %sign3A_763 = arith.cmpi slt, %jit3A_750, %sign3A_762 : i32
        %sign3A_764 = arith.extui %sign3A_763 : i1 to i32
        %sign3A_765 = arith.subi %sign3A_761, %sign3A_764 : i32
        %ne3A_766 = arith.cmpi ne, %sign3A_758, %sign3A_765 : i32
        %rem3A_767 = arith.remsi %select_n3A_749, %jit3A_750 : i32
        %ne3A_768 = arith.constant 0 : i32
        %ne3A_769 = arith.cmpi ne, %rem3A_767, %ne3A_768 : i32
        %and3A_770 = arith.andi %ne3A_766, %ne3A_769 : i1
        %sub3A_771 = arith.constant 1 : i32
        %sub3A_772 = arith.subi %div3A_751, %sub3A_771 : i32
        %select_n3A_773 = arith.select %and3A_770, %sub3A_772, %div3A_751 : i32
        %broadcast_in_dim3A_774 = vector.broadcast %select_n3A_773 : i32 to vector<16x1xi32>
        %gather3A = vector.shape_cast %broadcast_in_dim3A_774 : vector<16x1xi32> to vector<16xi32>
        %gather3A_775 = tpu.dynamic_gather %select_n3A_733[%gather3A] in [0] : vector<16xf32>, vector<16xi32> -> vector<16xf32>
        %get3A_776 = arith.index_cast %scan3A_690 : i32 to index
        %get3A_777 = arith.constant 0 : index
        %get3A_778 = tpu.vector_load %arg13[%get3A_776, %get3A_777] {strides = array<i32>} : memref<128x144xf32, #tpu.memory_space<vmem>>, vector<16xf32>,
        %mul3A_779 = arith.mulf %get3A_778, %gather3A_775 : vector<16xf32>
        %swap3A = arith.index_cast %scan3A_690 : i32 to index
        %swap3A_780 = arith.constant 0 : index
        %swap3A_781 = tpu.vector_load %arg13[%swap3A, %swap3A_780] {strides = array<i32>} : memref<128x144xf32, #tpu.memory_space<vmem>>, vector<16xf32>,
        tpu.vector_store %arg13[%swap3A, %swap3A_780], %mul3A_779 {strides = array<i32>} : memref<128x144xf32, #tpu.memory_space<vmem>>, vector<16xf32>,
        %get3A_782 = arith.index_cast %scan3A_690 : i32 to index
        %get3A_783 = arith.constant 16 : index
        %get3A_784 = tpu.vector_load %arg13[%get3A_782, %get3A_783] {strides = array<i32>} : memref<128x144xf32, #tpu.memory_space<vmem>>, vector<16xf32>,
        %mul3A_785 = arith.mulf %get3A_784, %gather3A_775 : vector<16xf32>
        %swap3A_786 = arith.index_cast %scan3A_690 : i32 to index
        %swap3A_787 = arith.constant 16 : index
        %swap3A_788 = tpu.vector_load %arg13[%swap3A_786, %swap3A_787] {strides = array<i32>} : memref<128x144xf32, #tpu.memory_space<vmem>>, vector<16xf32>,
        tpu.vector_store %arg13[%swap3A_786, %swap3A_787], %mul3A_785 {strides = array<i32>} : memref<128x144xf32, #tpu.memory_space<vmem>>, vector<16xf32>,
        %get3A_789 = arith.index_cast %scan3A_690 : i32 to index
        %get3A_790 = arith.constant 32 : index
        %get3A_791 = tpu.vector_load %arg13[%get3A_789, %get3A_790] {strides = array<i32>} : memref<128x144xf32, #tpu.memory_space<vmem>>, vector<16xf32>,
        %mul3A_792 = arith.mulf %get3A_791, %gather3A_775 : vector<16xf32>
        %swap3A_793 = arith.index_cast %scan3A_690 : i32 to index
        %swap3A_794 = arith.constant 32 : index
        %swap3A_795 = tpu.vector_load %arg13[%swap3A_793, %swap3A_794] {strides = array<i32>} : memref<128x144xf32, #tpu.memory_space<vmem>>, vector<16xf32>,
        tpu.vector_store %arg13[%swap3A_793, %swap3A_794], %mul3A_792 {strides = array<i32>} : memref<128x144xf32, #tpu.memory_space<vmem>>, vector<16xf32>,
        %get3A_796 = arith.index_cast %scan3A_690 : i32 to index
        %get3A_797 = arith.constant 48 : index
        %get3A_798 = tpu.vector_load %arg13[%get3A_796, %get3A_797] {strides = array<i32>} : memref<128x144xf32, #tpu.memory_space<vmem>>, vector<16xf32>,
        %mul3A_799 = arith.mulf %get3A_798, %gather3A_775 : vector<16xf32>
        %swap3A_800 = arith.index_cast %scan3A_690 : i32 to index
        %swap3A_801 = arith.constant 48 : index
        %swap3A_802 = tpu.vector_load %arg13[%swap3A_800, %swap3A_801] {strides = array<i32>} : memref<128x144xf32, #tpu.memory_space<vmem>>, vector<16xf32>,
        tpu.vector_store %arg13[%swap3A_800, %swap3A_801], %mul3A_799 {strides = array<i32>} : memref<128x144xf32, #tpu.memory_space<vmem>>, vector<16xf32>,
        %get3A_803 = arith.index_cast %scan3A_690 : i32 to index
        %get3A_804 = arith.constant 64 : index
        %get3A_805 = tpu.vector_load %arg13[%get3A_803, %get3A_804] {strides = array<i32>} : memref<128x144xf32, #tpu.memory_space<vmem>>, vector<16xf32>,
        %mul3A_806 = arith.mulf %get3A_805, %gather3A_775 : vector<16xf32>
        %swap3A_807 = arith.index_cast %scan3A_690 : i32 to index
        %swap3A_808 = arith.constant 64 : index
        %swap3A_809 = tpu.vector_load %arg13[%swap3A_807, %swap3A_808] {strides = array<i32>} : memref<128x144xf32, #tpu.memory_space<vmem>>, vector<16xf32>,
        tpu.vector_store %arg13[%swap3A_807, %swap3A_808], %mul3A_806 {strides = array<i32>} : memref<128x144xf32, #tpu.memory_space<vmem>>, vector<16xf32>,
        %get3A_810 = arith.index_cast %scan3A_690 : i32 to index
        %get3A_811 = arith.constant 80 : index
        %get3A_812 = tpu.vector_load %arg13[%get3A_810, %get3A_811] {strides = array<i32>} : memref<128x144xf32, #tpu.memory_space<vmem>>, vector<16xf32>,
        %mul3A_813 = arith.mulf %get3A_812, %gather3A_775 : vector<16xf32>
        %swap3A_814 = arith.index_cast %scan3A_690 : i32 to index
        %swap3A_815 = arith.constant 80 : index
        %swap3A_816 = tpu.vector_load %arg13[%swap3A_814, %swap3A_815] {strides = array<i32>} : memref<128x144xf32, #tpu.memory_space<vmem>>, vector<16xf32>,
        tpu.vector_store %arg13[%swap3A_814, %swap3A_815], %mul3A_813 {strides = array<i32>} : memref<128x144xf32, #tpu.memory_space<vmem>>, vector<16xf32>,
        %get3A_817 = arith.index_cast %scan3A_690 : i32 to index
        %get3A_818 = arith.constant 96 : index
        %get3A_819 = tpu.vector_load %arg13[%get3A_817, %get3A_818] {strides = array<i32>} : memref<128x144xf32, #tpu.memory_space<vmem>>, vector<16xf32>,
        %mul3A_820 = arith.mulf %get3A_819, %gather3A_775 : vector<16xf32>
        %swap3A_821 = arith.index_cast %scan3A_690 : i32 to index
        %swap3A_822 = arith.constant 96 : index
        %swap3A_823 = tpu.vector_load %arg13[%swap3A_821, %swap3A_822] {strides = array<i32>} : memref<128x144xf32, #tpu.memory_space<vmem>>, vector<16xf32>,
        tpu.vector_store %arg13[%swap3A_821, %swap3A_822], %mul3A_820 {strides = array<i32>} : memref<128x144xf32, #tpu.memory_space<vmem>>, vector<16xf32>,
        %get3A_824 = arith.index_cast %scan3A_690 : i32 to index
        %get3A_825 = arith.constant 112 : index
        %get3A_826 = tpu.vector_load %arg13[%get3A_824, %get3A_825] {strides = array<i32>} : memref<128x144xf32, #tpu.memory_space<vmem>>, vector<16xf32>,
        %mul3A_827 = arith.mulf %get3A_826, %gather3A_775 : vector<16xf32>
        %swap3A_828 = arith.index_cast %scan3A_690 : i32 to index
        %swap3A_829 = arith.constant 112 : index
        %swap3A_830 = tpu.vector_load %arg13[%swap3A_828, %swap3A_829] {strides = array<i32>} : memref<128x144xf32, #tpu.memory_space<vmem>>, vector<16xf32>,
        tpu.vector_store %arg13[%swap3A_828, %swap3A_829], %mul3A_827 {strides = array<i32>} : memref<128x144xf32, #tpu.memory_space<vmem>>, vector<16xf32>,
        %scan3A_831 = arith.constant 0 : i32
        scf.yield %scan3A_831 : i32
      }
      %scan3A_637 = arith.constant 128 : i32
      %dma_start3A_638 = arith.constant 4 : i32
      %dma_start3A_639 = arith.constant 0 : i32
      %dma_start3A_640 = tpu.memref_slice %arg9[%dma_start3A_638, %dma_start3A_639] : memref<6x128xi32, #tpu.memory_space<vmem>> -> memref<1x128xi32, #tpu.memory_space<vmem>>
      %dma_start3A_641 = tpu.memref_squeeze %dma_start3A_640 : memref<1x128xi32, #tpu.memory_space<vmem>> -> memref<128xi32, #tpu.memory_space<vmem>>
      %dma_start3A_642 = arith.constant 0 : i32
      %dma_start3A_643 = arith.constant 0 : i32
      %dma_start3A_644 = tpu.memref_slice %arg15[%dma_start3A_642, %dma_start3A_643] : memref<10000x144xf32, #tpu.memory_space<vmem_shared>> -> memref<10000x144xf32, #tpu.memory_space<vmem_shared>>
      tpu.enqueue_indirect_dma source(%arg13 : memref<128x144xf32, #tpu.memory_space<vmem>>) target(%dma_start3A_644 : memref<10000x144xf32, #tpu.memory_space<vmem_shared>>) offsets(%dma_start3A_641 : memref<128xi32, #tpu.memory_space<vmem>>) semaphore(%arg18 : memref<!tpu.dma_semaphore, #tpu.memory_space<semaphore_mem>>) {add = true}
      %add3A_645 = arith.constant 1 : i32
      %add3A_646 = arith.addi %add3A_486, %add3A_645 : i32
      %mul3A_647 = arith.constant 6 : i32
      %mul3A_648 = arith.muli %add3A_646, %mul3A_647 : i32
      %lt3A_649 = arith.cmpi slt, %mul3A_648, %add3A_8 : i32
      %convert_element_type3A_650 = arith.extui %lt3A_649 : i1 to i32
      %cond3A_651 = arith.constant 0 : i32
      %cond3A_652 = arith.cmpi ne, %convert_element_type3A_650, %cond3A_651 : i32
      scf.if %cond3A_652 {
        %dma_wait3A_690 = arith.constant 0 : i32
        %dma_wait3A_691 = tpu.memref_slice %arg3[%dma_wait3A_690] : memref<320000xi32, #tpu.memory_space<hbm>> -> memref<768xi32, #tpu.memory_space<hbm>>
        %dma_wait3A_692 = arith.constant 0 : i32
        %dma_wait3A_693 = tpu.memref_slice %arg3[%dma_wait3A_692] : memref<320000xi32, #tpu.memory_space<hbm>> -> memref<768xi32, #tpu.memory_space<hbm>>
        tpu.wait_dma2 semaphore(%arg21 : memref<!tpu.dma_semaphore, #tpu.memory_space<semaphore_mem>>) src(%dma_wait3A_693 : memref<768xi32, #tpu.memory_space<hbm>>) dst(%arg10 : memref<768xi32, #tpu.memory_space<vmem>>)
        %dma_wait3A_694 = arith.constant 0 : i32
        %dma_wait3A_695 = tpu.memref_slice %arg5[%dma_wait3A_694] : memref<320000xbf16, #tpu.memory_space<hbm>> -> memref<768xbf16, #tpu.memory_space<hbm>>
        %dma_wait3A_696 = arith.constant 0 : i32
        %dma_wait3A_697 = tpu.memref_slice %arg5[%dma_wait3A_696] : memref<320000xbf16, #tpu.memory_space<hbm>> -> memref<768xbf16, #tpu.memory_space<hbm>>
        tpu.wait_dma2 semaphore(%arg21 : memref<!tpu.dma_semaphore, #tpu.memory_space<semaphore_mem>>) src(%dma_wait3A_697 : memref<768xbf16, #tpu.memory_space<hbm>>) dst(%arg11 : memref<768xbf16, #tpu.memory_space<vmem>>)
        %dma_wait3A_698 = arith.constant 0 : i32
        %dma_wait3A_699 = arith.constant 0 : i32
        %dma_wait3A_700 = tpu.memref_slice %arg4[%dma_wait3A_698, %dma_wait3A_699] : memref<2500x128xi32, #tpu.memory_space<hbm>> -> memref<6x128xi32, #tpu.memory_space<hbm>>
        %dma_wait3A_701 = arith.constant 0 : i32
        %dma_wait3A_702 = arith.constant 0 : i32
        %dma_wait3A_703 = tpu.memref_slice %arg4[%dma_wait3A_701, %dma_wait3A_702] : memref<2500x128xi32, #tpu.memory_space<hbm>> -> memref<6x128xi32, #tpu.memory_space<hbm>>
        tpu.wait_dma2 semaphore(%arg21 : memref<!tpu.dma_semaphore, #tpu.memory_space<semaphore_mem>>) src(%dma_wait3A_703 : memref<6x128xi32, #tpu.memory_space<hbm>>) dst(%arg12 : memref<6x128xi32, #tpu.memory_space<vmem>>)
        %dma_start3A_704 = arith.constant 0 : i32
        %dma_start3A_705 = tpu.memref_slice %arg10[%dma_start3A_704] : memref<768xi32, #tpu.memory_space<vmem>> -> memref<128xi32, #tpu.memory_space<vmem>>
        %dma_start3A_706 = arith.constant 0 : i32
        %dma_start3A_707 = arith.constant 0 : i32
        %dma_start3A_708 = tpu.memref_slice %arg2[%dma_start3A_706, %dma_start3A_707] : memref<10000x144xf32, #tpu.memory_space<hbm>> -> memref<10000x144xf32, #tpu.memory_space<hbm>>
        tpu.enqueue_indirect_dma source(%dma_start3A_708 : memref<10000x144xf32, #tpu.memory_space<hbm>>) target(%arg13 : memref<128x144xf32, #tpu.memory_space<vmem>>) offsets(%dma_start3A_705 : memref<128xi32, #tpu.memory_space<vmem>>) semaphore(%arg16 : memref<!tpu.dma_semaphore, #tpu.memory_space<semaphore_mem>>)
      } else {
      }
      %dma_wait3A_653 = arith.constant 0 : i32
      %dma_wait3A_654 = tpu.memref_slice %arg7[%dma_wait3A_653] : memref<768xi32, #tpu.memory_space<vmem>> -> memref<128xi32, #tpu.memory_space<vmem>>
      %dma_wait3A_655 = arith.constant 0 : i32
      %dma_wait3A_656 = arith.constant 0 : i32
      %dma_wait3A_657 = tpu.memref_slice %arg2[%dma_wait3A_655, %dma_wait3A_656] : memref<10000x144xf32, #tpu.memory_space<hbm>> -> memref<10000x144xf32, #tpu.memory_space<hbm>>
      tpu.wait_indirect_dma semaphore(%arg17 : memref<!tpu.dma_semaphore, #tpu.memory_space<semaphore_mem>>) src(%dma_wait3A_657 : memref<10000x144xf32, #tpu.memory_space<hbm>>) dst(%arg14 : memref<128x144xf32, #tpu.memory_space<vmem>>)
      %dma_wait3A_658 = arith.constant 0 : i32
      %dma_wait3A_659 = arith.constant 0 : i32
      %dma_wait3A_660 = tpu.memref_slice %arg9[%dma_wait3A_658, %dma_wait3A_659] : memref<6x128xi32, #tpu.memory_space<vmem>> -> memref<1x128xi32, #tpu.memory_space<vmem>>
      %dma_wait3A_661 = tpu.memref_squeeze %dma_wait3A_660 : memref<1x128xi32, #tpu.memory_space<vmem>> -> memref<128xi32, #tpu.memory_space<vmem>>
      %dma_wait3A_662 = arith.constant 0 : i32
      %dma_wait3A_663 = arith.constant 0 : i32
      %dma_wait3A_664 = tpu.memref_slice %arg15[%dma_wait3A_662, %dma_wait3A_663] : memref<10000x144xf32, #tpu.memory_space<vmem_shared>> -> memref<10000x144xf32, #tpu.memory_space<vmem_shared>>
      tpu.wait_indirect_dma semaphore(%arg19 : memref<!tpu.dma_semaphore, #tpu.memory_space<semaphore_mem>>) src(%arg14 : memref<128x144xf32, #tpu.memory_space<vmem>>) dst(%dma_wait3A_664 : memref<10000x144xf32, #tpu.memory_space<vmem_shared>>)
      %scan3A_665 = arith.constant 0 : i32
      %scan3A_666 = arith.constant 0 : i32
      %scan3A_667 = arith.constant 128 : i32
      %scan3A_668 = arith.addi %scan3A_666, %scan3A_667 : i32
      %scan3A_669 = arith.constant 1 : i32
      %scan3A_670 = scf.for %scan3A_690 = %scan3A_666 to %scan3A_668 step %scan3A_669 iter_args(%scan3A_691 = %scan3A_665) -> (i32)  : i32 {
        %jit3A_692 = arith.constant 32 : i32
        %div3A = arith.divsi %scan3A_690, %jit3A_692 : i32
        %sign3A = arith.constant 0 : i32
        %sign3A_693 = arith.cmpi sgt, %scan3A_690, %sign3A : i32
        %sign3A_694 = arith.extui %sign3A_693 : i1 to i32
        %sign3A_695 = arith.constant 0 : i32
        %sign3A_696 = arith.cmpi slt, %scan3A_690, %sign3A_695 : i32
        %sign3A_697 = arith.extui %sign3A_696 : i1 to i32
        %sign3A_698 = arith.subi %sign3A_694, %sign3A_697 : i32
        %sign3A_699 = arith.constant 0 : i32
        %sign3A_700 = arith.cmpi sgt, %jit3A_692, %sign3A_699 : i32
        %sign3A_701 = arith.extui %sign3A_700 : i1 to i32
        %sign3A_702 = arith.constant 0 : i32
        %sign3A_703 = arith.cmpi slt, %jit3A_692, %sign3A_702 : i32
        %sign3A_704 = arith.extui %sign3A_703 : i1 to i32
        %sign3A_705 = arith.subi %sign3A_701, %sign3A_704 : i32
        %ne3A = arith.cmpi ne, %sign3A_698, %sign3A_705 : i32
        %rem3A = arith.remsi %scan3A_690, %jit3A_692 : i32
        %ne3A_706 = arith.constant 0 : i32
        %ne3A_707 = arith.cmpi ne, %rem3A, %ne3A_706 : i32
        %and3A = arith.andi %ne3A, %ne3A_707 : i1
        %sub3A = arith.constant 1 : i32
        %sub3A_708 = arith.subi %div3A, %sub3A : i32
        %select_n3A_709 = arith.select %and3A, %sub3A_708, %div3A : i32
        %mul3A_710 = arith.constant 32 : i32
        %mul3A_711 = arith.muli %select_n3A_709, %mul3A_710 : i32
        %add3A_712 = arith.constant 640 : i32
        %add3A_713 = arith.addi %add3A_712, %mul3A_711 : i32
        %get3A = arith.index_cast %add3A_713 : i32 to index
        %get3A_714 = tpu.vector_load %arg8[%get3A] {strides = array<i32>} : memref<768xbf16, #tpu.memory_space<vmem>>, vector<32xbf16>,
        %unpack3A = tpu.unpack_subelements %get3A_714, 0 {pack_format = #tpu.pack_format<interleaved>} : vector<32xbf16> -> vector<16xf32>
        %unpack3A_715 = tpu.unpack_subelements %get3A_714, 1 {pack_format = #tpu.pack_format<interleaved>} : vector<32xbf16> -> vector<16xf32>
        %jit3A_716 = arith.constant 2 : i32
        %eq3A = arith.constant 0 : i32
        %eq3A_717 = arith.cmpi eq, %jit3A_716, %eq3A : i32
        %jit3A_718 = arith.constant 1 : i32
        %select_n3A_719 = arith.select %eq3A_717, %jit3A_718, %jit3A_716 : i32
        %rem3A_720 = arith.remsi %scan3A_690, %select_n3A_719 : i32
        %ne3A_721 = arith.constant 0 : i32
        %ne3A_722 = arith.cmpi ne, %rem3A_720, %ne3A_721 : i32
        %lt3A_723 = arith.constant 0 : i32
        %lt3A_724 = arith.cmpi slt, %rem3A_720, %lt3A_723 : i32
        %lt3A_725 = arith.constant 0 : i32
        %lt3A_726 = arith.cmpi slt, %select_n3A_719, %lt3A_725 : i32
        %ne3A_727 = arith.xori %lt3A_724, %lt3A_726 : i1
        %and3A_728 = arith.andi %ne3A_727, %ne3A_722 : i1
        %add3A_729 = arith.addi %rem3A_720, %select_n3A_719 : i32
        %select_n3A_730 = arith.select %and3A_728, %add3A_729, %rem3A_720 : i32
        %eq3A_731 = arith.constant 0 : i32
        %eq3A_732 = arith.cmpi eq, %select_n3A_730, %eq3A_731 : i32
        %select_n3A_733 = arith.select %eq3A_732, %unpack3A, %unpack3A_715 : vector<16xf32>
        %jit3A_734 = arith.constant 32 : i32
        %eq3A_735 = arith.constant 0 : i32
        %eq3A_736 = arith.cmpi eq, %jit3A_734, %eq3A_735 : i32
        %jit3A_737 = arith.constant 1 : i32
        %select_n3A_738 = arith.select %eq3A_736, %jit3A_737, %jit3A_734 : i32
        %rem3A_739 = arith.remsi %scan3A_690, %select_n3A_738 : i32
        %ne3A_740 = arith.constant 0 : i32
        %ne3A_741 = arith.cmpi ne, %rem3A_739, %ne3A_740 : i32
        %lt3A_742 = arith.constant 0 : i32
        %lt3A_743 = arith.cmpi slt, %rem3A_739, %lt3A_742 : i32
        %lt3A_744 = arith.constant 0 : i32
        %lt3A_745 = arith.cmpi slt, %select_n3A_738, %lt3A_744 : i32
        %ne3A_746 = arith.xori %lt3A_743, %lt3A_745 : i1
        %and3A_747 = arith.andi %ne3A_746, %ne3A_741 : i1
        %add3A_748 = arith.addi %rem3A_739, %select_n3A_738 : i32
        %select_n3A_749 = arith.select %and3A_747, %add3A_748, %rem3A_739 : i32
        %jit3A_750 = arith.constant 2 : i32
        %div3A_751 = arith.divsi %select_n3A_749, %jit3A_750 : i32
        %sign3A_752 = arith.constant 0 : i32
        %sign3A_753 = arith.cmpi sgt, %select_n3A_749, %sign3A_752 : i32
        %sign3A_754 = arith.extui %sign3A_753 : i1 to i32
        %sign3A_755 = arith.constant 0 : i32
        %sign3A_756 = arith.cmpi slt, %select_n3A_749, %sign3A_755 : i32
        %sign3A_757 = arith.extui %sign3A_756 : i1 to i32
        %sign3A_758 = arith.subi %sign3A_754, %sign3A_757 : i32
        %sign3A_759 = arith.constant 0 : i32
        %sign3A_760 = arith.cmpi sgt, %jit3A_750, %sign3A_759 : i32
        %sign3A_761 = arith.extui %sign3A_760 : i1 to i32
        %sign3A_762 = arith.constant 0 : i32
        %sign3A_763 = arith.cmpi slt, %jit3A_750, %sign3A_762 : i32
        %sign3A_764 = arith.extui %sign3A_763 : i1 to i32
        %sign3A_765 = arith.subi %sign3A_761, %sign3A_764 : i32
        %ne3A_766 = arith.cmpi ne, %sign3A_758, %sign3A_765 : i32
        %rem3A_767 = arith.remsi %select_n3A_749, %jit3A_750 : i32
        %ne3A_768 = arith.constant 0 : i32
        %ne3A_769 = arith.cmpi ne, %rem3A_767, %ne3A_768 : i32
        %and3A_770 = arith.andi %ne3A_766, %ne3A_769 : i1
        %sub3A_771 = arith.constant 1 : i32
        %sub3A_772 = arith.subi %div3A_751, %sub3A_771 : i32
        %select_n3A_773 = arith.select %and3A_770, %sub3A_772, %div3A_751 : i32
        %broadcast_in_dim3A_774 = vector.broadcast %select_n3A_773 : i32 to vector<16x1xi32>
        %gather3A = vector.shape_cast %broadcast_in_dim3A_774 : vector<16x1xi32> to vector<16xi32>
        %gather3A_775 = tpu.dynamic_gather %select_n3A_733[%gather3A] in [0] : vector<16xf32>, vector<16xi32> -> vector<16xf32>
        %get3A_776 = arith.index_cast %scan3A_690 : i32 to index
        %get3A_777 = arith.constant 0 : index
        %get3A_778 = tpu.vector_load %arg14[%get3A_776, %get3A_777] {strides = array<i32>} : memref<128x144xf32, #tpu.memory_space<vmem>>, vector<16xf32>,
        %mul3A_779 = arith.mulf %get3A_778, %gather3A_775 : vector<16xf32>
        %swap3A = arith.index_cast %scan3A_690 : i32 to index
        %swap3A_780 = arith.constant 0 : index
        %swap3A_781 = tpu.vector_load %arg14[%swap3A, %swap3A_780] {strides = array<i32>} : memref<128x144xf32, #tpu.memory_space<vmem>>, vector<16xf32>,
        tpu.vector_store %arg14[%swap3A, %swap3A_780], %mul3A_779 {strides = array<i32>} : memref<128x144xf32, #tpu.memory_space<vmem>>, vector<16xf32>,
        %get3A_782 = arith.index_cast %scan3A_690 : i32 to index
        %get3A_783 = arith.constant 16 : index
        %get3A_784 = tpu.vector_load %arg14[%get3A_782, %get3A_783] {strides = array<i32>} : memref<128x144xf32, #tpu.memory_space<vmem>>, vector<16xf32>,
        %mul3A_785 = arith.mulf %get3A_784, %gather3A_775 : vector<16xf32>
        %swap3A_786 = arith.index_cast %scan3A_690 : i32 to index
        %swap3A_787 = arith.constant 16 : index
        %swap3A_788 = tpu.vector_load %arg14[%swap3A_786, %swap3A_787] {strides = array<i32>} : memref<128x144xf32, #tpu.memory_space<vmem>>, vector<16xf32>,
        tpu.vector_store %arg14[%swap3A_786, %swap3A_787], %mul3A_785 {strides = array<i32>} : memref<128x144xf32, #tpu.memory_space<vmem>>, vector<16xf32>,
        %get3A_789 = arith.index_cast %scan3A_690 : i32 to index
        %get3A_790 = arith.constant 32 : index
        %get3A_791 = tpu.vector_load %arg14[%get3A_789, %get3A_790] {strides = array<i32>} : memref<128x144xf32, #tpu.memory_space<vmem>>, vector<16xf32>,
        %mul3A_792 = arith.mulf %get3A_791, %gather3A_775 : vector<16xf32>
        %swap3A_793 = arith.index_cast %scan3A_690 : i32 to index
        %swap3A_794 = arith.constant 32 : index
        %swap3A_795 = tpu.vector_load %arg14[%swap3A_793, %swap3A_794] {strides = array<i32>} : memref<128x144xf32, #tpu.memory_space<vmem>>, vector<16xf32>,
        tpu.vector_store %arg14[%swap3A_793, %swap3A_794], %mul3A_792 {strides = array<i32>} : memref<128x144xf32, #tpu.memory_space<vmem>>, vector<16xf32>,
        %get3A_796 = arith.index_cast %scan3A_690 : i32 to index
        %get3A_797 = arith.constant 48 : index
        %get3A_798 = tpu.vector_load %arg14[%get3A_796, %get3A_797] {strides = array<i32>} : memref<128x144xf32, #tpu.memory_space<vmem>>, vector<16xf32>,
        %mul3A_799 = arith.mulf %get3A_798, %gather3A_775 : vector<16xf32>
        %swap3A_800 = arith.index_cast %scan3A_690 : i32 to index
        %swap3A_801 = arith.constant 48 : index
        %swap3A_802 = tpu.vector_load %arg14[%swap3A_800, %swap3A_801] {strides = array<i32>} : memref<128x144xf32, #tpu.memory_space<vmem>>, vector<16xf32>,
        tpu.vector_store %arg14[%swap3A_800, %swap3A_801], %mul3A_799 {strides = array<i32>} : memref<128x144xf32, #tpu.memory_space<vmem>>, vector<16xf32>,
        %get3A_803 = arith.index_cast %scan3A_690 : i32 to index
        %get3A_804 = arith.constant 64 : index
        %get3A_805 = tpu.vector_load %arg14[%get3A_803, %get3A_804] {strides = array<i32>} : memref<128x144xf32, #tpu.memory_space<vmem>>, vector<16xf32>,
        %mul3A_806 = arith.mulf %get3A_805, %gather3A_775 : vector<16xf32>
        %swap3A_807 = arith.index_cast %scan3A_690 : i32 to index
        %swap3A_808 = arith.constant 64 : index
        %swap3A_809 = tpu.vector_load %arg14[%swap3A_807, %swap3A_808] {strides = array<i32>} : memref<128x144xf32, #tpu.memory_space<vmem>>, vector<16xf32>,
        tpu.vector_store %arg14[%swap3A_807, %swap3A_808], %mul3A_806 {strides = array<i32>} : memref<128x144xf32, #tpu.memory_space<vmem>>, vector<16xf32>,
        %get3A_810 = arith.index_cast %scan3A_690 : i32 to index
        %get3A_811 = arith.constant 80 : index
        %get3A_812 = tpu.vector_load %arg14[%get3A_810, %get3A_811] {strides = array<i32>} : memref<128x144xf32, #tpu.memory_space<vmem>>, vector<16xf32>,
        %mul3A_813 = arith.mulf %get3A_812, %gather3A_775 : vector<16xf32>
        %swap3A_814 = arith.index_cast %scan3A_690 : i32 to index
        %swap3A_815 = arith.constant 80 : index
        %swap3A_816 = tpu.vector_load %arg14[%swap3A_814, %swap3A_815] {strides = array<i32>} : memref<128x144xf32, #tpu.memory_space<vmem>>, vector<16xf32>,
        tpu.vector_store %arg14[%swap3A_814, %swap3A_815], %mul3A_813 {strides = array<i32>} : memref<128x144xf32, #tpu.memory_space<vmem>>, vector<16xf32>,
        %get3A_817 = arith.index_cast %scan3A_690 : i32 to index
        %get3A_818 = arith.constant 96 : index
        %get3A_819 = tpu.vector_load %arg14[%get3A_817, %get3A_818] {strides = array<i32>} : memref<128x144xf32, #tpu.memory_space<vmem>>, vector<16xf32>,
        %mul3A_820 = arith.mulf %get3A_819, %gather3A_775 : vector<16xf32>
        %swap3A_821 = arith.index_cast %scan3A_690 : i32 to index
        %swap3A_822 = arith.constant 96 : index
        %swap3A_823 = tpu.vector_load %arg14[%swap3A_821, %swap3A_822] {strides = array<i32>} : memref<128x144xf32, #tpu.memory_space<vmem>>, vector<16xf32>,
        tpu.vector_store %arg14[%swap3A_821, %swap3A_822], %mul3A_820 {strides = array<i32>} : memref<128x144xf32, #tpu.memory_space<vmem>>, vector<16xf32>,
        %get3A_824 = arith.index_cast %scan3A_690 : i32 to index
        %get3A_825 = arith.constant 112 : index
        %get3A_826 = tpu.vector_load %arg14[%get3A_824, %get3A_825] {strides = array<i32>} : memref<128x144xf32, #tpu.memory_space<vmem>>, vector<16xf32>,
        %mul3A_827 = arith.mulf %get3A_826, %gather3A_775 : vector<16xf32>
        %swap3A_828 = arith.index_cast %scan3A_690 : i32 to index
        %swap3A_829 = arith.constant 112 : index
        %swap3A_830 = tpu.vector_load %arg14[%swap3A_828, %swap3A_829] {strides = array<i32>} : memref<128x144xf32, #tpu.memory_space<vmem>>, vector<16xf32>,
        tpu.vector_store %arg14[%swap3A_828, %swap3A_829], %mul3A_827 {strides = array<i32>} : memref<128x144xf32, #tpu.memory_space<vmem>>, vector<16xf32>,
        %scan3A_831 = arith.constant 0 : i32
        scf.yield %scan3A_831 : i32
      }
      %scan3A_671 = arith.constant 128 : i32
      %dma_start3A_672 = arith.constant 5 : i32
      %dma_start3A_673 = arith.constant 0 : i32
      %dma_start3A_674 = tpu.memref_slice %arg9[%dma_start3A_672, %dma_start3A_673] : memref<6x128xi32, #tpu.memory_space<vmem>> -> memref<1x128xi32, #tpu.memory_space<vmem>>
      %dma_start3A_675 = tpu.memref_squeeze %dma_start3A_674 : memref<1x128xi32, #tpu.memory_space<vmem>> -> memref<128xi32, #tpu.memory_space<vmem>>
      %dma_start3A_676 = arith.constant 0 : i32
      %dma_start3A_677 = arith.constant 0 : i32
      %dma_start3A_678 = tpu.memref_slice %arg15[%dma_start3A_676, %dma_start3A_677] : memref<10000x144xf32, #tpu.memory_space<vmem_shared>> -> memref<10000x144xf32, #tpu.memory_space<vmem_shared>>
      tpu.enqueue_indirect_dma source(%arg14 : memref<128x144xf32, #tpu.memory_space<vmem>>) target(%dma_start3A_678 : memref<10000x144xf32, #tpu.memory_space<vmem_shared>>) offsets(%dma_start3A_675 : memref<128xi32, #tpu.memory_space<vmem>>) semaphore(%arg19 : memref<!tpu.dma_semaphore, #tpu.memory_space<semaphore_mem>>) {add = true}
      %add3A_679 = arith.constant 1 : i32
      %add3A_680 = arith.addi %add3A_486, %add3A_679 : i32
      %mul3A_681 = arith.constant 6 : i32
      %mul3A_682 = arith.muli %add3A_680, %mul3A_681 : i32
      %add3A_683 = arith.constant 1 : i32
      %add3A_684 = arith.addi %mul3A_682, %add3A_683 : i32
      %lt3A_685 = arith.cmpi slt, %add3A_684, %add3A_8 : i32
      %convert_element_type3A_686 = arith.extui %lt3A_685 : i1 to i32
      %cond3A_687 = arith.constant 0 : i32
      %cond3A_688 = arith.cmpi ne, %convert_element_type3A_686, %cond3A_687 : i32
      scf.if %cond3A_688 {
        %dma_start3A_690 = arith.constant 128 : i32
        %dma_start3A_691 = tpu.memref_slice %arg10[%dma_start3A_690] : memref<768xi32, #tpu.memory_space<vmem>> -> memref<128xi32, #tpu.memory_space<vmem>>
        %dma_start3A_692 = arith.constant 0 : i32
        %dma_start3A_693 = arith.constant 0 : i32
        %dma_start3A_694 = tpu.memref_slice %arg2[%dma_start3A_692, %dma_start3A_693] : memref<10000x144xf32, #tpu.memory_space<hbm>> -> memref<10000x144xf32, #tpu.memory_space<hbm>>
        tpu.enqueue_indirect_dma source(%dma_start3A_694 : memref<10000x144xf32, #tpu.memory_space<hbm>>) target(%arg14 : memref<128x144xf32, #tpu.memory_space<vmem>>) offsets(%dma_start3A_691 : memref<128xi32, #tpu.memory_space<vmem>>) semaphore(%arg17 : memref<!tpu.dma_semaphore, #tpu.memory_space<semaphore_mem>>)
      } else {
      }
      %scan3A_689 = arith.constant 0 : i32
      scf.yield %scan3A_689 : i32
    }
    %scan3A_250 = arith.constant 6 : i32
    %lt3A_251 = arith.constant 4 : i32
    %lt3A_252 = arith.cmpi slt, %add3A, %lt3A_251 : i32
    %convert_element_type3A_253 = arith.extui %lt3A_252 : i1 to i32
    %cond3A_254 = arith.constant 0 : i32
    %cond3A_255 = arith.cmpi ne, %convert_element_type3A_253, %cond3A_254 : i32
    scf.if %cond3A_255 {
      %dma_wait3A_275 = arith.constant 0 : i32
      %dma_wait3A_276 = tpu.memref_slice %arg7[%dma_wait3A_275] : memref<768xi32, #tpu.memory_space<vmem>> -> memref<128xi32, #tpu.memory_space<vmem>>
      %dma_wait3A_277 = arith.constant 0 : i32
      %dma_wait3A_278 = arith.constant 0 : i32
      %dma_wait3A_279 = tpu.memref_slice %arg2[%dma_wait3A_277, %dma_wait3A_278] : memref<10000x144xf32, #tpu.memory_space<hbm>> -> memref<10000x144xf32, #tpu.memory_space<hbm>>
      tpu.wait_indirect_dma semaphore(%arg16 : memref<!tpu.dma_semaphore, #tpu.memory_space<semaphore_mem>>) src(%dma_wait3A_279 : memref<10000x144xf32, #tpu.memory_space<hbm>>) dst(%arg13 : memref<128x144xf32, #tpu.memory_space<vmem>>)
      %dma_wait3A_280 = arith.constant 0 : i32
      %dma_wait3A_281 = arith.constant 0 : i32
      %dma_wait3A_282 = tpu.memref_slice %arg9[%dma_wait3A_280, %dma_wait3A_281] : memref<6x128xi32, #tpu.memory_space<vmem>> -> memref<1x128xi32, #tpu.memory_space<vmem>>
      %dma_wait3A_283 = tpu.memref_squeeze %dma_wait3A_282 : memref<1x128xi32, #tpu.memory_space<vmem>> -> memref<128xi32, #tpu.memory_space<vmem>>
      %dma_wait3A_284 = arith.constant 0 : i32
      %dma_wait3A_285 = arith.constant 0 : i32
      %dma_wait3A_286 = tpu.memref_slice %arg15[%dma_wait3A_284, %dma_wait3A_285] : memref<10000x144xf32, #tpu.memory_space<vmem_shared>> -> memref<10000x144xf32, #tpu.memory_space<vmem_shared>>
      tpu.wait_indirect_dma semaphore(%arg18 : memref<!tpu.dma_semaphore, #tpu.memory_space<semaphore_mem>>) src(%arg13 : memref<128x144xf32, #tpu.memory_space<vmem>>) dst(%dma_wait3A_286 : memref<10000x144xf32, #tpu.memory_space<vmem_shared>>)
      %scan3A_287 = arith.constant 0 : i32
      %scan3A_288 = arith.constant 0 : i32
      %scan3A_289 = arith.constant 128 : i32
      %scan3A_290 = arith.addi %scan3A_288, %scan3A_289 : i32
      %scan3A_291 = arith.constant 1 : i32
      %scan3A_292 = scf.for %scan3A_301 = %scan3A_288 to %scan3A_290 step %scan3A_291 iter_args(%scan3A_302 = %scan3A_287) -> (i32)  : i32 {
        %jit3A_303 = arith.constant 32 : i32
        %div3A = arith.divsi %scan3A_301, %jit3A_303 : i32
        %sign3A = arith.constant 0 : i32
        %sign3A_304 = arith.cmpi sgt, %scan3A_301, %sign3A : i32
        %sign3A_305 = arith.extui %sign3A_304 : i1 to i32
        %sign3A_306 = arith.constant 0 : i32
        %sign3A_307 = arith.cmpi slt, %scan3A_301, %sign3A_306 : i32
        %sign3A_308 = arith.extui %sign3A_307 : i1 to i32
        %sign3A_309 = arith.subi %sign3A_305, %sign3A_308 : i32
        %sign3A_310 = arith.constant 0 : i32
        %sign3A_311 = arith.cmpi sgt, %jit3A_303, %sign3A_310 : i32
        %sign3A_312 = arith.extui %sign3A_311 : i1 to i32
        %sign3A_313 = arith.constant 0 : i32
        %sign3A_314 = arith.cmpi slt, %jit3A_303, %sign3A_313 : i32
        %sign3A_315 = arith.extui %sign3A_314 : i1 to i32
        %sign3A_316 = arith.subi %sign3A_312, %sign3A_315 : i32
        %ne3A = arith.cmpi ne, %sign3A_309, %sign3A_316 : i32
        %rem3A = arith.remsi %scan3A_301, %jit3A_303 : i32
        %ne3A_317 = arith.constant 0 : i32
        %ne3A_318 = arith.cmpi ne, %rem3A, %ne3A_317 : i32
        %and3A = arith.andi %ne3A, %ne3A_318 : i1
        %sub3A = arith.constant 1 : i32
        %sub3A_319 = arith.subi %div3A, %sub3A : i32
        %select_n3A_320 = arith.select %and3A, %sub3A_319, %div3A : i32
        %mul3A_321 = arith.constant 32 : i32
        %mul3A_322 = arith.muli %select_n3A_320, %mul3A_321 : i32
        %add3A_323 = arith.constant 0 : i32
        %add3A_324 = arith.addi %add3A_323, %mul3A_322 : i32
        %get3A = arith.index_cast %add3A_324 : i32 to index
        %get3A_325 = tpu.vector_load %arg11[%get3A] {strides = array<i32>} : memref<768xbf16, #tpu.memory_space<vmem>>, vector<32xbf16>,
        %unpack3A = tpu.unpack_subelements %get3A_325, 0 {pack_format = #tpu.pack_format<interleaved>} : vector<32xbf16> -> vector<16xf32>
        %unpack3A_326 = tpu.unpack_subelements %get3A_325, 1 {pack_format = #tpu.pack_format<interleaved>} : vector<32xbf16> -> vector<16xf32>
        %jit3A_327 = arith.constant 2 : i32
        %eq3A = arith.constant 0 : i32
        %eq3A_328 = arith.cmpi eq, %jit3A_327, %eq3A : i32
        %jit3A_329 = arith.constant 1 : i32
        %select_n3A_330 = arith.select %eq3A_328, %jit3A_329, %jit3A_327 : i32
        %rem3A_331 = arith.remsi %scan3A_301, %select_n3A_330 : i32
        %ne3A_332 = arith.constant 0 : i32
        %ne3A_333 = arith.cmpi ne, %rem3A_331, %ne3A_332 : i32
        %lt3A_334 = arith.constant 0 : i32
        %lt3A_335 = arith.cmpi slt, %rem3A_331, %lt3A_334 : i32
        %lt3A_336 = arith.constant 0 : i32
        %lt3A_337 = arith.cmpi slt, %select_n3A_330, %lt3A_336 : i32
        %ne3A_338 = arith.xori %lt3A_335, %lt3A_337 : i1
        %and3A_339 = arith.andi %ne3A_338, %ne3A_333 : i1
        %add3A_340 = arith.addi %rem3A_331, %select_n3A_330 : i32
        %select_n3A_341 = arith.select %and3A_339, %add3A_340, %rem3A_331 : i32
        %eq3A_342 = arith.constant 0 : i32
        %eq3A_343 = arith.cmpi eq, %select_n3A_341, %eq3A_342 : i32
        %select_n3A_344 = arith.select %eq3A_343, %unpack3A, %unpack3A_326 : vector<16xf32>
        %jit3A_345 = arith.constant 32 : i32
        %eq3A_346 = arith.constant 0 : i32
        %eq3A_347 = arith.cmpi eq, %jit3A_345, %eq3A_346 : i32
        %jit3A_348 = arith.constant 1 : i32
        %select_n3A_349 = arith.select %eq3A_347, %jit3A_348, %jit3A_345 : i32
        %rem3A_350 = arith.remsi %scan3A_301, %select_n3A_349 : i32
        %ne3A_351 = arith.constant 0 : i32
        %ne3A_352 = arith.cmpi ne, %rem3A_350, %ne3A_351 : i32
        %lt3A_353 = arith.constant 0 : i32
        %lt3A_354 = arith.cmpi slt, %rem3A_350, %lt3A_353 : i32
        %lt3A_355 = arith.constant 0 : i32
        %lt3A_356 = arith.cmpi slt, %select_n3A_349, %lt3A_355 : i32
        %ne3A_357 = arith.xori %lt3A_354, %lt3A_356 : i1
        %and3A_358 = arith.andi %ne3A_357, %ne3A_352 : i1
        %add3A_359 = arith.addi %rem3A_350, %select_n3A_349 : i32
        %select_n3A_360 = arith.select %and3A_358, %add3A_359, %rem3A_350 : i32
        %jit3A_361 = arith.constant 2 : i32
        %div3A_362 = arith.divsi %select_n3A_360, %jit3A_361 : i32
        %sign3A_363 = arith.constant 0 : i32
        %sign3A_364 = arith.cmpi sgt, %select_n3A_360, %sign3A_363 : i32
        %sign3A_365 = arith.extui %sign3A_364 : i1 to i32
        %sign3A_366 = arith.constant 0 : i32
        %sign3A_367 = arith.cmpi slt, %select_n3A_360, %sign3A_366 : i32
        %sign3A_368 = arith.extui %sign3A_367 : i1 to i32
        %sign3A_369 = arith.subi %sign3A_365, %sign3A_368 : i32
        %sign3A_370 = arith.constant 0 : i32
        %sign3A_371 = arith.cmpi sgt, %jit3A_361, %sign3A_370 : i32
        %sign3A_372 = arith.extui %sign3A_371 : i1 to i32
        %sign3A_373 = arith.constant 0 : i32
        %sign3A_374 = arith.cmpi slt, %jit3A_361, %sign3A_373 : i32
        %sign3A_375 = arith.extui %sign3A_374 : i1 to i32
        %sign3A_376 = arith.subi %sign3A_372, %sign3A_375 : i32
        %ne3A_377 = arith.cmpi ne, %sign3A_369, %sign3A_376 : i32
        %rem3A_378 = arith.remsi %select_n3A_360, %jit3A_361 : i32
        %ne3A_379 = arith.constant 0 : i32
        %ne3A_380 = arith.cmpi ne, %rem3A_378, %ne3A_379 : i32
        %and3A_381 = arith.andi %ne3A_377, %ne3A_380 : i1
        %sub3A_382 = arith.constant 1 : i32
        %sub3A_383 = arith.subi %div3A_362, %sub3A_382 : i32
        %select_n3A_384 = arith.select %and3A_381, %sub3A_383, %div3A_362 : i32
        %broadcast_in_dim3A_385 = vector.broadcast %select_n3A_384 : i32 to vector<16x1xi32>
        %gather3A = vector.shape_cast %broadcast_in_dim3A_385 : vector<16x1xi32> to vector<16xi32>
        %gather3A_386 = tpu.dynamic_gather %select_n3A_344[%gather3A] in [0] : vector<16xf32>, vector<16xi32> -> vector<16xf32>
        %get3A_387 = arith.index_cast %scan3A_301 : i32 to index
        %get3A_388 = arith.constant 0 : index
        %get3A_389 = tpu.vector_load %arg13[%get3A_387, %get3A_388] {strides = array<i32>} : memref<128x144xf32, #tpu.memory_space<vmem>>, vector<16xf32>,
        %mul3A_390 = arith.mulf %get3A_389, %gather3A_386 : vector<16xf32>
        %swap3A = arith.index_cast %scan3A_301 : i32 to index
        %swap3A_391 = arith.constant 0 : index
        %swap3A_392 = tpu.vector_load %arg13[%swap3A, %swap3A_391] {strides = array<i32>} : memref<128x144xf32, #tpu.memory_space<vmem>>, vector<16xf32>,
        tpu.vector_store %arg13[%swap3A, %swap3A_391], %mul3A_390 {strides = array<i32>} : memref<128x144xf32, #tpu.memory_space<vmem>>, vector<16xf32>,
        %get3A_393 = arith.index_cast %scan3A_301 : i32 to index
        %get3A_394 = arith.constant 16 : index
        %get3A_395 = tpu.vector_load %arg13[%get3A_393, %get3A_394] {strides = array<i32>} : memref<128x144xf32, #tpu.memory_space<vmem>>, vector<16xf32>,
        %mul3A_396 = arith.mulf %get3A_395, %gather3A_386 : vector<16xf32>
        %swap3A_397 = arith.index_cast %scan3A_301 : i32 to index
        %swap3A_398 = arith.constant 16 : index
        %swap3A_399 = tpu.vector_load %arg13[%swap3A_397, %swap3A_398] {strides = array<i32>} : memref<128x144xf32, #tpu.memory_space<vmem>>, vector<16xf32>,
        tpu.vector_store %arg13[%swap3A_397, %swap3A_398], %mul3A_396 {strides = array<i32>} : memref<128x144xf32, #tpu.memory_space<vmem>>, vector<16xf32>,
        %get3A_400 = arith.index_cast %scan3A_301 : i32 to index
        %get3A_401 = arith.constant 32 : index
        %get3A_402 = tpu.vector_load %arg13[%get3A_400, %get3A_401] {strides = array<i32>} : memref<128x144xf32, #tpu.memory_space<vmem>>, vector<16xf32>,
        %mul3A_403 = arith.mulf %get3A_402, %gather3A_386 : vector<16xf32>
        %swap3A_404 = arith.index_cast %scan3A_301 : i32 to index
        %swap3A_405 = arith.constant 32 : index
        %swap3A_406 = tpu.vector_load %arg13[%swap3A_404, %swap3A_405] {strides = array<i32>} : memref<128x144xf32, #tpu.memory_space<vmem>>, vector<16xf32>,
        tpu.vector_store %arg13[%swap3A_404, %swap3A_405], %mul3A_403 {strides = array<i32>} : memref<128x144xf32, #tpu.memory_space<vmem>>, vector<16xf32>,
        %get3A_407 = arith.index_cast %scan3A_301 : i32 to index
        %get3A_408 = arith.constant 48 : index
        %get3A_409 = tpu.vector_load %arg13[%get3A_407, %get3A_408] {strides = array<i32>} : memref<128x144xf32, #tpu.memory_space<vmem>>, vector<16xf32>,
        %mul3A_410 = arith.mulf %get3A_409, %gather3A_386 : vector<16xf32>
        %swap3A_411 = arith.index_cast %scan3A_301 : i32 to index
        %swap3A_412 = arith.constant 48 : index
        %swap3A_413 = tpu.vector_load %arg13[%swap3A_411, %swap3A_412] {strides = array<i32>} : memref<128x144xf32, #tpu.memory_space<vmem>>, vector<16xf32>,
        tpu.vector_store %arg13[%swap3A_411, %swap3A_412], %mul3A_410 {strides = array<i32>} : memref<128x144xf32, #tpu.memory_space<vmem>>, vector<16xf32>,
        %get3A_414 = arith.index_cast %scan3A_301 : i32 to index
        %get3A_415 = arith.constant 64 : index
        %get3A_416 = tpu.vector_load %arg13[%get3A_414, %get3A_415] {strides = array<i32>} : memref<128x144xf32, #tpu.memory_space<vmem>>, vector<16xf32>,
        %mul3A_417 = arith.mulf %get3A_416, %gather3A_386 : vector<16xf32>
        %swap3A_418 = arith.index_cast %scan3A_301 : i32 to index
        %swap3A_419 = arith.constant 64 : index
        %swap3A_420 = tpu.vector_load %arg13[%swap3A_418, %swap3A_419] {strides = array<i32>} : memref<128x144xf32, #tpu.memory_space<vmem>>, vector<16xf32>,
        tpu.vector_store %arg13[%swap3A_418, %swap3A_419], %mul3A_417 {strides = array<i32>} : memref<128x144xf32, #tpu.memory_space<vmem>>, vector<16xf32>,
        %get3A_421 = arith.index_cast %scan3A_301 : i32 to index
        %get3A_422 = arith.constant 80 : index
        %get3A_423 = tpu.vector_load %arg13[%get3A_421, %get3A_422] {strides = array<i32>} : memref<128x144xf32, #tpu.memory_space<vmem>>, vector<16xf32>,
        %mul3A_424 = arith.mulf %get3A_423, %gather3A_386 : vector<16xf32>
        %swap3A_425 = arith.index_cast %scan3A_301 : i32 to index
        %swap3A_426 = arith.constant 80 : index
        %swap3A_427 = tpu.vector_load %arg13[%swap3A_425, %swap3A_426] {strides = array<i32>} : memref<128x144xf32, #tpu.memory_space<vmem>>, vector<16xf32>,
        tpu.vector_store %arg13[%swap3A_425, %swap3A_426], %mul3A_424 {strides = array<i32>} : memref<128x144xf32, #tpu.memory_space<vmem>>, vector<16xf32>,
        %get3A_428 = arith.index_cast %scan3A_301 : i32 to index
        %get3A_429 = arith.constant 96 : index
        %get3A_430 = tpu.vector_load %arg13[%get3A_428, %get3A_429] {strides = array<i32>} : memref<128x144xf32, #tpu.memory_space<vmem>>, vector<16xf32>,
        %mul3A_431 = arith.mulf %get3A_430, %gather3A_386 : vector<16xf32>
        %swap3A_432 = arith.index_cast %scan3A_301 : i32 to index
        %swap3A_433 = arith.constant 96 : index
        %swap3A_434 = tpu.vector_load %arg13[%swap3A_432, %swap3A_433] {strides = array<i32>} : memref<128x144xf32, #tpu.memory_space<vmem>>, vector<16xf32>,
        tpu.vector_store %arg13[%swap3A_432, %swap3A_433], %mul3A_431 {strides = array<i32>} : memref<128x144xf32, #tpu.memory_space<vmem>>, vector<16xf32>,
        %get3A_435 = arith.index_cast %scan3A_301 : i32 to index
        %get3A_436 = arith.constant 112 : index
        %get3A_437 = tpu.vector_load %arg13[%get3A_435, %get3A_436] {strides = array<i32>} : memref<128x144xf32, #tpu.memory_space<vmem>>, vector<16xf32>,
        %mul3A_438 = arith.mulf %get3A_437, %gather3A_386 : vector<16xf32>
        %swap3A_439 = arith.index_cast %scan3A_301 : i32 to index
        %swap3A_440 = arith.constant 112 : index
        %swap3A_441 = tpu.vector_load %arg13[%swap3A_439, %swap3A_440] {strides = array<i32>} : memref<128x144xf32, #tpu.memory_space<vmem>>, vector<16xf32>,
        tpu.vector_store %arg13[%swap3A_439, %swap3A_440], %mul3A_438 {strides = array<i32>} : memref<128x144xf32, #tpu.memory_space<vmem>>, vector<16xf32>,
        %scan3A_442 = arith.constant 0 : i32
        scf.yield %scan3A_442 : i32
      }
      %scan3A_293 = arith.constant 128 : i32
      %dma_start3A_294 = arith.constant 0 : i32
      %dma_start3A_295 = arith.constant 0 : i32
      %dma_start3A_296 = tpu.memref_slice %arg12[%dma_start3A_294, %dma_start3A_295] : memref<6x128xi32, #tpu.memory_space<vmem>> -> memref<1x128xi32, #tpu.memory_space<vmem>>
      %dma_start3A_297 = tpu.memref_squeeze %dma_start3A_296 : memref<1x128xi32, #tpu.memory_space<vmem>> -> memref<128xi32, #tpu.memory_space<vmem>>
      %dma_start3A_298 = arith.constant 0 : i32
      %dma_start3A_299 = arith.constant 0 : i32
      %dma_start3A_300 = tpu.memref_slice %arg15[%dma_start3A_298, %dma_start3A_299] : memref<10000x144xf32, #tpu.memory_space<vmem_shared>> -> memref<10000x144xf32, #tpu.memory_space<vmem_shared>>
      tpu.enqueue_indirect_dma source(%arg13 : memref<128x144xf32, #tpu.memory_space<vmem>>) target(%dma_start3A_300 : memref<10000x144xf32, #tpu.memory_space<vmem_shared>>) offsets(%dma_start3A_297 : memref<128xi32, #tpu.memory_space<vmem>>) semaphore(%arg18 : memref<!tpu.dma_semaphore, #tpu.memory_space<semaphore_mem>>) {add = true}
    } else {
    }
    %dma_wait3A_256 = arith.constant 0 : i32
    %dma_wait3A_257 = arith.constant 0 : i32
    %dma_wait3A_258 = tpu.memref_slice %arg9[%dma_wait3A_256, %dma_wait3A_257] : memref<6x128xi32, #tpu.memory_space<vmem>> -> memref<1x128xi32, #tpu.memory_space<vmem>>
    %dma_wait3A_259 = tpu.memref_squeeze %dma_wait3A_258 : memref<1x128xi32, #tpu.memory_space<vmem>> -> memref<128xi32, #tpu.memory_space<vmem>>
    %dma_wait3A_260 = arith.constant 0 : i32
    %dma_wait3A_261 = arith.constant 0 : i32
    %dma_wait3A_262 = tpu.memref_slice %arg15[%dma_wait3A_260, %dma_wait3A_261] : memref<10000x144xf32, #tpu.memory_space<vmem_shared>> -> memref<10000x144xf32, #tpu.memory_space<vmem_shared>>
    tpu.wait_indirect_dma semaphore(%arg18 : memref<!tpu.dma_semaphore, #tpu.memory_space<semaphore_mem>>) src(%arg13 : memref<128x144xf32, #tpu.memory_space<vmem>>) dst(%dma_wait3A_262 : memref<10000x144xf32, #tpu.memory_space<vmem_shared>>)
    %dma_wait3A_263 = arith.constant 0 : i32
    %dma_wait3A_264 = arith.constant 0 : i32
    %dma_wait3A_265 = tpu.memref_slice %arg9[%dma_wait3A_263, %dma_wait3A_264] : memref<6x128xi32, #tpu.memory_space<vmem>> -> memref<1x128xi32, #tpu.memory_space<vmem>>
    %dma_wait3A_266 = tpu.memref_squeeze %dma_wait3A_265 : memref<1x128xi32, #tpu.memory_space<vmem>> -> memref<128xi32, #tpu.memory_space<vmem>>
    %dma_wait3A_267 = arith.constant 0 : i32
    %dma_wait3A_268 = arith.constant 0 : i32
    %dma_wait3A_269 = tpu.memref_slice %arg15[%dma_wait3A_267, %dma_wait3A_268] : memref<10000x144xf32, #tpu.memory_space<vmem_shared>> -> memref<10000x144xf32, #tpu.memory_space<vmem_shared>>
    tpu.wait_indirect_dma semaphore(%arg19 : memref<!tpu.dma_semaphore, #tpu.memory_space<semaphore_mem>>) src(%arg14 : memref<128x144xf32, #tpu.memory_space<vmem>>) dst(%dma_wait3A_269 : memref<10000x144xf32, #tpu.memory_space<vmem_shared>>)
    %barrier3A_270 = arith.constant 0 : index
    tpu.barrier barrier_id(%barrier3A_270)
    %mul3A_271 = arith.constant 625 : i32
    %mul3A_272 = arith.muli %arg1, %mul3A_271 : i32
    %mul3A_273 = arith.constant 625 : i32
    %mul3A_274 = arith.muli %arg1, %mul3A_273 : i32
    "tpu.region"() ({
      %run_scoped3A = tpu.sem_alloc : memref<!tpu.dma_semaphore, #tpu.memory_space<semaphore_mem>>
      %dma_start3A_275 = arith.constant 0 : i32
      %dma_start3A_276 = tpu.memref_slice %arg6[%arg0, %mul3A_274, %dma_start3A_275] : memref<2x10000x144xf32, #tpu.memory_space<hbm>> -> memref<1x625x144xf32, #tpu.memory_space<hbm>>
      %dma_start3A_277 = tpu.memref_squeeze %dma_start3A_276 : memref<1x625x144xf32, #tpu.memory_space<hbm>> -> memref<625x144xf32, #tpu.memory_space<hbm>>
      %dma_start3A_278 = arith.constant 0 : i32
      %dma_start3A_279 = tpu.memref_slice %arg15[%mul3A_272, %dma_start3A_278] : memref<10000x144xf32, #tpu.memory_space<vmem_shared>> -> memref<625x144xf32, #tpu.memory_space<vmem_shared>>
      tpu.enqueue_dma source(%dma_start3A_279 : memref<625x144xf32, #tpu.memory_space<vmem_shared>>) target(%dma_start3A_277 : memref<625x144xf32, #tpu.memory_space<hbm>>) target_semaphore(%run_scoped3A : memref<!tpu.dma_semaphore, #tpu.memory_space<semaphore_mem>>)
      %dma_wait3A_280 = arith.constant 0 : i32
      %dma_wait3A_281 = tpu.memref_slice %arg6[%arg0, %mul3A_274, %dma_wait3A_280] : memref<2x10000x144xf32, #tpu.memory_space<hbm>> -> memref<1x625x144xf32, #tpu.memory_space<hbm>>
      %dma_wait3A_282 = tpu.memref_squeeze %dma_wait3A_281 : memref<1x625x144xf32, #tpu.memory_space<hbm>> -> memref<625x144xf32, #tpu.memory_space<hbm>>
      %dma_wait3A_283 = arith.constant 0 : i32
      %dma_wait3A_284 = tpu.memref_slice %arg15[%mul3A_272, %dma_wait3A_283] : memref<10000x144xf32, #tpu.memory_space<vmem_shared>> -> memref<625x144xf32, #tpu.memory_space<vmem_shared>>
      tpu.wait_dma2 semaphore(%run_scoped3A : memref<!tpu.dma_semaphore, #tpu.memory_space<semaphore_mem>>) src(%dma_wait3A_284 : memref<625x144xf32, #tpu.memory_space<vmem_shared>>) dst(%dma_wait3A_282 : memref<625x144xf32, #tpu.memory_space<hbm>>)
      tpu.yield
    }) : () -> ()
    return
  }
}

module attributes {stable_mosaic.version = 14 : i64} {
  func.func @_prep_body(%arg0: i32, %arg1: memref<1000x128xf32, #tpu.memory_space<vmem>>, %arg2: memref<128x128xf32, #tpu.memory_space<vmem>>, %arg3: memref<1x128xf32, #tpu.memory_space<vmem>>, %arg4: memref<1x128xf32, #tpu.memory_space<vmem>>, %arg5: memref<1x128xf32, #tpu.memory_space<vmem>>, %arg6: memref<1000x144xf32, #tpu.memory_space<vmem>>) attributes {dimension_semantics = [#tpu.dimension_semantics<arbitrary>], iteration_bounds = array<i64: 10>, scalar_prefetch = 0 : i64, scratch_operands = 0 : i64, tpu.core_type = #tpu.core_type<tc>, window_params = [{transform_indices = @transform_0, window_bounds = array<i64: 1000, 128>}, {pipeline_mode = #tpu.pipeline_mode<synchronous>, transform_indices = @transform_1, window_bounds = array<i64: 128, 128>}, {pipeline_mode = #tpu.pipeline_mode<synchronous>, transform_indices = @transform_2, window_bounds = array<i64: 1, 128>}, {pipeline_mode = #tpu.pipeline_mode<synchronous>, transform_indices = @transform_3, window_bounds = array<i64: 1, 128>}, {pipeline_mode = #tpu.pipeline_mode<synchronous>, transform_indices = @transform_4, window_bounds = array<i64: 1, 128>}, {transform_indices = @transform_5, window_bounds = array<i64: 1000, 144>}]} {
    %get3A = arith.constant 0 : index
    %get3A_0 = arith.constant 0 : index
    %get3A_1 = vector.load %arg1[%get3A, %get3A_0] : memref<1000x128xf32, #tpu.memory_space<vmem>>, vector<1000x128xf32>
    %get3A_2 = arith.constant 0 : index
    %get3A_3 = arith.constant 0 : index
    %get3A_4 = vector.load %arg4[%get3A_2, %get3A_3] : memref<1x128xf32, #tpu.memory_space<vmem>>, vector<1x128xf32>
    %mul3A = vector.broadcast %get3A_4 : vector<1x128xf32> to vector<1000x128xf32>
    %mul3A_5 = arith.mulf %get3A_1, %mul3A : vector<1000x128xf32>
    %get3A_6 = arith.constant 0 : index
    %get3A_7 = arith.constant 0 : index
    %get3A_8 = vector.load %arg5[%get3A_6, %get3A_7] : memref<1x128xf32, #tpu.memory_space<vmem>>, vector<1x128xf32>
    %add3A = vector.broadcast %get3A_8 : vector<1x128xf32> to vector<1000x128xf32>
    %add3A_9 = arith.addf %mul3A_5, %add3A : vector<1000x128xf32>
    %get3A_10 = arith.constant 0 : index
    %get3A_11 = arith.constant 0 : index
    %get3A_12 = vector.load %arg2[%get3A_10, %get3A_11] : memref<128x128xf32, #tpu.memory_space<vmem>>, vector<128x128xf32>
    %dot_general3A = arith.constant dense<0.000000e+00> : vector<1000x128xf32>
    %dot_general3A_13 = tpu.matmul %add3A_9, %get3A_12, %dot_general3A {dimension_numbers = #tpu.dot_dimension_numbers<[1], [0], [0], [1], [0, 0, 1, 1], [], []>, transpose_lhs_hint = false} : vector<1000x128xf32>, vector<128x128xf32>, vector<1000x128xf32> -> vector<1000x128xf32>
    %get3A_14 = arith.constant 0 : index
    %get3A_15 = arith.constant 0 : index
    %get3A_16 = vector.load %arg3[%get3A_14, %get3A_15] : memref<1x128xf32, #tpu.memory_space<vmem>>, vector<1x128xf32>
    %add3A_17 = vector.broadcast %get3A_16 : vector<1x128xf32> to vector<1000x128xf32>
    %add3A_18 = arith.addf %dot_general3A_13, %add3A_17 : vector<1000x128xf32>
    %mul3A_19 = arith.constant 5.000000e-01 : f32
    %mul3A_20 = vector.broadcast %mul3A_19 : f32 to vector<1000x128xf32>
    %mul3A_21 = arith.mulf %mul3A_20, %add3A_18 : vector<1000x128xf32>
    %mul3A_22 = arith.constant 0.707106769 : f32
    %mul3A_23 = vector.broadcast %mul3A_22 : f32 to vector<1000x128xf32>
    %mul3A_24 = arith.mulf %add3A_18, %mul3A_23 : vector<1000x128xf32>
    %erf3A = math.erf %mul3A_24 : vector<1000x128xf32>
    %add3A_25 = arith.constant 1.000000e+00 : f32
    %add3A_26 = vector.broadcast %add3A_25 : f32 to vector<1000x128xf32>
    %add3A_27 = arith.addf %add3A_26, %erf3A : vector<1000x128xf32>
    %mul3A_28 = arith.mulf %mul3A_21, %add3A_27 : vector<1000x128xf32>
    %swap3A = arith.constant 0 : index
    %swap3A_29 = arith.constant 0 : index
    %swap3A_30 = vector.load %arg6[%swap3A, %swap3A_29] : memref<1000x144xf32, #tpu.memory_space<vmem>>, vector<1000x128xf32>
    tpu.vector_store %arg6[%swap3A, %swap3A_29], %mul3A_28 {strides = array<i32>} : memref<1000x144xf32, #tpu.memory_space<vmem>>, vector<1000x128xf32>,
    %iota3A = tpu.iota {dimensions = array<i32: 1>} : vector<1000x16xi32>
    %eq3A = arith.constant 0 : i32
    %eq3A_31 = vector.broadcast %eq3A : i32 to vector<1000x16xi32>
    %eq3A_32 = arith.cmpi eq, %iota3A, %eq3A_31 : vector<1000x16xi32>
    %jit3A = arith.constant 1.000000e+00 : f32
    %jit3A_33 = arith.constant 0.000000e+00 : f32
    %broadcast_in_dim3A = vector.broadcast %jit3A : f32 to vector<1000x16xf32>
    %broadcast_in_dim3A_34 = vector.broadcast %jit3A_33 : f32 to vector<1000x16xf32>
    %select_n3A = arith.select %eq3A_32, %broadcast_in_dim3A, %broadcast_in_dim3A_34 : vector<1000x16xi1>, vector<1000x16xf32>
    %swap3A_35 = arith.constant 0 : index
    %swap3A_36 = arith.constant 128 : index
    %swap3A_37 = vector.load %arg6[%swap3A_35, %swap3A_36] : memref<1000x144xf32, #tpu.memory_space<vmem>>, vector<1000x16xf32>
    tpu.vector_store %arg6[%swap3A_35, %swap3A_36], %select_n3A {strides = array<i32>} : memref<1000x144xf32, #tpu.memory_space<vmem>>, vector<1000x16xf32>,
    return
  }
  func.func @transform_0(%arg0: i32) -> (i32, i32) {
    %c0_i32 = arith.constant 0 : i32
    %c0_i32_0 = arith.constant 0 : i32
    return %arg0, %c0_i32 : i32, i32
  }
  func.func @transform_1(%arg0: i32) -> (i32, i32) {
    %c0_i32 = arith.constant 0 : i32
    %c0_i32_0 = arith.constant 0 : i32
    %c0_i32_1 = arith.constant 0 : i32
    return %c0_i32, %c0_i32_0 : i32, i32
  }
  func.func @transform_2(%arg0: i32) -> (i32, i32) {
    %c0_i32 = arith.constant 0 : i32
    %c0_i32_0 = arith.constant 0 : i32
    %c0_i32_1 = arith.constant 0 : i32
    return %c0_i32, %c0_i32_0 : i32, i32
  }
  func.func @transform_3(%arg0: i32) -> (i32, i32) {
    %c0_i32 = arith.constant 0 : i32
    %c0_i32_0 = arith.constant 0 : i32
    %c0_i32_1 = arith.constant 0 : i32
    return %c0_i32, %c0_i32_0 : i32, i32
  }
  func.func @transform_4(%arg0: i32) -> (i32, i32) {
    %c0_i32 = arith.constant 0 : i32
    %c0_i32_0 = arith.constant 0 : i32
    %c0_i32_1 = arith.constant 0 : i32
    return %c0_i32, %c0_i32_0 : i32, i32
  }
  func.func @transform_5(%arg0: i32) -> (i32, i32) {
    %c0_i32 = arith.constant 0 : i32
    %c0_i32_0 = arith.constant 0 : i32
    return %arg0, %c0_i32 : i32, i32
  }
}

module attributes {stable_mosaic.version = 14 : i64} {
  func.func @_upd_body(%arg0: i32, %arg1: memref<1000x128xf32, #tpu.memory_space<vmem>>, %arg2: memref<2x1000x144xf32, #tpu.memory_space<vmem>>, %arg3: memref<128x128xf32, #tpu.memory_space<vmem>>, %arg4: memref<128x128xf32, #tpu.memory_space<vmem>>, %arg5: memref<1x128xf32, #tpu.memory_space<vmem>>, %arg6: memref<1x128xf32, #tpu.memory_space<vmem>>, %arg7: memref<1x128xf32, #tpu.memory_space<vmem>>, %arg8: memref<1x128xf32, #tpu.memory_space<vmem>>, %arg9: memref<1x128xf32, #tpu.memory_space<vmem>>, %arg10: memref<1000x128xf32, #tpu.memory_space<vmem>>) attributes {dimension_semantics = [#tpu.dimension_semantics<arbitrary>], iteration_bounds = array<i64: 10>, scalar_prefetch = 0 : i64, scratch_operands = 0 : i64, tpu.core_type = #tpu.core_type<tc>, window_params = [{transform_indices = @transform_0, window_bounds = array<i64: 1000, 128>}, {transform_indices = @transform_1, window_bounds = array<i64: 2, 1000, 144>}, {pipeline_mode = #tpu.pipeline_mode<synchronous>, transform_indices = @transform_2, window_bounds = array<i64: 128, 128>}, {pipeline_mode = #tpu.pipeline_mode<synchronous>, transform_indices = @transform_3, window_bounds = array<i64: 128, 128>}, {pipeline_mode = #tpu.pipeline_mode<synchronous>, transform_indices = @transform_4, window_bounds = array<i64: 1, 128>}, {pipeline_mode = #tpu.pipeline_mode<synchronous>, transform_indices = @transform_5, window_bounds = array<i64: 1, 128>}, {pipeline_mode = #tpu.pipeline_mode<synchronous>, transform_indices = @transform_6, window_bounds = array<i64: 1, 128>}, {pipeline_mode = #tpu.pipeline_mode<synchronous>, transform_indices = @transform_7, window_bounds = array<i64: 1, 128>}, {pipeline_mode = #tpu.pipeline_mode<synchronous>, transform_indices = @transform_8, window_bounds = array<i64: 1, 128>}, {transform_indices = @transform_9, window_bounds = array<i64: 1000, 128>}]} {
    %get3A = arith.constant 0 : index
    %get3A_0 = arith.constant 0 : index
    %get3A_1 = arith.constant 0 : index
    %get3A_2 = vector.load %arg2[%get3A, %get3A_0, %get3A_1] : memref<2x1000x144xf32, #tpu.memory_space<vmem>>, vector<1x1000x144xf32>
    %get3A_3 = vector.shape_cast %get3A_2 : vector<1x1000x144xf32> to vector<1000x144xf32>
    %get3A_4 = arith.constant 1 : index
    %get3A_5 = arith.constant 0 : index
    %get3A_6 = arith.constant 0 : index
    %get3A_7 = vector.load %arg2[%get3A_4, %get3A_5, %get3A_6] : memref<2x1000x144xf32, #tpu.memory_space<vmem>>, vector<1x1000x144xf32>
    %get3A_8 = vector.shape_cast %get3A_7 : vector<1x1000x144xf32> to vector<1000x144xf32>
    %add3A = arith.addf %get3A_3, %get3A_8 : vector<1000x144xf32>
    %slice3A = vector.extract_strided_slice %add3A {offsets = [0, 0], sizes = [1000, 128], strides = [1, 1]} : vector<1000x144xf32> to vector<1000x128xf32>
    %slice3A_9 = vector.extract_strided_slice %add3A {offsets = [0, 128], sizes = [1000, 1], strides = [1, 1]} : vector<1000x144xf32> to vector<1000x1xf32>
    %gt3A = arith.constant 0.000000e+00 : f32
    %gt3A_10 = vector.broadcast %gt3A : f32 to vector<1000x1xf32>
    %gt3A_11 = arith.cmpf ogt, %slice3A_9, %gt3A_10 : vector<1000x1xf32>
    %max3A = arith.constant 1.000000e+00 : f32
    %max3A_12 = vector.broadcast %max3A : f32 to vector<1000x1xf32>
    %max3A_13 = arith.maximumf %slice3A_9, %max3A_12 : vector<1000x1xf32>
    %div3A = vector.broadcast %max3A_13 : vector<1000x1xf32> to vector<1000x128xf32>
    %div3A_14 = arith.divf %slice3A, %div3A : vector<1000x128xf32>
    %jit3A = arith.constant 0.000000e+00 : f32
    %broadcast_in_dim3A = vector.shape_cast %gt3A_11 : vector<1000x1xi1> to vector<1000x1xi1>
    %broadcast_in_dim3A_15 = vector.broadcast %broadcast_in_dim3A : vector<1000x1xi1> to vector<1000x128xi1>
    %broadcast_in_dim3A_16 = vector.broadcast %jit3A : f32 to vector<1000x128xf32>
    %select_n3A = arith.select %broadcast_in_dim3A_15, %div3A_14, %broadcast_in_dim3A_16 : vector<1000x128xi1>, vector<1000x128xf32>
    %get3A_17 = arith.constant 0 : index
    %get3A_18 = arith.constant 0 : index
    %get3A_19 = vector.load %arg1[%get3A_17, %get3A_18] : memref<1000x128xf32, #tpu.memory_space<vmem>>, vector<1000x128xf32>
    %get3A_20 = arith.constant 0 : index
    %get3A_21 = arith.constant 0 : index
    %get3A_22 = vector.load %arg6[%get3A_20, %get3A_21] : memref<1x128xf32, #tpu.memory_space<vmem>>, vector<1x128xf32>
    %mul3A = vector.broadcast %get3A_22 : vector<1x128xf32> to vector<1000x128xf32>
    %mul3A_23 = arith.mulf %get3A_19, %mul3A : vector<1000x128xf32>
    %get3A_24 = arith.constant 0 : index
    %get3A_25 = arith.constant 0 : index
    %get3A_26 = vector.load %arg7[%get3A_24, %get3A_25] : memref<1x128xf32, #tpu.memory_space<vmem>>, vector<1x128xf32>
    %add3A_27 = vector.broadcast %get3A_26 : vector<1x128xf32> to vector<1000x128xf32>
    %add3A_28 = arith.addf %mul3A_23, %add3A_27 : vector<1000x128xf32>
    %get3A_29 = arith.constant 0 : index
    %get3A_30 = arith.constant 0 : index
    %get3A_31 = vector.load %arg8[%get3A_29, %get3A_30] : memref<1x128xf32, #tpu.memory_space<vmem>>, vector<1x128xf32>
    %mul3A_32 = vector.broadcast %get3A_31 : vector<1x128xf32> to vector<1000x128xf32>
    %mul3A_33 = arith.mulf %select_n3A, %mul3A_32 : vector<1000x128xf32>
    %get3A_34 = arith.constant 0 : index
    %get3A_35 = arith.constant 0 : index
    %get3A_36 = vector.load %arg9[%get3A_34, %get3A_35] : memref<1x128xf32, #tpu.memory_space<vmem>>, vector<1x128xf32>
    %add3A_37 = vector.broadcast %get3A_36 : vector<1x128xf32> to vector<1000x128xf32>
    %add3A_38 = arith.addf %mul3A_33, %add3A_37 : vector<1000x128xf32>
    %get3A_39 = arith.constant 0 : index
    %get3A_40 = arith.constant 0 : index
    %get3A_41 = vector.load %arg3[%get3A_39, %get3A_40] : memref<128x128xf32, #tpu.memory_space<vmem>>, vector<128x128xf32>
    %dot_general3A = arith.constant dense<0.000000e+00> : vector<1000x128xf32>
    %dot_general3A_42 = tpu.matmul %add3A_28, %get3A_41, %dot_general3A {dimension_numbers = #tpu.dot_dimension_numbers<[1], [0], [0], [1], [0, 0, 1, 1], [], []>, transpose_lhs_hint = false} : vector<1000x128xf32>, vector<128x128xf32>, vector<1000x128xf32> -> vector<1000x128xf32>
    %get3A_43 = arith.constant 0 : index
    %get3A_44 = arith.constant 0 : index
    %get3A_45 = vector.load %arg4[%get3A_43, %get3A_44] : memref<128x128xf32, #tpu.memory_space<vmem>>, vector<128x128xf32>
    %dot_general3A_46 = arith.constant dense<0.000000e+00> : vector<1000x128xf32>
    %dot_general3A_47 = tpu.matmul %add3A_38, %get3A_45, %dot_general3A_46 {dimension_numbers = #tpu.dot_dimension_numbers<[1], [0], [0], [1], [0, 0, 1, 1], [], []>, transpose_lhs_hint = false} : vector<1000x128xf32>, vector<128x128xf32>, vector<1000x128xf32> -> vector<1000x128xf32>
    %add3A_48 = arith.addf %dot_general3A_42, %dot_general3A_47 : vector<1000x128xf32>
    %get3A_49 = arith.constant 0 : index
    %get3A_50 = arith.constant 0 : index
    %get3A_51 = vector.load %arg5[%get3A_49, %get3A_50] : memref<1x128xf32, #tpu.memory_space<vmem>>, vector<1x128xf32>
    %add3A_52 = vector.broadcast %get3A_51 : vector<1x128xf32> to vector<1000x128xf32>
    %add3A_53 = arith.addf %add3A_48, %add3A_52 : vector<1000x128xf32>
    %mul3A_54 = arith.constant 5.000000e-01 : f32
    %mul3A_55 = vector.broadcast %mul3A_54 : f32 to vector<1000x128xf32>
    %mul3A_56 = arith.mulf %mul3A_55, %add3A_53 : vector<1000x128xf32>
    %mul3A_57 = arith.constant 0.707106769 : f32
    %mul3A_58 = vector.broadcast %mul3A_57 : f32 to vector<1000x128xf32>
    %mul3A_59 = arith.mulf %add3A_53, %mul3A_58 : vector<1000x128xf32>
    %erf3A = math.erf %mul3A_59 : vector<1000x128xf32>
    %add3A_60 = arith.constant 1.000000e+00 : f32
    %add3A_61 = vector.broadcast %add3A_60 : f32 to vector<1000x128xf32>
    %add3A_62 = arith.addf %add3A_61, %erf3A : vector<1000x128xf32>
    %mul3A_63 = arith.mulf %mul3A_56, %add3A_62 : vector<1000x128xf32>
    %swap3A = arith.constant 0 : index
    %swap3A_64 = arith.constant 0 : index
    %swap3A_65 = vector.load %arg10[%swap3A, %swap3A_64] : memref<1000x128xf32, #tpu.memory_space<vmem>>, vector<1000x128xf32>
    tpu.vector_store %arg10[%swap3A, %swap3A_64], %mul3A_63 {strides = array<i32>} : memref<1000x128xf32, #tpu.memory_space<vmem>>, vector<1000x128xf32>,
    return
  }
  func.func @transform_0(%arg0: i32) -> (i32, i32) {
    %c0_i32 = arith.constant 0 : i32
    %c0_i32_0 = arith.constant 0 : i32
    return %arg0, %c0_i32 : i32, i32
  }
  func.func @transform_1(%arg0: i32) -> (i32, i32, i32) {
    %c0_i32 = arith.constant 0 : i32
    %c0_i32_0 = arith.constant 0 : i32
    %c0_i32_1 = arith.constant 0 : i32
    return %c0_i32, %arg0, %c0_i32_0 : i32, i32, i32
  }
  func.func @transform_2(%arg0: i32) -> (i32, i32) {
    %c0_i32 = arith.constant 0 : i32
    %c0_i32_0 = arith.constant 0 : i32
    %c0_i32_1 = arith.constant 0 : i32
    return %c0_i32, %c0_i32_0 : i32, i32
  }
  func.func @transform_3(%arg0: i32) -> (i32, i32) {
    %c0_i32 = arith.constant 0 : i32
    %c0_i32_0 = arith.constant 0 : i32
    %c0_i32_1 = arith.constant 0 : i32
    return %c0_i32, %c0_i32_0 : i32, i32
  }
  func.func @transform_4(%arg0: i32) -> (i32, i32) {
    %c0_i32 = arith.constant 0 : i32
    %c0_i32_0 = arith.constant 0 : i32
    %c0_i32_1 = arith.constant 0 : i32
    return %c0_i32, %c0_i32_0 : i32, i32
  }
  func.func @transform_5(%arg0: i32) -> (i32, i32) {
    %c0_i32 = arith.constant 0 : i32
    %c0_i32_0 = arith.constant 0 : i32
    %c0_i32_1 = arith.constant 0 : i32
    return %c0_i32, %c0_i32_0 : i32, i32
  }
  func.func @transform_6(%arg0: i32) -> (i32, i32) {
    %c0_i32 = arith.constant 0 : i32
    %c0_i32_0 = arith.constant 0 : i32
    %c0_i32_1 = arith.constant 0 : i32
    return %c0_i32, %c0_i32_0 : i32, i32
  }
  func.func @transform_7(%arg0: i32) -> (i32, i32) {
    %c0_i32 = arith.constant 0 : i32
    %c0_i32_0 = arith.constant 0 : i32
    %c0_i32_1 = arith.constant 0 : i32
    return %c0_i32, %c0_i32_0 : i32, i32
  }
  func.func @transform_8(%arg0: i32) -> (i32, i32) {
    %c0_i32 = arith.constant 0 : i32
    %c0_i32_0 = arith.constant 0 : i32
    %c0_i32_1 = arith.constant 0 : i32
    return %c0_i32, %c0_i32_0 : i32, i32
  }
  func.func @transform_9(%arg0: i32) -> (i32, i32) {
    %c0_i32 = arith.constant 0 : i32
    %c0_i32_0 = arith.constant 0 : i32
    return %arg0, %c0_i32 : i32, i32
  }
}

</mosaic_0001>

<sc_bundles>
// kernel: kernel.5.cloned.1.call-start
scs
__scs_entry_jumppad:
0x0: {  	(pc) =	sbr.rel $0x88, $3  }
0x1: {  	(tag) =	ssettag $0x0;
	lr =	simm.s32 $0x1  }
0x2: {  	[smem:$0x3F92] =	sst lr;
	_ =	strace $0xD0000000  }
0x3: {  	_ = 	snop  }
0x4: {  	_ = 	snop  }
0x5: {  	_ = 	snop  }
0x6: {  	_ = 	snop  }
0x7: {  	_ = 	snop  }
__scs_overlays_trampoline_lowered:
0x8: {  	[smem:$0x3FA1] =	sst s0  }
0x9: {  	[smem:$0x3FA2] =	sst s1  }
0xa: {  	[smem:$0x3FA3] =	sst s2  }
0xb: {  	[smem:$0x3FA4] =	sst s3  }
0xc: {  	[smem:$0x3FA5] =	sst s4  }
0xd: {  	[smem:$0x3FA6] =	sst s5  }
0xe: {  	[smem:$0x3FA7] =	sst s6  }
0xf: {  	[smem:$0x3FA8] =	sst s7  }
0x10: {  	[smem:$0x3FA9] =	sst s8  }
0x11: {  	[smem:$0x3FAA] =	sst s9;
	s0 =	simm.s32 @!p0 $0x0  }
0x12: {  	s1 =	sld [smem:$0x3F90];
	s0 =	simm.s32 @p0 $0x1  }
0x13: {  	[smem:$0x3FAB] =	sst s0;
	s0 =	simm.s32 @!p1 $0x0  }
0x14: {  	s2 =	sld [smem:$0x3F8F];
	s0 =	simm.s32 @p1 $0x1  }
0x15: {  	[smem:$0x3FAC] =	sst s0;
	s0 =	simm.s32 @!p2 $0x0  }
0x16: {  	s3 =	sld [smem:$0x3FDB];
	s0 =	simm.s32 @p2 $0x1  }
0x17: {  	s4 =	simm.s32 $0x1BF5;
	[smem:$0x3FAE] =	sst s0  }
0x18: {  	s0 =	sld [smem:$0x3F91];
	_ =	swait.ge [sflag:s4], $0x0  }
0x19: {  	s7 =	sld [smem:$0x3F92]  }
0x1a: {  	s8 =	sadd.s32 $0xFFFFE003, lr  }
0x1b: {  	s9 =	sadd.s32 $0xFFFFFEF7, lr;
	s5 =	simm.s32 $0xFFFFFFFF;
	p2 =	slt.u32 s8, $0xFFFFF086  }
0x1c: {  	p1 =	slt.u32 s9, $0xF7A;
	s5 =	simm.s32 @!p2 $0x0  }
0x1d: {  	s5 =	simm.s32 @p1 $0x1;
	p0 =	seq.s32 s7, s2  }
0x1e: {  	s7 =	smul.u32 @!p0 $0xF7A, s2;
	p2 =	seq.s32 @!p0 s5, $0x0  }
0x1f: {  	s9 =	smul.u32 $0xF7A, s1;
	s8 =	simm.s32 @!p0 $0x1BF5;
	p2 =	por !p2, p0  }
0x20: {  	[sflag:s8] =	ssyncset.s32 @!p0 $0xFFFFF086;
	s6 =	sadd.s32 @!p0 s3, s7;
	s7 =	simm.s32 @!p0 $0x108  }
0x21: {  	s3 =	sadd.s32 s3, s9;
	s6 =	sadd.s32 @!p0 $0x88, s6;
	s7 =	simm.s32 @p2 $0x1082  }
0x22: {  	[simem:s7], [sflag:s8] =	dma.local @!p0 [hbm:s6], $0xF7A  }
0x23: {  	s9 =	sor.u32 $0xD0000000, s2;
	s6 =	simm.s32 $0x108;
	_ =	swait.ge @!p0 [sflag:s8], $0x0  }
0x24: {  	s3 =	sadd.s32 $0x88, s3;
	s6 =	simm.s32 @!p1 $0x1082;
	[sflag:s4] =	ssyncset.s32 $0xFFFFF086  }
0x25: {  	[simem:s6], [sflag:s4] =	dma.local [hbm:s3], $0xF7A  }
0x26: {  	[smem:$0x3F92] =	sst s1;
	(tag) =	ssettag s2;
	_ =	strace s9  }
0x27: {  	s1 =	sld [smem:$0x3FA2]  }
0x28: {  	s2 =	sld [smem:$0x3FA3]  }
0x29: {  	s4 =	sld [smem:$0x3FA5]  }
0x2a: {  	p0 =	seq.s32 s5, $0x0;
	s5 =	sld [smem:$0x3FA6]  }
0x2b: {  	s6 =	sld [smem:$0x3FA7]  }
0x2c: {  	s7 =	sld [smem:$0x3FA8]  }
0x2d: {  	s3 =	simm.s32 $0x108;
	s8 =	sld [smem:$0x3FA9]  }
0x2e: {  	s3 =	simm.s32 @!p0 $0x1082;
	s9 =	sld [smem:$0x3FAA]  }
0x2f: {  	lr =	sadd.s32 s0, s3;
	s0 =	sld [smem:$0x3FA1]  }
0x30: {  	s3 =	sld [smem:$0x3FA4]  }
0x31: {  	[smem:$0x3FAD] =	sst s10  }
0x32: {  	s10 =	sld [smem:$0x3FAB];
	_ =	sdelay $0x3  }
0x33: {  	p0 =	seq.s32 s10, $0x1;
	s10 =	sld [smem:$0x3FAD];
	_ =	sdelay $0x3  }
0x34: {  	[smem:$0x3FAD] =	sst s10  }
0x35: {  	s10 =	sld [smem:$0x3FAC];
	_ =	sdelay $0x3  }
0x36: {  	p1 =	seq.s32 s10, $0x1;
	s10 =	sld [smem:$0x3FAD];
	_ =	sdelay $0x3  }
0x37: {  	[smem:$0x3FAD] =	sst s10  }
0x38: {  	s10 =	sld [smem:$0x3FAE]  }
0x39: {  	_ = 	snop;
	(pc) =	sbr.ind lr, $3  }
0x3a: {  	_ = 	snop  }
0x3b: {  	_ = 	snop  }
0x3c: {  	p2 =	seq.s32 s10, $0x1;
	s10 =	sld [smem:$0x3FAD]  }
0x3d: {  	_ =	shalt  }
0x3e: {  	_ =	shalt  }
0x3f: {  	_ =	shalt  }
0x40: {  	_ =	shalt  }
0x41: {  	_ =	shalt  }
0x42: {  	_ =	shalt  }
0x43: {  	_ =	shalt  }
0x44: {  	_ =	shalt  }
0x45: {  	_ =	shalt  }
0x46: {  	_ =	shalt  }
0x47: {  	_ =	shalt  }
0x48: {  	_ =	shalt  }
0x49: {  	_ =	shalt  }
0x4a: {  	_ =	shalt  }
0x4b: {  	_ =	shalt  }
0x4c: {  	_ =	shalt  }
0x4d: {  	_ =	shalt  }
0x4e: {  	_ =	shalt  }
0x4f: {  	_ =	shalt  }
0x50: {  	_ =	shalt  }
0x51: {  	_ =	shalt  }
0x52: {  	_ =	shalt  }
0x53: {  	_ =	shalt  }
0x54: {  	_ =	shalt  }
0x55: {  	_ =	shalt  }
0x56: {  	_ =	shalt  }
0x57: {  	_ =	shalt  }
0x58: {  	_ =	shalt  }
0x59: {  	_ =	shalt  }
0x5a: {  	_ =	shalt  }
0x5b: {  	_ =	shalt  }
0x5c: {  	_ =	shalt  }
0x5d: {  	_ =	shalt  }
0x5e: {  	_ =	shalt  }
0x5f: {  	_ =	shalt  }
0x60: {  	_ =	shalt  }
0x61: {  	_ =	shalt  }
0x62: {  	_ =	shalt  }
0x63: {  	_ =	shalt  }
0x64: {  	_ =	shalt  }
0x65: {  	_ =	shalt  }
0x66: {  	_ =	shalt  }
0x67: {  	_ =	shalt  }
0x68: {  	_ =	shalt  }
0x69: {  	_ =	shalt  }
0x6a: {  	_ =	shalt  }
0x6b: {  	_ =	shalt  }
0x6c: {  	_ =	shalt  }
0x6d: {  	_ =	shalt  }
0x6e: {  	_ =	shalt  }
0x6f: {  	_ =	shalt  }
0x70: {  	_ =	shalt  }
0x71: {  	_ =	shalt  }
0x72: {  	_ =	shalt  }
0x73: {  	_ =	shalt  }
0x74: {  	_ =	shalt  }
0x75: {  	_ =	shalt  }
0x76: {  	_ =	shalt  }
0x77: {  	_ =	shalt  }
0x78: {  	_ =	shalt  }
0x79: {  	_ =	shalt  }
0x7a: {  	_ =	shalt  }
0x7b: {  	_ =	shalt  }
0x7c: {  	_ =	shalt  }
0x7d: {  	_ =	shalt  }
0x7e: {  	_ =	shalt  }
0x7f: {  	_ =	shalt  }
0x80: {  	_ =	shalt  }
0x81: {  	_ =	shalt  }
0x82: {  	_ =	shalt  }
0x83: {  	_ =	shalt  }
0x84: {  	_ =	shalt  }
0x85: {  	_ =	shalt  }
0x86: {  	_ =	shalt  }
0x87: {  	_ =	shalt  }
.Lfunc_end0:
.L_simem_size_0:
called_computation_lowered:
.L_overlay_start_0:
0x88: {  	s2 =	sld [smem:$0x3FD9]  }
0x89: {  	s3 =	sld [smem:$0x3FFE];
	_ =	sdelay $0x1  }
0x8a: {  	s1 =	srdreg.scid  }
0x8b: {  	s0 =	sand.u32 $0x1, s1  }
0x8c: {  	s17 =	sshll.u32 s0, $0xA;
	s2 =	sadd.s32 s3, s2  }
0x8d: {  	s2 =	sadd.s32 s2, s17  }
0x8e: {  	[smem:$0x3FB9] =	sst s2  }
0x8f: {  	_ = 	snop  }
0x90: {  	s2 =	sld [smem:$0x3FD0];
	(tm) =	ssettm $0x1  }
0x91: {  	s18 =	sld [smem:$0x3FFB];
	_ =	sdelay $0x3  }
0x92: {  	_ =	strace s18  }
0x93: {  	s3 =	sld [smem:$0x3FFC];
	_ =	sdelay $0x3  }
0x94: {  	_ =	strace s3  }
0x95: {  	s3 =	sld [smem:$0x3FFD];
	_ =	sdelay $0x3  }
0x96: {  	_ =	strace s3  }
0x97: {  	_ =	strace $0x8FFFFFFF  }
0x98: {  	s19 =	sld [smem:$0x3FDB];
	_ =	sdelay $0x1  }
0x99: {  	s4 =	simm.s32 $_scs_section_size  }
0x9a: {  	s5 =	simm.s32 $_size__tile_overlayer_lowered;
	s6 =	simm.s32 $_tile_overlayer_lowered  }
0x9b: {  	s22 =	simm.s32 $0x1BFF;
	s21 =	sshll.u32 s6, $0x1;
	s3 =	sadd.s32 s4, s19  }
0x9c: {  	s7 =	simm.s32 $0x0;
	s20 =	sshll.u32 s5, $0x1;
	s5 =	sadd.s32 s21, s3  }
0x9d: {  	[timem:s7], [sflag:s22] =	dma.local [hbm:s5], s20  }
0x9e: {  	_ =	swait.ge [sflag:s22], s20  }
0x9f: {  	s4 =	ssub.s32 $0x0, s20;
	[sflag:s22] =	ssyncset.done $0x0  }
0xa0: {  	[sflag:s22] =	ssyncadd.s32 s4;
	_ =	sdelay $0x1  }
0xa1: {  	s23 =	simm.s32 $0x1B8B  }
0xa2: {  	_ =	swait.ge [sflag:s23], $0x1  }
0xa3: {  	[sflag:s23] =	ssyncset.done $0x0  }
0xa4: {  	s25 =	simm.s32 $0x1B8E;
	s24 =	sld [smem:$0x3FFE];
	[sflag:s23] =	ssyncadd.s32 $0xFFFFFFFF  }
0xa5: {  	s26 =	simm.s32 $execute0_lowered;
	[smem:$0x3FD2] =	sst s25  }
0xa6: {  	s5 =	sshll.u32 s26, $0x1;
	_ =	strace $0x80000046;
	[dreg:$0x1] =	wrdreg $0xFFFFFFFF  }
0xa7: {  	s28 =	simm.s32 $_size_execute0_lowered;
	s3 =	sadd.s32 s3, s5;
	[dreg:$0x0] =	wrdreg $0x0  }
0xa8: {  	s5 =	sshll.u32 s28, $0x1;
	[dreg:$0x2] =	wrdreg s3  }
0xa9: {  	[dreg:$0x3] =	wrdreg s5  }
0xaa: {  	[dreg:$0x4] =	wrdreg $0xC0  }
0xab: {  	_ =	task [dreg:s7], $0x5FFFF  }
0xac: {  	[dreg:$0x1] =	wrdreg $0xFFFFFFFF  }
0xad: {  	[dreg:$0x0] =	wrdreg $0x60  }
0xae: {  	[dreg:$0x2] =	wrdreg s24  }
0xaf: {  	[dreg:$0x3] =	wrdreg s2  }
0xb0: {  	[dreg:$0x4] =	wrdreg $0x9F000  }
0xb1: {  	[dreg:$0x5] =	wrdreg $0x9  }
0xb2: {  	_ =	task.clear_ibuf [dreg:s7], $0x6FFFF;
	_ =	strace $0x90000046  }
0xb3: {  	s29 =	simm.s32 $0x9;
	_ =	strace $0x80000048  }
0xb4: {  	_ =	swait.ge [sflag:s29], $0x1  }
0xb5: {  	[sflag:s29] =	ssyncadd.s32 $0xFFFFFFFF  }
0xb6: {  	_ =	strace $0x90000048  }
0xb7: {  	_ =	sfence  }
0xb8: {  	s30 =	sld [smem:$0x0];
	_ =	sdelay $0x2  }
0xb9: {  	s31 =	sshll.u32 s1, $0xD;
	s1 =	sshrl.u32 s1, $0x2  }
0xba: {  	s3 =	sand.u32 $0x4000, s31;
	s1 =	sadd.s32 s1, s30  }
0xbb: {  	s0 =	sor.u32 s3, s0;
	s1 =	sshll.u32 s1, $0x11  }
0xbc: {  	s0 =	sor.u32 s1, s0  }
0xbd: {  	s0 =	sadd.s32 $0x8F2B, s0  }
0xbe: {  	[sflag:s0] =	ssyncadd.remote.s32 $0x1  }
0xbf: {  	_ =	sfence.sel $0xFFFF  }
0xc0: {  	[dreg:$0x0] =	wrdreg $0xFFFFFFFF;
	(pc) =	sbr.abs _section_cstart, $3  }
0xc1: {  	[dreg:$0x1] =	wrdreg $0xFFFFFFFF  }
0xc2: {  	_ =	task.clear_ibuf [dreg:s7], $0x2FFFF;
	_ =	strace $0x9FFFFFFF  }
0xc3: {  	(tm) =	ssettm $0x7FFFFFFF  }
tec
execute0_lowered:
.L_overlay_start_1:
0x0: {  	(tag) =	ssettag $0x1  }
0x1: {  	s0 =	rddreg [dreg:$0x0]  }
0x2: {  	s1 =	rddreg [dreg:$0x1]  }
0x3: {  	s3 =	rddreg [dreg:$0x2];
	s13 =	simm.s32 $0x0;
	s2 =	srdreg.scid  }
0x4: {  	s12 =	stileid.u32;
	s29 =	simm.s32 $0x480;
	s30 =	simm.s32 $0x5  }
0x5: {  	s31 =	simm.s32 $0x80;
	[smem:$0x7FF] =	sst s13;
	s2 =	sand.u32 $0x1, s2  }
0x6: {  	s4 =	smul.u32 $0x15F90, s12;
	s7 =	sshll.u32 s12, $0x1;
	s5 =	sadd.s32 $0x1A00, s0  }
0x7: {  	s6 =	sadd.s32 $0x2DA00, s0;
	s11 =	smul.u32 $0x57E40, s12;
	p0 =	slt.u32 s12, $0x2  }
0x8: {  	_ =	strace $0x80000047;
	s8 =	smul.u32 $0x15F900, s2;
	s9 =	sor.u32 s2, s7  }
0x9: {  	s7 =	sadd.s32 $0x37800, s0;
	s2 =	ssub.s32 $0x2, s2;
	s10 =	smul.u32 $0x4E, s9  }
0xa: {  	s15 =	sshrl.u32 s2, $0x1;
	s9 =	smin.u32 s9, $0x4;
	s16 =	sshrl.u32 s11, $0x2  }
0xb: {  	s14 =	sadd.s32 s4, s3;
	s8 =	sadd.s32 s4, s8;
	s2 =	ssub.s32 s2, s15  }
0xc: {  	[dreg:$0x5] =	wrdreg s14;
	s8 =	sshrl.u32 s8, $0x3;
	s28 =	smax.u32 s2, $0x1  }
0xd: {  	s2 =	simm.s32 $0x1;
	s0 =	sadd.s32 s8, s0;
	s8 =	sadd.s32 s9, s10  }
0xe: {  	s9 =	simm.s32 $0x4F;
	s10 =	sadd.s32 s16, s3;
	[dreg:$0x11] =	wrdreg s28  }
0xf: {  	s16 =	simm.s32 $0x3;
	s9 =	simm.s32 @!p0 $0x4E;
	s17 =	sadd.s32 $0x4800, s10  }
0x10: {  	s18 =	sadd.s32 $0x9000, s10;
	s19 =	sadd.s32 $0xD800, s10;
	s20 =	sadd.s32 $0x12000, s10  }
0x11: {  	s21 =	sshll.u32 s8, $0x4;
	s22 =	sshll.u32 s8, $0x3;
	[dreg:$0x6] =	wrdreg s17  }
0x12: {  	s23 =	sshll.u32 s8, $0x7;
	s0 =	sadd.s32 $0x3C800, s0;
	[dreg:$0x7] =	wrdreg s18  }
0x13: {  	p0 =	sgt.u32 s12, $0x1;
	s12 =	simm.s32 $0x2;
	[dreg:$0x8] =	wrdreg s19  }
0x14: {  	[dreg:$0x9] =	wrdreg s20;
	s15 =	sadd.s32 s6, s21;
	s10 =	sadd.s32 s7, s22  }
0x15: {  	s24 =	sadd.s32 $0x300, s23;
	s4 =	sadd.s32 s1, s21;
	s21 =	sadd.s32 $0xFFFFFFED, s9  }
0x16: {  	[dreg:$0x10] =	wrdreg s0;
	s17 =	simm.s32 $0x7;
	s0 =	simm.s32 $0x5700  }
0x17: {  	s20 =	simm.s32 $0x780;
	s19 =	simm.s32 $0x4;
	[dreg:$0xa] =	wrdreg s15  }
0x18: {  	s22 =	simm.s32 $0x280;
	s23 =	simm.s32 $0x680;
	[dreg:$0xb] =	wrdreg s10  }
.Ltmp0:
0x19: {  	[dreg:$0xc] =	wrdreg s4;
	s25 =	sshrl.u32 s24, $0x3;
	(pc) =	sbr.rel .LBB2_1-.Ltmp0, $4  }
0x1a: {  	s10 =	sshrl.u32 s24, $0x4;
	s24 =	sadd.s32 $0xC, s8;
	s26 =	sadd.s32 s6, s25  }
0x1b: {  	s15 =	simm.s32 $0xC00;
	s10 =	sadd.s32 s7, s10;
	[dreg:$0xd] =	wrdreg s26  }
0x1c: {  	s4 =	sadd.s32 s1, s25;
	s25 =	simm.s32 $0xF00;
	[dreg:$0xe] =	wrdreg s10  }
0x1d: {  	v0 =	vimm.f32 $0.0e+00;
	[dreg:$0xf] =	wrdreg s4;
	s10 =	simm.s32 $0x700;
	s26 =	simm.s32 $0x0  }
.LBB2_45:
0x1e: {  	_ =	swait.ge [sflag:s16], $0x4800  }
0x1f: {  	[sflag:s16] =	ssyncset.done $0x0  }
0x20: {  	[sflag:s16] =	ssyncadd.s32 $0xFFFFB800  }
0x21: {  	_ =	swait.ge [sflag:s19], $0x4800  }
0x22: {  	[sflag:s19] =	ssyncset.done $0x0  }
0x23: {  	[sflag:s19] =	ssyncadd.s32 $0xFFFFB800  }
0x24: {  	s4 =	stileid.u32;
	[bflag:$0x0] =	sbarrier.arrive $0xFFFF  }
0x25: {  	s4 =	sshll.u32 s4, $0x6;
	s14 =	rddreg [dreg:$0x5]  }
0x26: {  	s4 =	sor.u32 $0x1C07, s4;
	s17 =	rddreg [dreg:$0x10];
	s11 =	sshrl.u32 s14, $0x3  }
0x27: {  	[hbm:s17], [sflag:s4] =	dma.local [spmem:s11], $0x2BF2  }
0x28: {  	s17 =	simm.s32 $0x7  }
0x29: {  	_ =	swait.ge [sflag:s17], $0x2BF2  }
0x2a: {  	s13 =	sadd.s32 $0x1, s13;
	s28 =	rddreg [dreg:$0x11]  }
0x2b: {  	p1 =	sne.s32 s13, s28  }
.Ltmp1:
0x2c: {  	_ = 	snop;
	(pc) =	sbr.rel @!p1 .LBB2_46-.Ltmp1, $3  }
0x2d: {  	_ =	sdelay $0x1  }
0x2e: {  	[sflag:s17] =	ssyncset.done $0x0  }
0x2f: {  	[sflag:s17] =	ssyncadd.s32 $0xFFFFD40E  }
.LBB2_1:
0x30: {  	[dreg:$0x4] =	wrdreg s13;
	s4 =	simm.s32 $0x0;
	s11 =	simm.s32 $0x240  }
.LBB2_2:
0x31: {  	p1 =	sne.s32 s11, $0x11DC0;
	[tilespmem:s4+$0xF80] =	vst v0  }
0x32: {  	[tilespmem:s4+$0xF00] =	vst v0  }
0x33: {  	[tilespmem:s4+$0xF10] =	vst v0  }
0x34: {  	[tilespmem:s4+$0xF20] =	vst v0  }
.Ltmp2:
0x35: {  	[tilespmem:s4+$0xF30] =	vst v0;
	(pc) =	sbr.rel @p1 .LBB2_2-.Ltmp2, $4  }
0x36: {  	[tilespmem:s4+$0xF40] =	vst v0  }
0x37: {  	[tilespmem:s4+$0xF50] =	vst v0  }
0x38: {  	[tilespmem:s4+$0xF60] =	vst v0  }
0x39: {  	[tilespmem:s4+$0xF70] =	vst v0;
	s4 =	sshra.s32 s11, $0x2;
	s11 =	sadd.s32 $0x240, s11  }
0x3a: {  	[tilespmem:s4+$0xF80] =	vst v0  }
0x3b: {  	[tilespmem:s4+$0xF00] =	vst v0  }
0x3c: {  	[tilespmem:s4+$0xF10] =	vst v0  }
0x3d: {  	[tilespmem:s4+$0xF20] =	vst v0  }
0x3e: {  	[tilespmem:s4+$0xF30] =	vst v0  }
0x3f: {  	[tilespmem:s4+$0xF40] =	vst v0  }
0x40: {  	[tilespmem:s4+$0xF50] =	vst v0  }
0x41: {  	[tilespmem:s4+$0xF60] =	vst v0  }
0x42: {  	[tilespmem:s4+$0xF70] =	vst v0  }
0x43: {  	[spmem:s14] =	stream.linear.scatter [tilespmem:s25], [sflag:$0x7], $0x4800, $0x38;
	[tilespmem:$0x1FE90] =	vst v63  }
0x44: {  	_ =	swait.ge [sflag:s17], $0x4800  }
0x45: {  	[sflag:s17] =	ssyncset.done $0x0  }
0x46: {  	s14 =	rddreg [dreg:$0x6];
	[sflag:s17] =	ssyncadd.s32 $0xFFFFB800  }
0x47: {  	[spmem:s14] =	stream.linear.scatter [tilespmem:s25], [sflag:$0x7], $0x4800, $0x38;
	[tilespmem:$0x1FE90] =	vst v63  }
0x48: {  	_ =	swait.ge [sflag:s17], $0x4800  }
0x49: {  	[sflag:s17] =	ssyncset.done $0x0  }
0x4a: {  	s18 =	rddreg [dreg:$0x7];
	[sflag:s17] =	ssyncadd.s32 $0xFFFFB800  }
0x4b: {  	[spmem:s18] =	stream.linear.scatter [tilespmem:s25], [sflag:$0x7], $0x4800, $0x38;
	[tilespmem:$0x1FE90] =	vst v63  }
0x4c: {  	_ =	swait.ge [sflag:s17], $0x4800  }
0x4d: {  	[sflag:s17] =	ssyncset.done $0x0  }
0x4e: {  	s28 =	rddreg [dreg:$0x8];
	[sflag:s17] =	ssyncadd.s32 $0xFFFFB800  }
0x4f: {  	[spmem:s28] =	stream.linear.scatter [tilespmem:s25], [sflag:$0x7], $0x4800, $0x38;
	[tilespmem:$0x1FE90] =	vst v63  }
0x50: {  	_ =	swait.ge [sflag:s17], $0x4800  }
0x51: {  	[sflag:s17] =	ssyncset.done $0x0  }
0x52: {  	s11 =	rddreg [dreg:$0x9];
	[sflag:s17] =	ssyncadd.s32 $0xFFFFB800  }
0x53: {  	[spmem:s11] =	stream.linear.scatter [tilespmem:s25], [sflag:$0x7], $0x3F90, $0x38;
	[tilespmem:$0x1FE90] =	vst v63  }
0x54: {  	_ =	swait.ge [sflag:s17], $0x3F90  }
0x55: {  	[sflag:s17] =	ssyncset.done $0x0  }
0x56: {  	[sflag:s17] =	ssyncadd.s32 $0xFFFFC070  }
0x57: {  	[bflag:$0x0] =	sbarrier.arrive $0xFFFF  }
0x58: {  	s11 =	simm.s32 $0x0;
	s13 =	rddreg [dreg:$0xa]  }
0x59: {  	[tilespmem:s11], [sflag:$0x5] =	stream.linear.gather [hbm4b:s13+s11], $0x300, $0x38;
	[tilespmem:$0x1FE90] =	vst v63  }
0x5a: {  	s14 =	rddreg [dreg:$0xb];
	s13 =	simm.s32 $0x300  }
0x5b: {  	[tilespmem:s13], [sflag:$0x5] =	stream.linear.gather [hbm4b:s14+s11], $0x180, $0x38;
	[tilespmem:$0x1FE90] =	vst v63  }
0x5c: {  	s17 =	rddreg [dreg:$0xc]  }
0x5d: {  	[tilespmem:s29], [sflag:$0x5] =	stream.linear.gather [hbm4b:s17+s11], $0x300, $0x38;
	[tilespmem:$0x1FE90] =	vst v63  }
0x5e: {  	_ =	swait.ge [sflag:s30], $0x300  }
0x5f: {  	[sflag:s30] =	ssyncset.done $0x0  }
0x60: {  	[sflag:s30] =	ssyncadd.s32 $0xFFFFFD00  }
0x61: {  	_ =	swait.ge [sflag:s30], $0x180  }
0x62: {  	[sflag:s30] =	ssyncset.done $0x0  }
0x63: {  	[sflag:s30] =	ssyncadd.s32 $0xFFFFFE80  }
0x64: {  	_ =	swait.ge [sflag:s30], $0x300  }
0x65: {  	[sflag:s30] =	ssyncset.done $0x0  }
0x66: {  	[sflag:s30] =	ssyncadd.s32 $0xFFFFFD00  }
0x67: {  	[tilespmem:s25], [sflag:$0x1] =	stream.indirect.gather [hbm4b:s5+s31], $0x90, s11, s31, $0xb8;
	[tilespmem:$0x1FE90] =	vst v63  }
0x68: {  	_ = 	snop  }
0x69: {  	[tilespmem:s0], [sflag:$0x2] =	stream.indirect.gather [hbm4b:s5+s31], $0x90, s31, s31, $0xb8;
	[tilespmem:$0x1FE90] =	vst v63  }
0x6a: {  	_ =	swait.ge [sflag:s2], $0x4800  }
0x6b: {  	s18 =	sand.u32 $0xC0, s11;
	[sflag:s2] =	ssyncset.done $0x0  }
0x6c: {  	s4 =	sshrl.u32 s18, $0x2;
	[sflag:s2] =	ssyncadd.s32 $0xFFFFB800  }
0x6d: {  	v1 =	vld [tilespmem:s4+$0x300];
	_ =	sdelay $0x2  }
0x6e: {  	s4 =	simm.s32 $0xF40  }
0x6f: {  	s11 =	sand.u32 $0x1, s11;
	v2 =	vld [tilespmem:s4+$0xFFFFFFC0]  }
0x70: {  	s28 =	simm.s32 $0x0;
	p1 =	seq.s32 s11, $0x1;
	v3 =	vld [tilespmem:s4+$0xFFFFFFD0];
	v4 =	vunpack.i.u.bf16.f32 v1;
	v1 =	vunpack.i.l.bf16.f32 v1  }
0x71: {  	v60 =	vmov s28;
	v5 =	vld [tilespmem:s4+$0xFFFFFFE0];
	v1 =	vpsel p1, v4, v1  }
0x72: {  	v6 =	vld [tilespmem:s4+$0xFFFFFFF0];
	v1 =	vperm.xlane v1, v60  }
0x73: {  	v7 =	vld [tilespmem:s4+$0x10]  }
0x74: {  	v8 =	vld [tilespmem:s4+$0x20];
	v2 =	vmul.f32 v2, v1  }
0x75: {  	v61 =	vld [tilespmem:s4+$0x0];
	v3 =	vmul.f32 v3, v1  }
0x76: {  	v5 =	vmul.f32 v5, v1;
	[tilespmem:s4+$0xFFFFFFC0] =	vst v2;
	v2 =	vld [tilespmem:s4+$0x30]  }
0x77: {  	v6 =	vmul.f32 v6, v1;
	[tilespmem:s4+$0xFFFFFFD0] =	vst v3  }
0x78: {  	v62 =	vmul.f32 v7, v1;
	[tilespmem:s4+$0xFFFFFFE0] =	vst v5  }
0x79: {  	v63 =	vmul.f32 v8, v1;
	[tilespmem:s4+$0xFFFFFFF0] =	vst v6  }
0x7a: {  	v3 =	vmul.f32 v61, v1;
	[tilespmem:s4+$0x10] =	vst v62  }
0x7b: {  	s13 =	simm.s32 $0x1;
	s14 =	simm.s32 $0x2;
	[tilespmem:s4+$0x20] =	vst v63;
	v1 =	vmul.f32 v2, v1  }
0x7c: {  	s18 =	sand.u32 $0xC0, s14;
	s17 =	simm.s32 $0x2;
	s11 =	simm.s32 $0xFD0;
	[tilespmem:s4+$0x0] =	vst v3  }
.LBB2_4:
0x7d: {  	p1 =	sne.s32 s17, $0x7F;
	s18 =	sshrl.u32 s18, $0x2;
	v2 =	vld [tilespmem:s11+$0xFFFFFFF0];
	[tilespmem:s4+$0x30] =	vst v1;
	s4 =	smov.u32 s11  }
0x7e: {  	v1 =	vld [tilespmem:s18+$0x300]  }
0x7f: {  	v3 =	vld [tilespmem:s11+$0x30]  }
0x80: {  	v4 =	vld [tilespmem:s11+$0x10]  }
0x81: {  	v5 =	vld [tilespmem:s11+$0xFFFFFFD0]  }
0x82: {  	s18 =	sand.u32 $0x1, s13;
	v6 =	vld [tilespmem:s11+$0xFFFFFFC0]  }
0x83: {  	p2 =	seq.s32 s18, $0x1;
	s18 =	sshrl.u32 s13, $0x1;
	s13 =	smov.u32 s17;
	v7 =	vunpack.i.u.bf16.f32 v1;
	v1 =	vunpack.i.l.bf16.f32 v1;
	v8 =	vld [tilespmem:s11+$0xFFFFFFE0]  }
0x84: {  	v1 =	vpsel p2, v7, v1;
	v7 =	vmov s18;
	v9 =	vld [tilespmem:s11+$0x0]  }
0x85: {  	v1 =	vperm.xlane v1, v7;
	v7 =	vld [tilespmem:s11+$0x20];
	_ =	sdelay $0x1  }
0x86: {  	v6 =	vmul.f32 v6, v1;
	v5 =	vmul.f32 v5, v1  }
0x87: {  	v2 =	vmul.f32 v2, v1;
	v8 =	vmul.f32 v8, v1  }
0x88: {  	v4 =	vmul.f32 v4, v1;
	[tilespmem:s11+$0xFFFFFFC0] =	vst v6;
	v6 =	vmul.f32 v9, v1  }
0x89: {  	[tilespmem:s11+$0xFFFFFFD0] =	vst v5;
	v5 =	vmul.f32 v7, v1;
	v1 =	vmul.f32 v3, v1  }
.Ltmp3:
0x8a: {  	[tilespmem:s11+$0xFFFFFFE0] =	vst v8;
	(pc) =	sbr.rel @p1 .LBB2_4-.Ltmp3, $4  }
0x8b: {  	[tilespmem:s11+$0xFFFFFFF0] =	vst v2  }
0x8c: {  	[tilespmem:s11+$0x0] =	vst v6  }
0x8d: {  	s14 =	sadd.s32 $0x2, s14;
	[tilespmem:s11+$0x10] =	vst v4  }
0x8e: {  	s17 =	sadd.s32 $0x1, s17;
	s18 =	sand.u32 $0xC0, s14;
	s11 =	sadd.s32 $0x90, s11;
	[tilespmem:s4+$0x20] =	vst v5  }
0x8f: {  	s14 =	sshrl.u32 s18, $0x2;
	[tilespmem:s4+$0x30] =	vst v1  }
0x90: {  	v1 =	vld [tilespmem:s14+$0x300];
	_ =	sdelay $0x3  }
0x91: {  	s28 =	sand.u32 $0x1, s13;
	v2 =	vld [tilespmem:s11+$0xFFFFFFC0]  }
0x92: {  	v3 =	vld [tilespmem:s11+$0xFFFFFFD0];
	s13 =	sshrl.u32 s13, $0x1;
	p1 =	seq.s32 s28, $0x1;
	v4 =	vunpack.i.u.bf16.f32 v1;
	v1 =	vunpack.i.l.bf16.f32 v1  }
0x93: {  	v5 =	vld [tilespmem:s11+$0xFFFFFFE0];
	v52 =	vmov s13;
	v1 =	vpsel p1, v4, v1  }
0x94: {  	v7 =	vld [tilespmem:s11+$0x10];
	v1 =	vperm.xlane v1, v52  }
0x95: {  	v6 =	vld [tilespmem:s11+$0xFFFFFFF0]  }
0x96: {  	v53 =	vld [tilespmem:s11+$0x0];
	v2 =	vmul.f32 v2, v1  }
0x97: {  	v8 =	vld [tilespmem:s11+$0x20];
	v3 =	vmul.f32 v3, v1  }
0x98: {  	v9 =	vld [tilespmem:s11+$0x30];
	v5 =	vmul.f32 v5, v1;
	[tilespmem:s11+$0xFFFFFFC0] =	vst v2  }
0x99: {  	v54 =	vmul.f32 v7, v1;
	[tilespmem:s11+$0xFFFFFFD0] =	vst v3  }
0x9a: {  	v2 =	vmul.f32 v6, v1;
	[tilespmem:s11+$0xFFFFFFE0] =	vst v5  }
0x9b: {  	v3 =	vmul.f32 v53, v1;
	[tilespmem:s11+$0x10] =	vst v54  }
0x9c: {  	[tilespmem:s11+$0xFFFFFFF0] =	vst v2;
	v2 =	vmul.f32 v8, v1  }
0x9d: {  	[tilespmem:s11+$0x0] =	vst v3;
	v1 =	vmul.f32 v9, v1  }
0x9e: {  	[tilespmem:s11+$0x20] =	vst v2  }
0x9f: {  	[tilespmem:s11+$0x30] =	vst v1  }
0xa0: {  	[spmem:s3] =	stream.indirect.scatter.add.f32 [tilespmem:s25], [sflag:$0x3], $0x90, s29, s31, $0xb8;
	[tilespmem:$0x1FE90] =	vst v63  }
0xa1: {  	s14 =	simm.s32 $0x100  }
0xa2: {  	[tilespmem:s25], [sflag:$0x1] =	stream.indirect.gather [hbm4b:s5+s31], $0x90, s14, s31, $0xb8;
	[tilespmem:$0x1FE90] =	vst v63  }
0xa3: {  	s17 =	simm.s32 $0x0;
	_ =	swait.ge [sflag:s12], $0x4800  }
0xa4: {  	s18 =	sand.u32 $0xC0, s17;
	[sflag:s12] =	ssyncset.done $0x0  }
0xa5: {  	s4 =	sshrl.u32 s18, $0x2;
	[sflag:s12] =	ssyncadd.s32 $0xFFFFB800  }
0xa6: {  	v1 =	vld [tilespmem:s4+$0x340];
	_ =	sdelay $0x2  }
0xa7: {  	s4 =	simm.s32 $0x5740  }
0xa8: {  	s11 =	sand.u32 $0x1, s17;
	v2 =	vld [tilespmem:s4+$0xFFFFFFC0]  }
0xa9: {  	s28 =	simm.s32 $0x0;
	p6 =	seq.s32 s11, $0x1;
	v3 =	vld [tilespmem:s4+$0xFFFFFFD0];
	v55 =	vunpack.i.u.bf16.f32 v1;
	v1 =	vunpack.i.l.bf16.f32 v1  }
0xaa: {  	v57 =	vmov s28;
	v56 =	vld [tilespmem:s4+$0xFFFFFFE0];
	v1 =	vpsel p6, v55, v1  }
0xab: {  	v58 =	vld [tilespmem:s4+$0xFFFFFFF0];
	v1 =	vperm.xlane v1, v57  }
0xac: {  	v60 =	vld [tilespmem:s4+$0x10]  }
0xad: {  	v61 =	vld [tilespmem:s4+$0x20];
	v2 =	vmul.f32 v2, v1  }
0xae: {  	v59 =	vld [tilespmem:s4+$0x0];
	v3 =	vmul.f32 v3, v1  }
0xaf: {  	v5 =	vmul.f32 v56, v1;
	[tilespmem:s4+$0xFFFFFFC0] =	vst v2;
	v2 =	vld [tilespmem:s4+$0x30]  }
0xb0: {  	v6 =	vmul.f32 v58, v1;
	[tilespmem:s4+$0xFFFFFFD0] =	vst v3  }
0xb1: {  	v62 =	vmul.f32 v60, v1;
	[tilespmem:s4+$0xFFFFFFE0] =	vst v5  }
0xb2: {  	v63 =	vmul.f32 v61, v1;
	[tilespmem:s4+$0xFFFFFFF0] =	vst v6  }
0xb3: {  	v3 =	vmul.f32 v59, v1;
	[tilespmem:s4+$0x10] =	vst v62  }
0xb4: {  	s13 =	simm.s32 $0x1;
	s14 =	simm.s32 $0x2;
	[tilespmem:s4+$0x20] =	vst v63;
	v1 =	vmul.f32 v2, v1  }
0xb5: {  	s17 =	simm.s32 $0x2;
	s11 =	simm.s32 $0x57D0;
	s18 =	sand.u32 $0xC0, s14;
	[tilespmem:s4+$0x0] =	vst v3  }
.LBB2_6:
0xb6: {  	p1 =	sne.s32 s17, $0x7F;
	s18 =	sshrl.u32 s18, $0x2;
	v2 =	vld [tilespmem:s11+$0xFFFFFFF0];
	[tilespmem:s4+$0x30] =	vst v1;
	s4 =	smov.u32 s11  }
0xb7: {  	v1 =	vld [tilespmem:s18+$0x340]  }
0xb8: {  	v3 =	vld [tilespmem:s11+$0x30]  }
0xb9: {  	v4 =	vld [tilespmem:s11+$0x10]  }
0xba: {  	v5 =	vld [tilespmem:s11+$0xFFFFFFD0]  }
0xbb: {  	s18 =	sand.u32 $0x1, s13;
	v6 =	vld [tilespmem:s11+$0xFFFFFFC0]  }
0xbc: {  	p2 =	seq.s32 s18, $0x1;
	s18 =	sshrl.u32 s13, $0x1;
	s13 =	smov.u32 s17;
	v7 =	vunpack.i.u.bf16.f32 v1;
	v1 =	vunpack.i.l.bf16.f32 v1;
	v8 =	vld [tilespmem:s11+$0xFFFFFFE0]  }
0xbd: {  	v1 =	vpsel p2, v7, v1;
	v7 =	vmov s18;
	v9 =	vld [tilespmem:s11+$0x0]  }
0xbe: {  	v1 =	vperm.xlane v1, v7;
	v7 =	vld [tilespmem:s11+$0x20];
	_ =	sdelay $0x1  }
0xbf: {  	v6 =	vmul.f32 v6, v1;
	v5 =	vmul.f32 v5, v1  }
0xc0: {  	v2 =	vmul.f32 v2, v1;
	v8 =	vmul.f32 v8, v1  }
0xc1: {  	v4 =	vmul.f32 v4, v1;
	[tilespmem:s11+$0xFFFFFFC0] =	vst v6;
	v6 =	vmul.f32 v9, v1  }
0xc2: {  	[tilespmem:s11+$0xFFFFFFD0] =	vst v5;
	v5 =	vmul.f32 v7, v1;
	v1 =	vmul.f32 v3, v1  }
.Ltmp4:
0xc3: {  	[tilespmem:s11+$0xFFFFFFE0] =	vst v8;
	(pc) =	sbr.rel @p1 .LBB2_6-.Ltmp4, $4  }
0xc4: {  	[tilespmem:s11+$0xFFFFFFF0] =	vst v2  }
0xc5: {  	[tilespmem:s11+$0x0] =	vst v6  }
0xc6: {  	s14 =	sadd.s32 $0x2, s14;
	[tilespmem:s11+$0x10] =	vst v4  }
0xc7: {  	s17 =	sadd.s32 $0x1, s17;
	s18 =	sand.u32 $0xC0, s14;
	s11 =	sadd.s32 $0x90, s11;
	[tilespmem:s4+$0x20] =	vst v5  }
0xc8: {  	s14 =	sshrl.u32 s18, $0x2;
	[tilespmem:s4+$0x30] =	vst v1  }
0xc9: {  	v1 =	vld [tilespmem:s14+$0x340];
	_ =	sdelay $0x3  }
0xca: {  	s28 =	sand.u32 $0x1, s13;
	v2 =	vld [tilespmem:s11+$0xFFFFFFC0]  }
0xcb: {  	v3 =	vld [tilespmem:s11+$0xFFFFFFD0];
	p1 =	seq.s32 s28, $0x1;
	s14 =	sshrl.u32 s13, $0x1;
	v4 =	vunpack.i.u.bf16.f32 v1;
	v1 =	vunpack.i.l.bf16.f32 v1  }
0xcc: {  	v5 =	vld [tilespmem:s11+$0xFFFFFFE0];
	v52 =	vmov s14;
	v1 =	vpsel p1, v4, v1  }
0xcd: {  	v7 =	vld [tilespmem:s11+$0x10];
	v1 =	vperm.xlane v1, v52  }
0xce: {  	v6 =	vld [tilespmem:s11+$0xFFFFFFF0]  }
0xcf: {  	v53 =	vld [tilespmem:s11+$0x0];
	v2 =	vmul.f32 v2, v1  }
0xd0: {  	v8 =	vld [tilespmem:s11+$0x20];
	v3 =	vmul.f32 v3, v1  }
0xd1: {  	v9 =	vld [tilespmem:s11+$0x30];
	v5 =	vmul.f32 v5, v1;
	[tilespmem:s11+$0xFFFFFFC0] =	vst v2  }
0xd2: {  	v54 =	vmul.f32 v7, v1;
	[tilespmem:s11+$0xFFFFFFD0] =	vst v3  }
0xd3: {  	v2 =	vmul.f32 v6, v1;
	[tilespmem:s11+$0xFFFFFFE0] =	vst v5  }
0xd4: {  	v3 =	vmul.f32 v53, v1;
	[tilespmem:s11+$0x10] =	vst v54  }
0xd5: {  	[tilespmem:s11+$0xFFFFFFF0] =	vst v2;
	v2 =	vmul.f32 v8, v1  }
0xd6: {  	[tilespmem:s11+$0x0] =	vst v3;
	v1 =	vmul.f32 v9, v1  }
0xd7: {  	[tilespmem:s11+$0x20] =	vst v2  }
0xd8: {  	s17 =	simm.s32 $0x500;
	[tilespmem:s11+$0x30] =	vst v1  }
0xd9: {  	[spmem:s3] =	stream.indirect.scatter.add.f32 [tilespmem:s0], [sflag:$0x4], $0x90, s17, s31, $0xb8;
	[tilespmem:$0x1FE90] =	vst v63  }
0xda: {  	s18 =	simm.s32 $0x180  }
0xdb: {  	[tilespmem:s0], [sflag:$0x2] =	stream.indirect.gather [hbm4b:s5+s31], $0x90, s18, s31, $0xb8;
	[tilespmem:$0x1FE90] =	vst v63  }
0xdc: {  	s28 =	rddreg [dreg:$0xd];
	s11 =	simm.s32 $0x0  }
0xdd: {  	[tilespmem:s20], [sflag:$0x6] =	stream.linear.gather [hbm4b:s28+s11], $0x300, $0x38;
	[tilespmem:$0x1FE90] =	vst v63  }
0xde: {  	s13 =	rddreg [dreg:$0xe];
	s14 =	simm.s32 $0xA80  }
0xdf: {  	[tilespmem:s14], [sflag:$0x6] =	stream.linear.gather [hbm4b:s13+s11], $0x180, $0x38;
	[tilespmem:$0x1FE90] =	vst v63  }
0xe0: {  	s17 =	rddreg [dreg:$0xf]  }
0xe1: {  	[tilespmem:s15], [sflag:$0x6] =	stream.linear.gather [hbm4b:s17+s11], $0x300, $0x38;
	[tilespmem:$0x1FE90] =	vst v63  }
0xe2: {  	_ =	swait.ge [sflag:s2], $0x4800  }
0xe3: {  	[sflag:s2] =	ssyncset.done $0x0  }
0xe4: {  	[sflag:s2] =	ssyncadd.s32 $0xFFFFB800  }
0xe5: {  	_ =	swait.ge [sflag:s16], $0x4800  }
0xe6: {  	s18 =	sand.u32 $0xC0, s11;
	[sflag:s16] =	ssyncset.done $0x0  }
0xe7: {  	s4 =	sshrl.u32 s18, $0x2;
	[sflag:s16] =	ssyncadd.s32 $0xFFFFB800  }
0xe8: {  	v1 =	vld [tilespmem:s4+$0x380];
	_ =	sdelay $0x2  }
0xe9: {  	s4 =	simm.s32 $0xF40  }
0xea: {  	s11 =	sand.u32 $0x1, s11;
	v2 =	vld [tilespmem:s4+$0xFFFFFFC0]  }
0xeb: {  	s28 =	simm.s32 $0x0;
	p6 =	seq.s32 s11, $0x1;
	v3 =	vld [tilespmem:s4+$0xFFFFFFD0];
	v55 =	vunpack.i.u.bf16.f32 v1;
	v1 =	vunpack.i.l.bf16.f32 v1  }
0xec: {  	v57 =	vmov s28;
	v56 =	vld [tilespmem:s4+$0xFFFFFFE0];
	v1 =	vpsel p6, v55, v1  }
0xed: {  	v58 =	vld [tilespmem:s4+$0xFFFFFFF0];
	v1 =	vperm.xlane v1, v57  }
0xee: {  	v60 =	vld [tilespmem:s4+$0x10]  }
0xef: {  	v61 =	vld [tilespmem:s4+$0x20];
	v2 =	vmul.f32 v2, v1  }
0xf0: {  	v59 =	vld [tilespmem:s4+$0x0];
	v3 =	vmul.f32 v3, v1  }
0xf1: {  	v5 =	vmul.f32 v56, v1;
	[tilespmem:s4+$0xFFFFFFC0] =	vst v2;
	v2 =	vld [tilespmem:s4+$0x30]  }
0xf2: {  	v6 =	vmul.f32 v58, v1;
	[tilespmem:s4+$0xFFFFFFD0] =	vst v3  }
0xf3: {  	v62 =	vmul.f32 v60, v1;
	[tilespmem:s4+$0xFFFFFFE0] =	vst v5  }
0xf4: {  	v63 =	vmul.f32 v61, v1;
	[tilespmem:s4+$0xFFFFFFF0] =	vst v6  }
0xf5: {  	v3 =	vmul.f32 v59, v1;
	[tilespmem:s4+$0x10] =	vst v62  }
0xf6: {  	s13 =	simm.s32 $0x1;
	s14 =	simm.s32 $0x2;
	[tilespmem:s4+$0x20] =	vst v63;
	v1 =	vmul.f32 v2, v1  }
0xf7: {  	s18 =	sand.u32 $0xC0, s14;
	s17 =	simm.s32 $0x2;
	s11 =	simm.s32 $0xFD0;
	[tilespmem:s4+$0x0] =	vst v3  }
.LBB2_8:
0xf8: {  	p1 =	sne.s32 s17, $0x7F;
	s18 =	sshrl.u32 s18, $0x2;
	v2 =	vld [tilespmem:s11+$0xFFFFFFF0];
	[tilespmem:s4+$0x30] =	vst v1;
	s4 =	smov.u32 s11  }
0xf9: {  	v1 =	vld [tilespmem:s18+$0x380]  }
0xfa: {  	v3 =	vld [tilespmem:s11+$0x30]  }
0xfb: {  	v4 =	vld [tilespmem:s11+$0x10]  }
0xfc: {  	v5 =	vld [tilespmem:s11+$0xFFFFFFD0]  }
0xfd: {  	s18 =	sand.u32 $0x1, s13;
	v6 =	vld [tilespmem:s11+$0xFFFFFFC0]  }
0xfe: {  	p2 =	seq.s32 s18, $0x1;
	s18 =	sshrl.u32 s13, $0x1;
	s13 =	smov.u32 s17;
	v7 =	vunpack.i.u.bf16.f32 v1;
	v1 =	vunpack.i.l.bf16.f32 v1;
	v8 =	vld [tilespmem:s11+$0xFFFFFFE0]  }
0xff: {  	v1 =	vpsel p2, v7, v1;
	v7 =	vmov s18;
	v9 =	vld [tilespmem:s11+$0x0]  }
0x100: {  	v1 =	vperm.xlane v1, v7;
	v7 =	vld [tilespmem:s11+$0x20];
	_ =	sdelay $0x1  }
0x101: {  	v6 =	vmul.f32 v6, v1;
	v5 =	vmul.f32 v5, v1  }
0x102: {  	v2 =	vmul.f32 v2, v1;
	v8 =	vmul.f32 v8, v1  }
0x103: {  	v4 =	vmul.f32 v4, v1;
	[tilespmem:s11+$0xFFFFFFC0] =	vst v6;
	v6 =	vmul.f32 v9, v1  }
0x104: {  	[tilespmem:s11+$0xFFFFFFD0] =	vst v5;
	v5 =	vmul.f32 v7, v1;
	v1 =	vmul.f32 v3, v1  }
.Ltmp5:
0x105: {  	[tilespmem:s11+$0xFFFFFFE0] =	vst v8;
	(pc) =	sbr.rel @p1 .LBB2_8-.Ltmp5, $4  }
0x106: {  	[tilespmem:s11+$0xFFFFFFF0] =	vst v2  }
0x107: {  	[tilespmem:s11+$0x0] =	vst v6  }
0x108: {  	s14 =	sadd.s32 $0x2, s14;
	[tilespmem:s11+$0x10] =	vst v4  }
0x109: {  	s17 =	sadd.s32 $0x1, s17;
	s18 =	sand.u32 $0xC0, s14;
	s11 =	sadd.s32 $0x90, s11;
	[tilespmem:s4+$0x20] =	vst v5  }
0x10a: {  	s14 =	sshrl.u32 s18, $0x2;
	[tilespmem:s4+$0x30] =	vst v1  }
0x10b: {  	v1 =	vld [tilespmem:s14+$0x380];
	_ =	sdelay $0x3  }
0x10c: {  	s18 =	sand.u32 $0x1, s13;
	v2 =	vld [tilespmem:s11+$0xFFFFFFC0]  }
0x10d: {  	v3 =	vld [tilespmem:s11+$0xFFFFFFD0];
	s28 =	sshrl.u32 s13, $0x1;
	p1 =	seq.s32 s18, $0x1;
	v4 =	vunpack.i.u.bf16.f32 v1;
	v1 =	vunpack.i.l.bf16.f32 v1  }
0x10e: {  	v5 =	vld [tilespmem:s11+$0xFFFFFFE0];
	v52 =	vmov s28;
	v1 =	vpsel p1, v4, v1  }
0x10f: {  	v7 =	vld [tilespmem:s11+$0x10];
	v1 =	vperm.xlane v1, v52  }
0x110: {  	v6 =	vld [tilespmem:s11+$0xFFFFFFF0]  }
0x111: {  	v53 =	vld [tilespmem:s11+$0x0];
	v2 =	vmul.f32 v2, v1  }
0x112: {  	v8 =	vld [tilespmem:s11+$0x20];
	v3 =	vmul.f32 v3, v1  }
0x113: {  	v9 =	vld [tilespmem:s11+$0x30];
	v5 =	vmul.f32 v5, v1;
	[tilespmem:s11+$0xFFFFFFC0] =	vst v2  }
0x114: {  	v54 =	vmul.f32 v7, v1;
	[tilespmem:s11+$0xFFFFFFD0] =	vst v3  }
0x115: {  	v2 =	vmul.f32 v6, v1;
	[tilespmem:s11+$0xFFFFFFE0] =	vst v5  }
0x116: {  	v3 =	vmul.f32 v53, v1;
	[tilespmem:s11+$0x10] =	vst v54  }
0x117: {  	[tilespmem:s11+$0xFFFFFFF0] =	vst v2;
	v2 =	vmul.f32 v8, v1  }
0x118: {  	[tilespmem:s11+$0x0] =	vst v3;
	v1 =	vmul.f32 v9, v1  }
0x119: {  	[tilespmem:s11+$0x20] =	vst v2  }
0x11a: {  	s13 =	simm.s32 $0x580;
	[tilespmem:s11+$0x30] =	vst v1  }
0x11b: {  	[spmem:s3] =	stream.indirect.scatter.add.f32 [tilespmem:s25], [sflag:$0x3], $0x90, s13, s31, $0xb8;
	[tilespmem:$0x1FE90] =	vst v63  }
0x11c: {  	s14 =	simm.s32 $0x200  }
0x11d: {  	[tilespmem:s25], [sflag:$0x1] =	stream.indirect.gather [hbm4b:s5+s31], $0x90, s14, s31, $0xb8;
	[tilespmem:$0x1FE90] =	vst v63  }
0x11e: {  	_ =	swait.ge [sflag:s12], $0x4800  }
0x11f: {  	[sflag:s12] =	ssyncset.done $0x0  }
0x120: {  	[sflag:s12] =	ssyncadd.s32 $0xFFFFB800  }
0x121: {  	s17 =	simm.s32 $0x0;
	_ =	swait.ge [sflag:s19], $0x4800  }
0x122: {  	s18 =	sand.u32 $0xC0, s17;
	[sflag:s19] =	ssyncset.done $0x0  }
0x123: {  	s4 =	sshrl.u32 s18, $0x2;
	[sflag:s19] =	ssyncadd.s32 $0xFFFFB800  }
0x124: {  	v1 =	vld [tilespmem:s4+$0x3C0];
	_ =	sdelay $0x2  }
0x125: {  	s4 =	simm.s32 $0x5740  }
0x126: {  	s11 =	sand.u32 $0x1, s17;
	v2 =	vld [tilespmem:s4+$0xFFFFFFC0]  }
0x127: {  	s28 =	simm.s32 $0x0;
	p6 =	seq.s32 s11, $0x1;
	v3 =	vld [tilespmem:s4+$0xFFFFFFD0];
	v55 =	vunpack.i.u.bf16.f32 v1;
	v1 =	vunpack.i.l.bf16.f32 v1  }
0x128: {  	v57 =	vmov s28;
	v56 =	vld [tilespmem:s4+$0xFFFFFFE0];
	v1 =	vpsel p6, v55, v1  }
0x129: {  	v58 =	vld [tilespmem:s4+$0xFFFFFFF0];
	v1 =	vperm.xlane v1, v57  }
0x12a: {  	v60 =	vld [tilespmem:s4+$0x10]  }
0x12b: {  	v61 =	vld [tilespmem:s4+$0x20];
	v2 =	vmul.f32 v2, v1  }
0x12c: {  	v59 =	vld [tilespmem:s4+$0x0];
	v3 =	vmul.f32 v3, v1  }
0x12d: {  	v5 =	vmul.f32 v56, v1;
	[tilespmem:s4+$0xFFFFFFC0] =	vst v2;
	v2 =	vld [tilespmem:s4+$0x30]  }
0x12e: {  	v6 =	vmul.f32 v58, v1;
	[tilespmem:s4+$0xFFFFFFD0] =	vst v3  }
0x12f: {  	v62 =	vmul.f32 v60, v1;
	[tilespmem:s4+$0xFFFFFFE0] =	vst v5  }
0x130: {  	v63 =	vmul.f32 v61, v1;
	[tilespmem:s4+$0xFFFFFFF0] =	vst v6  }
0x131: {  	v3 =	vmul.f32 v59, v1;
	[tilespmem:s4+$0x10] =	vst v62  }
0x132: {  	s17 =	simm.s32 $0x2;
	s14 =	simm.s32 $0x2;
	[tilespmem:s4+$0x20] =	vst v63;
	v1 =	vmul.f32 v2, v1  }
0x133: {  	s13 =	simm.s32 $0x1;
	s11 =	simm.s32 $0x57D0;
	s18 =	sand.u32 $0xC0, s14;
	[tilespmem:s4+$0x0] =	vst v3  }
.LBB2_10:
0x134: {  	p1 =	sne.s32 s17, $0x7F;
	s18 =	sshrl.u32 s18, $0x2;
	v2 =	vld [tilespmem:s11+$0xFFFFFFF0];
	[tilespmem:s4+$0x30] =	vst v1;
	s4 =	smov.u32 s11  }
0x135: {  	v1 =	vld [tilespmem:s18+$0x3C0]  }
0x136: {  	v3 =	vld [tilespmem:s11+$0x30]  }
0x137: {  	v4 =	vld [tilespmem:s11+$0x10]  }
0x138: {  	v5 =	vld [tilespmem:s11+$0xFFFFFFD0]  }
0x139: {  	s18 =	sand.u32 $0x1, s13;
	v6 =	vld [tilespmem:s11+$0xFFFFFFC0]  }
0x13a: {  	p2 =	seq.s32 s18, $0x1;
	s18 =	sshrl.u32 s13, $0x1;
	s13 =	smov.u32 s17;
	v7 =	vunpack.i.u.bf16.f32 v1;
	v1 =	vunpack.i.l.bf16.f32 v1;
	v8 =	vld [tilespmem:s11+$0xFFFFFFE0]  }
0x13b: {  	v1 =	vpsel p2, v7, v1;
	v7 =	vmov s18;
	v9 =	vld [tilespmem:s11+$0x0]  }
0x13c: {  	v1 =	vperm.xlane v1, v7;
	v7 =	vld [tilespmem:s11+$0x20];
	_ =	sdelay $0x1  }
0x13d: {  	v6 =	vmul.f32 v6, v1;
	v5 =	vmul.f32 v5, v1  }
0x13e: {  	v2 =	vmul.f32 v2, v1;
	v8 =	vmul.f32 v8, v1  }
0x13f: {  	v4 =	vmul.f32 v4, v1;
	[tilespmem:s11+$0xFFFFFFC0] =	vst v6;
	v6 =	vmul.f32 v9, v1  }
0x140: {  	[tilespmem:s11+$0xFFFFFFD0] =	vst v5;
	v5 =	vmul.f32 v7, v1;
	v1 =	vmul.f32 v3, v1  }
.Ltmp6:
0x141: {  	[tilespmem:s11+$0xFFFFFFE0] =	vst v8;
	(pc) =	sbr.rel @p1 .LBB2_10-.Ltmp6, $4  }
0x142: {  	[tilespmem:s11+$0xFFFFFFF0] =	vst v2  }
0x143: {  	[tilespmem:s11+$0x0] =	vst v6  }
0x144: {  	s14 =	sadd.s32 $0x2, s14;
	[tilespmem:s11+$0x10] =	vst v4  }
0x145: {  	s17 =	sadd.s32 $0x1, s17;
	s18 =	sand.u32 $0xC0, s14;
	s11 =	sadd.s32 $0x90, s11;
	[tilespmem:s4+$0x20] =	vst v5  }
0x146: {  	s14 =	sshrl.u32 s18, $0x2;
	[tilespmem:s4+$0x30] =	vst v1  }
0x147: {  	v1 =	vld [tilespmem:s14+$0x3C0];
	_ =	sdelay $0x3  }
0x148: {  	s28 =	sand.u32 $0x1, s13;
	v2 =	vld [tilespmem:s11+$0xFFFFFFC0]  }
0x149: {  	v3 =	vld [tilespmem:s11+$0xFFFFFFD0];
	s13 =	sshrl.u32 s13, $0x1;
	p1 =	seq.s32 s28, $0x1;
	v4 =	vunpack.i.u.bf16.f32 v1;
	v1 =	vunpack.i.l.bf16.f32 v1  }
0x14a: {  	v5 =	vld [tilespmem:s11+$0xFFFFFFE0];
	v52 =	vmov s13;
	v1 =	vpsel p1, v4, v1  }
0x14b: {  	v7 =	vld [tilespmem:s11+$0x10];
	v1 =	vperm.xlane v1, v52  }
0x14c: {  	v6 =	vld [tilespmem:s11+$0xFFFFFFF0]  }
0x14d: {  	v53 =	vld [tilespmem:s11+$0x0];
	v2 =	vmul.f32 v2, v1  }
0x14e: {  	v8 =	vld [tilespmem:s11+$0x20];
	v3 =	vmul.f32 v3, v1  }
0x14f: {  	v9 =	vld [tilespmem:s11+$0x30];
	v5 =	vmul.f32 v5, v1;
	[tilespmem:s11+$0xFFFFFFC0] =	vst v2  }
0x150: {  	v54 =	vmul.f32 v7, v1;
	[tilespmem:s11+$0xFFFFFFD0] =	vst v3  }
0x151: {  	v2 =	vmul.f32 v6, v1;
	[tilespmem:s11+$0xFFFFFFE0] =	vst v5  }
0x152: {  	v3 =	vmul.f32 v53, v1;
	[tilespmem:s11+$0x10] =	vst v54  }
0x153: {  	[tilespmem:s11+$0xFFFFFFF0] =	vst v2;
	v2 =	vmul.f32 v8, v1  }
0x154: {  	[tilespmem:s11+$0x0] =	vst v3;
	v1 =	vmul.f32 v9, v1  }
0x155: {  	[tilespmem:s11+$0x20] =	vst v2  }
0x156: {  	s14 =	simm.s32 $0x600;
	[tilespmem:s11+$0x30] =	vst v1  }
0x157: {  	[spmem:s3] =	stream.indirect.scatter.add.f32 [tilespmem:s0], [sflag:$0x4], $0x90, s14, s31, $0xb8;
	[tilespmem:$0x1FE90] =	vst v63  }
0x158: {  	_ = 	snop  }
0x159: {  	[tilespmem:s0], [sflag:$0x2] =	stream.indirect.gather [hbm4b:s5+s31], $0x90, s22, s31, $0xb8;
	[tilespmem:$0x1FE90] =	vst v63  }
0x15a: {  	_ =	swait.ge [sflag:s2], $0x4800  }
0x15b: {  	[sflag:s2] =	ssyncset.done $0x0  }
0x15c: {  	[sflag:s2] =	ssyncadd.s32 $0xFFFFB800  }
0x15d: {  	s17 =	simm.s32 $0x0;
	_ =	swait.ge [sflag:s16], $0x4800  }
0x15e: {  	s18 =	sand.u32 $0xC0, s17;
	[sflag:s16] =	ssyncset.done $0x0  }
0x15f: {  	s4 =	sshrl.u32 s18, $0x2;
	[sflag:s16] =	ssyncadd.s32 $0xFFFFB800  }
0x160: {  	v1 =	vld [tilespmem:s4+$0x400];
	_ =	sdelay $0x2  }
0x161: {  	s4 =	simm.s32 $0xF40  }
0x162: {  	s11 =	sand.u32 $0x1, s17;
	v2 =	vld [tilespmem:s4+$0xFFFFFFC0]  }
0x163: {  	s28 =	simm.s32 $0x0;
	p6 =	seq.s32 s11, $0x1;
	v3 =	vld [tilespmem:s4+$0xFFFFFFD0];
	v55 =	vunpack.i.u.bf16.f32 v1;
	v1 =	vunpack.i.l.bf16.f32 v1  }
0x164: {  	v57 =	vmov s28;
	v56 =	vld [tilespmem:s4+$0xFFFFFFE0];
	v1 =	vpsel p6, v55, v1  }
0x165: {  	v58 =	vld [tilespmem:s4+$0xFFFFFFF0];
	v1 =	vperm.xlane v1, v57  }
0x166: {  	v60 =	vld [tilespmem:s4+$0x10]  }
0x167: {  	v61 =	vld [tilespmem:s4+$0x20];
	v2 =	vmul.f32 v2, v1  }
0x168: {  	v59 =	vld [tilespmem:s4+$0x0];
	v3 =	vmul.f32 v3, v1  }
0x169: {  	v5 =	vmul.f32 v56, v1;
	[tilespmem:s4+$0xFFFFFFC0] =	vst v2;
	v2 =	vld [tilespmem:s4+$0x30]  }
0x16a: {  	v6 =	vmul.f32 v58, v1;
	[tilespmem:s4+$0xFFFFFFD0] =	vst v3  }
0x16b: {  	v62 =	vmul.f32 v60, v1;
	[tilespmem:s4+$0xFFFFFFE0] =	vst v5  }
0x16c: {  	v63 =	vmul.f32 v61, v1;
	[tilespmem:s4+$0xFFFFFFF0] =	vst v6  }
0x16d: {  	v3 =	vmul.f32 v59, v1;
	[tilespmem:s4+$0x10] =	vst v62  }
0x16e: {  	s13 =	simm.s32 $0x1;
	s14 =	simm.s32 $0x2;
	[tilespmem:s4+$0x20] =	vst v63;
	v1 =	vmul.f32 v2, v1  }
0x16f: {  	s17 =	simm.s32 $0x2;
	s11 =	simm.s32 $0xFD0;
	s18 =	sand.u32 $0xC0, s14;
	[tilespmem:s4+$0x0] =	vst v3  }
.LBB2_12:
0x170: {  	p1 =	sne.s32 s17, $0x7F;
	s18 =	sshrl.u32 s18, $0x2;
	v2 =	vld [tilespmem:s11+$0xFFFFFFF0];
	[tilespmem:s4+$0x30] =	vst v1;
	s4 =	smov.u32 s11  }
0x171: {  	v1 =	vld [tilespmem:s18+$0x400]  }
0x172: {  	v3 =	vld [tilespmem:s11+$0x30]  }
0x173: {  	v4 =	vld [tilespmem:s11+$0x10]  }
0x174: {  	v5 =	vld [tilespmem:s11+$0xFFFFFFD0]  }
0x175: {  	s18 =	sand.u32 $0x1, s13;
	v6 =	vld [tilespmem:s11+$0xFFFFFFC0]  }
0x176: {  	p2 =	seq.s32 s18, $0x1;
	s18 =	sshrl.u32 s13, $0x1;
	s13 =	smov.u32 s17;
	v7 =	vunpack.i.u.bf16.f32 v1;
	v1 =	vunpack.i.l.bf16.f32 v1;
	v8 =	vld [tilespmem:s11+$0xFFFFFFE0]  }
0x177: {  	v1 =	vpsel p2, v7, v1;
	v7 =	vmov s18;
	v9 =	vld [tilespmem:s11+$0x0]  }
0x178: {  	v1 =	vperm.xlane v1, v7;
	v7 =	vld [tilespmem:s11+$0x20];
	_ =	sdelay $0x1  }
0x179: {  	v6 =	vmul.f32 v6, v1;
	v5 =	vmul.f32 v5, v1  }
0x17a: {  	v2 =	vmul.f32 v2, v1;
	v8 =	vmul.f32 v8, v1  }
0x17b: {  	v4 =	vmul.f32 v4, v1;
	[tilespmem:s11+$0xFFFFFFC0] =	vst v6;
	v6 =	vmul.f32 v9, v1  }
0x17c: {  	[tilespmem:s11+$0xFFFFFFD0] =	vst v5;
	v5 =	vmul.f32 v7, v1;
	v1 =	vmul.f32 v3, v1  }
.Ltmp7:
0x17d: {  	[tilespmem:s11+$0xFFFFFFE0] =	vst v8;
	(pc) =	sbr.rel @p1 .LBB2_12-.Ltmp7, $4  }
0x17e: {  	[tilespmem:s11+$0xFFFFFFF0] =	vst v2  }
0x17f: {  	[tilespmem:s11+$0x0] =	vst v6  }
0x180: {  	s14 =	sadd.s32 $0x2, s14;
	[tilespmem:s11+$0x10] =	vst v4  }
0x181: {  	s17 =	sadd.s32 $0x1, s17;
	s18 =	sand.u32 $0xC0, s14;
	s11 =	sadd.s32 $0x90, s11;
	[tilespmem:s4+$0x20] =	vst v5  }
0x182: {  	s14 =	sshrl.u32 s18, $0x2;
	[tilespmem:s4+$0x30] =	vst v1  }
0x183: {  	v1 =	vld [tilespmem:s14+$0x400];
	_ =	sdelay $0x3  }
0x184: {  	s28 =	sand.u32 $0x1, s13;
	v2 =	vld [tilespmem:s11+$0xFFFFFFC0]  }
0x185: {  	v3 =	vld [tilespmem:s11+$0xFFFFFFD0];
	p1 =	seq.s32 s28, $0x1;
	s14 =	sshrl.u32 s13, $0x1;
	v4 =	vunpack.i.u.bf16.f32 v1;
	v1 =	vunpack.i.l.bf16.f32 v1  }
0x186: {  	v5 =	vld [tilespmem:s11+$0xFFFFFFE0];
	v52 =	vmov s14;
	v1 =	vpsel p1, v4, v1  }
0x187: {  	v7 =	vld [tilespmem:s11+$0x10];
	v1 =	vperm.xlane v1, v52  }
0x188: {  	v6 =	vld [tilespmem:s11+$0xFFFFFFF0]  }
0x189: {  	v53 =	vld [tilespmem:s11+$0x0];
	v2 =	vmul.f32 v2, v1  }
0x18a: {  	v8 =	vld [tilespmem:s11+$0x20];
	v3 =	vmul.f32 v3, v1  }
0x18b: {  	v9 =	vld [tilespmem:s11+$0x30];
	v5 =	vmul.f32 v5, v1;
	[tilespmem:s11+$0xFFFFFFC0] =	vst v2  }
0x18c: {  	v54 =	vmul.f32 v7, v1;
	[tilespmem:s11+$0xFFFFFFD0] =	vst v3  }
0x18d: {  	v2 =	vmul.f32 v6, v1;
	[tilespmem:s11+$0xFFFFFFE0] =	vst v5  }
0x18e: {  	v3 =	vmul.f32 v53, v1;
	[tilespmem:s11+$0x10] =	vst v54  }
0x18f: {  	[tilespmem:s11+$0xFFFFFFF0] =	vst v2;
	v2 =	vmul.f32 v8, v1  }
0x190: {  	[tilespmem:s11+$0x0] =	vst v3;
	v1 =	vmul.f32 v9, v1  }
0x191: {  	[tilespmem:s11+$0x20] =	vst v2  }
0x192: {  	s17 =	simm.s32 $0x6;
	[tilespmem:s11+$0x30] =	vst v1  }
0x193: {  	[spmem:s3] =	stream.indirect.scatter.add.f32 [tilespmem:s25], [sflag:$0x3], $0x90, s23, s31, $0xb8;
	[tilespmem:$0x1FE90] =	vst v63  }
0x194: {  	_ =	swait.ge [sflag:s17], $0x300  }
0x195: {  	[sflag:s17] =	ssyncset.done $0x0  }
0x196: {  	[sflag:s17] =	ssyncadd.s32 $0xFFFFFD00  }
0x197: {  	_ =	swait.ge [sflag:s17], $0x180  }
0x198: {  	[sflag:s17] =	ssyncset.done $0x0  }
0x199: {  	[sflag:s17] =	ssyncadd.s32 $0xFFFFFE80  }
0x19a: {  	_ =	swait.ge [sflag:s17], $0x300  }
0x19b: {  	[sflag:s17] =	ssyncset.done $0x0  }
0x19c: {  	[sflag:s17] =	ssyncadd.s32 $0xFFFFFD00  }
0x19d: {  	[tilespmem:s25], [sflag:$0x1] =	stream.indirect.gather [hbm4b:s5+s31], $0x90, s20, s31, $0xb8;
	[tilespmem:$0x1FE90] =	vst v63  }
0x19e: {  	_ =	swait.ge [sflag:s12], $0x4800  }
0x19f: {  	[sflag:s12] =	ssyncset.done $0x0  }
0x1a0: {  	[sflag:s12] =	ssyncadd.s32 $0xFFFFB800  }
0x1a1: {  	s18 =	simm.s32 $0x0;
	_ =	swait.ge [sflag:s19], $0x4800  }
0x1a2: {  	s20 =	sand.u32 $0xC0, s18;
	[sflag:s19] =	ssyncset.done $0x0  }
0x1a3: {  	s4 =	sshrl.u32 s20, $0x2;
	[sflag:s19] =	ssyncadd.s32 $0xFFFFB800  }
0x1a4: {  	v1 =	vld [tilespmem:s4+$0x440];
	_ =	sdelay $0x2  }
0x1a5: {  	s4 =	simm.s32 $0x5740  }
0x1a6: {  	s11 =	sand.u32 $0x1, s18;
	v2 =	vld [tilespmem:s4+$0xFFFFFFC0]  }
0x1a7: {  	s28 =	simm.s32 $0x0;
	p6 =	seq.s32 s11, $0x1;
	v3 =	vld [tilespmem:s4+$0xFFFFFFD0];
	v55 =	vunpack.i.u.bf16.f32 v1;
	v1 =	vunpack.i.l.bf16.f32 v1  }
0x1a8: {  	v57 =	vmov s28;
	v56 =	vld [tilespmem:s4+$0xFFFFFFE0];
	v1 =	vpsel p6, v55, v1  }
0x1a9: {  	v58 =	vld [tilespmem:s4+$0xFFFFFFF0];
	v1 =	vperm.xlane v1, v57  }
0x1aa: {  	v60 =	vld [tilespmem:s4+$0x10]  }
0x1ab: {  	v61 =	vld [tilespmem:s4+$0x20];
	v2 =	vmul.f32 v2, v1  }
0x1ac: {  	v59 =	vld [tilespmem:s4+$0x0];
	v3 =	vmul.f32 v3, v1  }
0x1ad: {  	v5 =	vmul.f32 v56, v1;
	[tilespmem:s4+$0xFFFFFFC0] =	vst v2;
	v2 =	vld [tilespmem:s4+$0x30]  }
0x1ae: {  	v6 =	vmul.f32 v58, v1;
	[tilespmem:s4+$0xFFFFFFD0] =	vst v3  }
0x1af: {  	v62 =	vmul.f32 v60, v1;
	[tilespmem:s4+$0xFFFFFFE0] =	vst v5  }
0x1b0: {  	v63 =	vmul.f32 v61, v1;
	[tilespmem:s4+$0xFFFFFFF0] =	vst v6  }
0x1b1: {  	v3 =	vmul.f32 v59, v1;
	[tilespmem:s4+$0x10] =	vst v62  }
0x1b2: {  	s13 =	simm.s32 $0x1;
	s14 =	simm.s32 $0x2;
	[tilespmem:s4+$0x20] =	vst v63;
	v1 =	vmul.f32 v2, v1  }
0x1b3: {  	s11 =	simm.s32 $0x57D0;
	s17 =	simm.s32 $0x2;
	s18 =	sand.u32 $0xC0, s14;
	[tilespmem:s4+$0x0] =	vst v3  }
.LBB2_14:
0x1b4: {  	p1 =	sne.s32 s17, $0x7F;
	s18 =	sshrl.u32 s18, $0x2;
	v2 =	vld [tilespmem:s11+$0xFFFFFFF0];
	[tilespmem:s4+$0x30] =	vst v1;
	s4 =	smov.u32 s11  }
0x1b5: {  	v1 =	vld [tilespmem:s18+$0x440]  }
0x1b6: {  	v3 =	vld [tilespmem:s11+$0x30]  }
0x1b7: {  	v4 =	vld [tilespmem:s11+$0x10]  }
0x1b8: {  	v5 =	vld [tilespmem:s11+$0xFFFFFFD0]  }
0x1b9: {  	s18 =	sand.u32 $0x1, s13;
	v6 =	vld [tilespmem:s11+$0xFFFFFFC0]  }
0x1ba: {  	p2 =	seq.s32 s18, $0x1;
	s18 =	sshrl.u32 s13, $0x1;
	s13 =	smov.u32 s17;
	v7 =	vunpack.i.u.bf16.f32 v1;
	v1 =	vunpack.i.l.bf16.f32 v1;
	v8 =	vld [tilespmem:s11+$0xFFFFFFE0]  }
0x1bb: {  	v1 =	vpsel p2, v7, v1;
	v7 =	vmov s18;
	v9 =	vld [tilespmem:s11+$0x0]  }
0x1bc: {  	v1 =	vperm.xlane v1, v7;
	v7 =	vld [tilespmem:s11+$0x20];
	_ =	sdelay $0x1  }
0x1bd: {  	v6 =	vmul.f32 v6, v1;
	v5 =	vmul.f32 v5, v1  }
0x1be: {  	v2 =	vmul.f32 v2, v1;
	v8 =	vmul.f32 v8, v1  }
0x1bf: {  	v4 =	vmul.f32 v4, v1;
	[tilespmem:s11+$0xFFFFFFC0] =	vst v6;
	v6 =	vmul.f32 v9, v1  }
0x1c0: {  	[tilespmem:s11+$0xFFFFFFD0] =	vst v5;
	v5 =	vmul.f32 v7, v1;
	v1 =	vmul.f32 v3, v1  }
.Ltmp8:
0x1c1: {  	[tilespmem:s11+$0xFFFFFFE0] =	vst v8;
	(pc) =	sbr.rel @p1 .LBB2_14-.Ltmp8, $4  }
0x1c2: {  	[tilespmem:s11+$0xFFFFFFF0] =	vst v2  }
0x1c3: {  	[tilespmem:s11+$0x0] =	vst v6  }
0x1c4: {  	s14 =	sadd.s32 $0x2, s14;
	[tilespmem:s11+$0x10] =	vst v4  }
0x1c5: {  	s17 =	sadd.s32 $0x1, s17;
	s18 =	sand.u32 $0xC0, s14;
	s11 =	sadd.s32 $0x90, s11;
	[tilespmem:s4+$0x20] =	vst v5  }
0x1c6: {  	s14 =	sshrl.u32 s18, $0x2;
	[tilespmem:s4+$0x30] =	vst v1  }
0x1c7: {  	v1 =	vld [tilespmem:s14+$0x440];
	_ =	sdelay $0x3  }
0x1c8: {  	s18 =	sand.u32 $0x1, s13;
	v2 =	vld [tilespmem:s11+$0xFFFFFFC0]  }
0x1c9: {  	v3 =	vld [tilespmem:s11+$0xFFFFFFD0];
	s20 =	sshrl.u32 s13, $0x1;
	p1 =	seq.s32 s18, $0x1;
	v4 =	vunpack.i.u.bf16.f32 v1;
	v1 =	vunpack.i.l.bf16.f32 v1  }
0x1ca: {  	v5 =	vld [tilespmem:s11+$0xFFFFFFE0];
	v61 =	vmov s20;
	v1 =	vpsel p1, v4, v1  }
0x1cb: {  	v7 =	vld [tilespmem:s11+$0x10];
	v1 =	vperm.xlane v1, v61  }
0x1cc: {  	v6 =	vld [tilespmem:s11+$0xFFFFFFF0]  }
0x1cd: {  	v62 =	vld [tilespmem:s11+$0x0];
	v2 =	vmul.f32 v2, v1  }
0x1ce: {  	v8 =	vld [tilespmem:s11+$0x20];
	v3 =	vmul.f32 v3, v1  }
0x1cf: {  	v9 =	vld [tilespmem:s11+$0x30];
	v5 =	vmul.f32 v5, v1;
	[tilespmem:s11+$0xFFFFFFC0] =	vst v2  }
0x1d0: {  	v63 =	vmul.f32 v7, v1;
	[tilespmem:s11+$0xFFFFFFD0] =	vst v3  }
0x1d1: {  	v2 =	vmul.f32 v6, v1;
	[tilespmem:s11+$0xFFFFFFE0] =	vst v5  }
0x1d2: {  	v3 =	vmul.f32 v62, v1;
	[tilespmem:s11+$0x10] =	vst v63  }
0x1d3: {  	[tilespmem:s11+$0xFFFFFFF0] =	vst v2;
	v2 =	vmul.f32 v8, v1  }
0x1d4: {  	[tilespmem:s11+$0x0] =	vst v3;
	v1 =	vmul.f32 v9, v1  }
0x1d5: {  	[tilespmem:s11+$0x20] =	vst v2  }
0x1d6: {  	[tilespmem:s11+$0x30] =	vst v1  }
0x1d7: {  	[spmem:s3] =	stream.indirect.scatter.add.f32 [tilespmem:s0], [sflag:$0x4], $0x90, s10, s31, $0xb8;
	[tilespmem:$0x1FE90] =	vst v63  }
0x1d8: {  	s28 =	simm.s32 $0x800;
	s4 =	simm.s32 $0x0  }
0x1d9: {  	[tilespmem:s0], [sflag:$0x2] =	stream.indirect.gather [hbm4b:s5+s31], $0x90, s28, s31, $0xb8;
	[tilespmem:$0x1FE90] =	vst v63  }
.LBB2_16:
0x1da: {  	_ =	swait.ge [sflag:s2], $0x4800  }
0x1db: {  	[sflag:s2] =	ssyncset.done $0x0  }
0x1dc: {  	[sflag:s2] =	ssyncadd.s32 $0xFFFFB800  }
0x1dd: {  	_ =	swait.ge [sflag:s16], $0x4800  }
0x1de: {  	s11 =	sand.u32 $0xC0, s26;
	[sflag:s16] =	ssyncset.done $0x0  }
0x1df: {  	s11 =	sshrl.u32 s11, $0x2;
	[sflag:s16] =	ssyncadd.s32 $0xFFFFB800  }
0x1e0: {  	v1 =	vld [tilespmem:s11+$0xA80];
	_ =	sdelay $0x2  }
0x1e1: {  	s28 =	simm.s32 $0xF40  }
0x1e2: {  	s18 =	sand.u32 $0x1, s26;
	v2 =	vld [tilespmem:s28+$0xFFFFFFC0]  }
0x1e3: {  	s20 =	simm.s32 $0x0;
	p1 =	seq.s32 s18, $0x1;
	v3 =	vld [tilespmem:s28+$0xFFFFFFD0];
	v4 =	vunpack.i.u.bf16.f32 v1;
	v1 =	vunpack.i.l.bf16.f32 v1  }
0x1e4: {  	v60 =	vmov s20;
	v5 =	vld [tilespmem:s28+$0xFFFFFFE0];
	v1 =	vpsel p1, v4, v1  }
0x1e5: {  	v6 =	vld [tilespmem:s28+$0xFFFFFFF0];
	v1 =	vperm.xlane v1, v60  }
0x1e6: {  	v7 =	vld [tilespmem:s28+$0x10]  }
0x1e7: {  	v8 =	vld [tilespmem:s28+$0x20];
	v2 =	vmul.f32 v2, v1  }
0x1e8: {  	v61 =	vld [tilespmem:s28+$0x0];
	v3 =	vmul.f32 v3, v1  }
0x1e9: {  	v5 =	vmul.f32 v5, v1;
	[tilespmem:s28+$0xFFFFFFC0] =	vst v2;
	v2 =	vld [tilespmem:s28+$0x30]  }
0x1ea: {  	v6 =	vmul.f32 v6, v1;
	[tilespmem:s28+$0xFFFFFFD0] =	vst v3  }
0x1eb: {  	v62 =	vmul.f32 v7, v1;
	[tilespmem:s28+$0xFFFFFFE0] =	vst v5  }
0x1ec: {  	v63 =	vmul.f32 v8, v1;
	[tilespmem:s28+$0xFFFFFFF0] =	vst v6  }
0x1ed: {  	v3 =	vmul.f32 v61, v1;
	[tilespmem:s28+$0x10] =	vst v62  }
0x1ee: {  	s13 =	simm.s32 $0x1;
	s14 =	simm.s32 $0x2;
	[tilespmem:s28+$0x20] =	vst v63;
	v1 =	vmul.f32 v2, v1  }
0x1ef: {  	s17 =	simm.s32 $0x2;
	s18 =	sand.u32 $0xC0, s14;
	s11 =	simm.s32 $0xFD0;
	[tilespmem:s28+$0x0] =	vst v3  }
.LBB2_17:
0x1f0: {  	p1 =	sne.s32 s17, $0x7F;
	s18 =	sshrl.u32 s18, $0x2;
	v2 =	vld [tilespmem:s11+$0xFFFFFFF0];
	[tilespmem:s28+$0x30] =	vst v1;
	s28 =	smov.u32 s11  }
0x1f1: {  	v1 =	vld [tilespmem:s18+$0xA80]  }
0x1f2: {  	v3 =	vld [tilespmem:s11+$0x30]  }
0x1f3: {  	v4 =	vld [tilespmem:s11+$0x10]  }
0x1f4: {  	v5 =	vld [tilespmem:s11+$0xFFFFFFD0]  }
0x1f5: {  	s18 =	sand.u32 $0x1, s13;
	v6 =	vld [tilespmem:s11+$0xFFFFFFC0]  }
0x1f6: {  	p2 =	seq.s32 s18, $0x1;
	s18 =	sshrl.u32 s13, $0x1;
	s13 =	smov.u32 s17;
	v7 =	vunpack.i.u.bf16.f32 v1;
	v1 =	vunpack.i.l.bf16.f32 v1;
	v8 =	vld [tilespmem:s11+$0xFFFFFFE0]  }
0x1f7: {  	v1 =	vpsel p2, v7, v1;
	v7 =	vmov s18;
	v9 =	vld [tilespmem:s11+$0x0]  }
0x1f8: {  	v1 =	vperm.xlane v1, v7;
	v7 =	vld [tilespmem:s11+$0x20];
	_ =	sdelay $0x1  }
0x1f9: {  	v6 =	vmul.f32 v6, v1;
	v5 =	vmul.f32 v5, v1  }
0x1fa: {  	v2 =	vmul.f32 v2, v1;
	v8 =	vmul.f32 v8, v1  }
0x1fb: {  	v4 =	vmul.f32 v4, v1;
	[tilespmem:s11+$0xFFFFFFC0] =	vst v6;
	v6 =	vmul.f32 v9, v1  }
0x1fc: {  	[tilespmem:s11+$0xFFFFFFD0] =	vst v5;
	v5 =	vmul.f32 v7, v1;
	v1 =	vmul.f32 v3, v1  }
.Ltmp9:
0x1fd: {  	[tilespmem:s11+$0xFFFFFFE0] =	vst v8;
	(pc) =	sbr.rel @p1 .LBB2_17-.Ltmp9, $4  }
0x1fe: {  	[tilespmem:s11+$0xFFFFFFF0] =	vst v2  }
0x1ff: {  	[tilespmem:s11+$0x0] =	vst v6  }
0x200: {  	s14 =	sadd.s32 $0x2, s14;
	[tilespmem:s11+$0x10] =	vst v4  }
0x201: {  	s17 =	sadd.s32 $0x1, s17;
	s18 =	sand.u32 $0xC0, s14;
	s11 =	sadd.s32 $0x90, s11;
	[tilespmem:s28+$0x20] =	vst v5  }
0x202: {  	s14 =	sshrl.u32 s18, $0x2;
	[tilespmem:s28+$0x30] =	vst v1  }
0x203: {  	v1 =	vld [tilespmem:s14+$0xA80];
	_ =	sdelay $0x3  }
0x204: {  	s18 =	sand.u32 $0x1, s13;
	v2 =	vld [tilespmem:s11+$0xFFFFFFC0]  }
0x205: {  	v3 =	vld [tilespmem:s11+$0xFFFFFFD0];
	s20 =	sshrl.u32 s13, $0x1;
	p1 =	seq.s32 s18, $0x1;
	v4 =	vunpack.i.u.bf16.f32 v1;
	v1 =	vunpack.i.l.bf16.f32 v1  }
0x206: {  	v5 =	vld [tilespmem:s11+$0xFFFFFFE0];
	v52 =	vmov s20;
	v1 =	vpsel p1, v4, v1  }
0x207: {  	v7 =	vld [tilespmem:s11+$0x10];
	v1 =	vperm.xlane v1, v52  }
0x208: {  	v6 =	vld [tilespmem:s11+$0xFFFFFFF0]  }
0x209: {  	v53 =	vld [tilespmem:s11+$0x0];
	v2 =	vmul.f32 v2, v1  }
0x20a: {  	v8 =	vld [tilespmem:s11+$0x20];
	v3 =	vmul.f32 v3, v1  }
0x20b: {  	v9 =	vld [tilespmem:s11+$0x30];
	v5 =	vmul.f32 v5, v1;
	[tilespmem:s11+$0xFFFFFFC0] =	vst v2  }
0x20c: {  	v54 =	vmul.f32 v7, v1;
	[tilespmem:s11+$0xFFFFFFD0] =	vst v3  }
0x20d: {  	v2 =	vmul.f32 v6, v1;
	[tilespmem:s11+$0xFFFFFFE0] =	vst v5  }
0x20e: {  	v3 =	vmul.f32 v53, v1;
	[tilespmem:s11+$0x10] =	vst v54  }
0x20f: {  	[tilespmem:s11+$0xFFFFFFF0] =	vst v2;
	v2 =	vmul.f32 v8, v1  }
0x210: {  	[tilespmem:s11+$0x0] =	vst v3;
	v1 =	vmul.f32 v9, v1  }
0x211: {  	[tilespmem:s11+$0x20] =	vst v2  }
0x212: {  	[tilespmem:s11+$0x30] =	vst v1  }
0x213: {  	[spmem:s3] =	stream.indirect.scatter.add.f32 [tilespmem:s25], [sflag:$0x3], $0x90, s15, s31, $0xb8;
	[tilespmem:$0x1FE90] =	vst v63  }
0x214: {  	s14 =	simm.s32 $0x880  }
0x215: {  	[tilespmem:s25], [sflag:$0x1] =	stream.indirect.gather [hbm4b:s5+s31], $0x90, s14, s31, $0xb8;
	[tilespmem:$0x1FE90] =	vst v63  }
0x216: {  	_ =	swait.ge [sflag:s12], $0x4800  }
0x217: {  	[sflag:s12] =	ssyncset.done $0x0  }
0x218: {  	[sflag:s12] =	ssyncadd.s32 $0xFFFFB800  }
0x219: {  	s17 =	simm.s32 $0x0;
	_ =	swait.ge [sflag:s19], $0x4800  }
0x21a: {  	s18 =	sand.u32 $0xC0, s17;
	[sflag:s19] =	ssyncset.done $0x0  }
0x21b: {  	s13 =	sshrl.u32 s18, $0x2;
	[sflag:s19] =	ssyncadd.s32 $0xFFFFB800  }
0x21c: {  	v1 =	vld [tilespmem:s13+$0xAC0];
	_ =	sdelay $0x2  }
0x21d: {  	s28 =	simm.s32 $0x5740  }
0x21e: {  	s11 =	sand.u32 $0x1, s17;
	v2 =	vld [tilespmem:s28+$0xFFFFFFC0]  }
0x21f: {  	s20 =	simm.s32 $0x0;
	p6 =	seq.s32 s11, $0x1;
	v3 =	vld [tilespmem:s28+$0xFFFFFFD0];
	v55 =	vunpack.i.u.bf16.f32 v1;
	v1 =	vunpack.i.l.bf16.f32 v1  }
0x220: {  	v57 =	vmov s20;
	v56 =	vld [tilespmem:s28+$0xFFFFFFE0];
	v1 =	vpsel p6, v55, v1  }
0x221: {  	v58 =	vld [tilespmem:s28+$0xFFFFFFF0];
	v1 =	vperm.xlane v1, v57  }
0x222: {  	v60 =	vld [tilespmem:s28+$0x10]  }
0x223: {  	v61 =	vld [tilespmem:s28+$0x20];
	v2 =	vmul.f32 v2, v1  }
0x224: {  	v59 =	vld [tilespmem:s28+$0x0];
	v3 =	vmul.f32 v3, v1  }
0x225: {  	v5 =	vmul.f32 v56, v1;
	[tilespmem:s28+$0xFFFFFFC0] =	vst v2;
	v2 =	vld [tilespmem:s28+$0x30]  }
0x226: {  	v6 =	vmul.f32 v58, v1;
	[tilespmem:s28+$0xFFFFFFD0] =	vst v3  }
0x227: {  	v62 =	vmul.f32 v60, v1;
	[tilespmem:s28+$0xFFFFFFE0] =	vst v5  }
0x228: {  	v63 =	vmul.f32 v61, v1;
	[tilespmem:s28+$0xFFFFFFF0] =	vst v6  }
0x229: {  	v3 =	vmul.f32 v59, v1;
	[tilespmem:s28+$0x10] =	vst v62  }
0x22a: {  	s17 =	simm.s32 $0x2;
	s14 =	simm.s32 $0x2;
	[tilespmem:s28+$0x20] =	vst v63;
	v1 =	vmul.f32 v2, v1  }
0x22b: {  	s11 =	simm.s32 $0x57D0;
	s18 =	sand.u32 $0xC0, s14;
	s13 =	simm.s32 $0x1;
	[tilespmem:s28+$0x0] =	vst v3  }
.LBB2_19:
0x22c: {  	p1 =	sne.s32 s17, $0x7F;
	s18 =	sshrl.u32 s18, $0x2;
	v2 =	vld [tilespmem:s11+$0xFFFFFFF0];
	[tilespmem:s28+$0x30] =	vst v1;
	s28 =	smov.u32 s11  }
0x22d: {  	v1 =	vld [tilespmem:s18+$0xAC0]  }
0x22e: {  	v3 =	vld [tilespmem:s11+$0x30]  }
0x22f: {  	v4 =	vld [tilespmem:s11+$0x10]  }
0x230: {  	v5 =	vld [tilespmem:s11+$0xFFFFFFD0]  }
0x231: {  	s18 =	sand.u32 $0x1, s13;
	v6 =	vld [tilespmem:s11+$0xFFFFFFC0]  }
0x232: {  	p2 =	seq.s32 s18, $0x1;
	s18 =	sshrl.u32 s13, $0x1;
	s13 =	smov.u32 s17;
	v7 =	vunpack.i.u.bf16.f32 v1;
	v1 =	vunpack.i.l.bf16.f32 v1;
	v8 =	vld [tilespmem:s11+$0xFFFFFFE0]  }
0x233: {  	v1 =	vpsel p2, v7, v1;
	v7 =	vmov s18;
	v9 =	vld [tilespmem:s11+$0x0]  }
0x234: {  	v1 =	vperm.xlane v1, v7;
	v7 =	vld [tilespmem:s11+$0x20];
	_ =	sdelay $0x1  }
0x235: {  	v6 =	vmul.f32 v6, v1;
	v5 =	vmul.f32 v5, v1  }
0x236: {  	v2 =	vmul.f32 v2, v1;
	v8 =	vmul.f32 v8, v1  }
0x237: {  	v4 =	vmul.f32 v4, v1;
	[tilespmem:s11+$0xFFFFFFC0] =	vst v6;
	v6 =	vmul.f32 v9, v1  }
0x238: {  	[tilespmem:s11+$0xFFFFFFD0] =	vst v5;
	v5 =	vmul.f32 v7, v1;
	v1 =	vmul.f32 v3, v1  }
.Ltmp10:
0x239: {  	[tilespmem:s11+$0xFFFFFFE0] =	vst v8;
	(pc) =	sbr.rel @p1 .LBB2_19-.Ltmp10, $4  }
0x23a: {  	[tilespmem:s11+$0xFFFFFFF0] =	vst v2  }
0x23b: {  	[tilespmem:s11+$0x0] =	vst v6  }
0x23c: {  	s14 =	sadd.s32 $0x2, s14;
	[tilespmem:s11+$0x10] =	vst v4  }
0x23d: {  	s17 =	sadd.s32 $0x1, s17;
	s18 =	sand.u32 $0xC0, s14;
	s11 =	sadd.s32 $0x90, s11;
	[tilespmem:s28+$0x20] =	vst v5  }
0x23e: {  	s14 =	sshrl.u32 s18, $0x2;
	[tilespmem:s28+$0x30] =	vst v1  }
0x23f: {  	v1 =	vld [tilespmem:s14+$0xAC0];
	_ =	sdelay $0x3  }
0x240: {  	s20 =	sand.u32 $0x1, s13;
	v2 =	vld [tilespmem:s11+$0xFFFFFFC0]  }
0x241: {  	v3 =	vld [tilespmem:s11+$0xFFFFFFD0];
	p1 =	seq.s32 s20, $0x1;
	s14 =	sshrl.u32 s13, $0x1;
	v4 =	vunpack.i.u.bf16.f32 v1;
	v1 =	vunpack.i.l.bf16.f32 v1  }
0x242: {  	v5 =	vld [tilespmem:s11+$0xFFFFFFE0];
	v52 =	vmov s14;
	v1 =	vpsel p1, v4, v1  }
0x243: {  	v7 =	vld [tilespmem:s11+$0x10];
	v1 =	vperm.xlane v1, v52  }
0x244: {  	v6 =	vld [tilespmem:s11+$0xFFFFFFF0]  }
0x245: {  	v53 =	vld [tilespmem:s11+$0x0];
	v2 =	vmul.f32 v2, v1  }
0x246: {  	v8 =	vld [tilespmem:s11+$0x20];
	v3 =	vmul.f32 v3, v1  }
0x247: {  	v9 =	vld [tilespmem:s11+$0x30];
	v5 =	vmul.f32 v5, v1;
	[tilespmem:s11+$0xFFFFFFC0] =	vst v2  }
0x248: {  	v54 =	vmul.f32 v7, v1;
	[tilespmem:s11+$0xFFFFFFD0] =	vst v3  }
0x249: {  	v2 =	vmul.f32 v6, v1;
	[tilespmem:s11+$0xFFFFFFE0] =	vst v5  }
0x24a: {  	v3 =	vmul.f32 v53, v1;
	[tilespmem:s11+$0x10] =	vst v54  }
0x24b: {  	[tilespmem:s11+$0xFFFFFFF0] =	vst v2;
	v2 =	vmul.f32 v8, v1  }
0x24c: {  	s28 =	smul.u32 $0xC, s4;
	[tilespmem:s11+$0x0] =	vst v3;
	v1 =	vmul.f32 v9, v1  }
0x24d: {  	[tilespmem:s11+$0x20] =	vst v2  }
0x24e: {  	s17 =	simm.s32 $0xC80;
	s20 =	sadd.s32 s24, s28;
	[tilespmem:s11+$0x30] =	vst v1  }
0x24f: {  	[spmem:s3] =	stream.indirect.scatter.add.f32 [tilespmem:s0], [sflag:$0x4], $0x90, s17, s31, $0xb8;
	[tilespmem:$0x1FE90] =	vst v63  }
0x250: {  	s18 =	simm.s32 $0x900;
	s13 =	sshll.u32 s20, $0x4  }
0x251: {  	[tilespmem:s0], [sflag:$0x2] =	stream.indirect.gather [hbm4b:s5+s31], $0x90, s18, s31, $0xb8;
	[tilespmem:$0x1FE90] =	vst v63  }
0x252: {  	s11 =	sshll.u32 s20, $0x3;
	s17 =	simm.s32 $0x0;
	s18 =	sadd.s32 s6, s13  }
0x253: {  	[tilespmem:s17], [sflag:$0x5] =	stream.linear.gather [hbm4b:s18+s17], $0x300, $0x38;
	[tilespmem:$0x1FE90] =	vst v63  }
0x254: {  	s20 =	simm.s32 $0x300;
	s11 =	sadd.s32 s7, s11  }
0x255: {  	[tilespmem:s20], [sflag:$0x5] =	stream.linear.gather [hbm4b:s11+s17], $0x180, $0x38;
	[tilespmem:$0x1FE90] =	vst v63  }
0x256: {  	s13 =	sadd.s32 s1, s13  }
0x257: {  	[tilespmem:s29], [sflag:$0x5] =	stream.linear.gather [hbm4b:s13+s17], $0x300, $0x38;
	[tilespmem:$0x1FE90] =	vst v63  }
0x258: {  	_ =	swait.ge [sflag:s2], $0x4800  }
0x259: {  	[sflag:s2] =	ssyncset.done $0x0  }
0x25a: {  	[sflag:s2] =	ssyncadd.s32 $0xFFFFB800  }
0x25b: {  	_ =	swait.ge [sflag:s16], $0x4800  }
0x25c: {  	s14 =	sand.u32 $0xC0, s17;
	[sflag:s16] =	ssyncset.done $0x0  }
0x25d: {  	s11 =	sshrl.u32 s14, $0x2;
	[sflag:s16] =	ssyncadd.s32 $0xFFFFB800  }
0x25e: {  	v1 =	vld [tilespmem:s11+$0xB00];
	_ =	sdelay $0x2  }
0x25f: {  	s11 =	simm.s32 $0xF40  }
0x260: {  	s18 =	sand.u32 $0x1, s17;
	v2 =	vld [tilespmem:s11+$0xFFFFFFC0]  }
0x261: {  	p6 =	seq.s32 s18, $0x1;
	s20 =	simm.s32 $0x0;
	v3 =	vld [tilespmem:s11+$0xFFFFFFD0];
	v55 =	vunpack.i.u.bf16.f32 v1;
	v1 =	vunpack.i.l.bf16.f32 v1  }
0x262: {  	v57 =	vmov s20;
	v56 =	vld [tilespmem:s11+$0xFFFFFFE0];
	v1 =	vpsel p6, v55, v1  }
0x263: {  	v58 =	vld [tilespmem:s11+$0xFFFFFFF0];
	v1 =	vperm.xlane v1, v57  }
0x264: {  	v60 =	vld [tilespmem:s11+$0x10]  }
0x265: {  	v61 =	vld [tilespmem:s11+$0x20];
	v2 =	vmul.f32 v2, v1  }
0x266: {  	v59 =	vld [tilespmem:s11+$0x0];
	v3 =	vmul.f32 v3, v1  }
0x267: {  	v5 =	vmul.f32 v56, v1;
	[tilespmem:s11+$0xFFFFFFC0] =	vst v2;
	v2 =	vld [tilespmem:s11+$0x30]  }
0x268: {  	v6 =	vmul.f32 v58, v1;
	[tilespmem:s11+$0xFFFFFFD0] =	vst v3  }
0x269: {  	v62 =	vmul.f32 v60, v1;
	[tilespmem:s11+$0xFFFFFFE0] =	vst v5  }
0x26a: {  	v63 =	vmul.f32 v61, v1;
	[tilespmem:s11+$0xFFFFFFF0] =	vst v6  }
0x26b: {  	v3 =	vmul.f32 v59, v1;
	[tilespmem:s11+$0x10] =	vst v62  }
0x26c: {  	s18 =	simm.s32 $0x2;
	s17 =	simm.s32 $0x2;
	[tilespmem:s11+$0x20] =	vst v63;
	v1 =	vmul.f32 v2, v1  }
0x26d: {  	s14 =	simm.s32 $0x1;
	s13 =	simm.s32 $0xFD0;
	s20 =	sand.u32 $0xC0, s17;
	[tilespmem:s11+$0x0] =	vst v3  }
.LBB2_21:
0x26e: {  	p1 =	sne.s32 s18, $0x7F;
	s20 =	sshrl.u32 s20, $0x2;
	v2 =	vld [tilespmem:s13+$0xFFFFFFF0];
	[tilespmem:s11+$0x30] =	vst v1;
	s11 =	smov.u32 s13  }
0x26f: {  	v1 =	vld [tilespmem:s20+$0xB00]  }
0x270: {  	v3 =	vld [tilespmem:s13+$0x30]  }
0x271: {  	v4 =	vld [tilespmem:s13+$0x10]  }
0x272: {  	v5 =	vld [tilespmem:s13+$0xFFFFFFD0]  }
0x273: {  	s20 =	sand.u32 $0x1, s14;
	v6 =	vld [tilespmem:s13+$0xFFFFFFC0]  }
0x274: {  	p2 =	seq.s32 s20, $0x1;
	s20 =	sshrl.u32 s14, $0x1;
	s14 =	smov.u32 s18;
	v7 =	vunpack.i.u.bf16.f32 v1;
	v1 =	vunpack.i.l.bf16.f32 v1;
	v8 =	vld [tilespmem:s13+$0xFFFFFFE0]  }
0x275: {  	v1 =	vpsel p2, v7, v1;
	v7 =	vmov s20;
	v9 =	vld [tilespmem:s13+$0x0]  }
0x276: {  	v1 =	vperm.xlane v1, v7;
	v7 =	vld [tilespmem:s13+$0x20];
	_ =	sdelay $0x1  }
0x277: {  	v6 =	vmul.f32 v6, v1;
	v5 =	vmul.f32 v5, v1  }
0x278: {  	v2 =	vmul.f32 v2, v1;
	v8 =	vmul.f32 v8, v1  }
0x279: {  	v4 =	vmul.f32 v4, v1;
	[tilespmem:s13+$0xFFFFFFC0] =	vst v6;
	v6 =	vmul.f32 v9, v1  }
0x27a: {  	[tilespmem:s13+$0xFFFFFFD0] =	vst v5;
	v5 =	vmul.f32 v7, v1;
	v1 =	vmul.f32 v3, v1  }
.Ltmp11:
0x27b: {  	[tilespmem:s13+$0xFFFFFFE0] =	vst v8;
	(pc) =	sbr.rel @p1 .LBB2_21-.Ltmp11, $4  }
0x27c: {  	[tilespmem:s13+$0xFFFFFFF0] =	vst v2  }
0x27d: {  	[tilespmem:s13+$0x0] =	vst v6  }
0x27e: {  	s17 =	sadd.s32 $0x2, s17;
	[tilespmem:s13+$0x10] =	vst v4  }
0x27f: {  	s18 =	sadd.s32 $0x1, s18;
	s20 =	sand.u32 $0xC0, s17;
	s13 =	sadd.s32 $0x90, s13;
	[tilespmem:s11+$0x20] =	vst v5  }
0x280: {  	s17 =	sshrl.u32 s20, $0x2;
	[tilespmem:s11+$0x30] =	vst v1  }
0x281: {  	v1 =	vld [tilespmem:s17+$0xB00];
	_ =	sdelay $0x3  }
0x282: {  	s18 =	sand.u32 $0x1, s14;
	v2 =	vld [tilespmem:s13+$0xFFFFFFC0]  }
0x283: {  	v3 =	vld [tilespmem:s13+$0xFFFFFFD0];
	s20 =	sshrl.u32 s14, $0x1;
	p1 =	seq.s32 s18, $0x1;
	v4 =	vunpack.i.u.bf16.f32 v1;
	v1 =	vunpack.i.l.bf16.f32 v1  }
0x284: {  	v5 =	vld [tilespmem:s13+$0xFFFFFFE0];
	v52 =	vmov s20;
	v1 =	vpsel p1, v4, v1  }
0x285: {  	v7 =	vld [tilespmem:s13+$0x10];
	v1 =	vperm.xlane v1, v52  }
0x286: {  	v6 =	vld [tilespmem:s13+$0xFFFFFFF0]  }
0x287: {  	v53 =	vld [tilespmem:s13+$0x0];
	v2 =	vmul.f32 v2, v1  }
0x288: {  	v8 =	vld [tilespmem:s13+$0x20];
	v3 =	vmul.f32 v3, v1  }
0x289: {  	v9 =	vld [tilespmem:s13+$0x30];
	v5 =	vmul.f32 v5, v1;
	[tilespmem:s13+$0xFFFFFFC0] =	vst v2  }
0x28a: {  	v54 =	vmul.f32 v7, v1;
	[tilespmem:s13+$0xFFFFFFD0] =	vst v3  }
0x28b: {  	v2 =	vmul.f32 v6, v1;
	[tilespmem:s13+$0xFFFFFFE0] =	vst v5  }
0x28c: {  	v3 =	vmul.f32 v53, v1;
	[tilespmem:s13+$0x10] =	vst v54  }
0x28d: {  	[tilespmem:s13+$0xFFFFFFF0] =	vst v2;
	v2 =	vmul.f32 v8, v1  }
0x28e: {  	[tilespmem:s13+$0x0] =	vst v3;
	v1 =	vmul.f32 v9, v1  }
0x28f: {  	[tilespmem:s13+$0x20] =	vst v2  }
0x290: {  	[tilespmem:s13+$0x30] =	vst v1;
	s13 =	simm.s32 $0xD00  }
0x291: {  	[spmem:s3] =	stream.indirect.scatter.add.f32 [tilespmem:s25], [sflag:$0x3], $0x90, s13, s31, $0xb8;
	[tilespmem:$0x1FE90] =	vst v63  }
0x292: {  	s14 =	simm.s32 $0x980  }
0x293: {  	[tilespmem:s25], [sflag:$0x1] =	stream.indirect.gather [hbm4b:s5+s31], $0x90, s14, s31, $0xb8;
	[tilespmem:$0x1FE90] =	vst v63  }
0x294: {  	_ =	swait.ge [sflag:s12], $0x4800  }
0x295: {  	[sflag:s12] =	ssyncset.done $0x0  }
0x296: {  	[sflag:s12] =	ssyncadd.s32 $0xFFFFB800  }
0x297: {  	s17 =	simm.s32 $0x0;
	_ =	swait.ge [sflag:s19], $0x4800  }
0x298: {  	s18 =	sand.u32 $0xC0, s17;
	[sflag:s19] =	ssyncset.done $0x0  }
0x299: {  	s11 =	sshrl.u32 s18, $0x2;
	[sflag:s19] =	ssyncadd.s32 $0xFFFFB800  }
0x29a: {  	v1 =	vld [tilespmem:s11+$0xB40];
	_ =	sdelay $0x2  }
0x29b: {  	s11 =	simm.s32 $0x5740  }
0x29c: {  	s13 =	sand.u32 $0x1, s17;
	v2 =	vld [tilespmem:s11+$0xFFFFFFC0]  }
0x29d: {  	s20 =	simm.s32 $0x0;
	p6 =	seq.s32 s13, $0x1;
	v3 =	vld [tilespmem:s11+$0xFFFFFFD0];
	v55 =	vunpack.i.u.bf16.f32 v1;
	v1 =	vunpack.i.l.bf16.f32 v1  }
0x29e: {  	v57 =	vmov s20;
	v56 =	vld [tilespmem:s11+$0xFFFFFFE0];
	v1 =	vpsel p6, v55, v1  }
0x29f: {  	v58 =	vld [tilespmem:s11+$0xFFFFFFF0];
	v1 =	vperm.xlane v1, v57  }
0x2a0: {  	v60 =	vld [tilespmem:s11+$0x10]  }
0x2a1: {  	v61 =	vld [tilespmem:s11+$0x20];
	v2 =	vmul.f32 v2, v1  }
0x2a2: {  	v59 =	vld [tilespmem:s11+$0x0];
	v3 =	vmul.f32 v3, v1  }
0x2a3: {  	v5 =	vmul.f32 v56, v1;
	[tilespmem:s11+$0xFFFFFFC0] =	vst v2;
	v2 =	vld [tilespmem:s11+$0x30]  }
0x2a4: {  	v6 =	vmul.f32 v58, v1;
	[tilespmem:s11+$0xFFFFFFD0] =	vst v3  }
0x2a5: {  	v62 =	vmul.f32 v60, v1;
	[tilespmem:s11+$0xFFFFFFE0] =	vst v5  }
0x2a6: {  	v63 =	vmul.f32 v61, v1;
	[tilespmem:s11+$0xFFFFFFF0] =	vst v6  }
0x2a7: {  	v3 =	vmul.f32 v59, v1;
	[tilespmem:s11+$0x10] =	vst v62  }
0x2a8: {  	s18 =	simm.s32 $0x2;
	s17 =	simm.s32 $0x2;
	[tilespmem:s11+$0x20] =	vst v63;
	v1 =	vmul.f32 v2, v1  }
0x2a9: {  	s20 =	sand.u32 $0xC0, s17;
	s13 =	simm.s32 $0x57D0;
	s14 =	simm.s32 $0x1;
	[tilespmem:s11+$0x0] =	vst v3  }
.LBB2_23:
0x2aa: {  	p1 =	sne.s32 s18, $0x7F;
	s20 =	sshrl.u32 s20, $0x2;
	v2 =	vld [tilespmem:s13+$0xFFFFFFF0];
	[tilespmem:s11+$0x30] =	vst v1;
	s11 =	smov.u32 s13  }
0x2ab: {  	v1 =	vld [tilespmem:s20+$0xB40]  }
0x2ac: {  	v3 =	vld [tilespmem:s13+$0x30]  }
0x2ad: {  	v4 =	vld [tilespmem:s13+$0x10]  }
0x2ae: {  	v5 =	vld [tilespmem:s13+$0xFFFFFFD0]  }
0x2af: {  	s20 =	sand.u32 $0x1, s14;
	v6 =	vld [tilespmem:s13+$0xFFFFFFC0]  }
0x2b0: {  	p2 =	seq.s32 s20, $0x1;
	s20 =	sshrl.u32 s14, $0x1;
	s14 =	smov.u32 s18;
	v7 =	vunpack.i.u.bf16.f32 v1;
	v1 =	vunpack.i.l.bf16.f32 v1;
	v8 =	vld [tilespmem:s13+$0xFFFFFFE0]  }
0x2b1: {  	v1 =	vpsel p2, v7, v1;
	v7 =	vmov s20;
	v9 =	vld [tilespmem:s13+$0x0]  }
0x2b2: {  	v1 =	vperm.xlane v1, v7;
	v7 =	vld [tilespmem:s13+$0x20];
	_ =	sdelay $0x1  }
0x2b3: {  	v6 =	vmul.f32 v6, v1;
	v5 =	vmul.f32 v5, v1  }
0x2b4: {  	v2 =	vmul.f32 v2, v1;
	v8 =	vmul.f32 v8, v1  }
0x2b5: {  	v4 =	vmul.f32 v4, v1;
	[tilespmem:s13+$0xFFFFFFC0] =	vst v6;
	v6 =	vmul.f32 v9, v1  }
0x2b6: {  	[tilespmem:s13+$0xFFFFFFD0] =	vst v5;
	v5 =	vmul.f32 v7, v1;
	v1 =	vmul.f32 v3, v1  }
.Ltmp12:
0x2b7: {  	[tilespmem:s13+$0xFFFFFFE0] =	vst v8;
	(pc) =	sbr.rel @p1 .LBB2_23-.Ltmp12, $4  }
0x2b8: {  	[tilespmem:s13+$0xFFFFFFF0] =	vst v2  }
0x2b9: {  	[tilespmem:s13+$0x0] =	vst v6  }
0x2ba: {  	s17 =	sadd.s32 $0x2, s17;
	[tilespmem:s13+$0x10] =	vst v4  }
0x2bb: {  	s18 =	sadd.s32 $0x1, s18;
	s20 =	sand.u32 $0xC0, s17;
	s13 =	sadd.s32 $0x90, s13;
	[tilespmem:s11+$0x20] =	vst v5  }
0x2bc: {  	s17 =	sshrl.u32 s20, $0x2;
	[tilespmem:s11+$0x30] =	vst v1  }
0x2bd: {  	v1 =	vld [tilespmem:s17+$0xB40];
	_ =	sdelay $0x3  }
0x2be: {  	s18 =	sand.u32 $0x1, s14;
	v2 =	vld [tilespmem:s13+$0xFFFFFFC0]  }
0x2bf: {  	v3 =	vld [tilespmem:s13+$0xFFFFFFD0];
	s20 =	sshrl.u32 s14, $0x1;
	p1 =	seq.s32 s18, $0x1;
	v4 =	vunpack.i.u.bf16.f32 v1;
	v1 =	vunpack.i.l.bf16.f32 v1  }
0x2c0: {  	v5 =	vld [tilespmem:s13+$0xFFFFFFE0];
	v52 =	vmov s20;
	v1 =	vpsel p1, v4, v1  }
0x2c1: {  	v7 =	vld [tilespmem:s13+$0x10];
	v1 =	vperm.xlane v1, v52  }
0x2c2: {  	v6 =	vld [tilespmem:s13+$0xFFFFFFF0]  }
0x2c3: {  	v53 =	vld [tilespmem:s13+$0x0];
	v2 =	vmul.f32 v2, v1  }
0x2c4: {  	v8 =	vld [tilespmem:s13+$0x20];
	v3 =	vmul.f32 v3, v1  }
0x2c5: {  	v9 =	vld [tilespmem:s13+$0x30];
	v5 =	vmul.f32 v5, v1;
	[tilespmem:s13+$0xFFFFFFC0] =	vst v2  }
0x2c6: {  	v54 =	vmul.f32 v7, v1;
	[tilespmem:s13+$0xFFFFFFD0] =	vst v3  }
0x2c7: {  	v2 =	vmul.f32 v6, v1;
	[tilespmem:s13+$0xFFFFFFE0] =	vst v5  }
0x2c8: {  	v3 =	vmul.f32 v53, v1;
	[tilespmem:s13+$0x10] =	vst v54  }
0x2c9: {  	[tilespmem:s13+$0xFFFFFFF0] =	vst v2;
	v2 =	vmul.f32 v8, v1  }
0x2ca: {  	[tilespmem:s13+$0x0] =	vst v3;
	v1 =	vmul.f32 v9, v1  }
0x2cb: {  	[tilespmem:s13+$0x20] =	vst v2  }
0x2cc: {  	[tilespmem:s13+$0x30] =	vst v1;
	s13 =	simm.s32 $0xD80  }
0x2cd: {  	[spmem:s3] =	stream.indirect.scatter.add.f32 [tilespmem:s0], [sflag:$0x4], $0x90, s13, s31, $0xb8;
	[tilespmem:$0x1FE90] =	vst v63  }
0x2ce: {  	s14 =	simm.s32 $0xA00  }
0x2cf: {  	[tilespmem:s0], [sflag:$0x2] =	stream.indirect.gather [hbm4b:s5+s31], $0x90, s14, s31, $0xb8;
	[tilespmem:$0x1FE90] =	vst v63  }
0x2d0: {  	_ =	swait.ge [sflag:s2], $0x4800  }
0x2d1: {  	[sflag:s2] =	ssyncset.done $0x0  }
0x2d2: {  	[sflag:s2] =	ssyncadd.s32 $0xFFFFB800  }
0x2d3: {  	s17 =	simm.s32 $0x0;
	_ =	swait.ge [sflag:s16], $0x4800  }
0x2d4: {  	s18 =	sand.u32 $0xC0, s17;
	[sflag:s16] =	ssyncset.done $0x0  }
0x2d5: {  	s11 =	sshrl.u32 s18, $0x2;
	[sflag:s16] =	ssyncadd.s32 $0xFFFFB800  }
0x2d6: {  	v1 =	vld [tilespmem:s11+$0xB80];
	_ =	sdelay $0x2  }
0x2d7: {  	s11 =	simm.s32 $0xF40  }
0x2d8: {  	s13 =	sand.u32 $0x1, s17;
	v2 =	vld [tilespmem:s11+$0xFFFFFFC0]  }
0x2d9: {  	s20 =	simm.s32 $0x0;
	p6 =	seq.s32 s13, $0x1;
	v3 =	vld [tilespmem:s11+$0xFFFFFFD0];
	v55 =	vunpack.i.u.bf16.f32 v1;
	v1 =	vunpack.i.l.bf16.f32 v1  }
0x2da: {  	v57 =	vmov s20;
	v56 =	vld [tilespmem:s11+$0xFFFFFFE0];
	v1 =	vpsel p6, v55, v1  }
0x2db: {  	v58 =	vld [tilespmem:s11+$0xFFFFFFF0];
	v1 =	vperm.xlane v1, v57  }
0x2dc: {  	v60 =	vld [tilespmem:s11+$0x10]  }
0x2dd: {  	v61 =	vld [tilespmem:s11+$0x20];
	v2 =	vmul.f32 v2, v1  }
0x2de: {  	v59 =	vld [tilespmem:s11+$0x0];
	v3 =	vmul.f32 v3, v1  }
0x2df: {  	v5 =	vmul.f32 v56, v1;
	[tilespmem:s11+$0xFFFFFFC0] =	vst v2;
	v2 =	vld [tilespmem:s11+$0x30]  }
0x2e0: {  	v6 =	vmul.f32 v58, v1;
	[tilespmem:s11+$0xFFFFFFD0] =	vst v3  }
0x2e1: {  	v62 =	vmul.f32 v60, v1;
	[tilespmem:s11+$0xFFFFFFE0] =	vst v5  }
0x2e2: {  	v63 =	vmul.f32 v61, v1;
	[tilespmem:s11+$0xFFFFFFF0] =	vst v6  }
0x2e3: {  	v3 =	vmul.f32 v59, v1;
	[tilespmem:s11+$0x10] =	vst v62  }
0x2e4: {  	s18 =	simm.s32 $0x2;
	s17 =	simm.s32 $0x2;
	[tilespmem:s11+$0x20] =	vst v63;
	v1 =	vmul.f32 v2, v1  }
0x2e5: {  	s20 =	sand.u32 $0xC0, s17;
	s13 =	simm.s32 $0xFD0;
	s14 =	simm.s32 $0x1;
	[tilespmem:s11+$0x0] =	vst v3  }
.LBB2_25:
0x2e6: {  	p1 =	sne.s32 s18, $0x7F;
	s20 =	sshrl.u32 s20, $0x2;
	v2 =	vld [tilespmem:s13+$0xFFFFFFF0];
	[tilespmem:s11+$0x30] =	vst v1;
	s11 =	smov.u32 s13  }
0x2e7: {  	v1 =	vld [tilespmem:s20+$0xB80]  }
0x2e8: {  	v3 =	vld [tilespmem:s13+$0x30]  }
0x2e9: {  	v4 =	vld [tilespmem:s13+$0x10]  }
0x2ea: {  	v5 =	vld [tilespmem:s13+$0xFFFFFFD0]  }
0x2eb: {  	s20 =	sand.u32 $0x1, s14;
	v6 =	vld [tilespmem:s13+$0xFFFFFFC0]  }
0x2ec: {  	p2 =	seq.s32 s20, $0x1;
	s20 =	sshrl.u32 s14, $0x1;
	s14 =	smov.u32 s18;
	v7 =	vunpack.i.u.bf16.f32 v1;
	v1 =	vunpack.i.l.bf16.f32 v1;
	v8 =	vld [tilespmem:s13+$0xFFFFFFE0]  }
0x2ed: {  	v1 =	vpsel p2, v7, v1;
	v7 =	vmov s20;
	v9 =	vld [tilespmem:s13+$0x0]  }
0x2ee: {  	v1 =	vperm.xlane v1, v7;
	v7 =	vld [tilespmem:s13+$0x20];
	_ =	sdelay $0x1  }
0x2ef: {  	v6 =	vmul.f32 v6, v1;
	v5 =	vmul.f32 v5, v1  }
0x2f0: {  	v2 =	vmul.f32 v2, v1;
	v8 =	vmul.f32 v8, v1  }
0x2f1: {  	v4 =	vmul.f32 v4, v1;
	[tilespmem:s13+$0xFFFFFFC0] =	vst v6;
	v6 =	vmul.f32 v9, v1  }
0x2f2: {  	[tilespmem:s13+$0xFFFFFFD0] =	vst v5;
	v5 =	vmul.f32 v7, v1;
	v1 =	vmul.f32 v3, v1  }
.Ltmp13:
0x2f3: {  	[tilespmem:s13+$0xFFFFFFE0] =	vst v8;
	(pc) =	sbr.rel @p1 .LBB2_25-.Ltmp13, $4  }
0x2f4: {  	[tilespmem:s13+$0xFFFFFFF0] =	vst v2  }
0x2f5: {  	[tilespmem:s13+$0x0] =	vst v6  }
0x2f6: {  	s17 =	sadd.s32 $0x2, s17;
	[tilespmem:s13+$0x10] =	vst v4  }
0x2f7: {  	s18 =	sadd.s32 $0x1, s18;
	s20 =	sand.u32 $0xC0, s17;
	s13 =	sadd.s32 $0x90, s13;
	[tilespmem:s11+$0x20] =	vst v5  }
0x2f8: {  	s17 =	sshrl.u32 s20, $0x2;
	[tilespmem:s11+$0x30] =	vst v1  }
0x2f9: {  	v1 =	vld [tilespmem:s17+$0xB80];
	_ =	sdelay $0x3  }
0x2fa: {  	s18 =	sand.u32 $0x1, s14;
	v2 =	vld [tilespmem:s13+$0xFFFFFFC0]  }
0x2fb: {  	v3 =	vld [tilespmem:s13+$0xFFFFFFD0];
	s20 =	sshrl.u32 s14, $0x1;
	p1 =	seq.s32 s18, $0x1;
	v4 =	vunpack.i.u.bf16.f32 v1;
	v1 =	vunpack.i.l.bf16.f32 v1  }
0x2fc: {  	v5 =	vld [tilespmem:s13+$0xFFFFFFE0];
	v52 =	vmov s20;
	v1 =	vpsel p1, v4, v1  }
0x2fd: {  	v7 =	vld [tilespmem:s13+$0x10];
	v1 =	vperm.xlane v1, v52  }
0x2fe: {  	v6 =	vld [tilespmem:s13+$0xFFFFFFF0]  }
0x2ff: {  	v53 =	vld [tilespmem:s13+$0x0];
	v2 =	vmul.f32 v2, v1  }
0x300: {  	v8 =	vld [tilespmem:s13+$0x20];
	v3 =	vmul.f32 v3, v1  }
0x301: {  	v9 =	vld [tilespmem:s13+$0x30];
	v5 =	vmul.f32 v5, v1;
	[tilespmem:s13+$0xFFFFFFC0] =	vst v2  }
0x302: {  	v54 =	vmul.f32 v7, v1;
	[tilespmem:s13+$0xFFFFFFD0] =	vst v3  }
0x303: {  	v2 =	vmul.f32 v6, v1;
	[tilespmem:s13+$0xFFFFFFE0] =	vst v5  }
0x304: {  	v3 =	vmul.f32 v53, v1;
	[tilespmem:s13+$0x10] =	vst v54  }
0x305: {  	[tilespmem:s13+$0xFFFFFFF0] =	vst v2;
	v2 =	vmul.f32 v8, v1  }
0x306: {  	[tilespmem:s13+$0x0] =	vst v3;
	v1 =	vmul.f32 v9, v1  }
0x307: {  	[tilespmem:s13+$0x20] =	vst v2  }
0x308: {  	s14 =	simm.s32 $0xE00;
	[tilespmem:s13+$0x30] =	vst v1  }
0x309: {  	[spmem:s3] =	stream.indirect.scatter.add.f32 [tilespmem:s25], [sflag:$0x3], $0x90, s14, s31, $0xb8;
	[tilespmem:$0x1FE90] =	vst v63  }
0x30a: {  	_ =	swait.ge [sflag:s30], $0x300  }
0x30b: {  	[sflag:s30] =	ssyncset.done $0x0  }
0x30c: {  	[sflag:s30] =	ssyncadd.s32 $0xFFFFFD00  }
0x30d: {  	_ =	swait.ge [sflag:s30], $0x180  }
0x30e: {  	[sflag:s30] =	ssyncset.done $0x0  }
0x30f: {  	[sflag:s30] =	ssyncadd.s32 $0xFFFFFE80  }
0x310: {  	_ =	swait.ge [sflag:s30], $0x300  }
0x311: {  	[sflag:s30] =	ssyncset.done $0x0  }
0x312: {  	s17 =	simm.s32 $0x0;
	[sflag:s30] =	ssyncadd.s32 $0xFFFFFD00  }
0x313: {  	[tilespmem:s25], [sflag:$0x1] =	stream.indirect.gather [hbm4b:s5+s31], $0x90, s17, s31, $0xb8;
	[tilespmem:$0x1FE90] =	vst v63  }
0x314: {  	_ =	swait.ge [sflag:s12], $0x4800  }
0x315: {  	[sflag:s12] =	ssyncset.done $0x0  }
0x316: {  	[sflag:s12] =	ssyncadd.s32 $0xFFFFB800  }
0x317: {  	_ =	swait.ge [sflag:s19], $0x4800  }
0x318: {  	s18 =	sand.u32 $0xC0, s17;
	[sflag:s19] =	ssyncset.done $0x0  }
0x319: {  	s11 =	sshrl.u32 s18, $0x2;
	[sflag:s19] =	ssyncadd.s32 $0xFFFFB800  }
0x31a: {  	v1 =	vld [tilespmem:s11+$0xBC0];
	_ =	sdelay $0x2  }
0x31b: {  	s11 =	simm.s32 $0x5740  }
0x31c: {  	s13 =	sand.u32 $0x1, s17;
	v2 =	vld [tilespmem:s11+$0xFFFFFFC0]  }
0x31d: {  	s20 =	simm.s32 $0x0;
	p6 =	seq.s32 s13, $0x1;
	v3 =	vld [tilespmem:s11+$0xFFFFFFD0];
	v55 =	vunpack.i.u.bf16.f32 v1;
	v1 =	vunpack.i.l.bf16.f32 v1  }
0x31e: {  	v57 =	vmov s20;
	v56 =	vld [tilespmem:s11+$0xFFFFFFE0];
	v1 =	vpsel p6, v55, v1  }
0x31f: {  	v58 =	vld [tilespmem:s11+$0xFFFFFFF0];
	v1 =	vperm.xlane v1, v57  }
0x320: {  	v60 =	vld [tilespmem:s11+$0x10]  }
0x321: {  	v61 =	vld [tilespmem:s11+$0x20];
	v2 =	vmul.f32 v2, v1  }
0x322: {  	v59 =	vld [tilespmem:s11+$0x0];
	v3 =	vmul.f32 v3, v1  }
0x323: {  	v5 =	vmul.f32 v56, v1;
	[tilespmem:s11+$0xFFFFFFC0] =	vst v2;
	v2 =	vld [tilespmem:s11+$0x30]  }
0x324: {  	v6 =	vmul.f32 v58, v1;
	[tilespmem:s11+$0xFFFFFFD0] =	vst v3  }
0x325: {  	v62 =	vmul.f32 v60, v1;
	[tilespmem:s11+$0xFFFFFFE0] =	vst v5  }
0x326: {  	v63 =	vmul.f32 v61, v1;
	[tilespmem:s11+$0xFFFFFFF0] =	vst v6  }
0x327: {  	v3 =	vmul.f32 v59, v1;
	[tilespmem:s11+$0x10] =	vst v62  }
0x328: {  	s18 =	simm.s32 $0x2;
	s17 =	simm.s32 $0x2;
	[tilespmem:s11+$0x20] =	vst v63;
	v1 =	vmul.f32 v2, v1  }
0x329: {  	s14 =	simm.s32 $0x1;
	s13 =	simm.s32 $0x57D0;
	s20 =	sand.u32 $0xC0, s17;
	[tilespmem:s11+$0x0] =	vst v3  }
.LBB2_27:
0x32a: {  	p1 =	sne.s32 s18, $0x7F;
	s20 =	sshrl.u32 s20, $0x2;
	v2 =	vld [tilespmem:s13+$0xFFFFFFF0];
	[tilespmem:s11+$0x30] =	vst v1;
	s11 =	smov.u32 s13  }
0x32b: {  	v1 =	vld [tilespmem:s20+$0xBC0]  }
0x32c: {  	v3 =	vld [tilespmem:s13+$0x30]  }
0x32d: {  	v4 =	vld [tilespmem:s13+$0x10]  }
0x32e: {  	v5 =	vld [tilespmem:s13+$0xFFFFFFD0]  }
0x32f: {  	s20 =	sand.u32 $0x1, s14;
	v6 =	vld [tilespmem:s13+$0xFFFFFFC0]  }
0x330: {  	p2 =	seq.s32 s20, $0x1;
	s20 =	sshrl.u32 s14, $0x1;
	s14 =	smov.u32 s18;
	v7 =	vunpack.i.u.bf16.f32 v1;
	v1 =	vunpack.i.l.bf16.f32 v1;
	v8 =	vld [tilespmem:s13+$0xFFFFFFE0]  }
0x331: {  	v1 =	vpsel p2, v7, v1;
	v7 =	vmov s20;
	v9 =	vld [tilespmem:s13+$0x0]  }
0x332: {  	v1 =	vperm.xlane v1, v7;
	v7 =	vld [tilespmem:s13+$0x20];
	_ =	sdelay $0x1  }
0x333: {  	v6 =	vmul.f32 v6, v1;
	v5 =	vmul.f32 v5, v1  }
0x334: {  	v2 =	vmul.f32 v2, v1;
	v8 =	vmul.f32 v8, v1  }
0x335: {  	v4 =	vmul.f32 v4, v1;
	[tilespmem:s13+$0xFFFFFFC0] =	vst v6;
	v6 =	vmul.f32 v9, v1  }
0x336: {  	[tilespmem:s13+$0xFFFFFFD0] =	vst v5;
	v5 =	vmul.f32 v7, v1;
	v1 =	vmul.f32 v3, v1  }
.Ltmp14:
0x337: {  	[tilespmem:s13+$0xFFFFFFE0] =	vst v8;
	(pc) =	sbr.rel @p1 .LBB2_27-.Ltmp14, $4  }
0x338: {  	[tilespmem:s13+$0xFFFFFFF0] =	vst v2  }
0x339: {  	[tilespmem:s13+$0x0] =	vst v6  }
0x33a: {  	s17 =	sadd.s32 $0x2, s17;
	[tilespmem:s13+$0x10] =	vst v4  }
0x33b: {  	s18 =	sadd.s32 $0x1, s18;
	s20 =	sand.u32 $0xC0, s17;
	s13 =	sadd.s32 $0x90, s13;
	[tilespmem:s11+$0x20] =	vst v5  }
0x33c: {  	s17 =	sshrl.u32 s20, $0x2;
	[tilespmem:s11+$0x30] =	vst v1  }
0x33d: {  	v1 =	vld [tilespmem:s17+$0xBC0];
	_ =	sdelay $0x3  }
0x33e: {  	s18 =	sand.u32 $0x1, s14;
	v2 =	vld [tilespmem:s13+$0xFFFFFFC0]  }
0x33f: {  	v3 =	vld [tilespmem:s13+$0xFFFFFFD0];
	s20 =	sshrl.u32 s14, $0x1;
	p1 =	seq.s32 s18, $0x1;
	v4 =	vunpack.i.u.bf16.f32 v1;
	v1 =	vunpack.i.l.bf16.f32 v1  }
0x340: {  	v5 =	vld [tilespmem:s13+$0xFFFFFFE0];
	v52 =	vmov s20;
	v1 =	vpsel p1, v4, v1  }
0x341: {  	v7 =	vld [tilespmem:s13+$0x10];
	v1 =	vperm.xlane v1, v52  }
0x342: {  	v6 =	vld [tilespmem:s13+$0xFFFFFFF0]  }
0x343: {  	v53 =	vld [tilespmem:s13+$0x0];
	v2 =	vmul.f32 v2, v1  }
0x344: {  	v8 =	vld [tilespmem:s13+$0x20];
	v3 =	vmul.f32 v3, v1  }
0x345: {  	v9 =	vld [tilespmem:s13+$0x30];
	v5 =	vmul.f32 v5, v1;
	[tilespmem:s13+$0xFFFFFFC0] =	vst v2  }
0x346: {  	v54 =	vmul.f32 v7, v1;
	[tilespmem:s13+$0xFFFFFFD0] =	vst v3  }
0x347: {  	v2 =	vmul.f32 v6, v1;
	[tilespmem:s13+$0xFFFFFFE0] =	vst v5  }
0x348: {  	v3 =	vmul.f32 v53, v1;
	[tilespmem:s13+$0x10] =	vst v54  }
0x349: {  	[tilespmem:s13+$0xFFFFFFF0] =	vst v2;
	v2 =	vmul.f32 v8, v1  }
0x34a: {  	[tilespmem:s13+$0x0] =	vst v3;
	v1 =	vmul.f32 v9, v1  }
0x34b: {  	[tilespmem:s13+$0x20] =	vst v2  }
0x34c: {  	s14 =	simm.s32 $0xE80;
	[tilespmem:s13+$0x30] =	vst v1  }
0x34d: {  	[spmem:s3] =	stream.indirect.scatter.add.f32 [tilespmem:s0], [sflag:$0x4], $0x90, s14, s31, $0xb8;
	[tilespmem:$0x1FE90] =	vst v63  }
0x34e: {  	_ = 	snop  }
0x34f: {  	[tilespmem:s0], [sflag:$0x2] =	stream.indirect.gather [hbm4b:s5+s31], $0x90, s31, s31, $0xb8;
	[tilespmem:$0x1FE90] =	vst v63  }
0x350: {  	_ =	swait.ge [sflag:s2], $0x4800  }
0x351: {  	[sflag:s2] =	ssyncset.done $0x0  }
0x352: {  	[sflag:s2] =	ssyncadd.s32 $0xFFFFB800  }
0x353: {  	s17 =	simm.s32 $0x0;
	_ =	swait.ge [sflag:s16], $0x4800  }
0x354: {  	s18 =	sand.u32 $0xC0, s17;
	[sflag:s16] =	ssyncset.done $0x0  }
0x355: {  	s11 =	sshrl.u32 s18, $0x2;
	[sflag:s16] =	ssyncadd.s32 $0xFFFFB800  }
0x356: {  	v1 =	vld [tilespmem:s11+$0x300];
	_ =	sdelay $0x2  }
0x357: {  	s11 =	simm.s32 $0xF40  }
0x358: {  	s13 =	sand.u32 $0x1, s17;
	v2 =	vld [tilespmem:s11+$0xFFFFFFC0]  }
0x359: {  	s20 =	simm.s32 $0x0;
	p6 =	seq.s32 s13, $0x1;
	v3 =	vld [tilespmem:s11+$0xFFFFFFD0];
	v55 =	vunpack.i.u.bf16.f32 v1;
	v1 =	vunpack.i.l.bf16.f32 v1  }
0x35a: {  	v57 =	vmov s20;
	v56 =	vld [tilespmem:s11+$0xFFFFFFE0];
	v1 =	vpsel p6, v55, v1  }
0x35b: {  	v58 =	vld [tilespmem:s11+$0xFFFFFFF0];
	v1 =	vperm.xlane v1, v57  }
0x35c: {  	v60 =	vld [tilespmem:s11+$0x10]  }
0x35d: {  	v61 =	vld [tilespmem:s11+$0x20];
	v2 =	vmul.f32 v2, v1  }
0x35e: {  	v59 =	vld [tilespmem:s11+$0x0];
	v3 =	vmul.f32 v3, v1  }
0x35f: {  	v5 =	vmul.f32 v56, v1;
	[tilespmem:s11+$0xFFFFFFC0] =	vst v2;
	v2 =	vld [tilespmem:s11+$0x30]  }
0x360: {  	v6 =	vmul.f32 v58, v1;
	[tilespmem:s11+$0xFFFFFFD0] =	vst v3  }
0x361: {  	v62 =	vmul.f32 v60, v1;
	[tilespmem:s11+$0xFFFFFFE0] =	vst v5  }
0x362: {  	v63 =	vmul.f32 v61, v1;
	[tilespmem:s11+$0xFFFFFFF0] =	vst v6  }
0x363: {  	v3 =	vmul.f32 v59, v1;
	[tilespmem:s11+$0x10] =	vst v62  }
0x364: {  	s18 =	simm.s32 $0x2;
	s17 =	simm.s32 $0x2;
	[tilespmem:s11+$0x20] =	vst v63;
	v1 =	vmul.f32 v2, v1  }
0x365: {  	s14 =	simm.s32 $0x1;
	s20 =	sand.u32 $0xC0, s17;
	s13 =	simm.s32 $0xFD0;
	[tilespmem:s11+$0x0] =	vst v3  }
.LBB2_29:
0x366: {  	p1 =	sne.s32 s18, $0x7F;
	s20 =	sshrl.u32 s20, $0x2;
	v2 =	vld [tilespmem:s13+$0xFFFFFFF0];
	[tilespmem:s11+$0x30] =	vst v1;
	s11 =	smov.u32 s13  }
0x367: {  	v1 =	vld [tilespmem:s20+$0x300]  }
0x368: {  	v3 =	vld [tilespmem:s13+$0x30]  }
0x369: {  	v4 =	vld [tilespmem:s13+$0x10]  }
0x36a: {  	v5 =	vld [tilespmem:s13+$0xFFFFFFD0]  }
0x36b: {  	s20 =	sand.u32 $0x1, s14;
	v6 =	vld [tilespmem:s13+$0xFFFFFFC0]  }
0x36c: {  	p2 =	seq.s32 s20, $0x1;
	s20 =	sshrl.u32 s14, $0x1;
	s14 =	smov.u32 s18;
	v7 =	vunpack.i.u.bf16.f32 v1;
	v1 =	vunpack.i.l.bf16.f32 v1;
	v8 =	vld [tilespmem:s13+$0xFFFFFFE0]  }
0x36d: {  	v1 =	vpsel p2, v7, v1;
	v7 =	vmov s20;
	v9 =	vld [tilespmem:s13+$0x0]  }
0x36e: {  	v1 =	vperm.xlane v1, v7;
	v7 =	vld [tilespmem:s13+$0x20];
	_ =	sdelay $0x1  }
0x36f: {  	v6 =	vmul.f32 v6, v1;
	v5 =	vmul.f32 v5, v1  }
0x370: {  	v2 =	vmul.f32 v2, v1;
	v8 =	vmul.f32 v8, v1  }
0x371: {  	v4 =	vmul.f32 v4, v1;
	[tilespmem:s13+$0xFFFFFFC0] =	vst v6;
	v6 =	vmul.f32 v9, v1  }
0x372: {  	[tilespmem:s13+$0xFFFFFFD0] =	vst v5;
	v5 =	vmul.f32 v7, v1;
	v1 =	vmul.f32 v3, v1  }
.Ltmp15:
0x373: {  	[tilespmem:s13+$0xFFFFFFE0] =	vst v8;
	(pc) =	sbr.rel @p1 .LBB2_29-.Ltmp15, $4  }
0x374: {  	[tilespmem:s13+$0xFFFFFFF0] =	vst v2  }
0x375: {  	[tilespmem:s13+$0x0] =	vst v6  }
0x376: {  	s17 =	sadd.s32 $0x2, s17;
	[tilespmem:s13+$0x10] =	vst v4  }
0x377: {  	s18 =	sadd.s32 $0x1, s18;
	s20 =	sand.u32 $0xC0, s17;
	s13 =	sadd.s32 $0x90, s13;
	[tilespmem:s11+$0x20] =	vst v5  }
0x378: {  	s17 =	sshrl.u32 s20, $0x2;
	[tilespmem:s11+$0x30] =	vst v1  }
0x379: {  	v1 =	vld [tilespmem:s17+$0x300];
	_ =	sdelay $0x3  }
0x37a: {  	s18 =	sand.u32 $0x1, s14;
	v2 =	vld [tilespmem:s13+$0xFFFFFFC0]  }
0x37b: {  	v3 =	vld [tilespmem:s13+$0xFFFFFFD0];
	s20 =	sshrl.u32 s14, $0x1;
	p1 =	seq.s32 s18, $0x1;
	v4 =	vunpack.i.u.bf16.f32 v1;
	v1 =	vunpack.i.l.bf16.f32 v1  }
0x37c: {  	v5 =	vld [tilespmem:s13+$0xFFFFFFE0];
	v52 =	vmov s20;
	v1 =	vpsel p1, v4, v1  }
0x37d: {  	v7 =	vld [tilespmem:s13+$0x10];
	v1 =	vperm.xlane v1, v52  }
0x37e: {  	v6 =	vld [tilespmem:s13+$0xFFFFFFF0]  }
0x37f: {  	v53 =	vld [tilespmem:s13+$0x0];
	v2 =	vmul.f32 v2, v1  }
0x380: {  	v8 =	vld [tilespmem:s13+$0x20];
	v3 =	vmul.f32 v3, v1  }
0x381: {  	v9 =	vld [tilespmem:s13+$0x30];
	v5 =	vmul.f32 v5, v1;
	[tilespmem:s13+$0xFFFFFFC0] =	vst v2  }
0x382: {  	v54 =	vmul.f32 v7, v1;
	[tilespmem:s13+$0xFFFFFFD0] =	vst v3  }
0x383: {  	v2 =	vmul.f32 v6, v1;
	[tilespmem:s13+$0xFFFFFFE0] =	vst v5  }
0x384: {  	v3 =	vmul.f32 v53, v1;
	[tilespmem:s13+$0x10] =	vst v54  }
0x385: {  	[tilespmem:s13+$0xFFFFFFF0] =	vst v2;
	v2 =	vmul.f32 v8, v1  }
0x386: {  	[tilespmem:s13+$0x0] =	vst v3;
	v1 =	vmul.f32 v9, v1  }
0x387: {  	[tilespmem:s13+$0x20] =	vst v2  }
0x388: {  	[tilespmem:s13+$0x30] =	vst v1  }
0x389: {  	[spmem:s3] =	stream.indirect.scatter.add.f32 [tilespmem:s25], [sflag:$0x3], $0x90, s29, s31, $0xb8;
	[tilespmem:$0x1FE90] =	vst v63  }
0x38a: {  	s14 =	simm.s32 $0x100  }
0x38b: {  	[tilespmem:s25], [sflag:$0x1] =	stream.indirect.gather [hbm4b:s5+s31], $0x90, s14, s31, $0xb8;
	[tilespmem:$0x1FE90] =	vst v63  }
0x38c: {  	_ =	swait.ge [sflag:s12], $0x4800  }
0x38d: {  	[sflag:s12] =	ssyncset.done $0x0  }
0x38e: {  	[sflag:s12] =	ssyncadd.s32 $0xFFFFB800  }
0x38f: {  	s17 =	simm.s32 $0x0;
	_ =	swait.ge [sflag:s19], $0x4800  }
0x390: {  	s18 =	sand.u32 $0xC0, s17;
	[sflag:s19] =	ssyncset.done $0x0  }
0x391: {  	s11 =	sshrl.u32 s18, $0x2;
	[sflag:s19] =	ssyncadd.s32 $0xFFFFB800  }
0x392: {  	v1 =	vld [tilespmem:s11+$0x340];
	_ =	sdelay $0x2  }
0x393: {  	s11 =	simm.s32 $0x5740  }
0x394: {  	s13 =	sand.u32 $0x1, s17;
	v2 =	vld [tilespmem:s11+$0xFFFFFFC0]  }
0x395: {  	s20 =	simm.s32 $0x0;
	p6 =	seq.s32 s13, $0x1;
	v3 =	vld [tilespmem:s11+$0xFFFFFFD0];
	v55 =	vunpack.i.u.bf16.f32 v1;
	v1 =	vunpack.i.l.bf16.f32 v1  }
0x396: {  	v57 =	vmov s20;
	v56 =	vld [tilespmem:s11+$0xFFFFFFE0];
	v1 =	vpsel p6, v55, v1  }
0x397: {  	v58 =	vld [tilespmem:s11+$0xFFFFFFF0];
	v1 =	vperm.xlane v1, v57  }
0x398: {  	v60 =	vld [tilespmem:s11+$0x10]  }
0x399: {  	v61 =	vld [tilespmem:s11+$0x20];
	v2 =	vmul.f32 v2, v1  }
0x39a: {  	v59 =	vld [tilespmem:s11+$0x0];
	v3 =	vmul.f32 v3, v1  }
0x39b: {  	v5 =	vmul.f32 v56, v1;
	[tilespmem:s11+$0xFFFFFFC0] =	vst v2;
	v2 =	vld [tilespmem:s11+$0x30]  }
0x39c: {  	v6 =	vmul.f32 v58, v1;
	[tilespmem:s11+$0xFFFFFFD0] =	vst v3  }
0x39d: {  	v62 =	vmul.f32 v60, v1;
	[tilespmem:s11+$0xFFFFFFE0] =	vst v5  }
0x39e: {  	v63 =	vmul.f32 v61, v1;
	[tilespmem:s11+$0xFFFFFFF0] =	vst v6  }
0x39f: {  	v3 =	vmul.f32 v59, v1;
	[tilespmem:s11+$0x10] =	vst v62  }
0x3a0: {  	s18 =	simm.s32 $0x2;
	s17 =	simm.s32 $0x2;
	[tilespmem:s11+$0x20] =	vst v63;
	v1 =	vmul.f32 v2, v1  }
0x3a1: {  	s20 =	sand.u32 $0xC0, s17;
	s13 =	simm.s32 $0x57D0;
	s14 =	simm.s32 $0x1;
	[tilespmem:s11+$0x0] =	vst v3  }
.LBB2_31:
0x3a2: {  	p1 =	sne.s32 s18, $0x7F;
	s20 =	sshrl.u32 s20, $0x2;
	v2 =	vld [tilespmem:s13+$0xFFFFFFF0];
	[tilespmem:s11+$0x30] =	vst v1;
	s11 =	smov.u32 s13  }
0x3a3: {  	v1 =	vld [tilespmem:s20+$0x340]  }
0x3a4: {  	v3 =	vld [tilespmem:s13+$0x30]  }
0x3a5: {  	v4 =	vld [tilespmem:s13+$0x10]  }
0x3a6: {  	v5 =	vld [tilespmem:s13+$0xFFFFFFD0]  }
0x3a7: {  	s20 =	sand.u32 $0x1, s14;
	v6 =	vld [tilespmem:s13+$0xFFFFFFC0]  }
0x3a8: {  	p2 =	seq.s32 s20, $0x1;
	s20 =	sshrl.u32 s14, $0x1;
	s14 =	smov.u32 s18;
	v7 =	vunpack.i.u.bf16.f32 v1;
	v1 =	vunpack.i.l.bf16.f32 v1;
	v8 =	vld [tilespmem:s13+$0xFFFFFFE0]  }
0x3a9: {  	v1 =	vpsel p2, v7, v1;
	v7 =	vmov s20;
	v9 =	vld [tilespmem:s13+$0x0]  }
0x3aa: {  	v1 =	vperm.xlane v1, v7;
	v7 =	vld [tilespmem:s13+$0x20];
	_ =	sdelay $0x1  }
0x3ab: {  	v6 =	vmul.f32 v6, v1;
	v5 =	vmul.f32 v5, v1  }
0x3ac: {  	v2 =	vmul.f32 v2, v1;
	v8 =	vmul.f32 v8, v1  }
0x3ad: {  	v4 =	vmul.f32 v4, v1;
	[tilespmem:s13+$0xFFFFFFC0] =	vst v6;
	v6 =	vmul.f32 v9, v1  }
0x3ae: {  	[tilespmem:s13+$0xFFFFFFD0] =	vst v5;
	v5 =	vmul.f32 v7, v1;
	v1 =	vmul.f32 v3, v1  }
.Ltmp16:
0x3af: {  	[tilespmem:s13+$0xFFFFFFE0] =	vst v8;
	(pc) =	sbr.rel @p1 .LBB2_31-.Ltmp16, $4  }
0x3b0: {  	[tilespmem:s13+$0xFFFFFFF0] =	vst v2  }
0x3b1: {  	[tilespmem:s13+$0x0] =	vst v6  }
0x3b2: {  	s17 =	sadd.s32 $0x2, s17;
	[tilespmem:s13+$0x10] =	vst v4  }
0x3b3: {  	s18 =	sadd.s32 $0x1, s18;
	s20 =	sand.u32 $0xC0, s17;
	s13 =	sadd.s32 $0x90, s13;
	[tilespmem:s11+$0x20] =	vst v5  }
0x3b4: {  	s17 =	sshrl.u32 s20, $0x2;
	[tilespmem:s11+$0x30] =	vst v1  }
0x3b5: {  	v1 =	vld [tilespmem:s17+$0x340];
	_ =	sdelay $0x3  }
0x3b6: {  	s18 =	sand.u32 $0x1, s14;
	v2 =	vld [tilespmem:s13+$0xFFFFFFC0]  }
0x3b7: {  	v3 =	vld [tilespmem:s13+$0xFFFFFFD0];
	s20 =	sshrl.u32 s14, $0x1;
	p1 =	seq.s32 s18, $0x1;
	v4 =	vunpack.i.u.bf16.f32 v1;
	v1 =	vunpack.i.l.bf16.f32 v1  }
0x3b8: {  	v5 =	vld [tilespmem:s13+$0xFFFFFFE0];
	v52 =	vmov s20;
	v1 =	vpsel p1, v4, v1  }
0x3b9: {  	v7 =	vld [tilespmem:s13+$0x10];
	v1 =	vperm.xlane v1, v52  }
0x3ba: {  	v6 =	vld [tilespmem:s13+$0xFFFFFFF0]  }
0x3bb: {  	v53 =	vld [tilespmem:s13+$0x0];
	v2 =	vmul.f32 v2, v1  }
0x3bc: {  	v8 =	vld [tilespmem:s13+$0x20];
	v3 =	vmul.f32 v3, v1  }
0x3bd: {  	v9 =	vld [tilespmem:s13+$0x30];
	v5 =	vmul.f32 v5, v1;
	[tilespmem:s13+$0xFFFFFFC0] =	vst v2  }
0x3be: {  	v54 =	vmul.f32 v7, v1;
	[tilespmem:s13+$0xFFFFFFD0] =	vst v3  }
0x3bf: {  	v2 =	vmul.f32 v6, v1;
	[tilespmem:s13+$0xFFFFFFE0] =	vst v5  }
0x3c0: {  	v3 =	vmul.f32 v53, v1;
	[tilespmem:s13+$0x10] =	vst v54  }
0x3c1: {  	[tilespmem:s13+$0xFFFFFFF0] =	vst v2;
	v2 =	vmul.f32 v8, v1  }
0x3c2: {  	s11 =	sadd.s32 $0x12, s28;
	[tilespmem:s13+$0x0] =	vst v3;
	v1 =	vmul.f32 v9, v1  }
0x3c3: {  	p1 =	sge.u32 s11, s9;
	[tilespmem:s13+$0x20] =	vst v2  }
0x3c4: {  	s11 =	sadd.s32 @!p1 s8, s11;
	[tilespmem:s13+$0x30] =	vst v1;
	s13 =	simm.s32 $0x500  }
0x3c5: {  	[spmem:s3] =	stream.indirect.scatter.add.f32 [tilespmem:s0], [sflag:$0x4], $0x90, s13, s31, $0xb8;
	[tilespmem:$0x1FE90] =	vst v63  }
0x3c6: {  	s14 =	simm.s32 $0x180;
	s17 =	simm.s32 @!p1 $0x0;
	s13 =	sshll.u32 @!p1 s11, $0x4  }
0x3c7: {  	[tilespmem:s0], [sflag:$0x2] =	stream.indirect.gather [hbm4b:s5+s31], $0x90, s14, s31, $0xb8;
	[tilespmem:$0x1FE90] =	vst v63  }
0x3c8: {  	s18 =	simm.s32 @!p1 $0x780;
	s11 =	sshll.u32 @!p1 s11, $0x3;
	s14 =	sadd.s32 @!p1 s6, s13  }
0x3c9: {  	[tilespmem:s18], [sflag:$0x6] =	stream.linear.gather @!p1 [hbm4b:s14+s17], $0x300, $0x38;
	[tilespmem:$0x1FE90] =	vst v63  }
0x3ca: {  	s11 =	sadd.s32 @!p1 s7, s11;
	s14 =	simm.s32 @!p1 $0xA80  }
0x3cb: {  	[tilespmem:s14], [sflag:$0x6] =	stream.linear.gather @!p1 [hbm4b:s11+s17], $0x180, $0x38;
	[tilespmem:$0x1FE90] =	vst v63  }
0x3cc: {  	s11 =	sadd.s32 @!p1 s1, s13;
	s13 =	simm.s32 @!p1 $0xC00  }
0x3cd: {  	[tilespmem:s13], [sflag:$0x6] =	stream.linear.gather @!p1 [hbm4b:s11+s17], $0x300, $0x38;
	[tilespmem:$0x1FE90] =	vst v63  }
0x3ce: {  	_ =	swait.ge [sflag:s2], $0x4800  }
0x3cf: {  	[sflag:s2] =	ssyncset.done $0x0  }
0x3d0: {  	[sflag:s2] =	ssyncadd.s32 $0xFFFFB800  }
0x3d1: {  	s17 =	simm.s32 $0x0;
	_ =	swait.ge [sflag:s16], $0x4800  }
0x3d2: {  	s18 =	sand.u32 $0xC0, s17;
	[sflag:s16] =	ssyncset.done $0x0  }
0x3d3: {  	s11 =	sshrl.u32 s18, $0x2;
	[sflag:s16] =	ssyncadd.s32 $0xFFFFB800  }
0x3d4: {  	v1 =	vld [tilespmem:s11+$0x380];
	_ =	sdelay $0x2  }
0x3d5: {  	s11 =	simm.s32 $0xF40  }
0x3d6: {  	s13 =	sand.u32 $0x1, s17;
	v2 =	vld [tilespmem:s11+$0xFFFFFFC0]  }
0x3d7: {  	s20 =	simm.s32 $0x0;
	p2 =	seq.s32 s13, $0x1;
	v3 =	vld [tilespmem:s11+$0xFFFFFFD0];
	v55 =	vunpack.i.u.bf16.f32 v1;
	v1 =	vunpack.i.l.bf16.f32 v1  }
0x3d8: {  	v57 =	vmov s20;
	v56 =	vld [tilespmem:s11+$0xFFFFFFE0];
	v1 =	vpsel p2, v55, v1  }
0x3d9: {  	v58 =	vld [tilespmem:s11+$0xFFFFFFF0];
	v1 =	vperm.xlane v1, v57  }
0x3da: {  	v60 =	vld [tilespmem:s11+$0x10]  }
0x3db: {  	v61 =	vld [tilespmem:s11+$0x20];
	v2 =	vmul.f32 v2, v1  }
0x3dc: {  	v59 =	vld [tilespmem:s11+$0x0];
	v3 =	vmul.f32 v3, v1  }
0x3dd: {  	v5 =	vmul.f32 v56, v1;
	[tilespmem:s11+$0xFFFFFFC0] =	vst v2;
	v2 =	vld [tilespmem:s11+$0x30]  }
0x3de: {  	v6 =	vmul.f32 v58, v1;
	[tilespmem:s11+$0xFFFFFFD0] =	vst v3  }
0x3df: {  	v62 =	vmul.f32 v60, v1;
	[tilespmem:s11+$0xFFFFFFE0] =	vst v5  }
0x3e0: {  	v63 =	vmul.f32 v61, v1;
	[tilespmem:s11+$0xFFFFFFF0] =	vst v6  }
0x3e1: {  	v3 =	vmul.f32 v59, v1;
	[tilespmem:s11+$0x10] =	vst v62  }
0x3e2: {  	s14 =	simm.s32 $0x1;
	s17 =	simm.s32 $0x2;
	[tilespmem:s11+$0x20] =	vst v63;
	v1 =	vmul.f32 v2, v1  }
0x3e3: {  	s20 =	sand.u32 $0xC0, s17;
	s18 =	simm.s32 $0x2;
	s13 =	simm.s32 $0xFD0;
	[tilespmem:s11+$0x0] =	vst v3  }
.LBB2_33:
0x3e4: {  	p2 =	sne.s32 s18, $0x7F;
	s20 =	sshrl.u32 s20, $0x2;
	v2 =	vld [tilespmem:s13+$0xFFFFFFF0];
	[tilespmem:s11+$0x30] =	vst v1;
	s11 =	smov.u32 s13  }
0x3e5: {  	v1 =	vld [tilespmem:s20+$0x380]  }
0x3e6: {  	v3 =	vld [tilespmem:s13+$0x30]  }
0x3e7: {  	v4 =	vld [tilespmem:s13+$0x10]  }
0x3e8: {  	v5 =	vld [tilespmem:s13+$0xFFFFFFD0]  }
0x3e9: {  	s20 =	sand.u32 $0x1, s14;
	v6 =	vld [tilespmem:s13+$0xFFFFFFC0]  }
0x3ea: {  	p3 =	seq.s32 s20, $0x1;
	s20 =	sshrl.u32 s14, $0x1;
	s14 =	smov.u32 s18;
	v7 =	vunpack.i.u.bf16.f32 v1;
	v1 =	vunpack.i.l.bf16.f32 v1;
	v8 =	vld [tilespmem:s13+$0xFFFFFFE0]  }
0x3eb: {  	v1 =	vpsel p3, v7, v1;
	v7 =	vmov s20;
	v9 =	vld [tilespmem:s13+$0x0]  }
0x3ec: {  	v1 =	vperm.xlane v1, v7;
	v7 =	vld [tilespmem:s13+$0x20];
	_ =	sdelay $0x1  }
0x3ed: {  	v6 =	vmul.f32 v6, v1;
	v5 =	vmul.f32 v5, v1  }
0x3ee: {  	v2 =	vmul.f32 v2, v1;
	v8 =	vmul.f32 v8, v1  }
0x3ef: {  	v4 =	vmul.f32 v4, v1;
	[tilespmem:s13+$0xFFFFFFC0] =	vst v6;
	v6 =	vmul.f32 v9, v1  }
0x3f0: {  	[tilespmem:s13+$0xFFFFFFD0] =	vst v5;
	v5 =	vmul.f32 v7, v1;
	v1 =	vmul.f32 v3, v1  }
.Ltmp17:
0x3f1: {  	[tilespmem:s13+$0xFFFFFFE0] =	vst v8;
	(pc) =	sbr.rel @p2 .LBB2_33-.Ltmp17, $4  }
0x3f2: {  	[tilespmem:s13+$0xFFFFFFF0] =	vst v2  }
0x3f3: {  	[tilespmem:s13+$0x0] =	vst v6  }
0x3f4: {  	s17 =	sadd.s32 $0x2, s17;
	[tilespmem:s13+$0x10] =	vst v4  }
0x3f5: {  	s18 =	sadd.s32 $0x1, s18;
	s20 =	sand.u32 $0xC0, s17;
	s13 =	sadd.s32 $0x90, s13;
	[tilespmem:s11+$0x20] =	vst v5  }
0x3f6: {  	s17 =	sshrl.u32 s20, $0x2;
	[tilespmem:s11+$0x30] =	vst v1  }
0x3f7: {  	v1 =	vld [tilespmem:s17+$0x380];
	_ =	sdelay $0x3  }
0x3f8: {  	s18 =	sand.u32 $0x1, s14;
	v2 =	vld [tilespmem:s13+$0xFFFFFFC0]  }
0x3f9: {  	v3 =	vld [tilespmem:s13+$0xFFFFFFD0];
	s20 =	sshrl.u32 s14, $0x1;
	p2 =	seq.s32 s18, $0x1;
	v4 =	vunpack.i.u.bf16.f32 v1;
	v1 =	vunpack.i.l.bf16.f32 v1  }
0x3fa: {  	v5 =	vld [tilespmem:s13+$0xFFFFFFE0];
	v52 =	vmov s20;
	v1 =	vpsel p2, v4, v1  }
0x3fb: {  	v7 =	vld [tilespmem:s13+$0x10];
	v1 =	vperm.xlane v1, v52  }
0x3fc: {  	v6 =	vld [tilespmem:s13+$0xFFFFFFF0]  }
0x3fd: {  	v53 =	vld [tilespmem:s13+$0x0];
	v2 =	vmul.f32 v2, v1  }
0x3fe: {  	v8 =	vld [tilespmem:s13+$0x20];
	v3 =	vmul.f32 v3, v1  }
0x3ff: {  	v9 =	vld [tilespmem:s13+$0x30];
	v5 =	vmul.f32 v5, v1;
	[tilespmem:s13+$0xFFFFFFC0] =	vst v2  }
0x400: {  	v54 =	vmul.f32 v7, v1;
	[tilespmem:s13+$0xFFFFFFD0] =	vst v3  }
0x401: {  	v2 =	vmul.f32 v6, v1;
	[tilespmem:s13+$0xFFFFFFE0] =	vst v5  }
0x402: {  	v3 =	vmul.f32 v53, v1;
	[tilespmem:s13+$0x10] =	vst v54  }
0x403: {  	[tilespmem:s13+$0xFFFFFFF0] =	vst v2;
	v2 =	vmul.f32 v8, v1  }
0x404: {  	[tilespmem:s13+$0x0] =	vst v3;
	v1 =	vmul.f32 v9, v1  }
0x405: {  	[tilespmem:s13+$0x20] =	vst v2  }
0x406: {  	[tilespmem:s13+$0x30] =	vst v1;
	s13 =	simm.s32 $0x580  }
0x407: {  	[spmem:s3] =	stream.indirect.scatter.add.f32 [tilespmem:s25], [sflag:$0x3], $0x90, s13, s31, $0xb8;
	[tilespmem:$0x1FE90] =	vst v63  }
0x408: {  	s14 =	simm.s32 $0x200  }
0x409: {  	[tilespmem:s25], [sflag:$0x1] =	stream.indirect.gather [hbm4b:s5+s31], $0x90, s14, s31, $0xb8;
	[tilespmem:$0x1FE90] =	vst v63  }
0x40a: {  	_ =	swait.ge [sflag:s12], $0x4800  }
0x40b: {  	[sflag:s12] =	ssyncset.done $0x0  }
0x40c: {  	[sflag:s12] =	ssyncadd.s32 $0xFFFFB800  }
0x40d: {  	s17 =	simm.s32 $0x0;
	_ =	swait.ge [sflag:s19], $0x4800  }
0x40e: {  	s18 =	sand.u32 $0xC0, s17;
	[sflag:s19] =	ssyncset.done $0x0  }
0x40f: {  	s11 =	sshrl.u32 s18, $0x2;
	[sflag:s19] =	ssyncadd.s32 $0xFFFFB800  }
0x410: {  	v1 =	vld [tilespmem:s11+$0x3C0];
	_ =	sdelay $0x2  }
0x411: {  	s11 =	simm.s32 $0x5740  }
0x412: {  	s13 =	sand.u32 $0x1, s17;
	v2 =	vld [tilespmem:s11+$0xFFFFFFC0]  }
0x413: {  	s20 =	simm.s32 $0x0;
	p6 =	seq.s32 s13, $0x1;
	v3 =	vld [tilespmem:s11+$0xFFFFFFD0];
	v55 =	vunpack.i.u.bf16.f32 v1;
	v1 =	vunpack.i.l.bf16.f32 v1  }
0x414: {  	v57 =	vmov s20;
	v56 =	vld [tilespmem:s11+$0xFFFFFFE0];
	v1 =	vpsel p6, v55, v1  }
0x415: {  	v58 =	vld [tilespmem:s11+$0xFFFFFFF0];
	v1 =	vperm.xlane v1, v57  }
0x416: {  	v60 =	vld [tilespmem:s11+$0x10]  }
0x417: {  	v61 =	vld [tilespmem:s11+$0x20];
	v2 =	vmul.f32 v2, v1  }
0x418: {  	v59 =	vld [tilespmem:s11+$0x0];
	v3 =	vmul.f32 v3, v1  }
0x419: {  	v5 =	vmul.f32 v56, v1;
	[tilespmem:s11+$0xFFFFFFC0] =	vst v2;
	v2 =	vld [tilespmem:s11+$0x30]  }
0x41a: {  	v6 =	vmul.f32 v58, v1;
	[tilespmem:s11+$0xFFFFFFD0] =	vst v3  }
0x41b: {  	v62 =	vmul.f32 v60, v1;
	[tilespmem:s11+$0xFFFFFFE0] =	vst v5  }
0x41c: {  	v63 =	vmul.f32 v61, v1;
	[tilespmem:s11+$0xFFFFFFF0] =	vst v6  }
0x41d: {  	v3 =	vmul.f32 v59, v1;
	[tilespmem:s11+$0x10] =	vst v62  }
0x41e: {  	s18 =	simm.s32 $0x2;
	s17 =	simm.s32 $0x2;
	[tilespmem:s11+$0x20] =	vst v63;
	v1 =	vmul.f32 v2, v1  }
0x41f: {  	s20 =	sand.u32 $0xC0, s17;
	s13 =	simm.s32 $0x57D0;
	s14 =	simm.s32 $0x1;
	[tilespmem:s11+$0x0] =	vst v3  }
.LBB2_35:
0x420: {  	p2 =	sne.s32 s18, $0x7F;
	s20 =	sshrl.u32 s20, $0x2;
	v2 =	vld [tilespmem:s13+$0xFFFFFFF0];
	[tilespmem:s11+$0x30] =	vst v1;
	s11 =	smov.u32 s13  }
0x421: {  	v1 =	vld [tilespmem:s20+$0x3C0]  }
0x422: {  	v3 =	vld [tilespmem:s13+$0x30]  }
0x423: {  	v4 =	vld [tilespmem:s13+$0x10]  }
0x424: {  	v5 =	vld [tilespmem:s13+$0xFFFFFFD0]  }
0x425: {  	s20 =	sand.u32 $0x1, s14;
	v6 =	vld [tilespmem:s13+$0xFFFFFFC0]  }
0x426: {  	p3 =	seq.s32 s20, $0x1;
	s20 =	sshrl.u32 s14, $0x1;
	s14 =	smov.u32 s18;
	v7 =	vunpack.i.u.bf16.f32 v1;
	v1 =	vunpack.i.l.bf16.f32 v1;
	v8 =	vld [tilespmem:s13+$0xFFFFFFE0]  }
0x427: {  	v1 =	vpsel p3, v7, v1;
	v7 =	vmov s20;
	v9 =	vld [tilespmem:s13+$0x0]  }
0x428: {  	v1 =	vperm.xlane v1, v7;
	v7 =	vld [tilespmem:s13+$0x20];
	_ =	sdelay $0x1  }
0x429: {  	v6 =	vmul.f32 v6, v1;
	v5 =	vmul.f32 v5, v1  }
0x42a: {  	v2 =	vmul.f32 v2, v1;
	v8 =	vmul.f32 v8, v1  }
0x42b: {  	v4 =	vmul.f32 v4, v1;
	[tilespmem:s13+$0xFFFFFFC0] =	vst v6;
	v6 =	vmul.f32 v9, v1  }
0x42c: {  	[tilespmem:s13+$0xFFFFFFD0] =	vst v5;
	v5 =	vmul.f32 v7, v1;
	v1 =	vmul.f32 v3, v1  }
.Ltmp18:
0x42d: {  	[tilespmem:s13+$0xFFFFFFE0] =	vst v8;
	(pc) =	sbr.rel @p2 .LBB2_35-.Ltmp18, $4  }
0x42e: {  	[tilespmem:s13+$0xFFFFFFF0] =	vst v2  }
0x42f: {  	[tilespmem:s13+$0x0] =	vst v6  }
0x430: {  	s17 =	sadd.s32 $0x2, s17;
	[tilespmem:s13+$0x10] =	vst v4  }
0x431: {  	s18 =	sadd.s32 $0x1, s18;
	s20 =	sand.u32 $0xC0, s17;
	s13 =	sadd.s32 $0x90, s13;
	[tilespmem:s11+$0x20] =	vst v5  }
0x432: {  	s17 =	sshrl.u32 s20, $0x2;
	[tilespmem:s11+$0x30] =	vst v1  }
0x433: {  	v1 =	vld [tilespmem:s17+$0x3C0];
	_ =	sdelay $0x3  }
0x434: {  	s18 =	sand.u32 $0x1, s14;
	v2 =	vld [tilespmem:s13+$0xFFFFFFC0]  }
0x435: {  	v3 =	vld [tilespmem:s13+$0xFFFFFFD0];
	s20 =	sshrl.u32 s14, $0x1;
	p2 =	seq.s32 s18, $0x1;
	v4 =	vunpack.i.u.bf16.f32 v1;
	v1 =	vunpack.i.l.bf16.f32 v1  }
0x436: {  	v5 =	vld [tilespmem:s13+$0xFFFFFFE0];
	v52 =	vmov s20;
	v1 =	vpsel p2, v4, v1  }
0x437: {  	v7 =	vld [tilespmem:s13+$0x10];
	v1 =	vperm.xlane v1, v52  }
0x438: {  	v6 =	vld [tilespmem:s13+$0xFFFFFFF0]  }
0x439: {  	v53 =	vld [tilespmem:s13+$0x0];
	v2 =	vmul.f32 v2, v1  }
0x43a: {  	v8 =	vld [tilespmem:s13+$0x20];
	v3 =	vmul.f32 v3, v1  }
0x43b: {  	v9 =	vld [tilespmem:s13+$0x30];
	v5 =	vmul.f32 v5, v1;
	[tilespmem:s13+$0xFFFFFFC0] =	vst v2  }
0x43c: {  	v54 =	vmul.f32 v7, v1;
	[tilespmem:s13+$0xFFFFFFD0] =	vst v3  }
0x43d: {  	v2 =	vmul.f32 v6, v1;
	[tilespmem:s13+$0xFFFFFFE0] =	vst v5  }
0x43e: {  	v3 =	vmul.f32 v53, v1;
	[tilespmem:s13+$0x10] =	vst v54  }
0x43f: {  	[tilespmem:s13+$0xFFFFFFF0] =	vst v2;
	v2 =	vmul.f32 v8, v1  }
0x440: {  	[tilespmem:s13+$0x0] =	vst v3;
	v1 =	vmul.f32 v9, v1  }
0x441: {  	[tilespmem:s13+$0x20] =	vst v2  }
0x442: {  	s14 =	simm.s32 $0x600;
	[tilespmem:s13+$0x30] =	vst v1  }
0x443: {  	[spmem:s3] =	stream.indirect.scatter.add.f32 [tilespmem:s0], [sflag:$0x4], $0x90, s14, s31, $0xb8;
	[tilespmem:$0x1FE90] =	vst v63  }
0x444: {  	_ = 	snop  }
0x445: {  	[tilespmem:s0], [sflag:$0x2] =	stream.indirect.gather [hbm4b:s5+s31], $0x90, s22, s31, $0xb8;
	[tilespmem:$0x1FE90] =	vst v63  }
0x446: {  	_ =	swait.ge [sflag:s2], $0x4800  }
0x447: {  	[sflag:s2] =	ssyncset.done $0x0  }
0x448: {  	[sflag:s2] =	ssyncadd.s32 $0xFFFFB800  }
0x449: {  	s17 =	simm.s32 $0x0;
	_ =	swait.ge [sflag:s16], $0x4800  }
0x44a: {  	s18 =	sand.u32 $0xC0, s17;
	[sflag:s16] =	ssyncset.done $0x0  }
0x44b: {  	s11 =	sshrl.u32 s18, $0x2;
	[sflag:s16] =	ssyncadd.s32 $0xFFFFB800  }
0x44c: {  	v1 =	vld [tilespmem:s11+$0x400];
	_ =	sdelay $0x2  }
0x44d: {  	s11 =	simm.s32 $0xF40  }
0x44e: {  	s13 =	sand.u32 $0x1, s17;
	v2 =	vld [tilespmem:s11+$0xFFFFFFC0]  }
0x44f: {  	s20 =	simm.s32 $0x0;
	p6 =	seq.s32 s13, $0x1;
	v3 =	vld [tilespmem:s11+$0xFFFFFFD0];
	v55 =	vunpack.i.u.bf16.f32 v1;
	v1 =	vunpack.i.l.bf16.f32 v1  }
0x450: {  	v57 =	vmov s20;
	v56 =	vld [tilespmem:s11+$0xFFFFFFE0];
	v1 =	vpsel p6, v55, v1  }
0x451: {  	v58 =	vld [tilespmem:s11+$0xFFFFFFF0];
	v1 =	vperm.xlane v1, v57  }
0x452: {  	v60 =	vld [tilespmem:s11+$0x10]  }
0x453: {  	v61 =	vld [tilespmem:s11+$0x20];
	v2 =	vmul.f32 v2, v1  }
0x454: {  	v59 =	vld [tilespmem:s11+$0x0];
	v3 =	vmul.f32 v3, v1  }
0x455: {  	v5 =	vmul.f32 v56, v1;
	[tilespmem:s11+$0xFFFFFFC0] =	vst v2;
	v2 =	vld [tilespmem:s11+$0x30]  }
0x456: {  	v6 =	vmul.f32 v58, v1;
	[tilespmem:s11+$0xFFFFFFD0] =	vst v3  }
0x457: {  	v62 =	vmul.f32 v60, v1;
	[tilespmem:s11+$0xFFFFFFE0] =	vst v5  }
0x458: {  	v63 =	vmul.f32 v61, v1;
	[tilespmem:s11+$0xFFFFFFF0] =	vst v6  }
0x459: {  	v3 =	vmul.f32 v59, v1;
	[tilespmem:s11+$0x10] =	vst v62  }
0x45a: {  	s18 =	simm.s32 $0x2;
	s17 =	simm.s32 $0x2;
	[tilespmem:s11+$0x20] =	vst v63;
	v1 =	vmul.f32 v2, v1  }
0x45b: {  	s14 =	simm.s32 $0x1;
	s20 =	sand.u32 $0xC0, s17;
	s13 =	simm.s32 $0xFD0;
	[tilespmem:s11+$0x0] =	vst v3  }
.LBB2_37:
0x45c: {  	p2 =	sne.s32 s18, $0x7F;
	s20 =	sshrl.u32 s20, $0x2;
	v2 =	vld [tilespmem:s13+$0xFFFFFFF0];
	[tilespmem:s11+$0x30] =	vst v1;
	s11 =	smov.u32 s13  }
0x45d: {  	v1 =	vld [tilespmem:s20+$0x400]  }
0x45e: {  	v3 =	vld [tilespmem:s13+$0x30]  }
0x45f: {  	v4 =	vld [tilespmem:s13+$0x10]  }
0x460: {  	v5 =	vld [tilespmem:s13+$0xFFFFFFD0]  }
0x461: {  	s20 =	sand.u32 $0x1, s14;
	v6 =	vld [tilespmem:s13+$0xFFFFFFC0]  }
0x462: {  	p3 =	seq.s32 s20, $0x1;
	s20 =	sshrl.u32 s14, $0x1;
	s14 =	smov.u32 s18;
	v7 =	vunpack.i.u.bf16.f32 v1;
	v1 =	vunpack.i.l.bf16.f32 v1;
	v8 =	vld [tilespmem:s13+$0xFFFFFFE0]  }
0x463: {  	v1 =	vpsel p3, v7, v1;
	v7 =	vmov s20;
	v9 =	vld [tilespmem:s13+$0x0]  }
0x464: {  	v1 =	vperm.xlane v1, v7;
	v7 =	vld [tilespmem:s13+$0x20];
	_ =	sdelay $0x1  }
0x465: {  	v6 =	vmul.f32 v6, v1;
	v5 =	vmul.f32 v5, v1  }
0x466: {  	v2 =	vmul.f32 v2, v1;
	v8 =	vmul.f32 v8, v1  }
0x467: {  	v4 =	vmul.f32 v4, v1;
	[tilespmem:s13+$0xFFFFFFC0] =	vst v6;
	v6 =	vmul.f32 v9, v1  }
0x468: {  	[tilespmem:s13+$0xFFFFFFD0] =	vst v5;
	v5 =	vmul.f32 v7, v1;
	v1 =	vmul.f32 v3, v1  }
.Ltmp19:
0x469: {  	[tilespmem:s13+$0xFFFFFFE0] =	vst v8;
	(pc) =	sbr.rel @p2 .LBB2_37-.Ltmp19, $4  }
0x46a: {  	[tilespmem:s13+$0xFFFFFFF0] =	vst v2  }
0x46b: {  	[tilespmem:s13+$0x0] =	vst v6  }
0x46c: {  	s17 =	sadd.s32 $0x2, s17;
	[tilespmem:s13+$0x10] =	vst v4  }
0x46d: {  	s18 =	sadd.s32 $0x1, s18;
	s20 =	sand.u32 $0xC0, s17;
	s13 =	sadd.s32 $0x90, s13;
	[tilespmem:s11+$0x20] =	vst v5  }
0x46e: {  	s17 =	sshrl.u32 s20, $0x2;
	[tilespmem:s11+$0x30] =	vst v1  }
0x46f: {  	v1 =	vld [tilespmem:s17+$0x400];
	_ =	sdelay $0x3  }
0x470: {  	s20 =	sand.u32 $0x1, s14;
	v2 =	vld [tilespmem:s13+$0xFFFFFFC0]  }
0x471: {  	v3 =	vld [tilespmem:s13+$0xFFFFFFD0];
	s14 =	sshrl.u32 s14, $0x1;
	p2 =	seq.s32 s20, $0x1;
	v4 =	vunpack.i.u.bf16.f32 v1;
	v1 =	vunpack.i.l.bf16.f32 v1  }
0x472: {  	v5 =	vld [tilespmem:s13+$0xFFFFFFE0];
	v52 =	vmov s14;
	v1 =	vpsel p2, v4, v1  }
0x473: {  	v7 =	vld [tilespmem:s13+$0x10];
	v1 =	vperm.xlane v1, v52  }
0x474: {  	v6 =	vld [tilespmem:s13+$0xFFFFFFF0]  }
0x475: {  	v53 =	vld [tilespmem:s13+$0x0];
	v2 =	vmul.f32 v2, v1  }
0x476: {  	v8 =	vld [tilespmem:s13+$0x20];
	v3 =	vmul.f32 v3, v1  }
0x477: {  	v9 =	vld [tilespmem:s13+$0x30];
	v5 =	vmul.f32 v5, v1;
	[tilespmem:s13+$0xFFFFFFC0] =	vst v2  }
0x478: {  	v54 =	vmul.f32 v7, v1;
	[tilespmem:s13+$0xFFFFFFD0] =	vst v3  }
0x479: {  	v2 =	vmul.f32 v6, v1;
	[tilespmem:s13+$0xFFFFFFE0] =	vst v5  }
0x47a: {  	v3 =	vmul.f32 v53, v1;
	[tilespmem:s13+$0x10] =	vst v54  }
0x47b: {  	[tilespmem:s13+$0xFFFFFFF0] =	vst v2;
	v2 =	vmul.f32 v8, v1  }
0x47c: {  	[tilespmem:s13+$0x0] =	vst v3;
	v1 =	vmul.f32 v9, v1  }
0x47d: {  	[tilespmem:s13+$0x20] =	vst v2  }
0x47e: {  	s11 =	simm.s32 @!p1 $0x6;
	[tilespmem:s13+$0x30] =	vst v1  }
0x47f: {  	[spmem:s3] =	stream.indirect.scatter.add.f32 [tilespmem:s25], [sflag:$0x3], $0x90, s23, s31, $0xb8;
	[tilespmem:$0x1FE90] =	vst v63  }
0x480: {  	_ =	swait.ge @!p1 [sflag:s11], $0x300  }
0x481: {  	[sflag:s11] =	ssyncset.done @!p1 $0x0  }
0x482: {  	[sflag:s11] =	ssyncadd.s32 @!p1 $0xFFFFFD00  }
0x483: {  	_ =	swait.ge @!p1 [sflag:s11], $0x180  }
0x484: {  	[sflag:s11] =	ssyncset.done @!p1 $0x0  }
0x485: {  	[sflag:s11] =	ssyncadd.s32 @!p1 $0xFFFFFE80  }
0x486: {  	_ =	swait.ge @!p1 [sflag:s11], $0x300  }
0x487: {  	s14 =	simm.s32 @!p1 $0xF00;
	[sflag:s11] =	ssyncset.done @!p1 $0x0  }
0x488: {  	s13 =	simm.s32 @!p1 $0x780;
	[sflag:s11] =	ssyncadd.s32 @!p1 $0xFFFFFD00;
	s11 =	simm.s32 @!p1 $0x80  }
0x489: {  	[tilespmem:s14], [sflag:$0x1] =	stream.indirect.gather @!p1 [hbm4b:s5+s11], $0x90, s13, s11, $0xb8;
	[tilespmem:$0x1FE90] =	vst v63  }
0x48a: {  	_ =	swait.ge [sflag:s12], $0x4800  }
0x48b: {  	[sflag:s12] =	ssyncset.done $0x0  }
0x48c: {  	[sflag:s12] =	ssyncadd.s32 $0xFFFFB800  }
0x48d: {  	s17 =	simm.s32 $0x0;
	_ =	swait.ge [sflag:s19], $0x4800  }
0x48e: {  	s18 =	sand.u32 $0xC0, s17;
	[sflag:s19] =	ssyncset.done $0x0  }
0x48f: {  	s11 =	sshrl.u32 s18, $0x2;
	[sflag:s19] =	ssyncadd.s32 $0xFFFFB800  }
0x490: {  	v1 =	vld [tilespmem:s11+$0x440];
	_ =	sdelay $0x2  }
0x491: {  	s11 =	simm.s32 $0x5740  }
0x492: {  	s13 =	sand.u32 $0x1, s17;
	v2 =	vld [tilespmem:s11+$0xFFFFFFC0]  }
0x493: {  	s20 =	simm.s32 $0x0;
	p6 =	seq.s32 s13, $0x1;
	v3 =	vld [tilespmem:s11+$0xFFFFFFD0];
	v55 =	vunpack.i.u.bf16.f32 v1;
	v1 =	vunpack.i.l.bf16.f32 v1  }
0x494: {  	v57 =	vmov s20;
	v56 =	vld [tilespmem:s11+$0xFFFFFFE0];
	v1 =	vpsel p6, v55, v1  }
0x495: {  	v58 =	vld [tilespmem:s11+$0xFFFFFFF0];
	v1 =	vperm.xlane v1, v57  }
0x496: {  	v60 =	vld [tilespmem:s11+$0x10]  }
0x497: {  	v61 =	vld [tilespmem:s11+$0x20];
	v2 =	vmul.f32 v2, v1  }
0x498: {  	v59 =	vld [tilespmem:s11+$0x0];
	v3 =	vmul.f32 v3, v1  }
0x499: {  	v5 =	vmul.f32 v56, v1;
	[tilespmem:s11+$0xFFFFFFC0] =	vst v2;
	v2 =	vld [tilespmem:s11+$0x30]  }
0x49a: {  	v6 =	vmul.f32 v58, v1;
	[tilespmem:s11+$0xFFFFFFD0] =	vst v3  }
0x49b: {  	v62 =	vmul.f32 v60, v1;
	[tilespmem:s11+$0xFFFFFFE0] =	vst v5  }
0x49c: {  	v63 =	vmul.f32 v61, v1;
	[tilespmem:s11+$0xFFFFFFF0] =	vst v6  }
0x49d: {  	v3 =	vmul.f32 v59, v1;
	[tilespmem:s11+$0x10] =	vst v62  }
0x49e: {  	s14 =	simm.s32 $0x1;
	s17 =	simm.s32 $0x2;
	[tilespmem:s11+$0x20] =	vst v63;
	v1 =	vmul.f32 v2, v1  }
0x49f: {  	s18 =	simm.s32 $0x2;
	s20 =	sand.u32 $0xC0, s17;
	s13 =	simm.s32 $0x57D0;
	[tilespmem:s11+$0x0] =	vst v3  }
.LBB2_39:
0x4a0: {  	p1 =	sne.s32 s18, $0x7F;
	s20 =	sshrl.u32 s20, $0x2;
	v2 =	vld [tilespmem:s13+$0xFFFFFFF0];
	[tilespmem:s11+$0x30] =	vst v1;
	s11 =	smov.u32 s13  }
0x4a1: {  	v1 =	vld [tilespmem:s20+$0x440]  }
0x4a2: {  	v3 =	vld [tilespmem:s13+$0x30]  }
0x4a3: {  	v4 =	vld [tilespmem:s13+$0x10]  }
0x4a4: {  	v5 =	vld [tilespmem:s13+$0xFFFFFFD0]  }
0x4a5: {  	s20 =	sand.u32 $0x1, s14;
	v6 =	vld [tilespmem:s13+$0xFFFFFFC0]  }
0x4a6: {  	p2 =	seq.s32 s20, $0x1;
	s20 =	sshrl.u32 s14, $0x1;
	s14 =	smov.u32 s18;
	v7 =	vunpack.i.u.bf16.f32 v1;
	v1 =	vunpack.i.l.bf16.f32 v1;
	v8 =	vld [tilespmem:s13+$0xFFFFFFE0]  }
0x4a7: {  	v1 =	vpsel p2, v7, v1;
	v7 =	vmov s20;
	v9 =	vld [tilespmem:s13+$0x0]  }
0x4a8: {  	v1 =	vperm.xlane v1, v7;
	v7 =	vld [tilespmem:s13+$0x20];
	_ =	sdelay $0x1  }
0x4a9: {  	v6 =	vmul.f32 v6, v1;
	v5 =	vmul.f32 v5, v1  }
0x4aa: {  	v2 =	vmul.f32 v2, v1;
	v8 =	vmul.f32 v8, v1  }
0x4ab: {  	v4 =	vmul.f32 v4, v1;
	[tilespmem:s13+$0xFFFFFFC0] =	vst v6;
	v6 =	vmul.f32 v9, v1  }
0x4ac: {  	[tilespmem:s13+$0xFFFFFFD0] =	vst v5;
	v5 =	vmul.f32 v7, v1;
	v1 =	vmul.f32 v3, v1  }
.Ltmp20:
0x4ad: {  	[tilespmem:s13+$0xFFFFFFE0] =	vst v8;
	(pc) =	sbr.rel @p1 .LBB2_39-.Ltmp20, $4  }
0x4ae: {  	[tilespmem:s13+$0xFFFFFFF0] =	vst v2  }
0x4af: {  	[tilespmem:s13+$0x0] =	vst v6  }
0x4b0: {  	s17 =	sadd.s32 $0x2, s17;
	[tilespmem:s13+$0x10] =	vst v4  }
0x4b1: {  	s18 =	sadd.s32 $0x1, s18;
	s20 =	sand.u32 $0xC0, s17;
	s13 =	sadd.s32 $0x90, s13;
	[tilespmem:s11+$0x20] =	vst v5  }
0x4b2: {  	s17 =	sshrl.u32 s20, $0x2;
	[tilespmem:s11+$0x30] =	vst v1  }
0x4b3: {  	v1 =	vld [tilespmem:s17+$0x440];
	_ =	sdelay $0x3  }
0x4b4: {  	s18 =	sand.u32 $0x1, s14;
	v2 =	vld [tilespmem:s13+$0xFFFFFFC0]  }
0x4b5: {  	v3 =	vld [tilespmem:s13+$0xFFFFFFD0];
	s20 =	sshrl.u32 s14, $0x1;
	p1 =	seq.s32 s18, $0x1;
	v4 =	vunpack.i.u.bf16.f32 v1;
	v1 =	vunpack.i.l.bf16.f32 v1  }
0x4b6: {  	v5 =	vld [tilespmem:s13+$0xFFFFFFE0];
	v61 =	vmov s20;
	v1 =	vpsel p1, v4, v1  }
0x4b7: {  	v7 =	vld [tilespmem:s13+$0x10];
	v1 =	vperm.xlane v1, v61  }
0x4b8: {  	v6 =	vld [tilespmem:s13+$0xFFFFFFF0]  }
0x4b9: {  	v62 =	vld [tilespmem:s13+$0x0];
	v2 =	vmul.f32 v2, v1  }
0x4ba: {  	v8 =	vld [tilespmem:s13+$0x20];
	v3 =	vmul.f32 v3, v1  }
0x4bb: {  	v9 =	vld [tilespmem:s13+$0x30];
	v5 =	vmul.f32 v5, v1;
	[tilespmem:s13+$0xFFFFFFC0] =	vst v2  }
0x4bc: {  	v63 =	vmul.f32 v7, v1;
	[tilespmem:s13+$0xFFFFFFD0] =	vst v3  }
0x4bd: {  	v2 =	vmul.f32 v6, v1;
	[tilespmem:s13+$0xFFFFFFE0] =	vst v5  }
0x4be: {  	v3 =	vmul.f32 v62, v1;
	[tilespmem:s13+$0x10] =	vst v63  }
0x4bf: {  	[tilespmem:s13+$0xFFFFFFF0] =	vst v2;
	v2 =	vmul.f32 v8, v1  }
0x4c0: {  	[tilespmem:s13+$0x0] =	vst v3;
	v1 =	vmul.f32 v9, v1  }
0x4c1: {  	[tilespmem:s13+$0x20] =	vst v2  }
0x4c2: {  	s4 =	sadd.s32 $0x1, s4;
	p1 =	sge.u32 s28, s21;
	[tilespmem:s13+$0x30] =	vst v1  }
0x4c3: {  	[spmem:s3] =	stream.indirect.scatter.add.f32 [tilespmem:s0], [sflag:$0x4], $0x90, s10, s31, $0xb8;
	[tilespmem:$0x1FE90] =	vst v63  }
0x4c4: {  	s11 =	simm.s32 @!p1 $0x80;
	s14 =	simm.s32 @!p1 $0x5700;
	s13 =	simm.s32 @!p1 $0x800  }
0x4c5: {  	[tilespmem:s14], [sflag:$0x2] =	stream.indirect.gather @!p1 [hbm4b:s5+s11], $0x90, s13, s11, $0xb8;
	[tilespmem:$0x1FE90] =	vst v63  }
0x4c6: {  	p1 =	sne.s32 s4, $0x6  }
.Ltmp21:
0x4c7: {  	_ = 	snop;
	(pc) =	sbr.rel @p1 .LBB2_16-.Ltmp21, $1  }
0x4c8: {  	_ =	sdelay $0x3  }
.Ltmp22:
0x4c9: {  	(pc) =	sbr.rel @p0 .LBB2_45-.Ltmp22, $2  }
0x4ca: {  	_ =	sdelay $0x2  }
0x4cb: {  	s13 =	rddreg [dreg:$0x4];
	s20 =	simm.s32 $0x780  }
0x4cc: {  	_ =	swait.ge [sflag:s2], $0x4800  }
0x4cd: {  	[sflag:s2] =	ssyncset.done $0x0  }
0x4ce: {  	[sflag:s2] =	ssyncadd.s32 $0xFFFFB800  }
0x4cf: {  	s11 =	simm.s32 $0x0;
	_ =	swait.ge [sflag:s16], $0x4800  }
0x4d0: {  	s4 =	sand.u32 $0xC0, s11;
	[sflag:s16] =	ssyncset.done $0x0  }
0x4d1: {  	s4 =	sshrl.u32 s4, $0x2;
	[sflag:s16] =	ssyncadd.s32 $0xFFFFB800  }
0x4d2: {  	v1 =	vld [tilespmem:s4+$0xA80];
	_ =	sdelay $0x2  }
0x4d3: {  	s4 =	simm.s32 $0xF40  }
0x4d4: {  	s11 =	sand.u32 $0x1, s11;
	v2 =	vld [tilespmem:s4+$0xFFFFFFC0]  }
0x4d5: {  	s28 =	simm.s32 $0x0;
	p1 =	seq.s32 s11, $0x1;
	v3 =	vld [tilespmem:s4+$0xFFFFFFD0];
	v4 =	vunpack.i.u.bf16.f32 v1;
	v1 =	vunpack.i.l.bf16.f32 v1  }
0x4d6: {  	v60 =	vmov s28;
	v5 =	vld [tilespmem:s4+$0xFFFFFFE0];
	v1 =	vpsel p1, v4, v1  }
0x4d7: {  	v6 =	vld [tilespmem:s4+$0xFFFFFFF0];
	v1 =	vperm.xlane v1, v60  }
0x4d8: {  	v7 =	vld [tilespmem:s4+$0x10]  }
0x4d9: {  	v8 =	vld [tilespmem:s4+$0x20];
	v2 =	vmul.f32 v2, v1  }
0x4da: {  	v61 =	vld [tilespmem:s4+$0x0];
	v3 =	vmul.f32 v3, v1  }
0x4db: {  	v5 =	vmul.f32 v5, v1;
	[tilespmem:s4+$0xFFFFFFC0] =	vst v2;
	v2 =	vld [tilespmem:s4+$0x30]  }
0x4dc: {  	v6 =	vmul.f32 v6, v1;
	[tilespmem:s4+$0xFFFFFFD0] =	vst v3  }
0x4dd: {  	v62 =	vmul.f32 v7, v1;
	[tilespmem:s4+$0xFFFFFFE0] =	vst v5  }
0x4de: {  	v63 =	vmul.f32 v8, v1;
	[tilespmem:s4+$0xFFFFFFF0] =	vst v6  }
0x4df: {  	v3 =	vmul.f32 v61, v1;
	[tilespmem:s4+$0x10] =	vst v62  }
0x4e0: {  	s13 =	simm.s32 $0x1;
	s14 =	simm.s32 $0x2;
	[tilespmem:s4+$0x20] =	vst v63;
	v1 =	vmul.f32 v2, v1  }
0x4e1: {  	s17 =	simm.s32 $0x2;
	s18 =	sand.u32 $0xC0, s14;
	s11 =	simm.s32 $0xFD0;
	[tilespmem:s4+$0x0] =	vst v3  }
.LBB2_43:
0x4e2: {  	p1 =	sne.s32 s17, $0x7F;
	s18 =	sshrl.u32 s18, $0x2;
	v2 =	vld [tilespmem:s11+$0xFFFFFFF0];
	[tilespmem:s4+$0x30] =	vst v1;
	s4 =	smov.u32 s11  }
0x4e3: {  	v1 =	vld [tilespmem:s18+$0xA80]  }
0x4e4: {  	v3 =	vld [tilespmem:s11+$0x30]  }
0x4e5: {  	v4 =	vld [tilespmem:s11+$0x10]  }
0x4e6: {  	v5 =	vld [tilespmem:s11+$0xFFFFFFD0]  }
0x4e7: {  	s18 =	sand.u32 $0x1, s13;
	v6 =	vld [tilespmem:s11+$0xFFFFFFC0]  }
0x4e8: {  	p2 =	seq.s32 s18, $0x1;
	s18 =	sshrl.u32 s13, $0x1;
	s13 =	smov.u32 s17;
	v7 =	vunpack.i.u.bf16.f32 v1;
	v1 =	vunpack.i.l.bf16.f32 v1;
	v8 =	vld [tilespmem:s11+$0xFFFFFFE0]  }
0x4e9: {  	v1 =	vpsel p2, v7, v1;
	v7 =	vmov s18;
	v9 =	vld [tilespmem:s11+$0x0]  }
0x4ea: {  	v1 =	vperm.xlane v1, v7;
	v7 =	vld [tilespmem:s11+$0x20];
	_ =	sdelay $0x1  }
0x4eb: {  	v6 =	vmul.f32 v6, v1;
	v5 =	vmul.f32 v5, v1  }
0x4ec: {  	v2 =	vmul.f32 v2, v1;
	v8 =	vmul.f32 v8, v1  }
0x4ed: {  	v4 =	vmul.f32 v4, v1;
	[tilespmem:s11+$0xFFFFFFC0] =	vst v6;
	v6 =	vmul.f32 v9, v1  }
0x4ee: {  	[tilespmem:s11+$0xFFFFFFD0] =	vst v5;
	v5 =	vmul.f32 v7, v1;
	v1 =	vmul.f32 v3, v1  }
.Ltmp23:
0x4ef: {  	[tilespmem:s11+$0xFFFFFFE0] =	vst v8;
	(pc) =	sbr.rel @p1 .LBB2_43-.Ltmp23, $4  }
0x4f0: {  	[tilespmem:s11+$0xFFFFFFF0] =	vst v2  }
0x4f1: {  	[tilespmem:s11+$0x0] =	vst v6  }
0x4f2: {  	s14 =	sadd.s32 $0x2, s14;
	[tilespmem:s11+$0x10] =	vst v4  }
0x4f3: {  	s17 =	sadd.s32 $0x1, s17;
	s18 =	sand.u32 $0xC0, s14;
	s11 =	sadd.s32 $0x90, s11;
	[tilespmem:s4+$0x20] =	vst v5  }
0x4f4: {  	s14 =	sshrl.u32 s18, $0x2;
	[tilespmem:s4+$0x30] =	vst v1  }
0x4f5: {  	v1 =	vld [tilespmem:s14+$0xA80];
	_ =	sdelay $0x3  }
0x4f6: {  	s18 =	sand.u32 $0x1, s13;
	v2 =	vld [tilespmem:s11+$0xFFFFFFC0]  }
0x4f7: {  	v3 =	vld [tilespmem:s11+$0xFFFFFFD0];
	s28 =	sshrl.u32 s13, $0x1;
	p1 =	seq.s32 s18, $0x1;
	v4 =	vunpack.i.u.bf16.f32 v1;
	v1 =	vunpack.i.l.bf16.f32 v1  }
0x4f8: {  	v5 =	vld [tilespmem:s11+$0xFFFFFFE0];
	v61 =	vmov s28;
	v1 =	vpsel p1, v4, v1  }
0x4f9: {  	v7 =	vld [tilespmem:s11+$0x10];
	v1 =	vperm.xlane v1, v61  }
0x4fa: {  	v6 =	vld [tilespmem:s11+$0xFFFFFFF0]  }
0x4fb: {  	v62 =	vld [tilespmem:s11+$0x0];
	v2 =	vmul.f32 v2, v1  }
0x4fc: {  	v8 =	vld [tilespmem:s11+$0x20];
	v3 =	vmul.f32 v3, v1  }
0x4fd: {  	v9 =	vld [tilespmem:s11+$0x30];
	v5 =	vmul.f32 v5, v1;
	[tilespmem:s11+$0xFFFFFFC0] =	vst v2  }
0x4fe: {  	v63 =	vmul.f32 v7, v1;
	[tilespmem:s11+$0xFFFFFFD0] =	vst v3  }
0x4ff: {  	v2 =	vmul.f32 v6, v1;
	[tilespmem:s11+$0xFFFFFFE0] =	vst v5  }
0x500: {  	v3 =	vmul.f32 v62, v1;
	[tilespmem:s11+$0x10] =	vst v63  }
.Ltmp24:
0x501: {  	[tilespmem:s11+$0xFFFFFFF0] =	vst v2;
	v2 =	vmul.f32 v8, v1;
	(pc) =	sbr.rel .LBB2_45-.Ltmp24, $4  }
0x502: {  	[tilespmem:s11+$0x0] =	vst v3;
	v1 =	vmul.f32 v9, v1  }
0x503: {  	[tilespmem:s11+$0x20] =	vst v2  }
0x504: {  	s13 =	rddreg [dreg:$0x4];
	[tilespmem:s11+$0x30] =	vst v1  }
0x505: {  	[spmem:s3] =	stream.indirect.scatter.add.f32 [tilespmem:s25], [sflag:$0x3], $0x90, s15, s31, $0xb8;
	[tilespmem:$0x1FE90] =	vst v63  }
.LBB2_46:
0x506: {  	_ =	sfence.sel $0x180000  }
0x507: {  	[bflag:$0x0] =	sbarrier.arrive $0xFFFF  }
0x508: {  	_ =	strace $0x90000047  }
0x509: {  	s0 =	stileid.u32;
	[bflag:$0x2] =	sbarrier.arrive $0xFFFF  }
0x50a: {  	p0 =	sne.s32 s0, $0x0;
	s0 =	rddreg [dreg:$0x3]  }
0x50b: {  	s0 =	sadd.s32 @!p0 $0x100000, s0  }
0x50c: {  	[sflag:s0] =	ssyncadd.tile.s32 @!p0 $0x1;
	_ =	shalt  }
.Lfunc_end2:
_tile_overlayer_lowered:
.L_overlay_start_2:
0x50d: {  	(tag) =	ssettag $0x2  }
0x50e: {  	s0 =	rddreg [dreg:$0x0];
	s2 =	stileid.u32  }
0x50f: {  	s1 =	rddreg [dreg:$0x1];
	p0 =	sne.s32 s2, $0x0  }
0x510: {  	s3 =	rddreg [dreg:$0x2];
	[bflag:$0x3] =	sbarrier.arrive $0xFFFF;
	s2 =	simm.s32 @!p0 $0x1C07  }
0x511: {  	[timem:s3], [sflag:s2] =	dma.local @!p0 [hbm:s0], s1  }
0x512: {  	s0 =	simm.s32 @!p0 $0x7  }
0x513: {  	_ =	swait.ge @!p0 [sflag:s0], s1  }
0x514: {  	s1 =	ssub.s32 @!p0 $0x0, s1;
	[sflag:s0] =	ssyncset.done @!p0 $0x0  }
0x515: {  	[sflag:s0] =	ssyncadd.s32 @!p0 s1  }
0x516: {  	[bflag:$0x3] =	sbarrier.arrive $0xFFFF  }
0x517: {  	_ =	shalt  }

</sc_bundles>
